<compile_context>
chip_gen: v7x
topology: tpu7x:2x2x1
jax: 0.10.2.dev20260603
libtpu: 0.0.44.dev20260713+nightly
codegen_flags: <defaults>
</compile_context>

<pallas_src>
import functools

import jax
import jax.numpy as jnp
from jax import lax
from jax.experimental import pallas as pl
from jax.experimental.pallas import tpu as pltpu
from jax.experimental.pallas import tpu_sc as plsc

_B, _S, _G = 4, 2048, 4
_VOCAB, _DIM = 100000, 128
_NC, _NS = 2, 16
_NW = _NC * _NS
_ROWS = _B * _S
_RPW = _ROWS // _NW
_BLK = 32
_NBLK = _RPW // _BLK
_NSLOT = 4

_mesh = plsc.VectorSubcoreMesh(core_axis_name="c", subcore_axis_name="s")


@functools.partial(
    pl.kernel,
    mesh=_mesh,
    out_type=jax.ShapeDtypeStruct((_ROWS, _DIM), jnp.float32),
    scratch_types=[pltpu.VMEM((_G * _RPW,), jnp.int32)]
    + [pltpu.VMEM((_BLK, _DIM), jnp.float32) for _ in range(_NSLOT * _G)]
    + [pltpu.VMEM((_BLK, _DIM), jnp.float32) for _ in range(2)]
    + [pltpu.SemaphoreType.DMA] * (1 + _NSLOT + 2),
)
def _embed_sum(x0_hbm, x1_hbm, x2_hbm, x3_hbm, tab_hbm, out_hbm,
               idx_v,
               b00, b01, b02, b03, b10, b11, b12, b13, b20, b21, b22, b23,
               b30, b31, b32, b33,
               ob0, ob1,
               isem, gsem_0, gsem_1, gsem_2, gsem_3, osem_0, osem_1):
    wid = lax.axis_index("s") * _NC + lax.axis_index("c")
    obase = wid * _RPW
    bufs = ((b00, b01, b02, b03), (b10, b11, b12, b13), (b20, b21, b22, b23),
            (b30, b31, b32, b33))
    gsems = (gsem_0, gsem_1, gsem_2, gsem_3)
    obufs = (ob0, ob1)
    osems = (osem_0, osem_1)

    with jax.named_scope("idx_load"):
        iloads = [
            pltpu.async_copy(
                xg.at[pl.ds(wid * _RPW, _RPW)],
                idx_v.at[pl.ds(g * _RPW, _RPW)],
                isem,
            )
            for g, xg in enumerate((x0_hbm, x1_hbm, x2_hbm, x3_hbm))
        ]
        for c in iloads:
            c.wait()

    def start_block(q):
        slot = q % _NSLOT
        return [
            pltpu.async_copy(
                tab_hbm.at[g].at[idx_v.at[pl.ds(g * _RPW + q * _BLK, _BLK)]],
                bufs[slot][g],
                gsems[slot],
            )
            for g in range(_G)
        ]

    pending = [start_block(q) for q in range(_NSLOT)]
    ostores = [None, None]
    for q in range(_NBLK):
        slot = q % _NSLOT
        with jax.named_scope(f"wait{q}"):
            for c in pending.pop(0):
                c.wait()
            if ostores[q % 2] is not None:
                ostores[q % 2].wait()
        b0, b1, b2, b3 = bufs[slot]
        ob = obufs[q % 2]

        with jax.named_scope(f"sum{q}"):
            @plsc.parallel_loop(0, _BLK)
            def _(r, ob=ob, b0=b0, b1=b1, b2=b2, b3=b3):
                for c in range(_DIM // 16):
                    sl = pl.ds(c * 16, 16)
                    ob[r, sl] = (b0[r, sl] + b1[r, sl]) + (b2[r, sl] + b3[r, sl])

        ostores[q % 2] = pltpu.async_copy(
            ob, out_hbm.at[pl.ds(obase + q * _BLK, _BLK)], osems[q % 2]
        )
        if q + _NSLOT < _NBLK:
            pending.append(start_block(q + _NSLOT))

    with jax.named_scope("out_drain"):
        for c in ostores:
            if c is not None:
                c.wait()


def kernel(x, tables):
    xs = [x[:, :, g].reshape(_ROWS) for g in range(_G)]
    out = _embed_sum(*xs, tables)
    return out.reshape(_B, _S, _DIM)

# --- scband reference (transcript-rebuilt; emitter-appended) ---
"""Pipeline reference for scband-transformer-base-83176336655011 (READ-ONLY COPY).

The authoritative reference and input builder live on the scoring server;
editing this copy changes nothing except your own understanding.
"""

import jax, jax.numpy as jnp
import numpy as np

B, S, G = 4, 2048, 4
VOCAB, DIM = 100000, 128


def setup_inputs(seed: int = 0) -> dict:
    key = jax.random.key(seed)
    k1, k2 = jax.random.split(key)
    # token ids per quantization group: (batch, seq_len, num_quantization_groups)
    x = jax.random.randint(k1, (B, S, G), 0, VOCAB, dtype=jnp.int32)
    # G embedding tables, each (vocab_size, dim), like nn.Embedding default init
    tables = jax.random.normal(k2, (G, VOCAB, DIM), dtype=jnp.float32)
    return {"x": x, "tables": tables}


def reference(x, tables):
    # TransformerBase.embedding: per-group embedding lookup, concat on group axis,
    # then sum over groups (pos_embedding='none' so no positional term is added;
    # _apply_embedding returns this as x / self_context_v / self_context_k).
    embs = [jnp.take(tables[g], x[:, :, g], axis=0) for g in range(G)]  # each (B, S, DIM)
    stacked = jnp.stack(embs, axis=-2)  # (B, S, G, DIM) == torch.cat over dim=-2
    out = jnp.sum(stacked, axis=-2)     # (B, S, DIM)
    return out

if __name__ == "__main__":
    import jax
    _d = setup_inputs()
    print(jax.jit(kernel)(*tuple(_d.values())))

</pallas_src>

<mosaic_0001>
#map = affine_map<(d0, d1) -> (0)>
#map1 = affine_map<(d0, d1) -> (0, 0, 0)>
#map2 = affine_map<(d0, d1) -> (0, 0)>
module attributes {stable_mosaic.version = 14 : i64} {
  func.func @_embed_sum(%arg0: i32, %arg1: i32, %arg2: memref<8192xi32, #tpu.memory_space<hbm>>, %arg3: memref<8192xi32, #tpu.memory_space<hbm>>, %arg4: memref<8192xi32, #tpu.memory_space<hbm>>, %arg5: memref<8192xi32, #tpu.memory_space<hbm>>, %arg6: memref<4x100000x128xf32, #tpu.memory_space<hbm>>, %arg7: memref<8192x128xf32, #tpu.memory_space<hbm>>, %arg8: memref<1024xi32, #tpu.memory_space<vmem>>, %arg9: memref<32x128xf32, #tpu.memory_space<vmem>>, %arg10: memref<32x128xf32, #tpu.memory_space<vmem>>, %arg11: memref<32x128xf32, #tpu.memory_space<vmem>>, %arg12: memref<32x128xf32, #tpu.memory_space<vmem>>, %arg13: memref<32x128xf32, #tpu.memory_space<vmem>>, %arg14: memref<32x128xf32, #tpu.memory_space<vmem>>, %arg15: memref<32x128xf32, #tpu.memory_space<vmem>>, %arg16: memref<32x128xf32, #tpu.memory_space<vmem>>, %arg17: memref<32x128xf32, #tpu.memory_space<vmem>>, %arg18: memref<32x128xf32, #tpu.memory_space<vmem>>, %arg19: memref<32x128xf32, #tpu.memory_space<vmem>>, %arg20: memref<32x128xf32, #tpu.memory_space<vmem>>, %arg21: memref<32x128xf32, #tpu.memory_space<vmem>>, %arg22: memref<32x128xf32, #tpu.memory_space<vmem>>, %arg23: memref<32x128xf32, #tpu.memory_space<vmem>>, %arg24: memref<32x128xf32, #tpu.memory_space<vmem>>, %arg25: memref<32x128xf32, #tpu.memory_space<vmem>>, %arg26: memref<32x128xf32, #tpu.memory_space<vmem>>, %arg27: memref<!tpu.dma_semaphore, #tpu.memory_space<semaphore_mem>>, %arg28: memref<!tpu.dma_semaphore, #tpu.memory_space<semaphore_mem>>, %arg29: memref<!tpu.dma_semaphore, #tpu.memory_space<semaphore_mem>>, %arg30: memref<!tpu.dma_semaphore, #tpu.memory_space<semaphore_mem>>, %arg31: memref<!tpu.dma_semaphore, #tpu.memory_space<semaphore_mem>>, %arg32: memref<!tpu.dma_semaphore, #tpu.memory_space<semaphore_mem>>, %arg33: memref<!tpu.dma_semaphore, #tpu.memory_space<semaphore_mem>>) attributes {dimension_semantics = [#tpu.dimension_semantics<core_parallel>, #tpu.dimension_semantics<subcore_parallel>], iteration_bounds = array<i64: 2, 16>, scalar_prefetch = 0 : i64, scratch_operands = 26 : i64, tpu.core_type = #tpu.core_type<sc_vector_subcore>, window_params = [{transform_indices = #map}, {transform_indices = #map}, {transform_indices = #map}, {transform_indices = #map}, {transform_indices = #map1}, {transform_indices = #map2}]} {
    %mul3A = arith.constant 2 : i32
    %mul3A_0 = arith.muli %arg1, %mul3A : i32
    %add3A = arith.addi %mul3A_0, %arg0 : i32
    %mul3A_1 = arith.constant 256 : i32
    %mul3A_2 = arith.muli %add3A, %mul3A_1 : i32
    "tpu.trace_start"() <{level = 10 : i32, message = "idx_load"}> : () -> ()
    %mul3A_3 = arith.constant 256 : i32
    %mul3A_4 = arith.muli %add3A, %mul3A_3 : i32
    %dma_start3A = arith.constant 0 : i32
    %dma_start3A_5 = tpu.memref_slice %arg8[%dma_start3A] : memref<1024xi32, #tpu.memory_space<vmem>> -> memref<256xi32, #tpu.memory_space<vmem>>
    %dma_start3A_6 = tpu.memref_slice %arg2[%mul3A_4] : memref<8192xi32, #tpu.memory_space<hbm>> -> memref<256xi32, #tpu.memory_space<hbm>>
    %dma_start3A_7 = arith.constant 0 : i32
    %dma_start3A_8 = tpu.memref_slice %arg8[%dma_start3A_7] : memref<1024xi32, #tpu.memory_space<vmem>> -> memref<256xi32, #tpu.memory_space<vmem>>
    %dma_start3A_9 = tpu.memref_slice %arg2[%mul3A_4] : memref<8192xi32, #tpu.memory_space<hbm>> -> memref<256xi32, #tpu.memory_space<hbm>>
    tpu.enqueue_dma source(%dma_start3A_9 : memref<256xi32, #tpu.memory_space<hbm>>) target(%dma_start3A_8 : memref<256xi32, #tpu.memory_space<vmem>>) target_semaphore(%arg27 : memref<!tpu.dma_semaphore, #tpu.memory_space<semaphore_mem>>)
    %mul3A_10 = arith.constant 256 : i32
    %mul3A_11 = arith.muli %add3A, %mul3A_10 : i32
    %dma_start3A_12 = arith.constant 256 : i32
    %dma_start3A_13 = tpu.memref_slice %arg8[%dma_start3A_12] : memref<1024xi32, #tpu.memory_space<vmem>> -> memref<256xi32, #tpu.memory_space<vmem>>
    %dma_start3A_14 = tpu.memref_slice %arg3[%mul3A_11] : memref<8192xi32, #tpu.memory_space<hbm>> -> memref<256xi32, #tpu.memory_space<hbm>>
    %dma_start3A_15 = arith.constant 256 : i32
    %dma_start3A_16 = tpu.memref_slice %arg8[%dma_start3A_15] : memref<1024xi32, #tpu.memory_space<vmem>> -> memref<256xi32, #tpu.memory_space<vmem>>
    %dma_start3A_17 = tpu.memref_slice %arg3[%mul3A_11] : memref<8192xi32, #tpu.memory_space<hbm>> -> memref<256xi32, #tpu.memory_space<hbm>>
    tpu.enqueue_dma source(%dma_start3A_17 : memref<256xi32, #tpu.memory_space<hbm>>) target(%dma_start3A_16 : memref<256xi32, #tpu.memory_space<vmem>>) target_semaphore(%arg27 : memref<!tpu.dma_semaphore, #tpu.memory_space<semaphore_mem>>)
    %mul3A_18 = arith.constant 256 : i32
    %mul3A_19 = arith.muli %add3A, %mul3A_18 : i32
    %dma_start3A_20 = arith.constant 512 : i32
    %dma_start3A_21 = tpu.memref_slice %arg8[%dma_start3A_20] : memref<1024xi32, #tpu.memory_space<vmem>> -> memref<256xi32, #tpu.memory_space<vmem>>
    %dma_start3A_22 = tpu.memref_slice %arg4[%mul3A_19] : memref<8192xi32, #tpu.memory_space<hbm>> -> memref<256xi32, #tpu.memory_space<hbm>>
    %dma_start3A_23 = arith.constant 512 : i32
    %dma_start3A_24 = tpu.memref_slice %arg8[%dma_start3A_23] : memref<1024xi32, #tpu.memory_space<vmem>> -> memref<256xi32, #tpu.memory_space<vmem>>
    %dma_start3A_25 = tpu.memref_slice %arg4[%mul3A_19] : memref<8192xi32, #tpu.memory_space<hbm>> -> memref<256xi32, #tpu.memory_space<hbm>>
    tpu.enqueue_dma source(%dma_start3A_25 : memref<256xi32, #tpu.memory_space<hbm>>) target(%dma_start3A_24 : memref<256xi32, #tpu.memory_space<vmem>>) target_semaphore(%arg27 : memref<!tpu.dma_semaphore, #tpu.memory_space<semaphore_mem>>)
    %mul3A_26 = arith.constant 256 : i32
    %mul3A_27 = arith.muli %add3A, %mul3A_26 : i32
    %dma_start3A_28 = arith.constant 768 : i32
    %dma_start3A_29 = tpu.memref_slice %arg8[%dma_start3A_28] : memref<1024xi32, #tpu.memory_space<vmem>> -> memref<256xi32, #tpu.memory_space<vmem>>
    %dma_start3A_30 = tpu.memref_slice %arg5[%mul3A_27] : memref<8192xi32, #tpu.memory_space<hbm>> -> memref<256xi32, #tpu.memory_space<hbm>>
    %dma_start3A_31 = arith.constant 768 : i32
    %dma_start3A_32 = tpu.memref_slice %arg8[%dma_start3A_31] : memref<1024xi32, #tpu.memory_space<vmem>> -> memref<256xi32, #tpu.memory_space<vmem>>
    %dma_start3A_33 = tpu.memref_slice %arg5[%mul3A_27] : memref<8192xi32, #tpu.memory_space<hbm>> -> memref<256xi32, #tpu.memory_space<hbm>>
    tpu.enqueue_dma source(%dma_start3A_33 : memref<256xi32, #tpu.memory_space<hbm>>) target(%dma_start3A_32 : memref<256xi32, #tpu.memory_space<vmem>>) target_semaphore(%arg27 : memref<!tpu.dma_semaphore, #tpu.memory_space<semaphore_mem>>)
    %dma_wait3A = arith.constant 0 : i32
    %dma_wait3A_34 = tpu.memref_slice %arg8[%dma_wait3A] : memref<1024xi32, #tpu.memory_space<vmem>> -> memref<256xi32, #tpu.memory_space<vmem>>
    %dma_wait3A_35 = tpu.memref_slice %arg2[%mul3A_4] : memref<8192xi32, #tpu.memory_space<hbm>> -> memref<256xi32, #tpu.memory_space<hbm>>
    %dma_wait3A_36 = arith.constant 0 : i32
    %dma_wait3A_37 = tpu.memref_slice %arg8[%dma_wait3A_36] : memref<1024xi32, #tpu.memory_space<vmem>> -> memref<256xi32, #tpu.memory_space<vmem>>
    %dma_wait3A_38 = tpu.memref_slice %arg2[%mul3A_4] : memref<8192xi32, #tpu.memory_space<hbm>> -> memref<256xi32, #tpu.memory_space<hbm>>
    tpu.wait_dma2 semaphore(%arg27 : memref<!tpu.dma_semaphore, #tpu.memory_space<semaphore_mem>>) src(%dma_wait3A_38 : memref<256xi32, #tpu.memory_space<hbm>>) dst(%dma_wait3A_37 : memref<256xi32, #tpu.memory_space<vmem>>)
    %dma_wait3A_39 = arith.constant 256 : i32
    %dma_wait3A_40 = tpu.memref_slice %arg8[%dma_wait3A_39] : memref<1024xi32, #tpu.memory_space<vmem>> -> memref<256xi32, #tpu.memory_space<vmem>>
    %dma_wait3A_41 = tpu.memref_slice %arg3[%mul3A_11] : memref<8192xi32, #tpu.memory_space<hbm>> -> memref<256xi32, #tpu.memory_space<hbm>>
    %dma_wait3A_42 = arith.constant 256 : i32
    %dma_wait3A_43 = tpu.memref_slice %arg8[%dma_wait3A_42] : memref<1024xi32, #tpu.memory_space<vmem>> -> memref<256xi32, #tpu.memory_space<vmem>>
    %dma_wait3A_44 = tpu.memref_slice %arg3[%mul3A_11] : memref<8192xi32, #tpu.memory_space<hbm>> -> memref<256xi32, #tpu.memory_space<hbm>>
    tpu.wait_dma2 semaphore(%arg27 : memref<!tpu.dma_semaphore, #tpu.memory_space<semaphore_mem>>) src(%dma_wait3A_44 : memref<256xi32, #tpu.memory_space<hbm>>) dst(%dma_wait3A_43 : memref<256xi32, #tpu.memory_space<vmem>>)
    %dma_wait3A_45 = arith.constant 512 : i32
    %dma_wait3A_46 = tpu.memref_slice %arg8[%dma_wait3A_45] : memref<1024xi32, #tpu.memory_space<vmem>> -> memref<256xi32, #tpu.memory_space<vmem>>
    %dma_wait3A_47 = tpu.memref_slice %arg4[%mul3A_19] : memref<8192xi32, #tpu.memory_space<hbm>> -> memref<256xi32, #tpu.memory_space<hbm>>
    %dma_wait3A_48 = arith.constant 512 : i32
    %dma_wait3A_49 = tpu.memref_slice %arg8[%dma_wait3A_48] : memref<1024xi32, #tpu.memory_space<vmem>> -> memref<256xi32, #tpu.memory_space<vmem>>
    %dma_wait3A_50 = tpu.memref_slice %arg4[%mul3A_19] : memref<8192xi32, #tpu.memory_space<hbm>> -> memref<256xi32, #tpu.memory_space<hbm>>
    tpu.wait_dma2 semaphore(%arg27 : memref<!tpu.dma_semaphore, #tpu.memory_space<semaphore_mem>>) src(%dma_wait3A_50 : memref<256xi32, #tpu.memory_space<hbm>>) dst(%dma_wait3A_49 : memref<256xi32, #tpu.memory_space<vmem>>)
    %dma_wait3A_51 = arith.constant 768 : i32
    %dma_wait3A_52 = tpu.memref_slice %arg8[%dma_wait3A_51] : memref<1024xi32, #tpu.memory_space<vmem>> -> memref<256xi32, #tpu.memory_space<vmem>>
    %dma_wait3A_53 = tpu.memref_slice %arg5[%mul3A_27] : memref<8192xi32, #tpu.memory_space<hbm>> -> memref<256xi32, #tpu.memory_space<hbm>>
    %dma_wait3A_54 = arith.constant 768 : i32
    %dma_wait3A_55 = tpu.memref_slice %arg8[%dma_wait3A_54] : memref<1024xi32, #tpu.memory_space<vmem>> -> memref<256xi32, #tpu.memory_space<vmem>>
    %dma_wait3A_56 = tpu.memref_slice %arg5[%mul3A_27] : memref<8192xi32, #tpu.memory_space<hbm>> -> memref<256xi32, #tpu.memory_space<hbm>>
    tpu.wait_dma2 semaphore(%arg27 : memref<!tpu.dma_semaphore, #tpu.memory_space<semaphore_mem>>) src(%dma_wait3A_56 : memref<256xi32, #tpu.memory_space<hbm>>) dst(%dma_wait3A_55 : memref<256xi32, #tpu.memory_space<vmem>>)
    %dma_start3A_57 = arith.constant 0 : i32
    "tpu.trace_stop"() : () -> ()
    %dma_start3A_58 = arith.constant 0 : i32
    %dma_start3A_59 = tpu.memref_slice %arg8[%dma_start3A_58] : memref<1024xi32, #tpu.memory_space<vmem>> -> memref<32xi32, #tpu.memory_space<vmem>>
    %dma_start3A_60 = arith.constant 0 : i32
    %dma_start3A_61 = arith.constant 0 : i32
    %dma_start3A_62 = tpu.memref_slice %arg6[%dma_start3A_57, %dma_start3A_60, %dma_start3A_61] : memref<4x100000x128xf32, #tpu.memory_space<hbm>> -> memref<1x100000x128xf32, #tpu.memory_space<hbm>>
    %dma_start3A_63 = tpu.memref_squeeze %dma_start3A_62 : memref<1x100000x128xf32, #tpu.memory_space<hbm>> -> memref<100000x128xf32, #tpu.memory_space<hbm>>
    %dma_start3A_64 = arith.constant 0 : i32
    %dma_start3A_65 = arith.constant 0 : i32
    %dma_start3A_66 = tpu.memref_slice %dma_start3A_63[%dma_start3A_64, %dma_start3A_65] : memref<100000x128xf32, #tpu.memory_space<hbm>> -> memref<100000x128xf32, #tpu.memory_space<hbm>>
    tpu.enqueue_indirect_dma source(%dma_start3A_66 : memref<100000x128xf32, #tpu.memory_space<hbm>>) target(%arg9 : memref<32x128xf32, #tpu.memory_space<vmem>>) offsets(%dma_start3A_59 : memref<32xi32, #tpu.memory_space<vmem>>) semaphore(%arg28 : memref<!tpu.dma_semaphore, #tpu.memory_space<semaphore_mem>>)
    %dma_start3A_67 = arith.constant 1 : i32
    %dma_start3A_68 = arith.constant 256 : i32
    %dma_start3A_69 = tpu.memref_slice %arg8[%dma_start3A_68] : memref<1024xi32, #tpu.memory_space<vmem>> -> memref<32xi32, #tpu.memory_space<vmem>>
    %dma_start3A_70 = arith.constant 0 : i32
    %dma_start3A_71 = arith.constant 0 : i32
    %dma_start3A_72 = tpu.memref_slice %arg6[%dma_start3A_67, %dma_start3A_70, %dma_start3A_71] : memref<4x100000x128xf32, #tpu.memory_space<hbm>> -> memref<1x100000x128xf32, #tpu.memory_space<hbm>>
    %dma_start3A_73 = tpu.memref_squeeze %dma_start3A_72 : memref<1x100000x128xf32, #tpu.memory_space<hbm>> -> memref<100000x128xf32, #tpu.memory_space<hbm>>
    %dma_start3A_74 = arith.constant 0 : i32
    %dma_start3A_75 = arith.constant 0 : i32
    %dma_start3A_76 = tpu.memref_slice %dma_start3A_73[%dma_start3A_74, %dma_start3A_75] : memref<100000x128xf32, #tpu.memory_space<hbm>> -> memref<100000x128xf32, #tpu.memory_space<hbm>>
    tpu.enqueue_indirect_dma source(%dma_start3A_76 : memref<100000x128xf32, #tpu.memory_space<hbm>>) target(%arg10 : memref<32x128xf32, #tpu.memory_space<vmem>>) offsets(%dma_start3A_69 : memref<32xi32, #tpu.memory_space<vmem>>) semaphore(%arg28 : memref<!tpu.dma_semaphore, #tpu.memory_space<semaphore_mem>>)
    %dma_start3A_77 = arith.constant 2 : i32
    %dma_start3A_78 = arith.constant 512 : i32
    %dma_start3A_79 = tpu.memref_slice %arg8[%dma_start3A_78] : memref<1024xi32, #tpu.memory_space<vmem>> -> memref<32xi32, #tpu.memory_space<vmem>>
    %dma_start3A_80 = arith.constant 0 : i32
    %dma_start3A_81 = arith.constant 0 : i32
    %dma_start3A_82 = tpu.memref_slice %arg6[%dma_start3A_77, %dma_start3A_80, %dma_start3A_81] : memref<4x100000x128xf32, #tpu.memory_space<hbm>> -> memref<1x100000x128xf32, #tpu.memory_space<hbm>>
    %dma_start3A_83 = tpu.memref_squeeze %dma_start3A_82 : memref<1x100000x128xf32, #tpu.memory_space<hbm>> -> memref<100000x128xf32, #tpu.memory_space<hbm>>
    %dma_start3A_84 = arith.constant 0 : i32
    %dma_start3A_85 = arith.constant 0 : i32
    %dma_start3A_86 = tpu.memref_slice %dma_start3A_83[%dma_start3A_84, %dma_start3A_85] : memref<100000x128xf32, #tpu.memory_space<hbm>> -> memref<100000x128xf32, #tpu.memory_space<hbm>>
    tpu.enqueue_indirect_dma source(%dma_start3A_86 : memref<100000x128xf32, #tpu.memory_space<hbm>>) target(%arg11 : memref<32x128xf32, #tpu.memory_space<vmem>>) offsets(%dma_start3A_79 : memref<32xi32, #tpu.memory_space<vmem>>) semaphore(%arg28 : memref<!tpu.dma_semaphore, #tpu.memory_space<semaphore_mem>>)
    %dma_start3A_87 = arith.constant 3 : i32
    %dma_start3A_88 = arith.constant 768 : i32
    %dma_start3A_89 = tpu.memref_slice %arg8[%dma_start3A_88] : memref<1024xi32, #tpu.memory_space<vmem>> -> memref<32xi32, #tpu.memory_space<vmem>>
    %dma_start3A_90 = arith.constant 0 : i32
    %dma_start3A_91 = arith.constant 0 : i32
    %dma_start3A_92 = tpu.memref_slice %arg6[%dma_start3A_87, %dma_start3A_90, %dma_start3A_91] : memref<4x100000x128xf32, #tpu.memory_space<hbm>> -> memref<1x100000x128xf32, #tpu.memory_space<hbm>>
    %dma_start3A_93 = tpu.memref_squeeze %dma_start3A_92 : memref<1x100000x128xf32, #tpu.memory_space<hbm>> -> memref<100000x128xf32, #tpu.memory_space<hbm>>
    %dma_start3A_94 = arith.constant 0 : i32
    %dma_start3A_95 = arith.constant 0 : i32
    %dma_start3A_96 = tpu.memref_slice %dma_start3A_93[%dma_start3A_94, %dma_start3A_95] : memref<100000x128xf32, #tpu.memory_space<hbm>> -> memref<100000x128xf32, #tpu.memory_space<hbm>>
    tpu.enqueue_indirect_dma source(%dma_start3A_96 : memref<100000x128xf32, #tpu.memory_space<hbm>>) target(%arg12 : memref<32x128xf32, #tpu.memory_space<vmem>>) offsets(%dma_start3A_89 : memref<32xi32, #tpu.memory_space<vmem>>) semaphore(%arg28 : memref<!tpu.dma_semaphore, #tpu.memory_space<semaphore_mem>>)
    %dma_start3A_97 = arith.constant 0 : i32
    %dma_start3A_98 = arith.constant 32 : i32
    %dma_start3A_99 = tpu.memref_slice %arg8[%dma_start3A_98] : memref<1024xi32, #tpu.memory_space<vmem>> -> memref<32xi32, #tpu.memory_space<vmem>>
    %dma_start3A_100 = arith.constant 0 : i32
    %dma_start3A_101 = arith.constant 0 : i32
    %dma_start3A_102 = tpu.memref_slice %arg6[%dma_start3A_97, %dma_start3A_100, %dma_start3A_101] : memref<4x100000x128xf32, #tpu.memory_space<hbm>> -> memref<1x100000x128xf32, #tpu.memory_space<hbm>>
    %dma_start3A_103 = tpu.memref_squeeze %dma_start3A_102 : memref<1x100000x128xf32, #tpu.memory_space<hbm>> -> memref<100000x128xf32, #tpu.memory_space<hbm>>
    %dma_start3A_104 = arith.constant 0 : i32
    %dma_start3A_105 = arith.constant 0 : i32
    %dma_start3A_106 = tpu.memref_slice %dma_start3A_103[%dma_start3A_104, %dma_start3A_105] : memref<100000x128xf32, #tpu.memory_space<hbm>> -> memref<100000x128xf32, #tpu.memory_space<hbm>>
    tpu.enqueue_indirect_dma source(%dma_start3A_106 : memref<100000x128xf32, #tpu.memory_space<hbm>>) target(%arg13 : memref<32x128xf32, #tpu.memory_space<vmem>>) offsets(%dma_start3A_99 : memref<32xi32, #tpu.memory_space<vmem>>) semaphore(%arg29 : memref<!tpu.dma_semaphore, #tpu.memory_space<semaphore_mem>>)
    %dma_start3A_107 = arith.constant 1 : i32
    %dma_start3A_108 = arith.constant 288 : i32
    %dma_start3A_109 = tpu.memref_slice %arg8[%dma_start3A_108] : memref<1024xi32, #tpu.memory_space<vmem>> -> memref<32xi32, #tpu.memory_space<vmem>>
    %dma_start3A_110 = arith.constant 0 : i32
    %dma_start3A_111 = arith.constant 0 : i32
    %dma_start3A_112 = tpu.memref_slice %arg6[%dma_start3A_107, %dma_start3A_110, %dma_start3A_111] : memref<4x100000x128xf32, #tpu.memory_space<hbm>> -> memref<1x100000x128xf32, #tpu.memory_space<hbm>>
    %dma_start3A_113 = tpu.memref_squeeze %dma_start3A_112 : memref<1x100000x128xf32, #tpu.memory_space<hbm>> -> memref<100000x128xf32, #tpu.memory_space<hbm>>
    %dma_start3A_114 = arith.constant 0 : i32
    %dma_start3A_115 = arith.constant 0 : i32
    %dma_start3A_116 = tpu.memref_slice %dma_start3A_113[%dma_start3A_114, %dma_start3A_115] : memref<100000x128xf32, #tpu.memory_space<hbm>> -> memref<100000x128xf32, #tpu.memory_space<hbm>>
    tpu.enqueue_indirect_dma source(%dma_start3A_116 : memref<100000x128xf32, #tpu.memory_space<hbm>>) target(%arg14 : memref<32x128xf32, #tpu.memory_space<vmem>>) offsets(%dma_start3A_109 : memref<32xi32, #tpu.memory_space<vmem>>) semaphore(%arg29 : memref<!tpu.dma_semaphore, #tpu.memory_space<semaphore_mem>>)
    %dma_start3A_117 = arith.constant 2 : i32
    %dma_start3A_118 = arith.constant 544 : i32
    %dma_start3A_119 = tpu.memref_slice %arg8[%dma_start3A_118] : memref<1024xi32, #tpu.memory_space<vmem>> -> memref<32xi32, #tpu.memory_space<vmem>>
    %dma_start3A_120 = arith.constant 0 : i32
    %dma_start3A_121 = arith.constant 0 : i32
    %dma_start3A_122 = tpu.memref_slice %arg6[%dma_start3A_117, %dma_start3A_120, %dma_start3A_121] : memref<4x100000x128xf32, #tpu.memory_space<hbm>> -> memref<1x100000x128xf32, #tpu.memory_space<hbm>>
    %dma_start3A_123 = tpu.memref_squeeze %dma_start3A_122 : memref<1x100000x128xf32, #tpu.memory_space<hbm>> -> memref<100000x128xf32, #tpu.memory_space<hbm>>
    %dma_start3A_124 = arith.constant 0 : i32
    %dma_start3A_125 = arith.constant 0 : i32
    %dma_start3A_126 = tpu.memref_slice %dma_start3A_123[%dma_start3A_124, %dma_start3A_125] : memref<100000x128xf32, #tpu.memory_space<hbm>> -> memref<100000x128xf32, #tpu.memory_space<hbm>>
    tpu.enqueue_indirect_dma source(%dma_start3A_126 : memref<100000x128xf32, #tpu.memory_space<hbm>>) target(%arg15 : memref<32x128xf32, #tpu.memory_space<vmem>>) offsets(%dma_start3A_119 : memref<32xi32, #tpu.memory_space<vmem>>) semaphore(%arg29 : memref<!tpu.dma_semaphore, #tpu.memory_space<semaphore_mem>>)
    %dma_start3A_127 = arith.constant 3 : i32
    %dma_start3A_128 = arith.constant 800 : i32
    %dma_start3A_129 = tpu.memref_slice %arg8[%dma_start3A_128] : memref<1024xi32, #tpu.memory_space<vmem>> -> memref<32xi32, #tpu.memory_space<vmem>>
    %dma_start3A_130 = arith.constant 0 : i32
    %dma_start3A_131 = arith.constant 0 : i32
    %dma_start3A_132 = tpu.memref_slice %arg6[%dma_start3A_127, %dma_start3A_130, %dma_start3A_131] : memref<4x100000x128xf32, #tpu.memory_space<hbm>> -> memref<1x100000x128xf32, #tpu.memory_space<hbm>>
    %dma_start3A_133 = tpu.memref_squeeze %dma_start3A_132 : memref<1x100000x128xf32, #tpu.memory_space<hbm>> -> memref<100000x128xf32, #tpu.memory_space<hbm>>
    %dma_start3A_134 = arith.constant 0 : i32
    %dma_start3A_135 = arith.constant 0 : i32
    %dma_start3A_136 = tpu.memref_slice %dma_start3A_133[%dma_start3A_134, %dma_start3A_135] : memref<100000x128xf32, #tpu.memory_space<hbm>> -> memref<100000x128xf32, #tpu.memory_space<hbm>>
    tpu.enqueue_indirect_dma source(%dma_start3A_136 : memref<100000x128xf32, #tpu.memory_space<hbm>>) target(%arg16 : memref<32x128xf32, #tpu.memory_space<vmem>>) offsets(%dma_start3A_129 : memref<32xi32, #tpu.memory_space<vmem>>) semaphore(%arg29 : memref<!tpu.dma_semaphore, #tpu.memory_space<semaphore_mem>>)
    %dma_start3A_137 = arith.constant 0 : i32
    %dma_start3A_138 = arith.constant 64 : i32
    %dma_start3A_139 = tpu.memref_slice %arg8[%dma_start3A_138] : memref<1024xi32, #tpu.memory_space<vmem>> -> memref<32xi32, #tpu.memory_space<vmem>>
    %dma_start3A_140 = arith.constant 0 : i32
    %dma_start3A_141 = arith.constant 0 : i32
    %dma_start3A_142 = tpu.memref_slice %arg6[%dma_start3A_137, %dma_start3A_140, %dma_start3A_141] : memref<4x100000x128xf32, #tpu.memory_space<hbm>> -> memref<1x100000x128xf32, #tpu.memory_space<hbm>>
    %dma_start3A_143 = tpu.memref_squeeze %dma_start3A_142 : memref<1x100000x128xf32, #tpu.memory_space<hbm>> -> memref<100000x128xf32, #tpu.memory_space<hbm>>
    %dma_start3A_144 = arith.constant 0 : i32
    %dma_start3A_145 = arith.constant 0 : i32
    %dma_start3A_146 = tpu.memref_slice %dma_start3A_143[%dma_start3A_144, %dma_start3A_145] : memref<100000x128xf32, #tpu.memory_space<hbm>> -> memref<100000x128xf32, #tpu.memory_space<hbm>>
    tpu.enqueue_indirect_dma source(%dma_start3A_146 : memref<100000x128xf32, #tpu.memory_space<hbm>>) target(%arg17 : memref<32x128xf32, #tpu.memory_space<vmem>>) offsets(%dma_start3A_139 : memref<32xi32, #tpu.memory_space<vmem>>) semaphore(%arg30 : memref<!tpu.dma_semaphore, #tpu.memory_space<semaphore_mem>>)
    %dma_start3A_147 = arith.constant 1 : i32
    %dma_start3A_148 = arith.constant 320 : i32
    %dma_start3A_149 = tpu.memref_slice %arg8[%dma_start3A_148] : memref<1024xi32, #tpu.memory_space<vmem>> -> memref<32xi32, #tpu.memory_space<vmem>>
    %dma_start3A_150 = arith.constant 0 : i32
    %dma_start3A_151 = arith.constant 0 : i32
    %dma_start3A_152 = tpu.memref_slice %arg6[%dma_start3A_147, %dma_start3A_150, %dma_start3A_151] : memref<4x100000x128xf32, #tpu.memory_space<hbm>> -> memref<1x100000x128xf32, #tpu.memory_space<hbm>>
    %dma_start3A_153 = tpu.memref_squeeze %dma_start3A_152 : memref<1x100000x128xf32, #tpu.memory_space<hbm>> -> memref<100000x128xf32, #tpu.memory_space<hbm>>
    %dma_start3A_154 = arith.constant 0 : i32
    %dma_start3A_155 = arith.constant 0 : i32
    %dma_start3A_156 = tpu.memref_slice %dma_start3A_153[%dma_start3A_154, %dma_start3A_155] : memref<100000x128xf32, #tpu.memory_space<hbm>> -> memref<100000x128xf32, #tpu.memory_space<hbm>>
    tpu.enqueue_indirect_dma source(%dma_start3A_156 : memref<100000x128xf32, #tpu.memory_space<hbm>>) target(%arg18 : memref<32x128xf32, #tpu.memory_space<vmem>>) offsets(%dma_start3A_149 : memref<32xi32, #tpu.memory_space<vmem>>) semaphore(%arg30 : memref<!tpu.dma_semaphore, #tpu.memory_space<semaphore_mem>>)
    %dma_start3A_157 = arith.constant 2 : i32
    %dma_start3A_158 = arith.constant 576 : i32
    %dma_start3A_159 = tpu.memref_slice %arg8[%dma_start3A_158] : memref<1024xi32, #tpu.memory_space<vmem>> -> memref<32xi32, #tpu.memory_space<vmem>>
    %dma_start3A_160 = arith.constant 0 : i32
    %dma_start3A_161 = arith.constant 0 : i32
    %dma_start3A_162 = tpu.memref_slice %arg6[%dma_start3A_157, %dma_start3A_160, %dma_start3A_161] : memref<4x100000x128xf32, #tpu.memory_space<hbm>> -> memref<1x100000x128xf32, #tpu.memory_space<hbm>>
    %dma_start3A_163 = tpu.memref_squeeze %dma_start3A_162 : memref<1x100000x128xf32, #tpu.memory_space<hbm>> -> memref<100000x128xf32, #tpu.memory_space<hbm>>
    %dma_start3A_164 = arith.constant 0 : i32
    %dma_start3A_165 = arith.constant 0 : i32
    %dma_start3A_166 = tpu.memref_slice %dma_start3A_163[%dma_start3A_164, %dma_start3A_165] : memref<100000x128xf32, #tpu.memory_space<hbm>> -> memref<100000x128xf32, #tpu.memory_space<hbm>>
    tpu.enqueue_indirect_dma source(%dma_start3A_166 : memref<100000x128xf32, #tpu.memory_space<hbm>>) target(%arg19 : memref<32x128xf32, #tpu.memory_space<vmem>>) offsets(%dma_start3A_159 : memref<32xi32, #tpu.memory_space<vmem>>) semaphore(%arg30 : memref<!tpu.dma_semaphore, #tpu.memory_space<semaphore_mem>>)
    %dma_start3A_167 = arith.constant 3 : i32
    %dma_start3A_168 = arith.constant 832 : i32
    %dma_start3A_169 = tpu.memref_slice %arg8[%dma_start3A_168] : memref<1024xi32, #tpu.memory_space<vmem>> -> memref<32xi32, #tpu.memory_space<vmem>>
    %dma_start3A_170 = arith.constant 0 : i32
    %dma_start3A_171 = arith.constant 0 : i32
    %dma_start3A_172 = tpu.memref_slice %arg6[%dma_start3A_167, %dma_start3A_170, %dma_start3A_171] : memref<4x100000x128xf32, #tpu.memory_space<hbm>> -> memref<1x100000x128xf32, #tpu.memory_space<hbm>>
    %dma_start3A_173 = tpu.memref_squeeze %dma_start3A_172 : memref<1x100000x128xf32, #tpu.memory_space<hbm>> -> memref<100000x128xf32, #tpu.memory_space<hbm>>
    %dma_start3A_174 = arith.constant 0 : i32
    %dma_start3A_175 = arith.constant 0 : i32
    %dma_start3A_176 = tpu.memref_slice %dma_start3A_173[%dma_start3A_174, %dma_start3A_175] : memref<100000x128xf32, #tpu.memory_space<hbm>> -> memref<100000x128xf32, #tpu.memory_space<hbm>>
    tpu.enqueue_indirect_dma source(%dma_start3A_176 : memref<100000x128xf32, #tpu.memory_space<hbm>>) target(%arg20 : memref<32x128xf32, #tpu.memory_space<vmem>>) offsets(%dma_start3A_169 : memref<32xi32, #tpu.memory_space<vmem>>) semaphore(%arg30 : memref<!tpu.dma_semaphore, #tpu.memory_space<semaphore_mem>>)
    %dma_start3A_177 = arith.constant 0 : i32
    %dma_start3A_178 = arith.constant 96 : i32
    %dma_start3A_179 = tpu.memref_slice %arg8[%dma_start3A_178] : memref<1024xi32, #tpu.memory_space<vmem>> -> memref<32xi32, #tpu.memory_space<vmem>>
    %dma_start3A_180 = arith.constant 0 : i32
    %dma_start3A_181 = arith.constant 0 : i32
    %dma_start3A_182 = tpu.memref_slice %arg6[%dma_start3A_177, %dma_start3A_180, %dma_start3A_181] : memref<4x100000x128xf32, #tpu.memory_space<hbm>> -> memref<1x100000x128xf32, #tpu.memory_space<hbm>>
    %dma_start3A_183 = tpu.memref_squeeze %dma_start3A_182 : memref<1x100000x128xf32, #tpu.memory_space<hbm>> -> memref<100000x128xf32, #tpu.memory_space<hbm>>
    %dma_start3A_184 = arith.constant 0 : i32
    %dma_start3A_185 = arith.constant 0 : i32
    %dma_start3A_186 = tpu.memref_slice %dma_start3A_183[%dma_start3A_184, %dma_start3A_185] : memref<100000x128xf32, #tpu.memory_space<hbm>> -> memref<100000x128xf32, #tpu.memory_space<hbm>>
    tpu.enqueue_indirect_dma source(%dma_start3A_186 : memref<100000x128xf32, #tpu.memory_space<hbm>>) target(%arg21 : memref<32x128xf32, #tpu.memory_space<vmem>>) offsets(%dma_start3A_179 : memref<32xi32, #tpu.memory_space<vmem>>) semaphore(%arg31 : memref<!tpu.dma_semaphore, #tpu.memory_space<semaphore_mem>>)
    %dma_start3A_187 = arith.constant 1 : i32
    %dma_start3A_188 = arith.constant 352 : i32
    %dma_start3A_189 = tpu.memref_slice %arg8[%dma_start3A_188] : memref<1024xi32, #tpu.memory_space<vmem>> -> memref<32xi32, #tpu.memory_space<vmem>>
    %dma_start3A_190 = arith.constant 0 : i32
    %dma_start3A_191 = arith.constant 0 : i32
    %dma_start3A_192 = tpu.memref_slice %arg6[%dma_start3A_187, %dma_start3A_190, %dma_start3A_191] : memref<4x100000x128xf32, #tpu.memory_space<hbm>> -> memref<1x100000x128xf32, #tpu.memory_space<hbm>>
    %dma_start3A_193 = tpu.memref_squeeze %dma_start3A_192 : memref<1x100000x128xf32, #tpu.memory_space<hbm>> -> memref<100000x128xf32, #tpu.memory_space<hbm>>
    %dma_start3A_194 = arith.constant 0 : i32
    %dma_start3A_195 = arith.constant 0 : i32
    %dma_start3A_196 = tpu.memref_slice %dma_start3A_193[%dma_start3A_194, %dma_start3A_195] : memref<100000x128xf32, #tpu.memory_space<hbm>> -> memref<100000x128xf32, #tpu.memory_space<hbm>>
    tpu.enqueue_indirect_dma source(%dma_start3A_196 : memref<100000x128xf32, #tpu.memory_space<hbm>>) target(%arg22 : memref<32x128xf32, #tpu.memory_space<vmem>>) offsets(%dma_start3A_189 : memref<32xi32, #tpu.memory_space<vmem>>) semaphore(%arg31 : memref<!tpu.dma_semaphore, #tpu.memory_space<semaphore_mem>>)
    %dma_start3A_197 = arith.constant 2 : i32
    %dma_start3A_198 = arith.constant 608 : i32
    %dma_start3A_199 = tpu.memref_slice %arg8[%dma_start3A_198] : memref<1024xi32, #tpu.memory_space<vmem>> -> memref<32xi32, #tpu.memory_space<vmem>>
    %dma_start3A_200 = arith.constant 0 : i32
    %dma_start3A_201 = arith.constant 0 : i32
    %dma_start3A_202 = tpu.memref_slice %arg6[%dma_start3A_197, %dma_start3A_200, %dma_start3A_201] : memref<4x100000x128xf32, #tpu.memory_space<hbm>> -> memref<1x100000x128xf32, #tpu.memory_space<hbm>>
    %dma_start3A_203 = tpu.memref_squeeze %dma_start3A_202 : memref<1x100000x128xf32, #tpu.memory_space<hbm>> -> memref<100000x128xf32, #tpu.memory_space<hbm>>
    %dma_start3A_204 = arith.constant 0 : i32
    %dma_start3A_205 = arith.constant 0 : i32
    %dma_start3A_206 = tpu.memref_slice %dma_start3A_203[%dma_start3A_204, %dma_start3A_205] : memref<100000x128xf32, #tpu.memory_space<hbm>> -> memref<100000x128xf32, #tpu.memory_space<hbm>>
    tpu.enqueue_indirect_dma source(%dma_start3A_206 : memref<100000x128xf32, #tpu.memory_space<hbm>>) target(%arg23 : memref<32x128xf32, #tpu.memory_space<vmem>>) offsets(%dma_start3A_199 : memref<32xi32, #tpu.memory_space<vmem>>) semaphore(%arg31 : memref<!tpu.dma_semaphore, #tpu.memory_space<semaphore_mem>>)
    %dma_start3A_207 = arith.constant 3 : i32
    %dma_start3A_208 = arith.constant 864 : i32
    %dma_start3A_209 = tpu.memref_slice %arg8[%dma_start3A_208] : memref<1024xi32, #tpu.memory_space<vmem>> -> memref<32xi32, #tpu.memory_space<vmem>>
    %dma_start3A_210 = arith.constant 0 : i32
    %dma_start3A_211 = arith.constant 0 : i32
    %dma_start3A_212 = tpu.memref_slice %arg6[%dma_start3A_207, %dma_start3A_210, %dma_start3A_211] : memref<4x100000x128xf32, #tpu.memory_space<hbm>> -> memref<1x100000x128xf32, #tpu.memory_space<hbm>>
    %dma_start3A_213 = tpu.memref_squeeze %dma_start3A_212 : memref<1x100000x128xf32, #tpu.memory_space<hbm>> -> memref<100000x128xf32, #tpu.memory_space<hbm>>
    %dma_start3A_214 = arith.constant 0 : i32
    %dma_start3A_215 = arith.constant 0 : i32
    %dma_start3A_216 = tpu.memref_slice %dma_start3A_213[%dma_start3A_214, %dma_start3A_215] : memref<100000x128xf32, #tpu.memory_space<hbm>> -> memref<100000x128xf32, #tpu.memory_space<hbm>>
    tpu.enqueue_indirect_dma source(%dma_start3A_216 : memref<100000x128xf32, #tpu.memory_space<hbm>>) target(%arg24 : memref<32x128xf32, #tpu.memory_space<vmem>>) offsets(%dma_start3A_209 : memref<32xi32, #tpu.memory_space<vmem>>) semaphore(%arg31 : memref<!tpu.dma_semaphore, #tpu.memory_space<semaphore_mem>>)
    %dma_wait3A_217 = arith.constant 0 : i32
    "tpu.trace_start"() <{level = 10 : i32, message = "wait0"}> : () -> ()
    %dma_wait3A_218 = arith.constant 0 : i32
    %dma_wait3A_219 = tpu.memref_slice %arg8[%dma_wait3A_218] : memref<1024xi32, #tpu.memory_space<vmem>> -> memref<32xi32, #tpu.memory_space<vmem>>
    %dma_wait3A_220 = arith.constant 0 : i32
    %dma_wait3A_221 = arith.constant 0 : i32
    %dma_wait3A_222 = tpu.memref_slice %arg6[%dma_wait3A_217, %dma_wait3A_220, %dma_wait3A_221] : memref<4x100000x128xf32, #tpu.memory_space<hbm>> -> memref<1x100000x128xf32, #tpu.memory_space<hbm>>
    %dma_wait3A_223 = tpu.memref_squeeze %dma_wait3A_222 : memref<1x100000x128xf32, #tpu.memory_space<hbm>> -> memref<100000x128xf32, #tpu.memory_space<hbm>>
    %dma_wait3A_224 = arith.constant 0 : i32
    %dma_wait3A_225 = arith.constant 0 : i32
    %dma_wait3A_226 = tpu.memref_slice %dma_wait3A_223[%dma_wait3A_224, %dma_wait3A_225] : memref<100000x128xf32, #tpu.memory_space<hbm>> -> memref<100000x128xf32, #tpu.memory_space<hbm>>
    tpu.wait_indirect_dma semaphore(%arg28 : memref<!tpu.dma_semaphore, #tpu.memory_space<semaphore_mem>>) src(%dma_wait3A_226 : memref<100000x128xf32, #tpu.memory_space<hbm>>) dst(%arg9 : memref<32x128xf32, #tpu.memory_space<vmem>>)
    %dma_wait3A_227 = arith.constant 1 : i32
    %dma_wait3A_228 = arith.constant 256 : i32
    %dma_wait3A_229 = tpu.memref_slice %arg8[%dma_wait3A_228] : memref<1024xi32, #tpu.memory_space<vmem>> -> memref<32xi32, #tpu.memory_space<vmem>>
    %dma_wait3A_230 = arith.constant 0 : i32
    %dma_wait3A_231 = arith.constant 0 : i32
    %dma_wait3A_232 = tpu.memref_slice %arg6[%dma_wait3A_227, %dma_wait3A_230, %dma_wait3A_231] : memref<4x100000x128xf32, #tpu.memory_space<hbm>> -> memref<1x100000x128xf32, #tpu.memory_space<hbm>>
    %dma_wait3A_233 = tpu.memref_squeeze %dma_wait3A_232 : memref<1x100000x128xf32, #tpu.memory_space<hbm>> -> memref<100000x128xf32, #tpu.memory_space<hbm>>
    %dma_wait3A_234 = arith.constant 0 : i32
    %dma_wait3A_235 = arith.constant 0 : i32
    %dma_wait3A_236 = tpu.memref_slice %dma_wait3A_233[%dma_wait3A_234, %dma_wait3A_235] : memref<100000x128xf32, #tpu.memory_space<hbm>> -> memref<100000x128xf32, #tpu.memory_space<hbm>>
    tpu.wait_indirect_dma semaphore(%arg28 : memref<!tpu.dma_semaphore, #tpu.memory_space<semaphore_mem>>) src(%dma_wait3A_236 : memref<100000x128xf32, #tpu.memory_space<hbm>>) dst(%arg10 : memref<32x128xf32, #tpu.memory_space<vmem>>)
    %dma_wait3A_237 = arith.constant 2 : i32
    %dma_wait3A_238 = arith.constant 512 : i32
    %dma_wait3A_239 = tpu.memref_slice %arg8[%dma_wait3A_238] : memref<1024xi32, #tpu.memory_space<vmem>> -> memref<32xi32, #tpu.memory_space<vmem>>
    %dma_wait3A_240 = arith.constant 0 : i32
    %dma_wait3A_241 = arith.constant 0 : i32
    %dma_wait3A_242 = tpu.memref_slice %arg6[%dma_wait3A_237, %dma_wait3A_240, %dma_wait3A_241] : memref<4x100000x128xf32, #tpu.memory_space<hbm>> -> memref<1x100000x128xf32, #tpu.memory_space<hbm>>
    %dma_wait3A_243 = tpu.memref_squeeze %dma_wait3A_242 : memref<1x100000x128xf32, #tpu.memory_space<hbm>> -> memref<100000x128xf32, #tpu.memory_space<hbm>>
    %dma_wait3A_244 = arith.constant 0 : i32
    %dma_wait3A_245 = arith.constant 0 : i32
    %dma_wait3A_246 = tpu.memref_slice %dma_wait3A_243[%dma_wait3A_244, %dma_wait3A_245] : memref<100000x128xf32, #tpu.memory_space<hbm>> -> memref<100000x128xf32, #tpu.memory_space<hbm>>
    tpu.wait_indirect_dma semaphore(%arg28 : memref<!tpu.dma_semaphore, #tpu.memory_space<semaphore_mem>>) src(%dma_wait3A_246 : memref<100000x128xf32, #tpu.memory_space<hbm>>) dst(%arg11 : memref<32x128xf32, #tpu.memory_space<vmem>>)
    %dma_wait3A_247 = arith.constant 3 : i32
    %dma_wait3A_248 = arith.constant 768 : i32
    %dma_wait3A_249 = tpu.memref_slice %arg8[%dma_wait3A_248] : memref<1024xi32, #tpu.memory_space<vmem>> -> memref<32xi32, #tpu.memory_space<vmem>>
    %dma_wait3A_250 = arith.constant 0 : i32
    %dma_wait3A_251 = arith.constant 0 : i32
    %dma_wait3A_252 = tpu.memref_slice %arg6[%dma_wait3A_247, %dma_wait3A_250, %dma_wait3A_251] : memref<4x100000x128xf32, #tpu.memory_space<hbm>> -> memref<1x100000x128xf32, #tpu.memory_space<hbm>>
    %dma_wait3A_253 = tpu.memref_squeeze %dma_wait3A_252 : memref<1x100000x128xf32, #tpu.memory_space<hbm>> -> memref<100000x128xf32, #tpu.memory_space<hbm>>
    %dma_wait3A_254 = arith.constant 0 : i32
    %dma_wait3A_255 = arith.constant 0 : i32
    %dma_wait3A_256 = tpu.memref_slice %dma_wait3A_253[%dma_wait3A_254, %dma_wait3A_255] : memref<100000x128xf32, #tpu.memory_space<hbm>> -> memref<100000x128xf32, #tpu.memory_space<hbm>>
    tpu.wait_indirect_dma semaphore(%arg28 : memref<!tpu.dma_semaphore, #tpu.memory_space<semaphore_mem>>) src(%dma_wait3A_256 : memref<100000x128xf32, #tpu.memory_space<hbm>>) dst(%arg12 : memref<32x128xf32, #tpu.memory_space<vmem>>)
    %parallel_loop3A = arith.constant 0 : i32
    %parallel_loop3A_257 = arith.constant 32 : i32
    %parallel_loop3A_258 = arith.constant 1 : i32
    "tpu.trace_stop"() : () -> ()
    "tpu.trace_start"() <{level = 10 : i32, message = "sum0"}> : () -> ()
    scf.for %parallel_loop3A_800 = %parallel_loop3A to %parallel_loop3A_257 step %parallel_loop3A_258  : i32 {
      %parallel_loop3A_801 = arith.index_cast %parallel_loop3A_800 : i32 to index
      %parallel_loop3A_802 = arith.constant 0 : index
      %parallel_loop3A_803 = tpu.vector_load %arg9[%parallel_loop3A_801, %parallel_loop3A_802] {strides = array<i32>} : memref<32x128xf32, #tpu.memory_space<vmem>>, vector<1x16xf32>,
      %parallel_loop3A_804 = vector.shape_cast %parallel_loop3A_803 : vector<1x16xf32> to vector<16xf32>
      %parallel_loop3A_805 = arith.index_cast %parallel_loop3A_800 : i32 to index
      %parallel_loop3A_806 = arith.constant 0 : index
      %parallel_loop3A_807 = tpu.vector_load %arg10[%parallel_loop3A_805, %parallel_loop3A_806] {strides = array<i32>} : memref<32x128xf32, #tpu.memory_space<vmem>>, vector<1x16xf32>,
      %parallel_loop3A_808 = vector.shape_cast %parallel_loop3A_807 : vector<1x16xf32> to vector<16xf32>
      %parallel_loop3A_809 = arith.addf %parallel_loop3A_804, %parallel_loop3A_808 : vector<16xf32>
      %parallel_loop3A_810 = arith.index_cast %parallel_loop3A_800 : i32 to index
      %parallel_loop3A_811 = arith.constant 0 : index
      %parallel_loop3A_812 = tpu.vector_load %arg11[%parallel_loop3A_810, %parallel_loop3A_811] {strides = array<i32>} : memref<32x128xf32, #tpu.memory_space<vmem>>, vector<1x16xf32>,
      %parallel_loop3A_813 = vector.shape_cast %parallel_loop3A_812 : vector<1x16xf32> to vector<16xf32>
      %parallel_loop3A_814 = arith.index_cast %parallel_loop3A_800 : i32 to index
      %parallel_loop3A_815 = arith.constant 0 : index
      %parallel_loop3A_816 = tpu.vector_load %arg12[%parallel_loop3A_814, %parallel_loop3A_815] {strides = array<i32>} : memref<32x128xf32, #tpu.memory_space<vmem>>, vector<1x16xf32>,
      %parallel_loop3A_817 = vector.shape_cast %parallel_loop3A_816 : vector<1x16xf32> to vector<16xf32>
      %parallel_loop3A_818 = arith.addf %parallel_loop3A_813, %parallel_loop3A_817 : vector<16xf32>
      %parallel_loop3A_819 = arith.addf %parallel_loop3A_809, %parallel_loop3A_818 : vector<16xf32>
      %parallel_loop3A_820 = arith.index_cast %parallel_loop3A_800 : i32 to index
      %parallel_loop3A_821 = arith.constant 0 : index
      %parallel_loop3A_822 = tpu.vector_load %arg25[%parallel_loop3A_820, %parallel_loop3A_821] {strides = array<i32>} : memref<32x128xf32, #tpu.memory_space<vmem>>, vector<1x16xf32>,
      %parallel_loop3A_823 = vector.shape_cast %parallel_loop3A_822 : vector<1x16xf32> to vector<16xf32>
      %parallel_loop3A_824 = vector.shape_cast %parallel_loop3A_819 : vector<16xf32> to vector<1x16xf32>
      tpu.vector_store %arg25[%parallel_loop3A_820, %parallel_loop3A_821], %parallel_loop3A_824 {strides = array<i32>} : memref<32x128xf32, #tpu.memory_space<vmem>>, vector<1x16xf32>,
      %parallel_loop3A_825 = arith.index_cast %parallel_loop3A_800 : i32 to index
      %parallel_loop3A_826 = arith.constant 16 : index
      %parallel_loop3A_827 = tpu.vector_load %arg9[%parallel_loop3A_825, %parallel_loop3A_826] {strides = array<i32>} : memref<32x128xf32, #tpu.memory_space<vmem>>, vector<1x16xf32>,
      %parallel_loop3A_828 = vector.shape_cast %parallel_loop3A_827 : vector<1x16xf32> to vector<16xf32>
      %parallel_loop3A_829 = arith.index_cast %parallel_loop3A_800 : i32 to index
      %parallel_loop3A_830 = arith.constant 16 : index
      %parallel_loop3A_831 = tpu.vector_load %arg10[%parallel_loop3A_829, %parallel_loop3A_830] {strides = array<i32>} : memref<32x128xf32, #tpu.memory_space<vmem>>, vector<1x16xf32>,
      %parallel_loop3A_832 = vector.shape_cast %parallel_loop3A_831 : vector<1x16xf32> to vector<16xf32>
      %parallel_loop3A_833 = arith.addf %parallel_loop3A_828, %parallel_loop3A_832 : vector<16xf32>
      %parallel_loop3A_834 = arith.index_cast %parallel_loop3A_800 : i32 to index
      %parallel_loop3A_835 = arith.constant 16 : index
      %parallel_loop3A_836 = tpu.vector_load %arg11[%parallel_loop3A_834, %parallel_loop3A_835] {strides = array<i32>} : memref<32x128xf32, #tpu.memory_space<vmem>>, vector<1x16xf32>,
      %parallel_loop3A_837 = vector.shape_cast %parallel_loop3A_836 : vector<1x16xf32> to vector<16xf32>
      %parallel_loop3A_838 = arith.index_cast %parallel_loop3A_800 : i32 to index
      %parallel_loop3A_839 = arith.constant 16 : index
      %parallel_loop3A_840 = tpu.vector_load %arg12[%parallel_loop3A_838, %parallel_loop3A_839] {strides = array<i32>} : memref<32x128xf32, #tpu.memory_space<vmem>>, vector<1x16xf32>,
      %parallel_loop3A_841 = vector.shape_cast %parallel_loop3A_840 : vector<1x16xf32> to vector<16xf32>
      %parallel_loop3A_842 = arith.addf %parallel_loop3A_837, %parallel_loop3A_841 : vector<16xf32>
      %parallel_loop3A_843 = arith.addf %parallel_loop3A_833, %parallel_loop3A_842 : vector<16xf32>
      %parallel_loop3A_844 = arith.index_cast %parallel_loop3A_800 : i32 to index
      %parallel_loop3A_845 = arith.constant 16 : index
      %parallel_loop3A_846 = tpu.vector_load %arg25[%parallel_loop3A_844, %parallel_loop3A_845] {strides = array<i32>} : memref<32x128xf32, #tpu.memory_space<vmem>>, vector<1x16xf32>,
      %parallel_loop3A_847 = vector.shape_cast %parallel_loop3A_846 : vector<1x16xf32> to vector<16xf32>
      %parallel_loop3A_848 = vector.shape_cast %parallel_loop3A_843 : vector<16xf32> to vector<1x16xf32>
      tpu.vector_store %arg25[%parallel_loop3A_844, %parallel_loop3A_845], %parallel_loop3A_848 {strides = array<i32>} : memref<32x128xf32, #tpu.memory_space<vmem>>, vector<1x16xf32>,
      %parallel_loop3A_849 = arith.index_cast %parallel_loop3A_800 : i32 to index
      %parallel_loop3A_850 = arith.constant 32 : index
      %parallel_loop3A_851 = tpu.vector_load %arg9[%parallel_loop3A_849, %parallel_loop3A_850] {strides = array<i32>} : memref<32x128xf32, #tpu.memory_space<vmem>>, vector<1x16xf32>,
      %parallel_loop3A_852 = vector.shape_cast %parallel_loop3A_851 : vector<1x16xf32> to vector<16xf32>
      %parallel_loop3A_853 = arith.index_cast %parallel_loop3A_800 : i32 to index
      %parallel_loop3A_854 = arith.constant 32 : index
      %parallel_loop3A_855 = tpu.vector_load %arg10[%parallel_loop3A_853, %parallel_loop3A_854] {strides = array<i32>} : memref<32x128xf32, #tpu.memory_space<vmem>>, vector<1x16xf32>,
      %parallel_loop3A_856 = vector.shape_cast %parallel_loop3A_855 : vector<1x16xf32> to vector<16xf32>
      %parallel_loop3A_857 = arith.addf %parallel_loop3A_852, %parallel_loop3A_856 : vector<16xf32>
      %parallel_loop3A_858 = arith.index_cast %parallel_loop3A_800 : i32 to index
      %parallel_loop3A_859 = arith.constant 32 : index
      %parallel_loop3A_860 = tpu.vector_load %arg11[%parallel_loop3A_858, %parallel_loop3A_859] {strides = array<i32>} : memref<32x128xf32, #tpu.memory_space<vmem>>, vector<1x16xf32>,
      %parallel_loop3A_861 = vector.shape_cast %parallel_loop3A_860 : vector<1x16xf32> to vector<16xf32>
      %parallel_loop3A_862 = arith.index_cast %parallel_loop3A_800 : i32 to index
      %parallel_loop3A_863 = arith.constant 32 : index
      %parallel_loop3A_864 = tpu.vector_load %arg12[%parallel_loop3A_862, %parallel_loop3A_863] {strides = array<i32>} : memref<32x128xf32, #tpu.memory_space<vmem>>, vector<1x16xf32>,
      %parallel_loop3A_865 = vector.shape_cast %parallel_loop3A_864 : vector<1x16xf32> to vector<16xf32>
      %parallel_loop3A_866 = arith.addf %parallel_loop3A_861, %parallel_loop3A_865 : vector<16xf32>
      %parallel_loop3A_867 = arith.addf %parallel_loop3A_857, %parallel_loop3A_866 : vector<16xf32>
      %parallel_loop3A_868 = arith.index_cast %parallel_loop3A_800 : i32 to index
      %parallel_loop3A_869 = arith.constant 32 : index
      %parallel_loop3A_870 = tpu.vector_load %arg25[%parallel_loop3A_868, %parallel_loop3A_869] {strides = array<i32>} : memref<32x128xf32, #tpu.memory_space<vmem>>, vector<1x16xf32>,
      %parallel_loop3A_871 = vector.shape_cast %parallel_loop3A_870 : vector<1x16xf32> to vector<16xf32>
      %parallel_loop3A_872 = vector.shape_cast %parallel_loop3A_867 : vector<16xf32> to vector<1x16xf32>
      tpu.vector_store %arg25[%parallel_loop3A_868, %parallel_loop3A_869], %parallel_loop3A_872 {strides = array<i32>} : memref<32x128xf32, #tpu.memory_space<vmem>>, vector<1x16xf32>,
      %parallel_loop3A_873 = arith.index_cast %parallel_loop3A_800 : i32 to index
      %parallel_loop3A_874 = arith.constant 48 : index
      %parallel_loop3A_875 = tpu.vector_load %arg9[%parallel_loop3A_873, %parallel_loop3A_874] {strides = array<i32>} : memref<32x128xf32, #tpu.memory_space<vmem>>, vector<1x16xf32>,
      %parallel_loop3A_876 = vector.shape_cast %parallel_loop3A_875 : vector<1x16xf32> to vector<16xf32>
      %parallel_loop3A_877 = arith.index_cast %parallel_loop3A_800 : i32 to index
      %parallel_loop3A_878 = arith.constant 48 : index
      %parallel_loop3A_879 = tpu.vector_load %arg10[%parallel_loop3A_877, %parallel_loop3A_878] {strides = array<i32>} : memref<32x128xf32, #tpu.memory_space<vmem>>, vector<1x16xf32>,
      %parallel_loop3A_880 = vector.shape_cast %parallel_loop3A_879 : vector<1x16xf32> to vector<16xf32>
      %parallel_loop3A_881 = arith.addf %parallel_loop3A_876, %parallel_loop3A_880 : vector<16xf32>
      %parallel_loop3A_882 = arith.index_cast %parallel_loop3A_800 : i32 to index
      %parallel_loop3A_883 = arith.constant 48 : index
      %parallel_loop3A_884 = tpu.vector_load %arg11[%parallel_loop3A_882, %parallel_loop3A_883] {strides = array<i32>} : memref<32x128xf32, #tpu.memory_space<vmem>>, vector<1x16xf32>,
      %parallel_loop3A_885 = vector.shape_cast %parallel_loop3A_884 : vector<1x16xf32> to vector<16xf32>
      %parallel_loop3A_886 = arith.index_cast %parallel_loop3A_800 : i32 to index
      %parallel_loop3A_887 = arith.constant 48 : index
      %parallel_loop3A_888 = tpu.vector_load %arg12[%parallel_loop3A_886, %parallel_loop3A_887] {strides = array<i32>} : memref<32x128xf32, #tpu.memory_space<vmem>>, vector<1x16xf32>,
      %parallel_loop3A_889 = vector.shape_cast %parallel_loop3A_888 : vector<1x16xf32> to vector<16xf32>
      %parallel_loop3A_890 = arith.addf %parallel_loop3A_885, %parallel_loop3A_889 : vector<16xf32>
      %parallel_loop3A_891 = arith.addf %parallel_loop3A_881, %parallel_loop3A_890 : vector<16xf32>
      %parallel_loop3A_892 = arith.index_cast %parallel_loop3A_800 : i32 to index
      %parallel_loop3A_893 = arith.constant 48 : index
      %parallel_loop3A_894 = tpu.vector_load %arg25[%parallel_loop3A_892, %parallel_loop3A_893] {strides = array<i32>} : memref<32x128xf32, #tpu.memory_space<vmem>>, vector<1x16xf32>,
      %parallel_loop3A_895 = vector.shape_cast %parallel_loop3A_894 : vector<1x16xf32> to vector<16xf32>
      %parallel_loop3A_896 = vector.shape_cast %parallel_loop3A_891 : vector<16xf32> to vector<1x16xf32>
      tpu.vector_store %arg25[%parallel_loop3A_892, %parallel_loop3A_893], %parallel_loop3A_896 {strides = array<i32>} : memref<32x128xf32, #tpu.memory_space<vmem>>, vector<1x16xf32>,
      %parallel_loop3A_897 = arith.index_cast %parallel_loop3A_800 : i32 to index
      %parallel_loop3A_898 = arith.constant 64 : index
      %parallel_loop3A_899 = tpu.vector_load %arg9[%parallel_loop3A_897, %parallel_loop3A_898] {strides = array<i32>} : memref<32x128xf32, #tpu.memory_space<vmem>>, vector<1x16xf32>,
      %parallel_loop3A_900 = vector.shape_cast %parallel_loop3A_899 : vector<1x16xf32> to vector<16xf32>
      %parallel_loop3A_901 = arith.index_cast %parallel_loop3A_800 : i32 to index
      %parallel_loop3A_902 = arith.constant 64 : index
      %parallel_loop3A_903 = tpu.vector_load %arg10[%parallel_loop3A_901, %parallel_loop3A_902] {strides = array<i32>} : memref<32x128xf32, #tpu.memory_space<vmem>>, vector<1x16xf32>,
      %parallel_loop3A_904 = vector.shape_cast %parallel_loop3A_903 : vector<1x16xf32> to vector<16xf32>
      %parallel_loop3A_905 = arith.addf %parallel_loop3A_900, %parallel_loop3A_904 : vector<16xf32>
      %parallel_loop3A_906 = arith.index_cast %parallel_loop3A_800 : i32 to index
      %parallel_loop3A_907 = arith.constant 64 : index
      %parallel_loop3A_908 = tpu.vector_load %arg11[%parallel_loop3A_906, %parallel_loop3A_907] {strides = array<i32>} : memref<32x128xf32, #tpu.memory_space<vmem>>, vector<1x16xf32>,
      %parallel_loop3A_909 = vector.shape_cast %parallel_loop3A_908 : vector<1x16xf32> to vector<16xf32>
      %parallel_loop3A_910 = arith.index_cast %parallel_loop3A_800 : i32 to index
      %parallel_loop3A_911 = arith.constant 64 : index
      %parallel_loop3A_912 = tpu.vector_load %arg12[%parallel_loop3A_910, %parallel_loop3A_911] {strides = array<i32>} : memref<32x128xf32, #tpu.memory_space<vmem>>, vector<1x16xf32>,
      %parallel_loop3A_913 = vector.shape_cast %parallel_loop3A_912 : vector<1x16xf32> to vector<16xf32>
      %parallel_loop3A_914 = arith.addf %parallel_loop3A_909, %parallel_loop3A_913 : vector<16xf32>
      %parallel_loop3A_915 = arith.addf %parallel_loop3A_905, %parallel_loop3A_914 : vector<16xf32>
      %parallel_loop3A_916 = arith.index_cast %parallel_loop3A_800 : i32 to index
      %parallel_loop3A_917 = arith.constant 64 : index
      %parallel_loop3A_918 = tpu.vector_load %arg25[%parallel_loop3A_916, %parallel_loop3A_917] {strides = array<i32>} : memref<32x128xf32, #tpu.memory_space<vmem>>, vector<1x16xf32>,
      %parallel_loop3A_919 = vector.shape_cast %parallel_loop3A_918 : vector<1x16xf32> to vector<16xf32>
      %parallel_loop3A_920 = vector.shape_cast %parallel_loop3A_915 : vector<16xf32> to vector<1x16xf32>
      tpu.vector_store %arg25[%parallel_loop3A_916, %parallel_loop3A_917], %parallel_loop3A_920 {strides = array<i32>} : memref<32x128xf32, #tpu.memory_space<vmem>>, vector<1x16xf32>,
      %parallel_loop3A_921 = arith.index_cast %parallel_loop3A_800 : i32 to index
      %parallel_loop3A_922 = arith.constant 80 : index
      %parallel_loop3A_923 = tpu.vector_load %arg9[%parallel_loop3A_921, %parallel_loop3A_922] {strides = array<i32>} : memref<32x128xf32, #tpu.memory_space<vmem>>, vector<1x16xf32>,
      %parallel_loop3A_924 = vector.shape_cast %parallel_loop3A_923 : vector<1x16xf32> to vector<16xf32>
      %parallel_loop3A_925 = arith.index_cast %parallel_loop3A_800 : i32 to index
      %parallel_loop3A_926 = arith.constant 80 : index
      %parallel_loop3A_927 = tpu.vector_load %arg10[%parallel_loop3A_925, %parallel_loop3A_926] {strides = array<i32>} : memref<32x128xf32, #tpu.memory_space<vmem>>, vector<1x16xf32>,
      %parallel_loop3A_928 = vector.shape_cast %parallel_loop3A_927 : vector<1x16xf32> to vector<16xf32>
      %parallel_loop3A_929 = arith.addf %parallel_loop3A_924, %parallel_loop3A_928 : vector<16xf32>
      %parallel_loop3A_930 = arith.index_cast %parallel_loop3A_800 : i32 to index
      %parallel_loop3A_931 = arith.constant 80 : index
      %parallel_loop3A_932 = tpu.vector_load %arg11[%parallel_loop3A_930, %parallel_loop3A_931] {strides = array<i32>} : memref<32x128xf32, #tpu.memory_space<vmem>>, vector<1x16xf32>,
      %parallel_loop3A_933 = vector.shape_cast %parallel_loop3A_932 : vector<1x16xf32> to vector<16xf32>
      %parallel_loop3A_934 = arith.index_cast %parallel_loop3A_800 : i32 to index
      %parallel_loop3A_935 = arith.constant 80 : index
      %parallel_loop3A_936 = tpu.vector_load %arg12[%parallel_loop3A_934, %parallel_loop3A_935] {strides = array<i32>} : memref<32x128xf32, #tpu.memory_space<vmem>>, vector<1x16xf32>,
      %parallel_loop3A_937 = vector.shape_cast %parallel_loop3A_936 : vector<1x16xf32> to vector<16xf32>
      %parallel_loop3A_938 = arith.addf %parallel_loop3A_933, %parallel_loop3A_937 : vector<16xf32>
      %parallel_loop3A_939 = arith.addf %parallel_loop3A_929, %parallel_loop3A_938 : vector<16xf32>
      %parallel_loop3A_940 = arith.index_cast %parallel_loop3A_800 : i32 to index
      %parallel_loop3A_941 = arith.constant 80 : index
      %parallel_loop3A_942 = tpu.vector_load %arg25[%parallel_loop3A_940, %parallel_loop3A_941] {strides = array<i32>} : memref<32x128xf32, #tpu.memory_space<vmem>>, vector<1x16xf32>,
      %parallel_loop3A_943 = vector.shape_cast %parallel_loop3A_942 : vector<1x16xf32> to vector<16xf32>
      %parallel_loop3A_944 = vector.shape_cast %parallel_loop3A_939 : vector<16xf32> to vector<1x16xf32>
      tpu.vector_store %arg25[%parallel_loop3A_940, %parallel_loop3A_941], %parallel_loop3A_944 {strides = array<i32>} : memref<32x128xf32, #tpu.memory_space<vmem>>, vector<1x16xf32>,
      %parallel_loop3A_945 = arith.index_cast %parallel_loop3A_800 : i32 to index
      %parallel_loop3A_946 = arith.constant 96 : index
      %parallel_loop3A_947 = tpu.vector_load %arg9[%parallel_loop3A_945, %parallel_loop3A_946] {strides = array<i32>} : memref<32x128xf32, #tpu.memory_space<vmem>>, vector<1x16xf32>,
      %parallel_loop3A_948 = vector.shape_cast %parallel_loop3A_947 : vector<1x16xf32> to vector<16xf32>
      %parallel_loop3A_949 = arith.index_cast %parallel_loop3A_800 : i32 to index
      %parallel_loop3A_950 = arith.constant 96 : index
      %parallel_loop3A_951 = tpu.vector_load %arg10[%parallel_loop3A_949, %parallel_loop3A_950] {strides = array<i32>} : memref<32x128xf32, #tpu.memory_space<vmem>>, vector<1x16xf32>,
      %parallel_loop3A_952 = vector.shape_cast %parallel_loop3A_951 : vector<1x16xf32> to vector<16xf32>
      %parallel_loop3A_953 = arith.addf %parallel_loop3A_948, %parallel_loop3A_952 : vector<16xf32>
      %parallel_loop3A_954 = arith.index_cast %parallel_loop3A_800 : i32 to index
      %parallel_loop3A_955 = arith.constant 96 : index
      %parallel_loop3A_956 = tpu.vector_load %arg11[%parallel_loop3A_954, %parallel_loop3A_955] {strides = array<i32>} : memref<32x128xf32, #tpu.memory_space<vmem>>, vector<1x16xf32>,
      %parallel_loop3A_957 = vector.shape_cast %parallel_loop3A_956 : vector<1x16xf32> to vector<16xf32>
      %parallel_loop3A_958 = arith.index_cast %parallel_loop3A_800 : i32 to index
      %parallel_loop3A_959 = arith.constant 96 : index
      %parallel_loop3A_960 = tpu.vector_load %arg12[%parallel_loop3A_958, %parallel_loop3A_959] {strides = array<i32>} : memref<32x128xf32, #tpu.memory_space<vmem>>, vector<1x16xf32>,
      %parallel_loop3A_961 = vector.shape_cast %parallel_loop3A_960 : vector<1x16xf32> to vector<16xf32>
      %parallel_loop3A_962 = arith.addf %parallel_loop3A_957, %parallel_loop3A_961 : vector<16xf32>
      %parallel_loop3A_963 = arith.addf %parallel_loop3A_953, %parallel_loop3A_962 : vector<16xf32>
      %parallel_loop3A_964 = arith.index_cast %parallel_loop3A_800 : i32 to index
      %parallel_loop3A_965 = arith.constant 96 : index
      %parallel_loop3A_966 = tpu.vector_load %arg25[%parallel_loop3A_964, %parallel_loop3A_965] {strides = array<i32>} : memref<32x128xf32, #tpu.memory_space<vmem>>, vector<1x16xf32>,
      %parallel_loop3A_967 = vector.shape_cast %parallel_loop3A_966 : vector<1x16xf32> to vector<16xf32>
      %parallel_loop3A_968 = vector.shape_cast %parallel_loop3A_963 : vector<16xf32> to vector<1x16xf32>
      tpu.vector_store %arg25[%parallel_loop3A_964, %parallel_loop3A_965], %parallel_loop3A_968 {strides = array<i32>} : memref<32x128xf32, #tpu.memory_space<vmem>>, vector<1x16xf32>,
      %parallel_loop3A_969 = arith.index_cast %parallel_loop3A_800 : i32 to index
      %parallel_loop3A_970 = arith.constant 112 : index
      %parallel_loop3A_971 = tpu.vector_load %arg9[%parallel_loop3A_969, %parallel_loop3A_970] {strides = array<i32>} : memref<32x128xf32, #tpu.memory_space<vmem>>, vector<1x16xf32>,
      %parallel_loop3A_972 = vector.shape_cast %parallel_loop3A_971 : vector<1x16xf32> to vector<16xf32>
      %parallel_loop3A_973 = arith.index_cast %parallel_loop3A_800 : i32 to index
      %parallel_loop3A_974 = arith.constant 112 : index
      %parallel_loop3A_975 = tpu.vector_load %arg10[%parallel_loop3A_973, %parallel_loop3A_974] {strides = array<i32>} : memref<32x128xf32, #tpu.memory_space<vmem>>, vector<1x16xf32>,
      %parallel_loop3A_976 = vector.shape_cast %parallel_loop3A_975 : vector<1x16xf32> to vector<16xf32>
      %parallel_loop3A_977 = arith.addf %parallel_loop3A_972, %parallel_loop3A_976 : vector<16xf32>
      %parallel_loop3A_978 = arith.index_cast %parallel_loop3A_800 : i32 to index
      %parallel_loop3A_979 = arith.constant 112 : index
      %parallel_loop3A_980 = tpu.vector_load %arg11[%parallel_loop3A_978, %parallel_loop3A_979] {strides = array<i32>} : memref<32x128xf32, #tpu.memory_space<vmem>>, vector<1x16xf32>,
      %parallel_loop3A_981 = vector.shape_cast %parallel_loop3A_980 : vector<1x16xf32> to vector<16xf32>
      %parallel_loop3A_982 = arith.index_cast %parallel_loop3A_800 : i32 to index
      %parallel_loop3A_983 = arith.constant 112 : index
      %parallel_loop3A_984 = tpu.vector_load %arg12[%parallel_loop3A_982, %parallel_loop3A_983] {strides = array<i32>} : memref<32x128xf32, #tpu.memory_space<vmem>>, vector<1x16xf32>,
      %parallel_loop3A_985 = vector.shape_cast %parallel_loop3A_984 : vector<1x16xf32> to vector<16xf32>
      %parallel_loop3A_986 = arith.addf %parallel_loop3A_981, %parallel_loop3A_985 : vector<16xf32>
      %parallel_loop3A_987 = arith.addf %parallel_loop3A_977, %parallel_loop3A_986 : vector<16xf32>
      %parallel_loop3A_988 = arith.index_cast %parallel_loop3A_800 : i32 to index
      %parallel_loop3A_989 = arith.constant 112 : index
      %parallel_loop3A_990 = tpu.vector_load %arg25[%parallel_loop3A_988, %parallel_loop3A_989] {strides = array<i32>} : memref<32x128xf32, #tpu.memory_space<vmem>>, vector<1x16xf32>,
      %parallel_loop3A_991 = vector.shape_cast %parallel_loop3A_990 : vector<1x16xf32> to vector<16xf32>
      %parallel_loop3A_992 = vector.shape_cast %parallel_loop3A_987 : vector<16xf32> to vector<1x16xf32>
      tpu.vector_store %arg25[%parallel_loop3A_988, %parallel_loop3A_989], %parallel_loop3A_992 {strides = array<i32>} : memref<32x128xf32, #tpu.memory_space<vmem>>, vector<1x16xf32>,
    } {sc.loop_unroll_factor = 1 : i64, sc.parallel_access}
    "tpu.trace_stop"() : () -> ()
    %add3A_259 = arith.constant 0 : i32
    %add3A_260 = arith.addi %mul3A_2, %add3A_259 : i32
    %dma_start3A_261 = arith.constant 0 : i32
    %dma_start3A_262 = tpu.memref_slice %arg7[%add3A_260, %dma_start3A_261] : memref<8192x128xf32, #tpu.memory_space<hbm>> -> memref<32x128xf32, #tpu.memory_space<hbm>>
    %dma_start3A_263 = arith.constant 0 : i32
    %dma_start3A_264 = tpu.memref_slice %arg7[%add3A_260, %dma_start3A_263] : memref<8192x128xf32, #tpu.memory_space<hbm>> -> memref<32x128xf32, #tpu.memory_space<hbm>>
    tpu.enqueue_dma source(%arg25 : memref<32x128xf32, #tpu.memory_space<vmem>>) target(%dma_start3A_264 : memref<32x128xf32, #tpu.memory_space<hbm>>) target_semaphore(%arg32 : memref<!tpu.dma_semaphore, #tpu.memory_space<semaphore_mem>>)
    %dma_start3A_265 = arith.constant 0 : i32
    %dma_start3A_266 = arith.constant 128 : i32
    %dma_start3A_267 = tpu.memref_slice %arg8[%dma_start3A_266] : memref<1024xi32, #tpu.memory_space<vmem>> -> memref<32xi32, #tpu.memory_space<vmem>>
    %dma_start3A_268 = arith.constant 0 : i32
    %dma_start3A_269 = arith.constant 0 : i32
    %dma_start3A_270 = tpu.memref_slice %arg6[%dma_start3A_265, %dma_start3A_268, %dma_start3A_269] : memref<4x100000x128xf32, #tpu.memory_space<hbm>> -> memref<1x100000x128xf32, #tpu.memory_space<hbm>>
    %dma_start3A_271 = tpu.memref_squeeze %dma_start3A_270 : memref<1x100000x128xf32, #tpu.memory_space<hbm>> -> memref<100000x128xf32, #tpu.memory_space<hbm>>
    %dma_start3A_272 = arith.constant 0 : i32
    %dma_start3A_273 = arith.constant 0 : i32
    %dma_start3A_274 = tpu.memref_slice %dma_start3A_271[%dma_start3A_272, %dma_start3A_273] : memref<100000x128xf32, #tpu.memory_space<hbm>> -> memref<100000x128xf32, #tpu.memory_space<hbm>>
    tpu.enqueue_indirect_dma source(%dma_start3A_274 : memref<100000x128xf32, #tpu.memory_space<hbm>>) target(%arg9 : memref<32x128xf32, #tpu.memory_space<vmem>>) offsets(%dma_start3A_267 : memref<32xi32, #tpu.memory_space<vmem>>) semaphore(%arg28 : memref<!tpu.dma_semaphore, #tpu.memory_space<semaphore_mem>>)
    %dma_start3A_275 = arith.constant 1 : i32
    %dma_start3A_276 = arith.constant 384 : i32
    %dma_start3A_277 = tpu.memref_slice %arg8[%dma_start3A_276] : memref<1024xi32, #tpu.memory_space<vmem>> -> memref<32xi32, #tpu.memory_space<vmem>>
    %dma_start3A_278 = arith.constant 0 : i32
    %dma_start3A_279 = arith.constant 0 : i32
    %dma_start3A_280 = tpu.memref_slice %arg6[%dma_start3A_275, %dma_start3A_278, %dma_start3A_279] : memref<4x100000x128xf32, #tpu.memory_space<hbm>> -> memref<1x100000x128xf32, #tpu.memory_space<hbm>>
    %dma_start3A_281 = tpu.memref_squeeze %dma_start3A_280 : memref<1x100000x128xf32, #tpu.memory_space<hbm>> -> memref<100000x128xf32, #tpu.memory_space<hbm>>
    %dma_start3A_282 = arith.constant 0 : i32
    %dma_start3A_283 = arith.constant 0 : i32
    %dma_start3A_284 = tpu.memref_slice %dma_start3A_281[%dma_start3A_282, %dma_start3A_283] : memref<100000x128xf32, #tpu.memory_space<hbm>> -> memref<100000x128xf32, #tpu.memory_space<hbm>>
    tpu.enqueue_indirect_dma source(%dma_start3A_284 : memref<100000x128xf32, #tpu.memory_space<hbm>>) target(%arg10 : memref<32x128xf32, #tpu.memory_space<vmem>>) offsets(%dma_start3A_277 : memref<32xi32, #tpu.memory_space<vmem>>) semaphore(%arg28 : memref<!tpu.dma_semaphore, #tpu.memory_space<semaphore_mem>>)
    %dma_start3A_285 = arith.constant 2 : i32
    %dma_start3A_286 = arith.constant 640 : i32
    %dma_start3A_287 = tpu.memref_slice %arg8[%dma_start3A_286] : memref<1024xi32, #tpu.memory_space<vmem>> -> memref<32xi32, #tpu.memory_space<vmem>>
    %dma_start3A_288 = arith.constant 0 : i32
    %dma_start3A_289 = arith.constant 0 : i32
    %dma_start3A_290 = tpu.memref_slice %arg6[%dma_start3A_285, %dma_start3A_288, %dma_start3A_289] : memref<4x100000x128xf32, #tpu.memory_space<hbm>> -> memref<1x100000x128xf32, #tpu.memory_space<hbm>>
    %dma_start3A_291 = tpu.memref_squeeze %dma_start3A_290 : memref<1x100000x128xf32, #tpu.memory_space<hbm>> -> memref<100000x128xf32, #tpu.memory_space<hbm>>
    %dma_start3A_292 = arith.constant 0 : i32
    %dma_start3A_293 = arith.constant 0 : i32
    %dma_start3A_294 = tpu.memref_slice %dma_start3A_291[%dma_start3A_292, %dma_start3A_293] : memref<100000x128xf32, #tpu.memory_space<hbm>> -> memref<100000x128xf32, #tpu.memory_space<hbm>>
    tpu.enqueue_indirect_dma source(%dma_start3A_294 : memref<100000x128xf32, #tpu.memory_space<hbm>>) target(%arg11 : memref<32x128xf32, #tpu.memory_space<vmem>>) offsets(%dma_start3A_287 : memref<32xi32, #tpu.memory_space<vmem>>) semaphore(%arg28 : memref<!tpu.dma_semaphore, #tpu.memory_space<semaphore_mem>>)
    %dma_start3A_295 = arith.constant 3 : i32
    %dma_start3A_296 = arith.constant 896 : i32
    %dma_start3A_297 = tpu.memref_slice %arg8[%dma_start3A_296] : memref<1024xi32, #tpu.memory_space<vmem>> -> memref<32xi32, #tpu.memory_space<vmem>>
    %dma_start3A_298 = arith.constant 0 : i32
    %dma_start3A_299 = arith.constant 0 : i32
    %dma_start3A_300 = tpu.memref_slice %arg6[%dma_start3A_295, %dma_start3A_298, %dma_start3A_299] : memref<4x100000x128xf32, #tpu.memory_space<hbm>> -> memref<1x100000x128xf32, #tpu.memory_space<hbm>>
    %dma_start3A_301 = tpu.memref_squeeze %dma_start3A_300 : memref<1x100000x128xf32, #tpu.memory_space<hbm>> -> memref<100000x128xf32, #tpu.memory_space<hbm>>
    %dma_start3A_302 = arith.constant 0 : i32
    %dma_start3A_303 = arith.constant 0 : i32
    %dma_start3A_304 = tpu.memref_slice %dma_start3A_301[%dma_start3A_302, %dma_start3A_303] : memref<100000x128xf32, #tpu.memory_space<hbm>> -> memref<100000x128xf32, #tpu.memory_space<hbm>>
    tpu.enqueue_indirect_dma source(%dma_start3A_304 : memref<100000x128xf32, #tpu.memory_space<hbm>>) target(%arg12 : memref<32x128xf32, #tpu.memory_space<vmem>>) offsets(%dma_start3A_297 : memref<32xi32, #tpu.memory_space<vmem>>) semaphore(%arg28 : memref<!tpu.dma_semaphore, #tpu.memory_space<semaphore_mem>>)
    %dma_wait3A_305 = arith.constant 0 : i32
    "tpu.trace_start"() <{level = 10 : i32, message = "wait1"}> : () -> ()
    %dma_wait3A_306 = arith.constant 32 : i32
    %dma_wait3A_307 = tpu.memref_slice %arg8[%dma_wait3A_306] : memref<1024xi32, #tpu.memory_space<vmem>> -> memref<32xi32, #tpu.memory_space<vmem>>
    %dma_wait3A_308 = arith.constant 0 : i32
    %dma_wait3A_309 = arith.constant 0 : i32
    %dma_wait3A_310 = tpu.memref_slice %arg6[%dma_wait3A_305, %dma_wait3A_308, %dma_wait3A_309] : memref<4x100000x128xf32, #tpu.memory_space<hbm>> -> memref<1x100000x128xf32, #tpu.memory_space<hbm>>
    %dma_wait3A_311 = tpu.memref_squeeze %dma_wait3A_310 : memref<1x100000x128xf32, #tpu.memory_space<hbm>> -> memref<100000x128xf32, #tpu.memory_space<hbm>>
    %dma_wait3A_312 = arith.constant 0 : i32
    %dma_wait3A_313 = arith.constant 0 : i32
    %dma_wait3A_314 = tpu.memref_slice %dma_wait3A_311[%dma_wait3A_312, %dma_wait3A_313] : memref<100000x128xf32, #tpu.memory_space<hbm>> -> memref<100000x128xf32, #tpu.memory_space<hbm>>
    tpu.wait_indirect_dma semaphore(%arg29 : memref<!tpu.dma_semaphore, #tpu.memory_space<semaphore_mem>>) src(%dma_wait3A_314 : memref<100000x128xf32, #tpu.memory_space<hbm>>) dst(%arg13 : memref<32x128xf32, #tpu.memory_space<vmem>>)
    %dma_wait3A_315 = arith.constant 1 : i32
    %dma_wait3A_316 = arith.constant 288 : i32
    %dma_wait3A_317 = tpu.memref_slice %arg8[%dma_wait3A_316] : memref<1024xi32, #tpu.memory_space<vmem>> -> memref<32xi32, #tpu.memory_space<vmem>>
    %dma_wait3A_318 = arith.constant 0 : i32
    %dma_wait3A_319 = arith.constant 0 : i32
    %dma_wait3A_320 = tpu.memref_slice %arg6[%dma_wait3A_315, %dma_wait3A_318, %dma_wait3A_319] : memref<4x100000x128xf32, #tpu.memory_space<hbm>> -> memref<1x100000x128xf32, #tpu.memory_space<hbm>>
    %dma_wait3A_321 = tpu.memref_squeeze %dma_wait3A_320 : memref<1x100000x128xf32, #tpu.memory_space<hbm>> -> memref<100000x128xf32, #tpu.memory_space<hbm>>
    %dma_wait3A_322 = arith.constant 0 : i32
    %dma_wait3A_323 = arith.constant 0 : i32
    %dma_wait3A_324 = tpu.memref_slice %dma_wait3A_321[%dma_wait3A_322, %dma_wait3A_323] : memref<100000x128xf32, #tpu.memory_space<hbm>> -> memref<100000x128xf32, #tpu.memory_space<hbm>>
    tpu.wait_indirect_dma semaphore(%arg29 : memref<!tpu.dma_semaphore, #tpu.memory_space<semaphore_mem>>) src(%dma_wait3A_324 : memref<100000x128xf32, #tpu.memory_space<hbm>>) dst(%arg14 : memref<32x128xf32, #tpu.memory_space<vmem>>)
    %dma_wait3A_325 = arith.constant 2 : i32
    %dma_wait3A_326 = arith.constant 544 : i32
    %dma_wait3A_327 = tpu.memref_slice %arg8[%dma_wait3A_326] : memref<1024xi32, #tpu.memory_space<vmem>> -> memref<32xi32, #tpu.memory_space<vmem>>
    %dma_wait3A_328 = arith.constant 0 : i32
    %dma_wait3A_329 = arith.constant 0 : i32
    %dma_wait3A_330 = tpu.memref_slice %arg6[%dma_wait3A_325, %dma_wait3A_328, %dma_wait3A_329] : memref<4x100000x128xf32, #tpu.memory_space<hbm>> -> memref<1x100000x128xf32, #tpu.memory_space<hbm>>
    %dma_wait3A_331 = tpu.memref_squeeze %dma_wait3A_330 : memref<1x100000x128xf32, #tpu.memory_space<hbm>> -> memref<100000x128xf32, #tpu.memory_space<hbm>>
    %dma_wait3A_332 = arith.constant 0 : i32
    %dma_wait3A_333 = arith.constant 0 : i32
    %dma_wait3A_334 = tpu.memref_slice %dma_wait3A_331[%dma_wait3A_332, %dma_wait3A_333] : memref<100000x128xf32, #tpu.memory_space<hbm>> -> memref<100000x128xf32, #tpu.memory_space<hbm>>
    tpu.wait_indirect_dma semaphore(%arg29 : memref<!tpu.dma_semaphore, #tpu.memory_space<semaphore_mem>>) src(%dma_wait3A_334 : memref<100000x128xf32, #tpu.memory_space<hbm>>) dst(%arg15 : memref<32x128xf32, #tpu.memory_space<vmem>>)
    %dma_wait3A_335 = arith.constant 3 : i32
    %dma_wait3A_336 = arith.constant 800 : i32
    %dma_wait3A_337 = tpu.memref_slice %arg8[%dma_wait3A_336] : memref<1024xi32, #tpu.memory_space<vmem>> -> memref<32xi32, #tpu.memory_space<vmem>>
    %dma_wait3A_338 = arith.constant 0 : i32
    %dma_wait3A_339 = arith.constant 0 : i32
    %dma_wait3A_340 = tpu.memref_slice %arg6[%dma_wait3A_335, %dma_wait3A_338, %dma_wait3A_339] : memref<4x100000x128xf32, #tpu.memory_space<hbm>> -> memref<1x100000x128xf32, #tpu.memory_space<hbm>>
    %dma_wait3A_341 = tpu.memref_squeeze %dma_wait3A_340 : memref<1x100000x128xf32, #tpu.memory_space<hbm>> -> memref<100000x128xf32, #tpu.memory_space<hbm>>
    %dma_wait3A_342 = arith.constant 0 : i32
    %dma_wait3A_343 = arith.constant 0 : i32
    %dma_wait3A_344 = tpu.memref_slice %dma_wait3A_341[%dma_wait3A_342, %dma_wait3A_343] : memref<100000x128xf32, #tpu.memory_space<hbm>> -> memref<100000x128xf32, #tpu.memory_space<hbm>>
    tpu.wait_indirect_dma semaphore(%arg29 : memref<!tpu.dma_semaphore, #tpu.memory_space<semaphore_mem>>) src(%dma_wait3A_344 : memref<100000x128xf32, #tpu.memory_space<hbm>>) dst(%arg16 : memref<32x128xf32, #tpu.memory_space<vmem>>)
    %parallel_loop3A_345 = arith.constant 0 : i32
    %parallel_loop3A_346 = arith.constant 32 : i32
    %parallel_loop3A_347 = arith.constant 1 : i32
    "tpu.trace_stop"() : () -> ()
    "tpu.trace_start"() <{level = 10 : i32, message = "sum1"}> : () -> ()
    scf.for %parallel_loop3A_800 = %parallel_loop3A_345 to %parallel_loop3A_346 step %parallel_loop3A_347  : i32 {
      %parallel_loop3A_801 = arith.index_cast %parallel_loop3A_800 : i32 to index
      %parallel_loop3A_802 = arith.constant 0 : index
      %parallel_loop3A_803 = tpu.vector_load %arg13[%parallel_loop3A_801, %parallel_loop3A_802] {strides = array<i32>} : memref<32x128xf32, #tpu.memory_space<vmem>>, vector<1x16xf32>,
      %parallel_loop3A_804 = vector.shape_cast %parallel_loop3A_803 : vector<1x16xf32> to vector<16xf32>
      %parallel_loop3A_805 = arith.index_cast %parallel_loop3A_800 : i32 to index
      %parallel_loop3A_806 = arith.constant 0 : index
      %parallel_loop3A_807 = tpu.vector_load %arg14[%parallel_loop3A_805, %parallel_loop3A_806] {strides = array<i32>} : memref<32x128xf32, #tpu.memory_space<vmem>>, vector<1x16xf32>,
      %parallel_loop3A_808 = vector.shape_cast %parallel_loop3A_807 : vector<1x16xf32> to vector<16xf32>
      %parallel_loop3A_809 = arith.addf %parallel_loop3A_804, %parallel_loop3A_808 : vector<16xf32>
      %parallel_loop3A_810 = arith.index_cast %parallel_loop3A_800 : i32 to index
      %parallel_loop3A_811 = arith.constant 0 : index
      %parallel_loop3A_812 = tpu.vector_load %arg15[%parallel_loop3A_810, %parallel_loop3A_811] {strides = array<i32>} : memref<32x128xf32, #tpu.memory_space<vmem>>, vector<1x16xf32>,
      %parallel_loop3A_813 = vector.shape_cast %parallel_loop3A_812 : vector<1x16xf32> to vector<16xf32>
      %parallel_loop3A_814 = arith.index_cast %parallel_loop3A_800 : i32 to index
      %parallel_loop3A_815 = arith.constant 0 : index
      %parallel_loop3A_816 = tpu.vector_load %arg16[%parallel_loop3A_814, %parallel_loop3A_815] {strides = array<i32>} : memref<32x128xf32, #tpu.memory_space<vmem>>, vector<1x16xf32>,
      %parallel_loop3A_817 = vector.shape_cast %parallel_loop3A_816 : vector<1x16xf32> to vector<16xf32>
      %parallel_loop3A_818 = arith.addf %parallel_loop3A_813, %parallel_loop3A_817 : vector<16xf32>
      %parallel_loop3A_819 = arith.addf %parallel_loop3A_809, %parallel_loop3A_818 : vector<16xf32>
      %parallel_loop3A_820 = arith.index_cast %parallel_loop3A_800 : i32 to index
      %parallel_loop3A_821 = arith.constant 0 : index
      %parallel_loop3A_822 = tpu.vector_load %arg26[%parallel_loop3A_820, %parallel_loop3A_821] {strides = array<i32>} : memref<32x128xf32, #tpu.memory_space<vmem>>, vector<1x16xf32>,
      %parallel_loop3A_823 = vector.shape_cast %parallel_loop3A_822 : vector<1x16xf32> to vector<16xf32>
      %parallel_loop3A_824 = vector.shape_cast %parallel_loop3A_819 : vector<16xf32> to vector<1x16xf32>
      tpu.vector_store %arg26[%parallel_loop3A_820, %parallel_loop3A_821], %parallel_loop3A_824 {strides = array<i32>} : memref<32x128xf32, #tpu.memory_space<vmem>>, vector<1x16xf32>,
      %parallel_loop3A_825 = arith.index_cast %parallel_loop3A_800 : i32 to index
      %parallel_loop3A_826 = arith.constant 16 : index
      %parallel_loop3A_827 = tpu.vector_load %arg13[%parallel_loop3A_825, %parallel_loop3A_826] {strides = array<i32>} : memref<32x128xf32, #tpu.memory_space<vmem>>, vector<1x16xf32>,
      %parallel_loop3A_828 = vector.shape_cast %parallel_loop3A_827 : vector<1x16xf32> to vector<16xf32>
      %parallel_loop3A_829 = arith.index_cast %parallel_loop3A_800 : i32 to index
      %parallel_loop3A_830 = arith.constant 16 : index
      %parallel_loop3A_831 = tpu.vector_load %arg14[%parallel_loop3A_829, %parallel_loop3A_830] {strides = array<i32>} : memref<32x128xf32, #tpu.memory_space<vmem>>, vector<1x16xf32>,
      %parallel_loop3A_832 = vector.shape_cast %parallel_loop3A_831 : vector<1x16xf32> to vector<16xf32>
      %parallel_loop3A_833 = arith.addf %parallel_loop3A_828, %parallel_loop3A_832 : vector<16xf32>
      %parallel_loop3A_834 = arith.index_cast %parallel_loop3A_800 : i32 to index
      %parallel_loop3A_835 = arith.constant 16 : index
      %parallel_loop3A_836 = tpu.vector_load %arg15[%parallel_loop3A_834, %parallel_loop3A_835] {strides = array<i32>} : memref<32x128xf32, #tpu.memory_space<vmem>>, vector<1x16xf32>,
      %parallel_loop3A_837 = vector.shape_cast %parallel_loop3A_836 : vector<1x16xf32> to vector<16xf32>
      %parallel_loop3A_838 = arith.index_cast %parallel_loop3A_800 : i32 to index
      %parallel_loop3A_839 = arith.constant 16 : index
      %parallel_loop3A_840 = tpu.vector_load %arg16[%parallel_loop3A_838, %parallel_loop3A_839] {strides = array<i32>} : memref<32x128xf32, #tpu.memory_space<vmem>>, vector<1x16xf32>,
      %parallel_loop3A_841 = vector.shape_cast %parallel_loop3A_840 : vector<1x16xf32> to vector<16xf32>
      %parallel_loop3A_842 = arith.addf %parallel_loop3A_837, %parallel_loop3A_841 : vector<16xf32>
      %parallel_loop3A_843 = arith.addf %parallel_loop3A_833, %parallel_loop3A_842 : vector<16xf32>
      %parallel_loop3A_844 = arith.index_cast %parallel_loop3A_800 : i32 to index
      %parallel_loop3A_845 = arith.constant 16 : index
      %parallel_loop3A_846 = tpu.vector_load %arg26[%parallel_loop3A_844, %parallel_loop3A_845] {strides = array<i32>} : memref<32x128xf32, #tpu.memory_space<vmem>>, vector<1x16xf32>,
      %parallel_loop3A_847 = vector.shape_cast %parallel_loop3A_846 : vector<1x16xf32> to vector<16xf32>
      %parallel_loop3A_848 = vector.shape_cast %parallel_loop3A_843 : vector<16xf32> to vector<1x16xf32>
      tpu.vector_store %arg26[%parallel_loop3A_844, %parallel_loop3A_845], %parallel_loop3A_848 {strides = array<i32>} : memref<32x128xf32, #tpu.memory_space<vmem>>, vector<1x16xf32>,
      %parallel_loop3A_849 = arith.index_cast %parallel_loop3A_800 : i32 to index
      %parallel_loop3A_850 = arith.constant 32 : index
      %parallel_loop3A_851 = tpu.vector_load %arg13[%parallel_loop3A_849, %parallel_loop3A_850] {strides = array<i32>} : memref<32x128xf32, #tpu.memory_space<vmem>>, vector<1x16xf32>,
      %parallel_loop3A_852 = vector.shape_cast %parallel_loop3A_851 : vector<1x16xf32> to vector<16xf32>
      %parallel_loop3A_853 = arith.index_cast %parallel_loop3A_800 : i32 to index
      %parallel_loop3A_854 = arith.constant 32 : index
      %parallel_loop3A_855 = tpu.vector_load %arg14[%parallel_loop3A_853, %parallel_loop3A_854] {strides = array<i32>} : memref<32x128xf32, #tpu.memory_space<vmem>>, vector<1x16xf32>,
      %parallel_loop3A_856 = vector.shape_cast %parallel_loop3A_855 : vector<1x16xf32> to vector<16xf32>
      %parallel_loop3A_857 = arith.addf %parallel_loop3A_852, %parallel_loop3A_856 : vector<16xf32>
      %parallel_loop3A_858 = arith.index_cast %parallel_loop3A_800 : i32 to index
      %parallel_loop3A_859 = arith.constant 32 : index
      %parallel_loop3A_860 = tpu.vector_load %arg15[%parallel_loop3A_858, %parallel_loop3A_859] {strides = array<i32>} : memref<32x128xf32, #tpu.memory_space<vmem>>, vector<1x16xf32>,
      %parallel_loop3A_861 = vector.shape_cast %parallel_loop3A_860 : vector<1x16xf32> to vector<16xf32>
      %parallel_loop3A_862 = arith.index_cast %parallel_loop3A_800 : i32 to index
      %parallel_loop3A_863 = arith.constant 32 : index
      %parallel_loop3A_864 = tpu.vector_load %arg16[%parallel_loop3A_862, %parallel_loop3A_863] {strides = array<i32>} : memref<32x128xf32, #tpu.memory_space<vmem>>, vector<1x16xf32>,
      %parallel_loop3A_865 = vector.shape_cast %parallel_loop3A_864 : vector<1x16xf32> to vector<16xf32>
      %parallel_loop3A_866 = arith.addf %parallel_loop3A_861, %parallel_loop3A_865 : vector<16xf32>
      %parallel_loop3A_867 = arith.addf %parallel_loop3A_857, %parallel_loop3A_866 : vector<16xf32>
      %parallel_loop3A_868 = arith.index_cast %parallel_loop3A_800 : i32 to index
      %parallel_loop3A_869 = arith.constant 32 : index
      %parallel_loop3A_870 = tpu.vector_load %arg26[%parallel_loop3A_868, %parallel_loop3A_869] {strides = array<i32>} : memref<32x128xf32, #tpu.memory_space<vmem>>, vector<1x16xf32>,
      %parallel_loop3A_871 = vector.shape_cast %parallel_loop3A_870 : vector<1x16xf32> to vector<16xf32>
      %parallel_loop3A_872 = vector.shape_cast %parallel_loop3A_867 : vector<16xf32> to vector<1x16xf32>
      tpu.vector_store %arg26[%parallel_loop3A_868, %parallel_loop3A_869], %parallel_loop3A_872 {strides = array<i32>} : memref<32x128xf32, #tpu.memory_space<vmem>>, vector<1x16xf32>,
      %parallel_loop3A_873 = arith.index_cast %parallel_loop3A_800 : i32 to index
      %parallel_loop3A_874 = arith.constant 48 : index
      %parallel_loop3A_875 = tpu.vector_load %arg13[%parallel_loop3A_873, %parallel_loop3A_874] {strides = array<i32>} : memref<32x128xf32, #tpu.memory_space<vmem>>, vector<1x16xf32>,
      %parallel_loop3A_876 = vector.shape_cast %parallel_loop3A_875 : vector<1x16xf32> to vector<16xf32>
      %parallel_loop3A_877 = arith.index_cast %parallel_loop3A_800 : i32 to index
      %parallel_loop3A_878 = arith.constant 48 : index
      %parallel_loop3A_879 = tpu.vector_load %arg14[%parallel_loop3A_877, %parallel_loop3A_878] {strides = array<i32>} : memref<32x128xf32, #tpu.memory_space<vmem>>, vector<1x16xf32>,
      %parallel_loop3A_880 = vector.shape_cast %parallel_loop3A_879 : vector<1x16xf32> to vector<16xf32>
      %parallel_loop3A_881 = arith.addf %parallel_loop3A_876, %parallel_loop3A_880 : vector<16xf32>
      %parallel_loop3A_882 = arith.index_cast %parallel_loop3A_800 : i32 to index
      %parallel_loop3A_883 = arith.constant 48 : index
      %parallel_loop3A_884 = tpu.vector_load %arg15[%parallel_loop3A_882, %parallel_loop3A_883] {strides = array<i32>} : memref<32x128xf32, #tpu.memory_space<vmem>>, vector<1x16xf32>,
      %parallel_loop3A_885 = vector.shape_cast %parallel_loop3A_884 : vector<1x16xf32> to vector<16xf32>
      %parallel_loop3A_886 = arith.index_cast %parallel_loop3A_800 : i32 to index
      %parallel_loop3A_887 = arith.constant 48 : index
      %parallel_loop3A_888 = tpu.vector_load %arg16[%parallel_loop3A_886, %parallel_loop3A_887] {strides = array<i32>} : memref<32x128xf32, #tpu.memory_space<vmem>>, vector<1x16xf32>,
      %parallel_loop3A_889 = vector.shape_cast %parallel_loop3A_888 : vector<1x16xf32> to vector<16xf32>
      %parallel_loop3A_890 = arith.addf %parallel_loop3A_885, %parallel_loop3A_889 : vector<16xf32>
      %parallel_loop3A_891 = arith.addf %parallel_loop3A_881, %parallel_loop3A_890 : vector<16xf32>
      %parallel_loop3A_892 = arith.index_cast %parallel_loop3A_800 : i32 to index
      %parallel_loop3A_893 = arith.constant 48 : index
      %parallel_loop3A_894 = tpu.vector_load %arg26[%parallel_loop3A_892, %parallel_loop3A_893] {strides = array<i32>} : memref<32x128xf32, #tpu.memory_space<vmem>>, vector<1x16xf32>,
      %parallel_loop3A_895 = vector.shape_cast %parallel_loop3A_894 : vector<1x16xf32> to vector<16xf32>
      %parallel_loop3A_896 = vector.shape_cast %parallel_loop3A_891 : vector<16xf32> to vector<1x16xf32>
      tpu.vector_store %arg26[%parallel_loop3A_892, %parallel_loop3A_893], %parallel_loop3A_896 {strides = array<i32>} : memref<32x128xf32, #tpu.memory_space<vmem>>, vector<1x16xf32>,
      %parallel_loop3A_897 = arith.index_cast %parallel_loop3A_800 : i32 to index
      %parallel_loop3A_898 = arith.constant 64 : index
      %parallel_loop3A_899 = tpu.vector_load %arg13[%parallel_loop3A_897, %parallel_loop3A_898] {strides = array<i32>} : memref<32x128xf32, #tpu.memory_space<vmem>>, vector<1x16xf32>,
      %parallel_loop3A_900 = vector.shape_cast %parallel_loop3A_899 : vector<1x16xf32> to vector<16xf32>
      %parallel_loop3A_901 = arith.index_cast %parallel_loop3A_800 : i32 to index
      %parallel_loop3A_902 = arith.constant 64 : index
      %parallel_loop3A_903 = tpu.vector_load %arg14[%parallel_loop3A_901, %parallel_loop3A_902] {strides = array<i32>} : memref<32x128xf32, #tpu.memory_space<vmem>>, vector<1x16xf32>,
      %parallel_loop3A_904 = vector.shape_cast %parallel_loop3A_903 : vector<1x16xf32> to vector<16xf32>
      %parallel_loop3A_905 = arith.addf %parallel_loop3A_900, %parallel_loop3A_904 : vector<16xf32>
      %parallel_loop3A_906 = arith.index_cast %parallel_loop3A_800 : i32 to index
      %parallel_loop3A_907 = arith.constant 64 : index
      %parallel_loop3A_908 = tpu.vector_load %arg15[%parallel_loop3A_906, %parallel_loop3A_907] {strides = array<i32>} : memref<32x128xf32, #tpu.memory_space<vmem>>, vector<1x16xf32>,
      %parallel_loop3A_909 = vector.shape_cast %parallel_loop3A_908 : vector<1x16xf32> to vector<16xf32>
      %parallel_loop3A_910 = arith.index_cast %parallel_loop3A_800 : i32 to index
      %parallel_loop3A_911 = arith.constant 64 : index
      %parallel_loop3A_912 = tpu.vector_load %arg16[%parallel_loop3A_910, %parallel_loop3A_911] {strides = array<i32>} : memref<32x128xf32, #tpu.memory_space<vmem>>, vector<1x16xf32>,
      %parallel_loop3A_913 = vector.shape_cast %parallel_loop3A_912 : vector<1x16xf32> to vector<16xf32>
      %parallel_loop3A_914 = arith.addf %parallel_loop3A_909, %parallel_loop3A_913 : vector<16xf32>
      %parallel_loop3A_915 = arith.addf %parallel_loop3A_905, %parallel_loop3A_914 : vector<16xf32>
      %parallel_loop3A_916 = arith.index_cast %parallel_loop3A_800 : i32 to index
      %parallel_loop3A_917 = arith.constant 64 : index
      %parallel_loop3A_918 = tpu.vector_load %arg26[%parallel_loop3A_916, %parallel_loop3A_917] {strides = array<i32>} : memref<32x128xf32, #tpu.memory_space<vmem>>, vector<1x16xf32>,
      %parallel_loop3A_919 = vector.shape_cast %parallel_loop3A_918 : vector<1x16xf32> to vector<16xf32>
      %parallel_loop3A_920 = vector.shape_cast %parallel_loop3A_915 : vector<16xf32> to vector<1x16xf32>
      tpu.vector_store %arg26[%parallel_loop3A_916, %parallel_loop3A_917], %parallel_loop3A_920 {strides = array<i32>} : memref<32x128xf32, #tpu.memory_space<vmem>>, vector<1x16xf32>,
      %parallel_loop3A_921 = arith.index_cast %parallel_loop3A_800 : i32 to index
      %parallel_loop3A_922 = arith.constant 80 : index
      %parallel_loop3A_923 = tpu.vector_load %arg13[%parallel_loop3A_921, %parallel_loop3A_922] {strides = array<i32>} : memref<32x128xf32, #tpu.memory_space<vmem>>, vector<1x16xf32>,
      %parallel_loop3A_924 = vector.shape_cast %parallel_loop3A_923 : vector<1x16xf32> to vector<16xf32>
      %parallel_loop3A_925 = arith.index_cast %parallel_loop3A_800 : i32 to index
      %parallel_loop3A_926 = arith.constant 80 : index
      %parallel_loop3A_927 = tpu.vector_load %arg14[%parallel_loop3A_925, %parallel_loop3A_926] {strides = array<i32>} : memref<32x128xf32, #tpu.memory_space<vmem>>, vector<1x16xf32>,
      %parallel_loop3A_928 = vector.shape_cast %parallel_loop3A_927 : vector<1x16xf32> to vector<16xf32>
      %parallel_loop3A_929 = arith.addf %parallel_loop3A_924, %parallel_loop3A_928 : vector<16xf32>
      %parallel_loop3A_930 = arith.index_cast %parallel_loop3A_800 : i32 to index
      %parallel_loop3A_931 = arith.constant 80 : index
      %parallel_loop3A_932 = tpu.vector_load %arg15[%parallel_loop3A_930, %parallel_loop3A_931] {strides = array<i32>} : memref<32x128xf32, #tpu.memory_space<vmem>>, vector<1x16xf32>,
      %parallel_loop3A_933 = vector.shape_cast %parallel_loop3A_932 : vector<1x16xf32> to vector<16xf32>
      %parallel_loop3A_934 = arith.index_cast %parallel_loop3A_800 : i32 to index
      %parallel_loop3A_935 = arith.constant 80 : index
      %parallel_loop3A_936 = tpu.vector_load %arg16[%parallel_loop3A_934, %parallel_loop3A_935] {strides = array<i32>} : memref<32x128xf32, #tpu.memory_space<vmem>>, vector<1x16xf32>,
      %parallel_loop3A_937 = vector.shape_cast %parallel_loop3A_936 : vector<1x16xf32> to vector<16xf32>
      %parallel_loop3A_938 = arith.addf %parallel_loop3A_933, %parallel_loop3A_937 : vector<16xf32>
      %parallel_loop3A_939 = arith.addf %parallel_loop3A_929, %parallel_loop3A_938 : vector<16xf32>
      %parallel_loop3A_940 = arith.index_cast %parallel_loop3A_800 : i32 to index
      %parallel_loop3A_941 = arith.constant 80 : index
      %parallel_loop3A_942 = tpu.vector_load %arg26[%parallel_loop3A_940, %parallel_loop3A_941] {strides = array<i32>} : memref<32x128xf32, #tpu.memory_space<vmem>>, vector<1x16xf32>,
      %parallel_loop3A_943 = vector.shape_cast %parallel_loop3A_942 : vector<1x16xf32> to vector<16xf32>
      %parallel_loop3A_944 = vector.shape_cast %parallel_loop3A_939 : vector<16xf32> to vector<1x16xf32>
      tpu.vector_store %arg26[%parallel_loop3A_940, %parallel_loop3A_941], %parallel_loop3A_944 {strides = array<i32>} : memref<32x128xf32, #tpu.memory_space<vmem>>, vector<1x16xf32>,
      %parallel_loop3A_945 = arith.index_cast %parallel_loop3A_800 : i32 to index
      %parallel_loop3A_946 = arith.constant 96 : index
      %parallel_loop3A_947 = tpu.vector_load %arg13[%parallel_loop3A_945, %parallel_loop3A_946] {strides = array<i32>} : memref<32x128xf32, #tpu.memory_space<vmem>>, vector<1x16xf32>,
      %parallel_loop3A_948 = vector.shape_cast %parallel_loop3A_947 : vector<1x16xf32> to vector<16xf32>
      %parallel_loop3A_949 = arith.index_cast %parallel_loop3A_800 : i32 to index
      %parallel_loop3A_950 = arith.constant 96 : index
      %parallel_loop3A_951 = tpu.vector_load %arg14[%parallel_loop3A_949, %parallel_loop3A_950] {strides = array<i32>} : memref<32x128xf32, #tpu.memory_space<vmem>>, vector<1x16xf32>,
      %parallel_loop3A_952 = vector.shape_cast %parallel_loop3A_951 : vector<1x16xf32> to vector<16xf32>
      %parallel_loop3A_953 = arith.addf %parallel_loop3A_948, %parallel_loop3A_952 : vector<16xf32>
      %parallel_loop3A_954 = arith.index_cast %parallel_loop3A_800 : i32 to index
      %parallel_loop3A_955 = arith.constant 96 : index
      %parallel_loop3A_956 = tpu.vector_load %arg15[%parallel_loop3A_954, %parallel_loop3A_955] {strides = array<i32>} : memref<32x128xf32, #tpu.memory_space<vmem>>, vector<1x16xf32>,
      %parallel_loop3A_957 = vector.shape_cast %parallel_loop3A_956 : vector<1x16xf32> to vector<16xf32>
      %parallel_loop3A_958 = arith.index_cast %parallel_loop3A_800 : i32 to index
      %parallel_loop3A_959 = arith.constant 96 : index
      %parallel_loop3A_960 = tpu.vector_load %arg16[%parallel_loop3A_958, %parallel_loop3A_959] {strides = array<i32>} : memref<32x128xf32, #tpu.memory_space<vmem>>, vector<1x16xf32>,
      %parallel_loop3A_961 = vector.shape_cast %parallel_loop3A_960 : vector<1x16xf32> to vector<16xf32>
      %parallel_loop3A_962 = arith.addf %parallel_loop3A_957, %parallel_loop3A_961 : vector<16xf32>
      %parallel_loop3A_963 = arith.addf %parallel_loop3A_953, %parallel_loop3A_962 : vector<16xf32>
      %parallel_loop3A_964 = arith.index_cast %parallel_loop3A_800 : i32 to index
      %parallel_loop3A_965 = arith.constant 96 : index
      %parallel_loop3A_966 = tpu.vector_load %arg26[%parallel_loop3A_964, %parallel_loop3A_965] {strides = array<i32>} : memref<32x128xf32, #tpu.memory_space<vmem>>, vector<1x16xf32>,
      %parallel_loop3A_967 = vector.shape_cast %parallel_loop3A_966 : vector<1x16xf32> to vector<16xf32>
      %parallel_loop3A_968 = vector.shape_cast %parallel_loop3A_963 : vector<16xf32> to vector<1x16xf32>
      tpu.vector_store %arg26[%parallel_loop3A_964, %parallel_loop3A_965], %parallel_loop3A_968 {strides = array<i32>} : memref<32x128xf32, #tpu.memory_space<vmem>>, vector<1x16xf32>,
      %parallel_loop3A_969 = arith.index_cast %parallel_loop3A_800 : i32 to index
      %parallel_loop3A_970 = arith.constant 112 : index
      %parallel_loop3A_971 = tpu.vector_load %arg13[%parallel_loop3A_969, %parallel_loop3A_970] {strides = array<i32>} : memref<32x128xf32, #tpu.memory_space<vmem>>, vector<1x16xf32>,
      %parallel_loop3A_972 = vector.shape_cast %parallel_loop3A_971 : vector<1x16xf32> to vector<16xf32>
      %parallel_loop3A_973 = arith.index_cast %parallel_loop3A_800 : i32 to index
      %parallel_loop3A_974 = arith.constant 112 : index
      %parallel_loop3A_975 = tpu.vector_load %arg14[%parallel_loop3A_973, %parallel_loop3A_974] {strides = array<i32>} : memref<32x128xf32, #tpu.memory_space<vmem>>, vector<1x16xf32>,
      %parallel_loop3A_976 = vector.shape_cast %parallel_loop3A_975 : vector<1x16xf32> to vector<16xf32>
      %parallel_loop3A_977 = arith.addf %parallel_loop3A_972, %parallel_loop3A_976 : vector<16xf32>
      %parallel_loop3A_978 = arith.index_cast %parallel_loop3A_800 : i32 to index
      %parallel_loop3A_979 = arith.constant 112 : index
      %parallel_loop3A_980 = tpu.vector_load %arg15[%parallel_loop3A_978, %parallel_loop3A_979] {strides = array<i32>} : memref<32x128xf32, #tpu.memory_space<vmem>>, vector<1x16xf32>,
      %parallel_loop3A_981 = vector.shape_cast %parallel_loop3A_980 : vector<1x16xf32> to vector<16xf32>
      %parallel_loop3A_982 = arith.index_cast %parallel_loop3A_800 : i32 to index
      %parallel_loop3A_983 = arith.constant 112 : index
      %parallel_loop3A_984 = tpu.vector_load %arg16[%parallel_loop3A_982, %parallel_loop3A_983] {strides = array<i32>} : memref<32x128xf32, #tpu.memory_space<vmem>>, vector<1x16xf32>,
      %parallel_loop3A_985 = vector.shape_cast %parallel_loop3A_984 : vector<1x16xf32> to vector<16xf32>
      %parallel_loop3A_986 = arith.addf %parallel_loop3A_981, %parallel_loop3A_985 : vector<16xf32>
      %parallel_loop3A_987 = arith.addf %parallel_loop3A_977, %parallel_loop3A_986 : vector<16xf32>
      %parallel_loop3A_988 = arith.index_cast %parallel_loop3A_800 : i32 to index
      %parallel_loop3A_989 = arith.constant 112 : index
      %parallel_loop3A_990 = tpu.vector_load %arg26[%parallel_loop3A_988, %parallel_loop3A_989] {strides = array<i32>} : memref<32x128xf32, #tpu.memory_space<vmem>>, vector<1x16xf32>,
      %parallel_loop3A_991 = vector.shape_cast %parallel_loop3A_990 : vector<1x16xf32> to vector<16xf32>
      %parallel_loop3A_992 = vector.shape_cast %parallel_loop3A_987 : vector<16xf32> to vector<1x16xf32>
      tpu.vector_store %arg26[%parallel_loop3A_988, %parallel_loop3A_989], %parallel_loop3A_992 {strides = array<i32>} : memref<32x128xf32, #tpu.memory_space<vmem>>, vector<1x16xf32>,
    } {sc.loop_unroll_factor = 1 : i64, sc.parallel_access}
    "tpu.trace_stop"() : () -> ()
    %add3A_348 = arith.constant 32 : i32
    %add3A_349 = arith.addi %mul3A_2, %add3A_348 : i32
    %dma_start3A_350 = arith.constant 0 : i32
    %dma_start3A_351 = tpu.memref_slice %arg7[%add3A_349, %dma_start3A_350] : memref<8192x128xf32, #tpu.memory_space<hbm>> -> memref<32x128xf32, #tpu.memory_space<hbm>>
    %dma_start3A_352 = arith.constant 0 : i32
    %dma_start3A_353 = tpu.memref_slice %arg7[%add3A_349, %dma_start3A_352] : memref<8192x128xf32, #tpu.memory_space<hbm>> -> memref<32x128xf32, #tpu.memory_space<hbm>>
    tpu.enqueue_dma source(%arg26 : memref<32x128xf32, #tpu.memory_space<vmem>>) target(%dma_start3A_353 : memref<32x128xf32, #tpu.memory_space<hbm>>) target_semaphore(%arg33 : memref<!tpu.dma_semaphore, #tpu.memory_space<semaphore_mem>>)
    %dma_start3A_354 = arith.constant 0 : i32
    %dma_start3A_355 = arith.constant 160 : i32
    %dma_start3A_356 = tpu.memref_slice %arg8[%dma_start3A_355] : memref<1024xi32, #tpu.memory_space<vmem>> -> memref<32xi32, #tpu.memory_space<vmem>>
    %dma_start3A_357 = arith.constant 0 : i32
    %dma_start3A_358 = arith.constant 0 : i32
    %dma_start3A_359 = tpu.memref_slice %arg6[%dma_start3A_354, %dma_start3A_357, %dma_start3A_358] : memref<4x100000x128xf32, #tpu.memory_space<hbm>> -> memref<1x100000x128xf32, #tpu.memory_space<hbm>>
    %dma_start3A_360 = tpu.memref_squeeze %dma_start3A_359 : memref<1x100000x128xf32, #tpu.memory_space<hbm>> -> memref<100000x128xf32, #tpu.memory_space<hbm>>
    %dma_start3A_361 = arith.constant 0 : i32
    %dma_start3A_362 = arith.constant 0 : i32
    %dma_start3A_363 = tpu.memref_slice %dma_start3A_360[%dma_start3A_361, %dma_start3A_362] : memref<100000x128xf32, #tpu.memory_space<hbm>> -> memref<100000x128xf32, #tpu.memory_space<hbm>>
    tpu.enqueue_indirect_dma source(%dma_start3A_363 : memref<100000x128xf32, #tpu.memory_space<hbm>>) target(%arg13 : memref<32x128xf32, #tpu.memory_space<vmem>>) offsets(%dma_start3A_356 : memref<32xi32, #tpu.memory_space<vmem>>) semaphore(%arg29 : memref<!tpu.dma_semaphore, #tpu.memory_space<semaphore_mem>>)
    %dma_start3A_364 = arith.constant 1 : i32
    %dma_start3A_365 = arith.constant 416 : i32
    %dma_start3A_366 = tpu.memref_slice %arg8[%dma_start3A_365] : memref<1024xi32, #tpu.memory_space<vmem>> -> memref<32xi32, #tpu.memory_space<vmem>>
    %dma_start3A_367 = arith.constant 0 : i32
    %dma_start3A_368 = arith.constant 0 : i32
    %dma_start3A_369 = tpu.memref_slice %arg6[%dma_start3A_364, %dma_start3A_367, %dma_start3A_368] : memref<4x100000x128xf32, #tpu.memory_space<hbm>> -> memref<1x100000x128xf32, #tpu.memory_space<hbm>>
    %dma_start3A_370 = tpu.memref_squeeze %dma_start3A_369 : memref<1x100000x128xf32, #tpu.memory_space<hbm>> -> memref<100000x128xf32, #tpu.memory_space<hbm>>
    %dma_start3A_371 = arith.constant 0 : i32
    %dma_start3A_372 = arith.constant 0 : i32
    %dma_start3A_373 = tpu.memref_slice %dma_start3A_370[%dma_start3A_371, %dma_start3A_372] : memref<100000x128xf32, #tpu.memory_space<hbm>> -> memref<100000x128xf32, #tpu.memory_space<hbm>>
    tpu.enqueue_indirect_dma source(%dma_start3A_373 : memref<100000x128xf32, #tpu.memory_space<hbm>>) target(%arg14 : memref<32x128xf32, #tpu.memory_space<vmem>>) offsets(%dma_start3A_366 : memref<32xi32, #tpu.memory_space<vmem>>) semaphore(%arg29 : memref<!tpu.dma_semaphore, #tpu.memory_space<semaphore_mem>>)
    %dma_start3A_374 = arith.constant 2 : i32
    %dma_start3A_375 = arith.constant 672 : i32
    %dma_start3A_376 = tpu.memref_slice %arg8[%dma_start3A_375] : memref<1024xi32, #tpu.memory_space<vmem>> -> memref<32xi32, #tpu.memory_space<vmem>>
    %dma_start3A_377 = arith.constant 0 : i32
    %dma_start3A_378 = arith.constant 0 : i32
    %dma_start3A_379 = tpu.memref_slice %arg6[%dma_start3A_374, %dma_start3A_377, %dma_start3A_378] : memref<4x100000x128xf32, #tpu.memory_space<hbm>> -> memref<1x100000x128xf32, #tpu.memory_space<hbm>>
    %dma_start3A_380 = tpu.memref_squeeze %dma_start3A_379 : memref<1x100000x128xf32, #tpu.memory_space<hbm>> -> memref<100000x128xf32, #tpu.memory_space<hbm>>
    %dma_start3A_381 = arith.constant 0 : i32
    %dma_start3A_382 = arith.constant 0 : i32
    %dma_start3A_383 = tpu.memref_slice %dma_start3A_380[%dma_start3A_381, %dma_start3A_382] : memref<100000x128xf32, #tpu.memory_space<hbm>> -> memref<100000x128xf32, #tpu.memory_space<hbm>>
    tpu.enqueue_indirect_dma source(%dma_start3A_383 : memref<100000x128xf32, #tpu.memory_space<hbm>>) target(%arg15 : memref<32x128xf32, #tpu.memory_space<vmem>>) offsets(%dma_start3A_376 : memref<32xi32, #tpu.memory_space<vmem>>) semaphore(%arg29 : memref<!tpu.dma_semaphore, #tpu.memory_space<semaphore_mem>>)
    %dma_start3A_384 = arith.constant 3 : i32
    %dma_start3A_385 = arith.constant 928 : i32
    %dma_start3A_386 = tpu.memref_slice %arg8[%dma_start3A_385] : memref<1024xi32, #tpu.memory_space<vmem>> -> memref<32xi32, #tpu.memory_space<vmem>>
    %dma_start3A_387 = arith.constant 0 : i32
    %dma_start3A_388 = arith.constant 0 : i32
    %dma_start3A_389 = tpu.memref_slice %arg6[%dma_start3A_384, %dma_start3A_387, %dma_start3A_388] : memref<4x100000x128xf32, #tpu.memory_space<hbm>> -> memref<1x100000x128xf32, #tpu.memory_space<hbm>>
    %dma_start3A_390 = tpu.memref_squeeze %dma_start3A_389 : memref<1x100000x128xf32, #tpu.memory_space<hbm>> -> memref<100000x128xf32, #tpu.memory_space<hbm>>
    %dma_start3A_391 = arith.constant 0 : i32
    %dma_start3A_392 = arith.constant 0 : i32
    %dma_start3A_393 = tpu.memref_slice %dma_start3A_390[%dma_start3A_391, %dma_start3A_392] : memref<100000x128xf32, #tpu.memory_space<hbm>> -> memref<100000x128xf32, #tpu.memory_space<hbm>>
    tpu.enqueue_indirect_dma source(%dma_start3A_393 : memref<100000x128xf32, #tpu.memory_space<hbm>>) target(%arg16 : memref<32x128xf32, #tpu.memory_space<vmem>>) offsets(%dma_start3A_386 : memref<32xi32, #tpu.memory_space<vmem>>) semaphore(%arg29 : memref<!tpu.dma_semaphore, #tpu.memory_space<semaphore_mem>>)
    %dma_wait3A_394 = arith.constant 0 : i32
    "tpu.trace_start"() <{level = 10 : i32, message = "wait2"}> : () -> ()
    %dma_wait3A_395 = arith.constant 64 : i32
    %dma_wait3A_396 = tpu.memref_slice %arg8[%dma_wait3A_395] : memref<1024xi32, #tpu.memory_space<vmem>> -> memref<32xi32, #tpu.memory_space<vmem>>
    %dma_wait3A_397 = arith.constant 0 : i32
    %dma_wait3A_398 = arith.constant 0 : i32
    %dma_wait3A_399 = tpu.memref_slice %arg6[%dma_wait3A_394, %dma_wait3A_397, %dma_wait3A_398] : memref<4x100000x128xf32, #tpu.memory_space<hbm>> -> memref<1x100000x128xf32, #tpu.memory_space<hbm>>
    %dma_wait3A_400 = tpu.memref_squeeze %dma_wait3A_399 : memref<1x100000x128xf32, #tpu.memory_space<hbm>> -> memref<100000x128xf32, #tpu.memory_space<hbm>>
    %dma_wait3A_401 = arith.constant 0 : i32
    %dma_wait3A_402 = arith.constant 0 : i32
    %dma_wait3A_403 = tpu.memref_slice %dma_wait3A_400[%dma_wait3A_401, %dma_wait3A_402] : memref<100000x128xf32, #tpu.memory_space<hbm>> -> memref<100000x128xf32, #tpu.memory_space<hbm>>
    tpu.wait_indirect_dma semaphore(%arg30 : memref<!tpu.dma_semaphore, #tpu.memory_space<semaphore_mem>>) src(%dma_wait3A_403 : memref<100000x128xf32, #tpu.memory_space<hbm>>) dst(%arg17 : memref<32x128xf32, #tpu.memory_space<vmem>>)
    %dma_wait3A_404 = arith.constant 1 : i32
    %dma_wait3A_405 = arith.constant 320 : i32
    %dma_wait3A_406 = tpu.memref_slice %arg8[%dma_wait3A_405] : memref<1024xi32, #tpu.memory_space<vmem>> -> memref<32xi32, #tpu.memory_space<vmem>>
    %dma_wait3A_407 = arith.constant 0 : i32
    %dma_wait3A_408 = arith.constant 0 : i32
    %dma_wait3A_409 = tpu.memref_slice %arg6[%dma_wait3A_404, %dma_wait3A_407, %dma_wait3A_408] : memref<4x100000x128xf32, #tpu.memory_space<hbm>> -> memref<1x100000x128xf32, #tpu.memory_space<hbm>>
    %dma_wait3A_410 = tpu.memref_squeeze %dma_wait3A_409 : memref<1x100000x128xf32, #tpu.memory_space<hbm>> -> memref<100000x128xf32, #tpu.memory_space<hbm>>
    %dma_wait3A_411 = arith.constant 0 : i32
    %dma_wait3A_412 = arith.constant 0 : i32
    %dma_wait3A_413 = tpu.memref_slice %dma_wait3A_410[%dma_wait3A_411, %dma_wait3A_412] : memref<100000x128xf32, #tpu.memory_space<hbm>> -> memref<100000x128xf32, #tpu.memory_space<hbm>>
    tpu.wait_indirect_dma semaphore(%arg30 : memref<!tpu.dma_semaphore, #tpu.memory_space<semaphore_mem>>) src(%dma_wait3A_413 : memref<100000x128xf32, #tpu.memory_space<hbm>>) dst(%arg18 : memref<32x128xf32, #tpu.memory_space<vmem>>)
    %dma_wait3A_414 = arith.constant 2 : i32
    %dma_wait3A_415 = arith.constant 576 : i32
    %dma_wait3A_416 = tpu.memref_slice %arg8[%dma_wait3A_415] : memref<1024xi32, #tpu.memory_space<vmem>> -> memref<32xi32, #tpu.memory_space<vmem>>
    %dma_wait3A_417 = arith.constant 0 : i32
    %dma_wait3A_418 = arith.constant 0 : i32
    %dma_wait3A_419 = tpu.memref_slice %arg6[%dma_wait3A_414, %dma_wait3A_417, %dma_wait3A_418] : memref<4x100000x128xf32, #tpu.memory_space<hbm>> -> memref<1x100000x128xf32, #tpu.memory_space<hbm>>
    %dma_wait3A_420 = tpu.memref_squeeze %dma_wait3A_419 : memref<1x100000x128xf32, #tpu.memory_space<hbm>> -> memref<100000x128xf32, #tpu.memory_space<hbm>>
    %dma_wait3A_421 = arith.constant 0 : i32
    %dma_wait3A_422 = arith.constant 0 : i32
    %dma_wait3A_423 = tpu.memref_slice %dma_wait3A_420[%dma_wait3A_421, %dma_wait3A_422] : memref<100000x128xf32, #tpu.memory_space<hbm>> -> memref<100000x128xf32, #tpu.memory_space<hbm>>
    tpu.wait_indirect_dma semaphore(%arg30 : memref<!tpu.dma_semaphore, #tpu.memory_space<semaphore_mem>>) src(%dma_wait3A_423 : memref<100000x128xf32, #tpu.memory_space<hbm>>) dst(%arg19 : memref<32x128xf32, #tpu.memory_space<vmem>>)
    %dma_wait3A_424 = arith.constant 3 : i32
    %dma_wait3A_425 = arith.constant 832 : i32
    %dma_wait3A_426 = tpu.memref_slice %arg8[%dma_wait3A_425] : memref<1024xi32, #tpu.memory_space<vmem>> -> memref<32xi32, #tpu.memory_space<vmem>>
    %dma_wait3A_427 = arith.constant 0 : i32
    %dma_wait3A_428 = arith.constant 0 : i32
    %dma_wait3A_429 = tpu.memref_slice %arg6[%dma_wait3A_424, %dma_wait3A_427, %dma_wait3A_428] : memref<4x100000x128xf32, #tpu.memory_space<hbm>> -> memref<1x100000x128xf32, #tpu.memory_space<hbm>>
    %dma_wait3A_430 = tpu.memref_squeeze %dma_wait3A_429 : memref<1x100000x128xf32, #tpu.memory_space<hbm>> -> memref<100000x128xf32, #tpu.memory_space<hbm>>
    %dma_wait3A_431 = arith.constant 0 : i32
    %dma_wait3A_432 = arith.constant 0 : i32
    %dma_wait3A_433 = tpu.memref_slice %dma_wait3A_430[%dma_wait3A_431, %dma_wait3A_432] : memref<100000x128xf32, #tpu.memory_space<hbm>> -> memref<100000x128xf32, #tpu.memory_space<hbm>>
    tpu.wait_indirect_dma semaphore(%arg30 : memref<!tpu.dma_semaphore, #tpu.memory_space<semaphore_mem>>) src(%dma_wait3A_433 : memref<100000x128xf32, #tpu.memory_space<hbm>>) dst(%arg20 : memref<32x128xf32, #tpu.memory_space<vmem>>)
    %dma_wait3A_434 = arith.constant 0 : i32
    %dma_wait3A_435 = tpu.memref_slice %arg7[%add3A_260, %dma_wait3A_434] : memref<8192x128xf32, #tpu.memory_space<hbm>> -> memref<32x128xf32, #tpu.memory_space<hbm>>
    %dma_wait3A_436 = arith.constant 0 : i32
    %dma_wait3A_437 = tpu.memref_slice %arg7[%add3A_260, %dma_wait3A_436] : memref<8192x128xf32, #tpu.memory_space<hbm>> -> memref<32x128xf32, #tpu.memory_space<hbm>>
    tpu.wait_dma2 semaphore(%arg32 : memref<!tpu.dma_semaphore, #tpu.memory_space<semaphore_mem>>) src(%arg25 : memref<32x128xf32, #tpu.memory_space<vmem>>) dst(%dma_wait3A_437 : memref<32x128xf32, #tpu.memory_space<hbm>>)
    %parallel_loop3A_438 = arith.constant 0 : i32
    %parallel_loop3A_439 = arith.constant 32 : i32
    %parallel_loop3A_440 = arith.constant 1 : i32
    "tpu.trace_stop"() : () -> ()
    "tpu.trace_start"() <{level = 10 : i32, message = "sum2"}> : () -> ()
    scf.for %parallel_loop3A_800 = %parallel_loop3A_438 to %parallel_loop3A_439 step %parallel_loop3A_440  : i32 {
      %parallel_loop3A_801 = arith.index_cast %parallel_loop3A_800 : i32 to index
      %parallel_loop3A_802 = arith.constant 0 : index
      %parallel_loop3A_803 = tpu.vector_load %arg17[%parallel_loop3A_801, %parallel_loop3A_802] {strides = array<i32>} : memref<32x128xf32, #tpu.memory_space<vmem>>, vector<1x16xf32>,
      %parallel_loop3A_804 = vector.shape_cast %parallel_loop3A_803 : vector<1x16xf32> to vector<16xf32>
      %parallel_loop3A_805 = arith.index_cast %parallel_loop3A_800 : i32 to index
      %parallel_loop3A_806 = arith.constant 0 : index
      %parallel_loop3A_807 = tpu.vector_load %arg18[%parallel_loop3A_805, %parallel_loop3A_806] {strides = array<i32>} : memref<32x128xf32, #tpu.memory_space<vmem>>, vector<1x16xf32>,
      %parallel_loop3A_808 = vector.shape_cast %parallel_loop3A_807 : vector<1x16xf32> to vector<16xf32>
      %parallel_loop3A_809 = arith.addf %parallel_loop3A_804, %parallel_loop3A_808 : vector<16xf32>
      %parallel_loop3A_810 = arith.index_cast %parallel_loop3A_800 : i32 to index
      %parallel_loop3A_811 = arith.constant 0 : index
      %parallel_loop3A_812 = tpu.vector_load %arg19[%parallel_loop3A_810, %parallel_loop3A_811] {strides = array<i32>} : memref<32x128xf32, #tpu.memory_space<vmem>>, vector<1x16xf32>,
      %parallel_loop3A_813 = vector.shape_cast %parallel_loop3A_812 : vector<1x16xf32> to vector<16xf32>
      %parallel_loop3A_814 = arith.index_cast %parallel_loop3A_800 : i32 to index
      %parallel_loop3A_815 = arith.constant 0 : index
      %parallel_loop3A_816 = tpu.vector_load %arg20[%parallel_loop3A_814, %parallel_loop3A_815] {strides = array<i32>} : memref<32x128xf32, #tpu.memory_space<vmem>>, vector<1x16xf32>,
      %parallel_loop3A_817 = vector.shape_cast %parallel_loop3A_816 : vector<1x16xf32> to vector<16xf32>
      %parallel_loop3A_818 = arith.addf %parallel_loop3A_813, %parallel_loop3A_817 : vector<16xf32>
      %parallel_loop3A_819 = arith.addf %parallel_loop3A_809, %parallel_loop3A_818 : vector<16xf32>
      %parallel_loop3A_820 = arith.index_cast %parallel_loop3A_800 : i32 to index
      %parallel_loop3A_821 = arith.constant 0 : index
      %parallel_loop3A_822 = tpu.vector_load %arg25[%parallel_loop3A_820, %parallel_loop3A_821] {strides = array<i32>} : memref<32x128xf32, #tpu.memory_space<vmem>>, vector<1x16xf32>,
      %parallel_loop3A_823 = vector.shape_cast %parallel_loop3A_822 : vector<1x16xf32> to vector<16xf32>
      %parallel_loop3A_824 = vector.shape_cast %parallel_loop3A_819 : vector<16xf32> to vector<1x16xf32>
      tpu.vector_store %arg25[%parallel_loop3A_820, %parallel_loop3A_821], %parallel_loop3A_824 {strides = array<i32>} : memref<32x128xf32, #tpu.memory_space<vmem>>, vector<1x16xf32>,
      %parallel_loop3A_825 = arith.index_cast %parallel_loop3A_800 : i32 to index
      %parallel_loop3A_826 = arith.constant 16 : index
      %parallel_loop3A_827 = tpu.vector_load %arg17[%parallel_loop3A_825, %parallel_loop3A_826] {strides = array<i32>} : memref<32x128xf32, #tpu.memory_space<vmem>>, vector<1x16xf32>,
      %parallel_loop3A_828 = vector.shape_cast %parallel_loop3A_827 : vector<1x16xf32> to vector<16xf32>
      %parallel_loop3A_829 = arith.index_cast %parallel_loop3A_800 : i32 to index
      %parallel_loop3A_830 = arith.constant 16 : index
      %parallel_loop3A_831 = tpu.vector_load %arg18[%parallel_loop3A_829, %parallel_loop3A_830] {strides = array<i32>} : memref<32x128xf32, #tpu.memory_space<vmem>>, vector<1x16xf32>,
      %parallel_loop3A_832 = vector.shape_cast %parallel_loop3A_831 : vector<1x16xf32> to vector<16xf32>
      %parallel_loop3A_833 = arith.addf %parallel_loop3A_828, %parallel_loop3A_832 : vector<16xf32>
      %parallel_loop3A_834 = arith.index_cast %parallel_loop3A_800 : i32 to index
      %parallel_loop3A_835 = arith.constant 16 : index
      %parallel_loop3A_836 = tpu.vector_load %arg19[%parallel_loop3A_834, %parallel_loop3A_835] {strides = array<i32>} : memref<32x128xf32, #tpu.memory_space<vmem>>, vector<1x16xf32>,
      %parallel_loop3A_837 = vector.shape_cast %parallel_loop3A_836 : vector<1x16xf32> to vector<16xf32>
      %parallel_loop3A_838 = arith.index_cast %parallel_loop3A_800 : i32 to index
      %parallel_loop3A_839 = arith.constant 16 : index
      %parallel_loop3A_840 = tpu.vector_load %arg20[%parallel_loop3A_838, %parallel_loop3A_839] {strides = array<i32>} : memref<32x128xf32, #tpu.memory_space<vmem>>, vector<1x16xf32>,
      %parallel_loop3A_841 = vector.shape_cast %parallel_loop3A_840 : vector<1x16xf32> to vector<16xf32>
      %parallel_loop3A_842 = arith.addf %parallel_loop3A_837, %parallel_loop3A_841 : vector<16xf32>
      %parallel_loop3A_843 = arith.addf %parallel_loop3A_833, %parallel_loop3A_842 : vector<16xf32>
      %parallel_loop3A_844 = arith.index_cast %parallel_loop3A_800 : i32 to index
      %parallel_loop3A_845 = arith.constant 16 : index
      %parallel_loop3A_846 = tpu.vector_load %arg25[%parallel_loop3A_844, %parallel_loop3A_845] {strides = array<i32>} : memref<32x128xf32, #tpu.memory_space<vmem>>, vector<1x16xf32>,
      %parallel_loop3A_847 = vector.shape_cast %parallel_loop3A_846 : vector<1x16xf32> to vector<16xf32>
      %parallel_loop3A_848 = vector.shape_cast %parallel_loop3A_843 : vector<16xf32> to vector<1x16xf32>
      tpu.vector_store %arg25[%parallel_loop3A_844, %parallel_loop3A_845], %parallel_loop3A_848 {strides = array<i32>} : memref<32x128xf32, #tpu.memory_space<vmem>>, vector<1x16xf32>,
      %parallel_loop3A_849 = arith.index_cast %parallel_loop3A_800 : i32 to index
      %parallel_loop3A_850 = arith.constant 32 : index
      %parallel_loop3A_851 = tpu.vector_load %arg17[%parallel_loop3A_849, %parallel_loop3A_850] {strides = array<i32>} : memref<32x128xf32, #tpu.memory_space<vmem>>, vector<1x16xf32>,
      %parallel_loop3A_852 = vector.shape_cast %parallel_loop3A_851 : vector<1x16xf32> to vector<16xf32>
      %parallel_loop3A_853 = arith.index_cast %parallel_loop3A_800 : i32 to index
      %parallel_loop3A_854 = arith.constant 32 : index
      %parallel_loop3A_855 = tpu.vector_load %arg18[%parallel_loop3A_853, %parallel_loop3A_854] {strides = array<i32>} : memref<32x128xf32, #tpu.memory_space<vmem>>, vector<1x16xf32>,
      %parallel_loop3A_856 = vector.shape_cast %parallel_loop3A_855 : vector<1x16xf32> to vector<16xf32>
      %parallel_loop3A_857 = arith.addf %parallel_loop3A_852, %parallel_loop3A_856 : vector<16xf32>
      %parallel_loop3A_858 = arith.index_cast %parallel_loop3A_800 : i32 to index
      %parallel_loop3A_859 = arith.constant 32 : index
      %parallel_loop3A_860 = tpu.vector_load %arg19[%parallel_loop3A_858, %parallel_loop3A_859] {strides = array<i32>} : memref<32x128xf32, #tpu.memory_space<vmem>>, vector<1x16xf32>,
      %parallel_loop3A_861 = vector.shape_cast %parallel_loop3A_860 : vector<1x16xf32> to vector<16xf32>
      %parallel_loop3A_862 = arith.index_cast %parallel_loop3A_800 : i32 to index
      %parallel_loop3A_863 = arith.constant 32 : index
      %parallel_loop3A_864 = tpu.vector_load %arg20[%parallel_loop3A_862, %parallel_loop3A_863] {strides = array<i32>} : memref<32x128xf32, #tpu.memory_space<vmem>>, vector<1x16xf32>,
      %parallel_loop3A_865 = vector.shape_cast %parallel_loop3A_864 : vector<1x16xf32> to vector<16xf32>
      %parallel_loop3A_866 = arith.addf %parallel_loop3A_861, %parallel_loop3A_865 : vector<16xf32>
      %parallel_loop3A_867 = arith.addf %parallel_loop3A_857, %parallel_loop3A_866 : vector<16xf32>
      %parallel_loop3A_868 = arith.index_cast %parallel_loop3A_800 : i32 to index
      %parallel_loop3A_869 = arith.constant 32 : index
      %parallel_loop3A_870 = tpu.vector_load %arg25[%parallel_loop3A_868, %parallel_loop3A_869] {strides = array<i32>} : memref<32x128xf32, #tpu.memory_space<vmem>>, vector<1x16xf32>,
      %parallel_loop3A_871 = vector.shape_cast %parallel_loop3A_870 : vector<1x16xf32> to vector<16xf32>
      %parallel_loop3A_872 = vector.shape_cast %parallel_loop3A_867 : vector<16xf32> to vector<1x16xf32>
      tpu.vector_store %arg25[%parallel_loop3A_868, %parallel_loop3A_869], %parallel_loop3A_872 {strides = array<i32>} : memref<32x128xf32, #tpu.memory_space<vmem>>, vector<1x16xf32>,
      %parallel_loop3A_873 = arith.index_cast %parallel_loop3A_800 : i32 to index
      %parallel_loop3A_874 = arith.constant 48 : index
      %parallel_loop3A_875 = tpu.vector_load %arg17[%parallel_loop3A_873, %parallel_loop3A_874] {strides = array<i32>} : memref<32x128xf32, #tpu.memory_space<vmem>>, vector<1x16xf32>,
      %parallel_loop3A_876 = vector.shape_cast %parallel_loop3A_875 : vector<1x16xf32> to vector<16xf32>
      %parallel_loop3A_877 = arith.index_cast %parallel_loop3A_800 : i32 to index
      %parallel_loop3A_878 = arith.constant 48 : index
      %parallel_loop3A_879 = tpu.vector_load %arg18[%parallel_loop3A_877, %parallel_loop3A_878] {strides = array<i32>} : memref<32x128xf32, #tpu.memory_space<vmem>>, vector<1x16xf32>,
      %parallel_loop3A_880 = vector.shape_cast %parallel_loop3A_879 : vector<1x16xf32> to vector<16xf32>
      %parallel_loop3A_881 = arith.addf %parallel_loop3A_876, %parallel_loop3A_880 : vector<16xf32>
      %parallel_loop3A_882 = arith.index_cast %parallel_loop3A_800 : i32 to index
      %parallel_loop3A_883 = arith.constant 48 : index
      %parallel_loop3A_884 = tpu.vector_load %arg19[%parallel_loop3A_882, %parallel_loop3A_883] {strides = array<i32>} : memref<32x128xf32, #tpu.memory_space<vmem>>, vector<1x16xf32>,
      %parallel_loop3A_885 = vector.shape_cast %parallel_loop3A_884 : vector<1x16xf32> to vector<16xf32>
      %parallel_loop3A_886 = arith.index_cast %parallel_loop3A_800 : i32 to index
      %parallel_loop3A_887 = arith.constant 48 : index
      %parallel_loop3A_888 = tpu.vector_load %arg20[%parallel_loop3A_886, %parallel_loop3A_887] {strides = array<i32>} : memref<32x128xf32, #tpu.memory_space<vmem>>, vector<1x16xf32>,
      %parallel_loop3A_889 = vector.shape_cast %parallel_loop3A_888 : vector<1x16xf32> to vector<16xf32>
      %parallel_loop3A_890 = arith.addf %parallel_loop3A_885, %parallel_loop3A_889 : vector<16xf32>
      %parallel_loop3A_891 = arith.addf %parallel_loop3A_881, %parallel_loop3A_890 : vector<16xf32>
      %parallel_loop3A_892 = arith.index_cast %parallel_loop3A_800 : i32 to index
      %parallel_loop3A_893 = arith.constant 48 : index
      %parallel_loop3A_894 = tpu.vector_load %arg25[%parallel_loop3A_892, %parallel_loop3A_893] {strides = array<i32>} : memref<32x128xf32, #tpu.memory_space<vmem>>, vector<1x16xf32>,
      %parallel_loop3A_895 = vector.shape_cast %parallel_loop3A_894 : vector<1x16xf32> to vector<16xf32>
      %parallel_loop3A_896 = vector.shape_cast %parallel_loop3A_891 : vector<16xf32> to vector<1x16xf32>
      tpu.vector_store %arg25[%parallel_loop3A_892, %parallel_loop3A_893], %parallel_loop3A_896 {strides = array<i32>} : memref<32x128xf32, #tpu.memory_space<vmem>>, vector<1x16xf32>,
      %parallel_loop3A_897 = arith.index_cast %parallel_loop3A_800 : i32 to index
      %parallel_loop3A_898 = arith.constant 64 : index
      %parallel_loop3A_899 = tpu.vector_load %arg17[%parallel_loop3A_897, %parallel_loop3A_898] {strides = array<i32>} : memref<32x128xf32, #tpu.memory_space<vmem>>, vector<1x16xf32>,
      %parallel_loop3A_900 = vector.shape_cast %parallel_loop3A_899 : vector<1x16xf32> to vector<16xf32>
      %parallel_loop3A_901 = arith.index_cast %parallel_loop3A_800 : i32 to index
      %parallel_loop3A_902 = arith.constant 64 : index
      %parallel_loop3A_903 = tpu.vector_load %arg18[%parallel_loop3A_901, %parallel_loop3A_902] {strides = array<i32>} : memref<32x128xf32, #tpu.memory_space<vmem>>, vector<1x16xf32>,
      %parallel_loop3A_904 = vector.shape_cast %parallel_loop3A_903 : vector<1x16xf32> to vector<16xf32>
      %parallel_loop3A_905 = arith.addf %parallel_loop3A_900, %parallel_loop3A_904 : vector<16xf32>
      %parallel_loop3A_906 = arith.index_cast %parallel_loop3A_800 : i32 to index
      %parallel_loop3A_907 = arith.constant 64 : index
      %parallel_loop3A_908 = tpu.vector_load %arg19[%parallel_loop3A_906, %parallel_loop3A_907] {strides = array<i32>} : memref<32x128xf32, #tpu.memory_space<vmem>>, vector<1x16xf32>,
      %parallel_loop3A_909 = vector.shape_cast %parallel_loop3A_908 : vector<1x16xf32> to vector<16xf32>
      %parallel_loop3A_910 = arith.index_cast %parallel_loop3A_800 : i32 to index
      %parallel_loop3A_911 = arith.constant 64 : index
      %parallel_loop3A_912 = tpu.vector_load %arg20[%parallel_loop3A_910, %parallel_loop3A_911] {strides = array<i32>} : memref<32x128xf32, #tpu.memory_space<vmem>>, vector<1x16xf32>,
      %parallel_loop3A_913 = vector.shape_cast %parallel_loop3A_912 : vector<1x16xf32> to vector<16xf32>
      %parallel_loop3A_914 = arith.addf %parallel_loop3A_909, %parallel_loop3A_913 : vector<16xf32>
      %parallel_loop3A_915 = arith.addf %parallel_loop3A_905, %parallel_loop3A_914 : vector<16xf32>
      %parallel_loop3A_916 = arith.index_cast %parallel_loop3A_800 : i32 to index
      %parallel_loop3A_917 = arith.constant 64 : index
      %parallel_loop3A_918 = tpu.vector_load %arg25[%parallel_loop3A_916, %parallel_loop3A_917] {strides = array<i32>} : memref<32x128xf32, #tpu.memory_space<vmem>>, vector<1x16xf32>,
      %parallel_loop3A_919 = vector.shape_cast %parallel_loop3A_918 : vector<1x16xf32> to vector<16xf32>
      %parallel_loop3A_920 = vector.shape_cast %parallel_loop3A_915 : vector<16xf32> to vector<1x16xf32>
      tpu.vector_store %arg25[%parallel_loop3A_916, %parallel_loop3A_917], %parallel_loop3A_920 {strides = array<i32>} : memref<32x128xf32, #tpu.memory_space<vmem>>, vector<1x16xf32>,
      %parallel_loop3A_921 = arith.index_cast %parallel_loop3A_800 : i32 to index
      %parallel_loop3A_922 = arith.constant 80 : index
      %parallel_loop3A_923 = tpu.vector_load %arg17[%parallel_loop3A_921, %parallel_loop3A_922] {strides = array<i32>} : memref<32x128xf32, #tpu.memory_space<vmem>>, vector<1x16xf32>,
      %parallel_loop3A_924 = vector.shape_cast %parallel_loop3A_923 : vector<1x16xf32> to vector<16xf32>
      %parallel_loop3A_925 = arith.index_cast %parallel_loop3A_800 : i32 to index
      %parallel_loop3A_926 = arith.constant 80 : index
      %parallel_loop3A_927 = tpu.vector_load %arg18[%parallel_loop3A_925, %parallel_loop3A_926] {strides = array<i32>} : memref<32x128xf32, #tpu.memory_space<vmem>>, vector<1x16xf32>,
      %parallel_loop3A_928 = vector.shape_cast %parallel_loop3A_927 : vector<1x16xf32> to vector<16xf32>
      %parallel_loop3A_929 = arith.addf %parallel_loop3A_924, %parallel_loop3A_928 : vector<16xf32>
      %parallel_loop3A_930 = arith.index_cast %parallel_loop3A_800 : i32 to index
      %parallel_loop3A_931 = arith.constant 80 : index
      %parallel_loop3A_932 = tpu.vector_load %arg19[%parallel_loop3A_930, %parallel_loop3A_931] {strides = array<i32>} : memref<32x128xf32, #tpu.memory_space<vmem>>, vector<1x16xf32>,
      %parallel_loop3A_933 = vector.shape_cast %parallel_loop3A_932 : vector<1x16xf32> to vector<16xf32>
      %parallel_loop3A_934 = arith.index_cast %parallel_loop3A_800 : i32 to index
      %parallel_loop3A_935 = arith.constant 80 : index
      %parallel_loop3A_936 = tpu.vector_load %arg20[%parallel_loop3A_934, %parallel_loop3A_935] {strides = array<i32>} : memref<32x128xf32, #tpu.memory_space<vmem>>, vector<1x16xf32>,
      %parallel_loop3A_937 = vector.shape_cast %parallel_loop3A_936 : vector<1x16xf32> to vector<16xf32>
      %parallel_loop3A_938 = arith.addf %parallel_loop3A_933, %parallel_loop3A_937 : vector<16xf32>
      %parallel_loop3A_939 = arith.addf %parallel_loop3A_929, %parallel_loop3A_938 : vector<16xf32>
      %parallel_loop3A_940 = arith.index_cast %parallel_loop3A_800 : i32 to index
      %parallel_loop3A_941 = arith.constant 80 : index
      %parallel_loop3A_942 = tpu.vector_load %arg25[%parallel_loop3A_940, %parallel_loop3A_941] {strides = array<i32>} : memref<32x128xf32, #tpu.memory_space<vmem>>, vector<1x16xf32>,
      %parallel_loop3A_943 = vector.shape_cast %parallel_loop3A_942 : vector<1x16xf32> to vector<16xf32>
      %parallel_loop3A_944 = vector.shape_cast %parallel_loop3A_939 : vector<16xf32> to vector<1x16xf32>
      tpu.vector_store %arg25[%parallel_loop3A_940, %parallel_loop3A_941], %parallel_loop3A_944 {strides = array<i32>} : memref<32x128xf32, #tpu.memory_space<vmem>>, vector<1x16xf32>,
      %parallel_loop3A_945 = arith.index_cast %parallel_loop3A_800 : i32 to index
      %parallel_loop3A_946 = arith.constant 96 : index
      %parallel_loop3A_947 = tpu.vector_load %arg17[%parallel_loop3A_945, %parallel_loop3A_946] {strides = array<i32>} : memref<32x128xf32, #tpu.memory_space<vmem>>, vector<1x16xf32>,
      %parallel_loop3A_948 = vector.shape_cast %parallel_loop3A_947 : vector<1x16xf32> to vector<16xf32>
      %parallel_loop3A_949 = arith.index_cast %parallel_loop3A_800 : i32 to index
      %parallel_loop3A_950 = arith.constant 96 : index
      %parallel_loop3A_951 = tpu.vector_load %arg18[%parallel_loop3A_949, %parallel_loop3A_950] {strides = array<i32>} : memref<32x128xf32, #tpu.memory_space<vmem>>, vector<1x16xf32>,
      %parallel_loop3A_952 = vector.shape_cast %parallel_loop3A_951 : vector<1x16xf32> to vector<16xf32>
      %parallel_loop3A_953 = arith.addf %parallel_loop3A_948, %parallel_loop3A_952 : vector<16xf32>
      %parallel_loop3A_954 = arith.index_cast %parallel_loop3A_800 : i32 to index
      %parallel_loop3A_955 = arith.constant 96 : index
      %parallel_loop3A_956 = tpu.vector_load %arg19[%parallel_loop3A_954, %parallel_loop3A_955] {strides = array<i32>} : memref<32x128xf32, #tpu.memory_space<vmem>>, vector<1x16xf32>,
      %parallel_loop3A_957 = vector.shape_cast %parallel_loop3A_956 : vector<1x16xf32> to vector<16xf32>
      %parallel_loop3A_958 = arith.index_cast %parallel_loop3A_800 : i32 to index
      %parallel_loop3A_959 = arith.constant 96 : index
      %parallel_loop3A_960 = tpu.vector_load %arg20[%parallel_loop3A_958, %parallel_loop3A_959] {strides = array<i32>} : memref<32x128xf32, #tpu.memory_space<vmem>>, vector<1x16xf32>,
      %parallel_loop3A_961 = vector.shape_cast %parallel_loop3A_960 : vector<1x16xf32> to vector<16xf32>
      %parallel_loop3A_962 = arith.addf %parallel_loop3A_957, %parallel_loop3A_961 : vector<16xf32>
      %parallel_loop3A_963 = arith.addf %parallel_loop3A_953, %parallel_loop3A_962 : vector<16xf32>
      %parallel_loop3A_964 = arith.index_cast %parallel_loop3A_800 : i32 to index
      %parallel_loop3A_965 = arith.constant 96 : index
      %parallel_loop3A_966 = tpu.vector_load %arg25[%parallel_loop3A_964, %parallel_loop3A_965] {strides = array<i32>} : memref<32x128xf32, #tpu.memory_space<vmem>>, vector<1x16xf32>,
      %parallel_loop3A_967 = vector.shape_cast %parallel_loop3A_966 : vector<1x16xf32> to vector<16xf32>
      %parallel_loop3A_968 = vector.shape_cast %parallel_loop3A_963 : vector<16xf32> to vector<1x16xf32>
      tpu.vector_store %arg25[%parallel_loop3A_964, %parallel_loop3A_965], %parallel_loop3A_968 {strides = array<i32>} : memref<32x128xf32, #tpu.memory_space<vmem>>, vector<1x16xf32>,
      %parallel_loop3A_969 = arith.index_cast %parallel_loop3A_800 : i32 to index
      %parallel_loop3A_970 = arith.constant 112 : index
      %parallel_loop3A_971 = tpu.vector_load %arg17[%parallel_loop3A_969, %parallel_loop3A_970] {strides = array<i32>} : memref<32x128xf32, #tpu.memory_space<vmem>>, vector<1x16xf32>,
      %parallel_loop3A_972 = vector.shape_cast %parallel_loop3A_971 : vector<1x16xf32> to vector<16xf32>
      %parallel_loop3A_973 = arith.index_cast %parallel_loop3A_800 : i32 to index
      %parallel_loop3A_974 = arith.constant 112 : index
      %parallel_loop3A_975 = tpu.vector_load %arg18[%parallel_loop3A_973, %parallel_loop3A_974] {strides = array<i32>} : memref<32x128xf32, #tpu.memory_space<vmem>>, vector<1x16xf32>,
      %parallel_loop3A_976 = vector.shape_cast %parallel_loop3A_975 : vector<1x16xf32> to vector<16xf32>
      %parallel_loop3A_977 = arith.addf %parallel_loop3A_972, %parallel_loop3A_976 : vector<16xf32>
      %parallel_loop3A_978 = arith.index_cast %parallel_loop3A_800 : i32 to index
      %parallel_loop3A_979 = arith.constant 112 : index
      %parallel_loop3A_980 = tpu.vector_load %arg19[%parallel_loop3A_978, %parallel_loop3A_979] {strides = array<i32>} : memref<32x128xf32, #tpu.memory_space<vmem>>, vector<1x16xf32>,
      %parallel_loop3A_981 = vector.shape_cast %parallel_loop3A_980 : vector<1x16xf32> to vector<16xf32>
      %parallel_loop3A_982 = arith.index_cast %parallel_loop3A_800 : i32 to index
      %parallel_loop3A_983 = arith.constant 112 : index
      %parallel_loop3A_984 = tpu.vector_load %arg20[%parallel_loop3A_982, %parallel_loop3A_983] {strides = array<i32>} : memref<32x128xf32, #tpu.memory_space<vmem>>, vector<1x16xf32>,
      %parallel_loop3A_985 = vector.shape_cast %parallel_loop3A_984 : vector<1x16xf32> to vector<16xf32>
      %parallel_loop3A_986 = arith.addf %parallel_loop3A_981, %parallel_loop3A_985 : vector<16xf32>
      %parallel_loop3A_987 = arith.addf %parallel_loop3A_977, %parallel_loop3A_986 : vector<16xf32>
      %parallel_loop3A_988 = arith.index_cast %parallel_loop3A_800 : i32 to index
      %parallel_loop3A_989 = arith.constant 112 : index
      %parallel_loop3A_990 = tpu.vector_load %arg25[%parallel_loop3A_988, %parallel_loop3A_989] {strides = array<i32>} : memref<32x128xf32, #tpu.memory_space<vmem>>, vector<1x16xf32>,
      %parallel_loop3A_991 = vector.shape_cast %parallel_loop3A_990 : vector<1x16xf32> to vector<16xf32>
      %parallel_loop3A_992 = vector.shape_cast %parallel_loop3A_987 : vector<16xf32> to vector<1x16xf32>
      tpu.vector_store %arg25[%parallel_loop3A_988, %parallel_loop3A_989], %parallel_loop3A_992 {strides = array<i32>} : memref<32x128xf32, #tpu.memory_space<vmem>>, vector<1x16xf32>,
    } {sc.loop_unroll_factor = 1 : i64, sc.parallel_access}
    "tpu.trace_stop"() : () -> ()
    %add3A_441 = arith.constant 64 : i32
    %add3A_442 = arith.addi %mul3A_2, %add3A_441 : i32
    %dma_start3A_443 = arith.constant 0 : i32
    %dma_start3A_444 = tpu.memref_slice %arg7[%add3A_442, %dma_start3A_443] : memref<8192x128xf32, #tpu.memory_space<hbm>> -> memref<32x128xf32, #tpu.memory_space<hbm>>
    %dma_start3A_445 = arith.constant 0 : i32
    %dma_start3A_446 = tpu.memref_slice %arg7[%add3A_442, %dma_start3A_445] : memref<8192x128xf32, #tpu.memory_space<hbm>> -> memref<32x128xf32, #tpu.memory_space<hbm>>
    tpu.enqueue_dma source(%arg25 : memref<32x128xf32, #tpu.memory_space<vmem>>) target(%dma_start3A_446 : memref<32x128xf32, #tpu.memory_space<hbm>>) target_semaphore(%arg32 : memref<!tpu.dma_semaphore, #tpu.memory_space<semaphore_mem>>)
    %dma_start3A_447 = arith.constant 0 : i32
    %dma_start3A_448 = arith.constant 192 : i32
    %dma_start3A_449 = tpu.memref_slice %arg8[%dma_start3A_448] : memref<1024xi32, #tpu.memory_space<vmem>> -> memref<32xi32, #tpu.memory_space<vmem>>
    %dma_start3A_450 = arith.constant 0 : i32
    %dma_start3A_451 = arith.constant 0 : i32
    %dma_start3A_452 = tpu.memref_slice %arg6[%dma_start3A_447, %dma_start3A_450, %dma_start3A_451] : memref<4x100000x128xf32, #tpu.memory_space<hbm>> -> memref<1x100000x128xf32, #tpu.memory_space<hbm>>
    %dma_start3A_453 = tpu.memref_squeeze %dma_start3A_452 : memref<1x100000x128xf32, #tpu.memory_space<hbm>> -> memref<100000x128xf32, #tpu.memory_space<hbm>>
    %dma_start3A_454 = arith.constant 0 : i32
    %dma_start3A_455 = arith.constant 0 : i32
    %dma_start3A_456 = tpu.memref_slice %dma_start3A_453[%dma_start3A_454, %dma_start3A_455] : memref<100000x128xf32, #tpu.memory_space<hbm>> -> memref<100000x128xf32, #tpu.memory_space<hbm>>
    tpu.enqueue_indirect_dma source(%dma_start3A_456 : memref<100000x128xf32, #tpu.memory_space<hbm>>) target(%arg17 : memref<32x128xf32, #tpu.memory_space<vmem>>) offsets(%dma_start3A_449 : memref<32xi32, #tpu.memory_space<vmem>>) semaphore(%arg30 : memref<!tpu.dma_semaphore, #tpu.memory_space<semaphore_mem>>)
    %dma_start3A_457 = arith.constant 1 : i32
    %dma_start3A_458 = arith.constant 448 : i32
    %dma_start3A_459 = tpu.memref_slice %arg8[%dma_start3A_458] : memref<1024xi32, #tpu.memory_space<vmem>> -> memref<32xi32, #tpu.memory_space<vmem>>
    %dma_start3A_460 = arith.constant 0 : i32
    %dma_start3A_461 = arith.constant 0 : i32
    %dma_start3A_462 = tpu.memref_slice %arg6[%dma_start3A_457, %dma_start3A_460, %dma_start3A_461] : memref<4x100000x128xf32, #tpu.memory_space<hbm>> -> memref<1x100000x128xf32, #tpu.memory_space<hbm>>
    %dma_start3A_463 = tpu.memref_squeeze %dma_start3A_462 : memref<1x100000x128xf32, #tpu.memory_space<hbm>> -> memref<100000x128xf32, #tpu.memory_space<hbm>>
    %dma_start3A_464 = arith.constant 0 : i32
    %dma_start3A_465 = arith.constant 0 : i32
    %dma_start3A_466 = tpu.memref_slice %dma_start3A_463[%dma_start3A_464, %dma_start3A_465] : memref<100000x128xf32, #tpu.memory_space<hbm>> -> memref<100000x128xf32, #tpu.memory_space<hbm>>
    tpu.enqueue_indirect_dma source(%dma_start3A_466 : memref<100000x128xf32, #tpu.memory_space<hbm>>) target(%arg18 : memref<32x128xf32, #tpu.memory_space<vmem>>) offsets(%dma_start3A_459 : memref<32xi32, #tpu.memory_space<vmem>>) semaphore(%arg30 : memref<!tpu.dma_semaphore, #tpu.memory_space<semaphore_mem>>)
    %dma_start3A_467 = arith.constant 2 : i32
    %dma_start3A_468 = arith.constant 704 : i32
    %dma_start3A_469 = tpu.memref_slice %arg8[%dma_start3A_468] : memref<1024xi32, #tpu.memory_space<vmem>> -> memref<32xi32, #tpu.memory_space<vmem>>
    %dma_start3A_470 = arith.constant 0 : i32
    %dma_start3A_471 = arith.constant 0 : i32
    %dma_start3A_472 = tpu.memref_slice %arg6[%dma_start3A_467, %dma_start3A_470, %dma_start3A_471] : memref<4x100000x128xf32, #tpu.memory_space<hbm>> -> memref<1x100000x128xf32, #tpu.memory_space<hbm>>
    %dma_start3A_473 = tpu.memref_squeeze %dma_start3A_472 : memref<1x100000x128xf32, #tpu.memory_space<hbm>> -> memref<100000x128xf32, #tpu.memory_space<hbm>>
    %dma_start3A_474 = arith.constant 0 : i32
    %dma_start3A_475 = arith.constant 0 : i32
    %dma_start3A_476 = tpu.memref_slice %dma_start3A_473[%dma_start3A_474, %dma_start3A_475] : memref<100000x128xf32, #tpu.memory_space<hbm>> -> memref<100000x128xf32, #tpu.memory_space<hbm>>
    tpu.enqueue_indirect_dma source(%dma_start3A_476 : memref<100000x128xf32, #tpu.memory_space<hbm>>) target(%arg19 : memref<32x128xf32, #tpu.memory_space<vmem>>) offsets(%dma_start3A_469 : memref<32xi32, #tpu.memory_space<vmem>>) semaphore(%arg30 : memref<!tpu.dma_semaphore, #tpu.memory_space<semaphore_mem>>)
    %dma_start3A_477 = arith.constant 3 : i32
    %dma_start3A_478 = arith.constant 960 : i32
    %dma_start3A_479 = tpu.memref_slice %arg8[%dma_start3A_478] : memref<1024xi32, #tpu.memory_space<vmem>> -> memref<32xi32, #tpu.memory_space<vmem>>
    %dma_start3A_480 = arith.constant 0 : i32
    %dma_start3A_481 = arith.constant 0 : i32
    %dma_start3A_482 = tpu.memref_slice %arg6[%dma_start3A_477, %dma_start3A_480, %dma_start3A_481] : memref<4x100000x128xf32, #tpu.memory_space<hbm>> -> memref<1x100000x128xf32, #tpu.memory_space<hbm>>
    %dma_start3A_483 = tpu.memref_squeeze %dma_start3A_482 : memref<1x100000x128xf32, #tpu.memory_space<hbm>> -> memref<100000x128xf32, #tpu.memory_space<hbm>>
    %dma_start3A_484 = arith.constant 0 : i32
    %dma_start3A_485 = arith.constant 0 : i32
    %dma_start3A_486 = tpu.memref_slice %dma_start3A_483[%dma_start3A_484, %dma_start3A_485] : memref<100000x128xf32, #tpu.memory_space<hbm>> -> memref<100000x128xf32, #tpu.memory_space<hbm>>
    tpu.enqueue_indirect_dma source(%dma_start3A_486 : memref<100000x128xf32, #tpu.memory_space<hbm>>) target(%arg20 : memref<32x128xf32, #tpu.memory_space<vmem>>) offsets(%dma_start3A_479 : memref<32xi32, #tpu.memory_space<vmem>>) semaphore(%arg30 : memref<!tpu.dma_semaphore, #tpu.memory_space<semaphore_mem>>)
    %dma_wait3A_487 = arith.constant 0 : i32
    "tpu.trace_start"() <{level = 10 : i32, message = "wait3"}> : () -> ()
    %dma_wait3A_488 = arith.constant 96 : i32
    %dma_wait3A_489 = tpu.memref_slice %arg8[%dma_wait3A_488] : memref<1024xi32, #tpu.memory_space<vmem>> -> memref<32xi32, #tpu.memory_space<vmem>>
    %dma_wait3A_490 = arith.constant 0 : i32
    %dma_wait3A_491 = arith.constant 0 : i32
    %dma_wait3A_492 = tpu.memref_slice %arg6[%dma_wait3A_487, %dma_wait3A_490, %dma_wait3A_491] : memref<4x100000x128xf32, #tpu.memory_space<hbm>> -> memref<1x100000x128xf32, #tpu.memory_space<hbm>>
    %dma_wait3A_493 = tpu.memref_squeeze %dma_wait3A_492 : memref<1x100000x128xf32, #tpu.memory_space<hbm>> -> memref<100000x128xf32, #tpu.memory_space<hbm>>
    %dma_wait3A_494 = arith.constant 0 : i32
    %dma_wait3A_495 = arith.constant 0 : i32
    %dma_wait3A_496 = tpu.memref_slice %dma_wait3A_493[%dma_wait3A_494, %dma_wait3A_495] : memref<100000x128xf32, #tpu.memory_space<hbm>> -> memref<100000x128xf32, #tpu.memory_space<hbm>>
    tpu.wait_indirect_dma semaphore(%arg31 : memref<!tpu.dma_semaphore, #tpu.memory_space<semaphore_mem>>) src(%dma_wait3A_496 : memref<100000x128xf32, #tpu.memory_space<hbm>>) dst(%arg21 : memref<32x128xf32, #tpu.memory_space<vmem>>)
    %dma_wait3A_497 = arith.constant 1 : i32
    %dma_wait3A_498 = arith.constant 352 : i32
    %dma_wait3A_499 = tpu.memref_slice %arg8[%dma_wait3A_498] : memref<1024xi32, #tpu.memory_space<vmem>> -> memref<32xi32, #tpu.memory_space<vmem>>
    %dma_wait3A_500 = arith.constant 0 : i32
    %dma_wait3A_501 = arith.constant 0 : i32
    %dma_wait3A_502 = tpu.memref_slice %arg6[%dma_wait3A_497, %dma_wait3A_500, %dma_wait3A_501] : memref<4x100000x128xf32, #tpu.memory_space<hbm>> -> memref<1x100000x128xf32, #tpu.memory_space<hbm>>
    %dma_wait3A_503 = tpu.memref_squeeze %dma_wait3A_502 : memref<1x100000x128xf32, #tpu.memory_space<hbm>> -> memref<100000x128xf32, #tpu.memory_space<hbm>>
    %dma_wait3A_504 = arith.constant 0 : i32
    %dma_wait3A_505 = arith.constant 0 : i32
    %dma_wait3A_506 = tpu.memref_slice %dma_wait3A_503[%dma_wait3A_504, %dma_wait3A_505] : memref<100000x128xf32, #tpu.memory_space<hbm>> -> memref<100000x128xf32, #tpu.memory_space<hbm>>
    tpu.wait_indirect_dma semaphore(%arg31 : memref<!tpu.dma_semaphore, #tpu.memory_space<semaphore_mem>>) src(%dma_wait3A_506 : memref<100000x128xf32, #tpu.memory_space<hbm>>) dst(%arg22 : memref<32x128xf32, #tpu.memory_space<vmem>>)
    %dma_wait3A_507 = arith.constant 2 : i32
    %dma_wait3A_508 = arith.constant 608 : i32
    %dma_wait3A_509 = tpu.memref_slice %arg8[%dma_wait3A_508] : memref<1024xi32, #tpu.memory_space<vmem>> -> memref<32xi32, #tpu.memory_space<vmem>>
    %dma_wait3A_510 = arith.constant 0 : i32
    %dma_wait3A_511 = arith.constant 0 : i32
    %dma_wait3A_512 = tpu.memref_slice %arg6[%dma_wait3A_507, %dma_wait3A_510, %dma_wait3A_511] : memref<4x100000x128xf32, #tpu.memory_space<hbm>> -> memref<1x100000x128xf32, #tpu.memory_space<hbm>>
    %dma_wait3A_513 = tpu.memref_squeeze %dma_wait3A_512 : memref<1x100000x128xf32, #tpu.memory_space<hbm>> -> memref<100000x128xf32, #tpu.memory_space<hbm>>
    %dma_wait3A_514 = arith.constant 0 : i32
    %dma_wait3A_515 = arith.constant 0 : i32
    %dma_wait3A_516 = tpu.memref_slice %dma_wait3A_513[%dma_wait3A_514, %dma_wait3A_515] : memref<100000x128xf32, #tpu.memory_space<hbm>> -> memref<100000x128xf32, #tpu.memory_space<hbm>>
    tpu.wait_indirect_dma semaphore(%arg31 : memref<!tpu.dma_semaphore, #tpu.memory_space<semaphore_mem>>) src(%dma_wait3A_516 : memref<100000x128xf32, #tpu.memory_space<hbm>>) dst(%arg23 : memref<32x128xf32, #tpu.memory_space<vmem>>)
    %dma_wait3A_517 = arith.constant 3 : i32
    %dma_wait3A_518 = arith.constant 864 : i32
    %dma_wait3A_519 = tpu.memref_slice %arg8[%dma_wait3A_518] : memref<1024xi32, #tpu.memory_space<vmem>> -> memref<32xi32, #tpu.memory_space<vmem>>
    %dma_wait3A_520 = arith.constant 0 : i32
    %dma_wait3A_521 = arith.constant 0 : i32
    %dma_wait3A_522 = tpu.memref_slice %arg6[%dma_wait3A_517, %dma_wait3A_520, %dma_wait3A_521] : memref<4x100000x128xf32, #tpu.memory_space<hbm>> -> memref<1x100000x128xf32, #tpu.memory_space<hbm>>
    %dma_wait3A_523 = tpu.memref_squeeze %dma_wait3A_522 : memref<1x100000x128xf32, #tpu.memory_space<hbm>> -> memref<100000x128xf32, #tpu.memory_space<hbm>>
    %dma_wait3A_524 = arith.constant 0 : i32
    %dma_wait3A_525 = arith.constant 0 : i32
    %dma_wait3A_526 = tpu.memref_slice %dma_wait3A_523[%dma_wait3A_524, %dma_wait3A_525] : memref<100000x128xf32, #tpu.memory_space<hbm>> -> memref<100000x128xf32, #tpu.memory_space<hbm>>
    tpu.wait_indirect_dma semaphore(%arg31 : memref<!tpu.dma_semaphore, #tpu.memory_space<semaphore_mem>>) src(%dma_wait3A_526 : memref<100000x128xf32, #tpu.memory_space<hbm>>) dst(%arg24 : memref<32x128xf32, #tpu.memory_space<vmem>>)
    %dma_wait3A_527 = arith.constant 0 : i32
    %dma_wait3A_528 = tpu.memref_slice %arg7[%add3A_349, %dma_wait3A_527] : memref<8192x128xf32, #tpu.memory_space<hbm>> -> memref<32x128xf32, #tpu.memory_space<hbm>>
    %dma_wait3A_529 = arith.constant 0 : i32
    %dma_wait3A_530 = tpu.memref_slice %arg7[%add3A_349, %dma_wait3A_529] : memref<8192x128xf32, #tpu.memory_space<hbm>> -> memref<32x128xf32, #tpu.memory_space<hbm>>
    tpu.wait_dma2 semaphore(%arg33 : memref<!tpu.dma_semaphore, #tpu.memory_space<semaphore_mem>>) src(%arg26 : memref<32x128xf32, #tpu.memory_space<vmem>>) dst(%dma_wait3A_530 : memref<32x128xf32, #tpu.memory_space<hbm>>)
    %parallel_loop3A_531 = arith.constant 0 : i32
    %parallel_loop3A_532 = arith.constant 32 : i32
    %parallel_loop3A_533 = arith.constant 1 : i32
    "tpu.trace_stop"() : () -> ()
    "tpu.trace_start"() <{level = 10 : i32, message = "sum3"}> : () -> ()
    scf.for %parallel_loop3A_800 = %parallel_loop3A_531 to %parallel_loop3A_532 step %parallel_loop3A_533  : i32 {
      %parallel_loop3A_801 = arith.index_cast %parallel_loop3A_800 : i32 to index
      %parallel_loop3A_802 = arith.constant 0 : index
      %parallel_loop3A_803 = tpu.vector_load %arg21[%parallel_loop3A_801, %parallel_loop3A_802] {strides = array<i32>} : memref<32x128xf32, #tpu.memory_space<vmem>>, vector<1x16xf32>,
      %parallel_loop3A_804 = vector.shape_cast %parallel_loop3A_803 : vector<1x16xf32> to vector<16xf32>
      %parallel_loop3A_805 = arith.index_cast %parallel_loop3A_800 : i32 to index
      %parallel_loop3A_806 = arith.constant 0 : index
      %parallel_loop3A_807 = tpu.vector_load %arg22[%parallel_loop3A_805, %parallel_loop3A_806] {strides = array<i32>} : memref<32x128xf32, #tpu.memory_space<vmem>>, vector<1x16xf32>,
      %parallel_loop3A_808 = vector.shape_cast %parallel_loop3A_807 : vector<1x16xf32> to vector<16xf32>
      %parallel_loop3A_809 = arith.addf %parallel_loop3A_804, %parallel_loop3A_808 : vector<16xf32>
      %parallel_loop3A_810 = arith.index_cast %parallel_loop3A_800 : i32 to index
      %parallel_loop3A_811 = arith.constant 0 : index
      %parallel_loop3A_812 = tpu.vector_load %arg23[%parallel_loop3A_810, %parallel_loop3A_811] {strides = array<i32>} : memref<32x128xf32, #tpu.memory_space<vmem>>, vector<1x16xf32>,
      %parallel_loop3A_813 = vector.shape_cast %parallel_loop3A_812 : vector<1x16xf32> to vector<16xf32>
      %parallel_loop3A_814 = arith.index_cast %parallel_loop3A_800 : i32 to index
      %parallel_loop3A_815 = arith.constant 0 : index
      %parallel_loop3A_816 = tpu.vector_load %arg24[%parallel_loop3A_814, %parallel_loop3A_815] {strides = array<i32>} : memref<32x128xf32, #tpu.memory_space<vmem>>, vector<1x16xf32>,
      %parallel_loop3A_817 = vector.shape_cast %parallel_loop3A_816 : vector<1x16xf32> to vector<16xf32>
      %parallel_loop3A_818 = arith.addf %parallel_loop3A_813, %parallel_loop3A_817 : vector<16xf32>
      %parallel_loop3A_819 = arith.addf %parallel_loop3A_809, %parallel_loop3A_818 : vector<16xf32>
      %parallel_loop3A_820 = arith.index_cast %parallel_loop3A_800 : i32 to index
      %parallel_loop3A_821 = arith.constant 0 : index
      %parallel_loop3A_822 = tpu.vector_load %arg26[%parallel_loop3A_820, %parallel_loop3A_821] {strides = array<i32>} : memref<32x128xf32, #tpu.memory_space<vmem>>, vector<1x16xf32>,
      %parallel_loop3A_823 = vector.shape_cast %parallel_loop3A_822 : vector<1x16xf32> to vector<16xf32>
      %parallel_loop3A_824 = vector.shape_cast %parallel_loop3A_819 : vector<16xf32> to vector<1x16xf32>
      tpu.vector_store %arg26[%parallel_loop3A_820, %parallel_loop3A_821], %parallel_loop3A_824 {strides = array<i32>} : memref<32x128xf32, #tpu.memory_space<vmem>>, vector<1x16xf32>,
      %parallel_loop3A_825 = arith.index_cast %parallel_loop3A_800 : i32 to index
      %parallel_loop3A_826 = arith.constant 16 : index
      %parallel_loop3A_827 = tpu.vector_load %arg21[%parallel_loop3A_825, %parallel_loop3A_826] {strides = array<i32>} : memref<32x128xf32, #tpu.memory_space<vmem>>, vector<1x16xf32>,
      %parallel_loop3A_828 = vector.shape_cast %parallel_loop3A_827 : vector<1x16xf32> to vector<16xf32>
      %parallel_loop3A_829 = arith.index_cast %parallel_loop3A_800 : i32 to index
      %parallel_loop3A_830 = arith.constant 16 : index
      %parallel_loop3A_831 = tpu.vector_load %arg22[%parallel_loop3A_829, %parallel_loop3A_830] {strides = array<i32>} : memref<32x128xf32, #tpu.memory_space<vmem>>, vector<1x16xf32>,
      %parallel_loop3A_832 = vector.shape_cast %parallel_loop3A_831 : vector<1x16xf32> to vector<16xf32>
      %parallel_loop3A_833 = arith.addf %parallel_loop3A_828, %parallel_loop3A_832 : vector<16xf32>
      %parallel_loop3A_834 = arith.index_cast %parallel_loop3A_800 : i32 to index
      %parallel_loop3A_835 = arith.constant 16 : index
      %parallel_loop3A_836 = tpu.vector_load %arg23[%parallel_loop3A_834, %parallel_loop3A_835] {strides = array<i32>} : memref<32x128xf32, #tpu.memory_space<vmem>>, vector<1x16xf32>,
      %parallel_loop3A_837 = vector.shape_cast %parallel_loop3A_836 : vector<1x16xf32> to vector<16xf32>
      %parallel_loop3A_838 = arith.index_cast %parallel_loop3A_800 : i32 to index
      %parallel_loop3A_839 = arith.constant 16 : index
      %parallel_loop3A_840 = tpu.vector_load %arg24[%parallel_loop3A_838, %parallel_loop3A_839] {strides = array<i32>} : memref<32x128xf32, #tpu.memory_space<vmem>>, vector<1x16xf32>,
      %parallel_loop3A_841 = vector.shape_cast %parallel_loop3A_840 : vector<1x16xf32> to vector<16xf32>
      %parallel_loop3A_842 = arith.addf %parallel_loop3A_837, %parallel_loop3A_841 : vector<16xf32>
      %parallel_loop3A_843 = arith.addf %parallel_loop3A_833, %parallel_loop3A_842 : vector<16xf32>
      %parallel_loop3A_844 = arith.index_cast %parallel_loop3A_800 : i32 to index
      %parallel_loop3A_845 = arith.constant 16 : index
      %parallel_loop3A_846 = tpu.vector_load %arg26[%parallel_loop3A_844, %parallel_loop3A_845] {strides = array<i32>} : memref<32x128xf32, #tpu.memory_space<vmem>>, vector<1x16xf32>,
      %parallel_loop3A_847 = vector.shape_cast %parallel_loop3A_846 : vector<1x16xf32> to vector<16xf32>
      %parallel_loop3A_848 = vector.shape_cast %parallel_loop3A_843 : vector<16xf32> to vector<1x16xf32>
      tpu.vector_store %arg26[%parallel_loop3A_844, %parallel_loop3A_845], %parallel_loop3A_848 {strides = array<i32>} : memref<32x128xf32, #tpu.memory_space<vmem>>, vector<1x16xf32>,
      %parallel_loop3A_849 = arith.index_cast %parallel_loop3A_800 : i32 to index
      %parallel_loop3A_850 = arith.constant 32 : index
      %parallel_loop3A_851 = tpu.vector_load %arg21[%parallel_loop3A_849, %parallel_loop3A_850] {strides = array<i32>} : memref<32x128xf32, #tpu.memory_space<vmem>>, vector<1x16xf32>,
      %parallel_loop3A_852 = vector.shape_cast %parallel_loop3A_851 : vector<1x16xf32> to vector<16xf32>
      %parallel_loop3A_853 = arith.index_cast %parallel_loop3A_800 : i32 to index
      %parallel_loop3A_854 = arith.constant 32 : index
      %parallel_loop3A_855 = tpu.vector_load %arg22[%parallel_loop3A_853, %parallel_loop3A_854] {strides = array<i32>} : memref<32x128xf32, #tpu.memory_space<vmem>>, vector<1x16xf32>,
      %parallel_loop3A_856 = vector.shape_cast %parallel_loop3A_855 : vector<1x16xf32> to vector<16xf32>
      %parallel_loop3A_857 = arith.addf %parallel_loop3A_852, %parallel_loop3A_856 : vector<16xf32>
      %parallel_loop3A_858 = arith.index_cast %parallel_loop3A_800 : i32 to index
      %parallel_loop3A_859 = arith.constant 32 : index
      %parallel_loop3A_860 = tpu.vector_load %arg23[%parallel_loop3A_858, %parallel_loop3A_859] {strides = array<i32>} : memref<32x128xf32, #tpu.memory_space<vmem>>, vector<1x16xf32>,
      %parallel_loop3A_861 = vector.shape_cast %parallel_loop3A_860 : vector<1x16xf32> to vector<16xf32>
      %parallel_loop3A_862 = arith.index_cast %parallel_loop3A_800 : i32 to index
      %parallel_loop3A_863 = arith.constant 32 : index
      %parallel_loop3A_864 = tpu.vector_load %arg24[%parallel_loop3A_862, %parallel_loop3A_863] {strides = array<i32>} : memref<32x128xf32, #tpu.memory_space<vmem>>, vector<1x16xf32>,
      %parallel_loop3A_865 = vector.shape_cast %parallel_loop3A_864 : vector<1x16xf32> to vector<16xf32>
      %parallel_loop3A_866 = arith.addf %parallel_loop3A_861, %parallel_loop3A_865 : vector<16xf32>
      %parallel_loop3A_867 = arith.addf %parallel_loop3A_857, %parallel_loop3A_866 : vector<16xf32>
      %parallel_loop3A_868 = arith.index_cast %parallel_loop3A_800 : i32 to index
      %parallel_loop3A_869 = arith.constant 32 : index
      %parallel_loop3A_870 = tpu.vector_load %arg26[%parallel_loop3A_868, %parallel_loop3A_869] {strides = array<i32>} : memref<32x128xf32, #tpu.memory_space<vmem>>, vector<1x16xf32>,
      %parallel_loop3A_871 = vector.shape_cast %parallel_loop3A_870 : vector<1x16xf32> to vector<16xf32>
      %parallel_loop3A_872 = vector.shape_cast %parallel_loop3A_867 : vector<16xf32> to vector<1x16xf32>
      tpu.vector_store %arg26[%parallel_loop3A_868, %parallel_loop3A_869], %parallel_loop3A_872 {strides = array<i32>} : memref<32x128xf32, #tpu.memory_space<vmem>>, vector<1x16xf32>,
      %parallel_loop3A_873 = arith.index_cast %parallel_loop3A_800 : i32 to index
      %parallel_loop3A_874 = arith.constant 48 : index
      %parallel_loop3A_875 = tpu.vector_load %arg21[%parallel_loop3A_873, %parallel_loop3A_874] {strides = array<i32>} : memref<32x128xf32, #tpu.memory_space<vmem>>, vector<1x16xf32>,
      %parallel_loop3A_876 = vector.shape_cast %parallel_loop3A_875 : vector<1x16xf32> to vector<16xf32>
      %parallel_loop3A_877 = arith.index_cast %parallel_loop3A_800 : i32 to index
      %parallel_loop3A_878 = arith.constant 48 : index
      %parallel_loop3A_879 = tpu.vector_load %arg22[%parallel_loop3A_877, %parallel_loop3A_878] {strides = array<i32>} : memref<32x128xf32, #tpu.memory_space<vmem>>, vector<1x16xf32>,
      %parallel_loop3A_880 = vector.shape_cast %parallel_loop3A_879 : vector<1x16xf32> to vector<16xf32>
      %parallel_loop3A_881 = arith.addf %parallel_loop3A_876, %parallel_loop3A_880 : vector<16xf32>
      %parallel_loop3A_882 = arith.index_cast %parallel_loop3A_800 : i32 to index
      %parallel_loop3A_883 = arith.constant 48 : index
      %parallel_loop3A_884 = tpu.vector_load %arg23[%parallel_loop3A_882, %parallel_loop3A_883] {strides = array<i32>} : memref<32x128xf32, #tpu.memory_space<vmem>>, vector<1x16xf32>,
      %parallel_loop3A_885 = vector.shape_cast %parallel_loop3A_884 : vector<1x16xf32> to vector<16xf32>
      %parallel_loop3A_886 = arith.index_cast %parallel_loop3A_800 : i32 to index
      %parallel_loop3A_887 = arith.constant 48 : index
      %parallel_loop3A_888 = tpu.vector_load %arg24[%parallel_loop3A_886, %parallel_loop3A_887] {strides = array<i32>} : memref<32x128xf32, #tpu.memory_space<vmem>>, vector<1x16xf32>,
      %parallel_loop3A_889 = vector.shape_cast %parallel_loop3A_888 : vector<1x16xf32> to vector<16xf32>
      %parallel_loop3A_890 = arith.addf %parallel_loop3A_885, %parallel_loop3A_889 : vector<16xf32>
      %parallel_loop3A_891 = arith.addf %parallel_loop3A_881, %parallel_loop3A_890 : vector<16xf32>
      %parallel_loop3A_892 = arith.index_cast %parallel_loop3A_800 : i32 to index
      %parallel_loop3A_893 = arith.constant 48 : index
      %parallel_loop3A_894 = tpu.vector_load %arg26[%parallel_loop3A_892, %parallel_loop3A_893] {strides = array<i32>} : memref<32x128xf32, #tpu.memory_space<vmem>>, vector<1x16xf32>,
      %parallel_loop3A_895 = vector.shape_cast %parallel_loop3A_894 : vector<1x16xf32> to vector<16xf32>
      %parallel_loop3A_896 = vector.shape_cast %parallel_loop3A_891 : vector<16xf32> to vector<1x16xf32>
      tpu.vector_store %arg26[%parallel_loop3A_892, %parallel_loop3A_893], %parallel_loop3A_896 {strides = array<i32>} : memref<32x128xf32, #tpu.memory_space<vmem>>, vector<1x16xf32>,
      %parallel_loop3A_897 = arith.index_cast %parallel_loop3A_800 : i32 to index
      %parallel_loop3A_898 = arith.constant 64 : index
      %parallel_loop3A_899 = tpu.vector_load %arg21[%parallel_loop3A_897, %parallel_loop3A_898] {strides = array<i32>} : memref<32x128xf32, #tpu.memory_space<vmem>>, vector<1x16xf32>,
      %parallel_loop3A_900 = vector.shape_cast %parallel_loop3A_899 : vector<1x16xf32> to vector<16xf32>
      %parallel_loop3A_901 = arith.index_cast %parallel_loop3A_800 : i32 to index
      %parallel_loop3A_902 = arith.constant 64 : index
      %parallel_loop3A_903 = tpu.vector_load %arg22[%parallel_loop3A_901, %parallel_loop3A_902] {strides = array<i32>} : memref<32x128xf32, #tpu.memory_space<vmem>>, vector<1x16xf32>,
      %parallel_loop3A_904 = vector.shape_cast %parallel_loop3A_903 : vector<1x16xf32> to vector<16xf32>
      %parallel_loop3A_905 = arith.addf %parallel_loop3A_900, %parallel_loop3A_904 : vector<16xf32>
      %parallel_loop3A_906 = arith.index_cast %parallel_loop3A_800 : i32 to index
      %parallel_loop3A_907 = arith.constant 64 : index
      %parallel_loop3A_908 = tpu.vector_load %arg23[%parallel_loop3A_906, %parallel_loop3A_907] {strides = array<i32>} : memref<32x128xf32, #tpu.memory_space<vmem>>, vector<1x16xf32>,
      %parallel_loop3A_909 = vector.shape_cast %parallel_loop3A_908 : vector<1x16xf32> to vector<16xf32>
      %parallel_loop3A_910 = arith.index_cast %parallel_loop3A_800 : i32 to index
      %parallel_loop3A_911 = arith.constant 64 : index
      %parallel_loop3A_912 = tpu.vector_load %arg24[%parallel_loop3A_910, %parallel_loop3A_911] {strides = array<i32>} : memref<32x128xf32, #tpu.memory_space<vmem>>, vector<1x16xf32>,
      %parallel_loop3A_913 = vector.shape_cast %parallel_loop3A_912 : vector<1x16xf32> to vector<16xf32>
      %parallel_loop3A_914 = arith.addf %parallel_loop3A_909, %parallel_loop3A_913 : vector<16xf32>
      %parallel_loop3A_915 = arith.addf %parallel_loop3A_905, %parallel_loop3A_914 : vector<16xf32>
      %parallel_loop3A_916 = arith.index_cast %parallel_loop3A_800 : i32 to index
      %parallel_loop3A_917 = arith.constant 64 : index
      %parallel_loop3A_918 = tpu.vector_load %arg26[%parallel_loop3A_916, %parallel_loop3A_917] {strides = array<i32>} : memref<32x128xf32, #tpu.memory_space<vmem>>, vector<1x16xf32>,
      %parallel_loop3A_919 = vector.shape_cast %parallel_loop3A_918 : vector<1x16xf32> to vector<16xf32>
      %parallel_loop3A_920 = vector.shape_cast %parallel_loop3A_915 : vector<16xf32> to vector<1x16xf32>
      tpu.vector_store %arg26[%parallel_loop3A_916, %parallel_loop3A_917], %parallel_loop3A_920 {strides = array<i32>} : memref<32x128xf32, #tpu.memory_space<vmem>>, vector<1x16xf32>,
      %parallel_loop3A_921 = arith.index_cast %parallel_loop3A_800 : i32 to index
      %parallel_loop3A_922 = arith.constant 80 : index
      %parallel_loop3A_923 = tpu.vector_load %arg21[%parallel_loop3A_921, %parallel_loop3A_922] {strides = array<i32>} : memref<32x128xf32, #tpu.memory_space<vmem>>, vector<1x16xf32>,
      %parallel_loop3A_924 = vector.shape_cast %parallel_loop3A_923 : vector<1x16xf32> to vector<16xf32>
      %parallel_loop3A_925 = arith.index_cast %parallel_loop3A_800 : i32 to index
      %parallel_loop3A_926 = arith.constant 80 : index
      %parallel_loop3A_927 = tpu.vector_load %arg22[%parallel_loop3A_925, %parallel_loop3A_926] {strides = array<i32>} : memref<32x128xf32, #tpu.memory_space<vmem>>, vector<1x16xf32>,
      %parallel_loop3A_928 = vector.shape_cast %parallel_loop3A_927 : vector<1x16xf32> to vector<16xf32>
      %parallel_loop3A_929 = arith.addf %parallel_loop3A_924, %parallel_loop3A_928 : vector<16xf32>
      %parallel_loop3A_930 = arith.index_cast %parallel_loop3A_800 : i32 to index
      %parallel_loop3A_931 = arith.constant 80 : index
      %parallel_loop3A_932 = tpu.vector_load %arg23[%parallel_loop3A_930, %parallel_loop3A_931] {strides = array<i32>} : memref<32x128xf32, #tpu.memory_space<vmem>>, vector<1x16xf32>,
      %parallel_loop3A_933 = vector.shape_cast %parallel_loop3A_932 : vector<1x16xf32> to vector<16xf32>
      %parallel_loop3A_934 = arith.index_cast %parallel_loop3A_800 : i32 to index
      %parallel_loop3A_935 = arith.constant 80 : index
      %parallel_loop3A_936 = tpu.vector_load %arg24[%parallel_loop3A_934, %parallel_loop3A_935] {strides = array<i32>} : memref<32x128xf32, #tpu.memory_space<vmem>>, vector<1x16xf32>,
      %parallel_loop3A_937 = vector.shape_cast %parallel_loop3A_936 : vector<1x16xf32> to vector<16xf32>
      %parallel_loop3A_938 = arith.addf %parallel_loop3A_933, %parallel_loop3A_937 : vector<16xf32>
      %parallel_loop3A_939 = arith.addf %parallel_loop3A_929, %parallel_loop3A_938 : vector<16xf32>
      %parallel_loop3A_940 = arith.index_cast %parallel_loop3A_800 : i32 to index
      %parallel_loop3A_941 = arith.constant 80 : index
      %parallel_loop3A_942 = tpu.vector_load %arg26[%parallel_loop3A_940, %parallel_loop3A_941] {strides = array<i32>} : memref<32x128xf32, #tpu.memory_space<vmem>>, vector<1x16xf32>,
      %parallel_loop3A_943 = vector.shape_cast %parallel_loop3A_942 : vector<1x16xf32> to vector<16xf32>
      %parallel_loop3A_944 = vector.shape_cast %parallel_loop3A_939 : vector<16xf32> to vector<1x16xf32>
      tpu.vector_store %arg26[%parallel_loop3A_940, %parallel_loop3A_941], %parallel_loop3A_944 {strides = array<i32>} : memref<32x128xf32, #tpu.memory_space<vmem>>, vector<1x16xf32>,
      %parallel_loop3A_945 = arith.index_cast %parallel_loop3A_800 : i32 to index
      %parallel_loop3A_946 = arith.constant 96 : index
      %parallel_loop3A_947 = tpu.vector_load %arg21[%parallel_loop3A_945, %parallel_loop3A_946] {strides = array<i32>} : memref<32x128xf32, #tpu.memory_space<vmem>>, vector<1x16xf32>,
      %parallel_loop3A_948 = vector.shape_cast %parallel_loop3A_947 : vector<1x16xf32> to vector<16xf32>
      %parallel_loop3A_949 = arith.index_cast %parallel_loop3A_800 : i32 to index
      %parallel_loop3A_950 = arith.constant 96 : index
      %parallel_loop3A_951 = tpu.vector_load %arg22[%parallel_loop3A_949, %parallel_loop3A_950] {strides = array<i32>} : memref<32x128xf32, #tpu.memory_space<vmem>>, vector<1x16xf32>,
      %parallel_loop3A_952 = vector.shape_cast %parallel_loop3A_951 : vector<1x16xf32> to vector<16xf32>
      %parallel_loop3A_953 = arith.addf %parallel_loop3A_948, %parallel_loop3A_952 : vector<16xf32>
      %parallel_loop3A_954 = arith.index_cast %parallel_loop3A_800 : i32 to index
      %parallel_loop3A_955 = arith.constant 96 : index
      %parallel_loop3A_956 = tpu.vector_load %arg23[%parallel_loop3A_954, %parallel_loop3A_955] {strides = array<i32>} : memref<32x128xf32, #tpu.memory_space<vmem>>, vector<1x16xf32>,
      %parallel_loop3A_957 = vector.shape_cast %parallel_loop3A_956 : vector<1x16xf32> to vector<16xf32>
      %parallel_loop3A_958 = arith.index_cast %parallel_loop3A_800 : i32 to index
      %parallel_loop3A_959 = arith.constant 96 : index
      %parallel_loop3A_960 = tpu.vector_load %arg24[%parallel_loop3A_958, %parallel_loop3A_959] {strides = array<i32>} : memref<32x128xf32, #tpu.memory_space<vmem>>, vector<1x16xf32>,
      %parallel_loop3A_961 = vector.shape_cast %parallel_loop3A_960 : vector<1x16xf32> to vector<16xf32>
      %parallel_loop3A_962 = arith.addf %parallel_loop3A_957, %parallel_loop3A_961 : vector<16xf32>
      %parallel_loop3A_963 = arith.addf %parallel_loop3A_953, %parallel_loop3A_962 : vector<16xf32>
      %parallel_loop3A_964 = arith.index_cast %parallel_loop3A_800 : i32 to index
      %parallel_loop3A_965 = arith.constant 96 : index
      %parallel_loop3A_966 = tpu.vector_load %arg26[%parallel_loop3A_964, %parallel_loop3A_965] {strides = array<i32>} : memref<32x128xf32, #tpu.memory_space<vmem>>, vector<1x16xf32>,
      %parallel_loop3A_967 = vector.shape_cast %parallel_loop3A_966 : vector<1x16xf32> to vector<16xf32>
      %parallel_loop3A_968 = vector.shape_cast %parallel_loop3A_963 : vector<16xf32> to vector<1x16xf32>
      tpu.vector_store %arg26[%parallel_loop3A_964, %parallel_loop3A_965], %parallel_loop3A_968 {strides = array<i32>} : memref<32x128xf32, #tpu.memory_space<vmem>>, vector<1x16xf32>,
      %parallel_loop3A_969 = arith.index_cast %parallel_loop3A_800 : i32 to index
      %parallel_loop3A_970 = arith.constant 112 : index
      %parallel_loop3A_971 = tpu.vector_load %arg21[%parallel_loop3A_969, %parallel_loop3A_970] {strides = array<i32>} : memref<32x128xf32, #tpu.memory_space<vmem>>, vector<1x16xf32>,
      %parallel_loop3A_972 = vector.shape_cast %parallel_loop3A_971 : vector<1x16xf32> to vector<16xf32>
      %parallel_loop3A_973 = arith.index_cast %parallel_loop3A_800 : i32 to index
      %parallel_loop3A_974 = arith.constant 112 : index
      %parallel_loop3A_975 = tpu.vector_load %arg22[%parallel_loop3A_973, %parallel_loop3A_974] {strides = array<i32>} : memref<32x128xf32, #tpu.memory_space<vmem>>, vector<1x16xf32>,
      %parallel_loop3A_976 = vector.shape_cast %parallel_loop3A_975 : vector<1x16xf32> to vector<16xf32>
      %parallel_loop3A_977 = arith.addf %parallel_loop3A_972, %parallel_loop3A_976 : vector<16xf32>
      %parallel_loop3A_978 = arith.index_cast %parallel_loop3A_800 : i32 to index
      %parallel_loop3A_979 = arith.constant 112 : index
      %parallel_loop3A_980 = tpu.vector_load %arg23[%parallel_loop3A_978, %parallel_loop3A_979] {strides = array<i32>} : memref<32x128xf32, #tpu.memory_space<vmem>>, vector<1x16xf32>,
      %parallel_loop3A_981 = vector.shape_cast %parallel_loop3A_980 : vector<1x16xf32> to vector<16xf32>
      %parallel_loop3A_982 = arith.index_cast %parallel_loop3A_800 : i32 to index
      %parallel_loop3A_983 = arith.constant 112 : index
      %parallel_loop3A_984 = tpu.vector_load %arg24[%parallel_loop3A_982, %parallel_loop3A_983] {strides = array<i32>} : memref<32x128xf32, #tpu.memory_space<vmem>>, vector<1x16xf32>,
      %parallel_loop3A_985 = vector.shape_cast %parallel_loop3A_984 : vector<1x16xf32> to vector<16xf32>
      %parallel_loop3A_986 = arith.addf %parallel_loop3A_981, %parallel_loop3A_985 : vector<16xf32>
      %parallel_loop3A_987 = arith.addf %parallel_loop3A_977, %parallel_loop3A_986 : vector<16xf32>
      %parallel_loop3A_988 = arith.index_cast %parallel_loop3A_800 : i32 to index
      %parallel_loop3A_989 = arith.constant 112 : index
      %parallel_loop3A_990 = tpu.vector_load %arg26[%parallel_loop3A_988, %parallel_loop3A_989] {strides = array<i32>} : memref<32x128xf32, #tpu.memory_space<vmem>>, vector<1x16xf32>,
      %parallel_loop3A_991 = vector.shape_cast %parallel_loop3A_990 : vector<1x16xf32> to vector<16xf32>
      %parallel_loop3A_992 = vector.shape_cast %parallel_loop3A_987 : vector<16xf32> to vector<1x16xf32>
      tpu.vector_store %arg26[%parallel_loop3A_988, %parallel_loop3A_989], %parallel_loop3A_992 {strides = array<i32>} : memref<32x128xf32, #tpu.memory_space<vmem>>, vector<1x16xf32>,
    } {sc.loop_unroll_factor = 1 : i64, sc.parallel_access}
    "tpu.trace_stop"() : () -> ()
    %add3A_534 = arith.constant 96 : i32
    %add3A_535 = arith.addi %mul3A_2, %add3A_534 : i32
    %dma_start3A_536 = arith.constant 0 : i32
    %dma_start3A_537 = tpu.memref_slice %arg7[%add3A_535, %dma_start3A_536] : memref<8192x128xf32, #tpu.memory_space<hbm>> -> memref<32x128xf32, #tpu.memory_space<hbm>>
    %dma_start3A_538 = arith.constant 0 : i32
    %dma_start3A_539 = tpu.memref_slice %arg7[%add3A_535, %dma_start3A_538] : memref<8192x128xf32, #tpu.memory_space<hbm>> -> memref<32x128xf32, #tpu.memory_space<hbm>>
    tpu.enqueue_dma source(%arg26 : memref<32x128xf32, #tpu.memory_space<vmem>>) target(%dma_start3A_539 : memref<32x128xf32, #tpu.memory_space<hbm>>) target_semaphore(%arg33 : memref<!tpu.dma_semaphore, #tpu.memory_space<semaphore_mem>>)
    %dma_start3A_540 = arith.constant 0 : i32
    %dma_start3A_541 = arith.constant 224 : i32
    %dma_start3A_542 = tpu.memref_slice %arg8[%dma_start3A_541] : memref<1024xi32, #tpu.memory_space<vmem>> -> memref<32xi32, #tpu.memory_space<vmem>>
    %dma_start3A_543 = arith.constant 0 : i32
    %dma_start3A_544 = arith.constant 0 : i32
    %dma_start3A_545 = tpu.memref_slice %arg6[%dma_start3A_540, %dma_start3A_543, %dma_start3A_544] : memref<4x100000x128xf32, #tpu.memory_space<hbm>> -> memref<1x100000x128xf32, #tpu.memory_space<hbm>>
    %dma_start3A_546 = tpu.memref_squeeze %dma_start3A_545 : memref<1x100000x128xf32, #tpu.memory_space<hbm>> -> memref<100000x128xf32, #tpu.memory_space<hbm>>
    %dma_start3A_547 = arith.constant 0 : i32
    %dma_start3A_548 = arith.constant 0 : i32
    %dma_start3A_549 = tpu.memref_slice %dma_start3A_546[%dma_start3A_547, %dma_start3A_548] : memref<100000x128xf32, #tpu.memory_space<hbm>> -> memref<100000x128xf32, #tpu.memory_space<hbm>>
    tpu.enqueue_indirect_dma source(%dma_start3A_549 : memref<100000x128xf32, #tpu.memory_space<hbm>>) target(%arg21 : memref<32x128xf32, #tpu.memory_space<vmem>>) offsets(%dma_start3A_542 : memref<32xi32, #tpu.memory_space<vmem>>) semaphore(%arg31 : memref<!tpu.dma_semaphore, #tpu.memory_space<semaphore_mem>>)
    %dma_start3A_550 = arith.constant 1 : i32
    %dma_start3A_551 = arith.constant 480 : i32
    %dma_start3A_552 = tpu.memref_slice %arg8[%dma_start3A_551] : memref<1024xi32, #tpu.memory_space<vmem>> -> memref<32xi32, #tpu.memory_space<vmem>>
    %dma_start3A_553 = arith.constant 0 : i32
    %dma_start3A_554 = arith.constant 0 : i32
    %dma_start3A_555 = tpu.memref_slice %arg6[%dma_start3A_550, %dma_start3A_553, %dma_start3A_554] : memref<4x100000x128xf32, #tpu.memory_space<hbm>> -> memref<1x100000x128xf32, #tpu.memory_space<hbm>>
    %dma_start3A_556 = tpu.memref_squeeze %dma_start3A_555 : memref<1x100000x128xf32, #tpu.memory_space<hbm>> -> memref<100000x128xf32, #tpu.memory_space<hbm>>
    %dma_start3A_557 = arith.constant 0 : i32
    %dma_start3A_558 = arith.constant 0 : i32
    %dma_start3A_559 = tpu.memref_slice %dma_start3A_556[%dma_start3A_557, %dma_start3A_558] : memref<100000x128xf32, #tpu.memory_space<hbm>> -> memref<100000x128xf32, #tpu.memory_space<hbm>>
    tpu.enqueue_indirect_dma source(%dma_start3A_559 : memref<100000x128xf32, #tpu.memory_space<hbm>>) target(%arg22 : memref<32x128xf32, #tpu.memory_space<vmem>>) offsets(%dma_start3A_552 : memref<32xi32, #tpu.memory_space<vmem>>) semaphore(%arg31 : memref<!tpu.dma_semaphore, #tpu.memory_space<semaphore_mem>>)
    %dma_start3A_560 = arith.constant 2 : i32
    %dma_start3A_561 = arith.constant 736 : i32
    %dma_start3A_562 = tpu.memref_slice %arg8[%dma_start3A_561] : memref<1024xi32, #tpu.memory_space<vmem>> -> memref<32xi32, #tpu.memory_space<vmem>>
    %dma_start3A_563 = arith.constant 0 : i32
    %dma_start3A_564 = arith.constant 0 : i32
    %dma_start3A_565 = tpu.memref_slice %arg6[%dma_start3A_560, %dma_start3A_563, %dma_start3A_564] : memref<4x100000x128xf32, #tpu.memory_space<hbm>> -> memref<1x100000x128xf32, #tpu.memory_space<hbm>>
    %dma_start3A_566 = tpu.memref_squeeze %dma_start3A_565 : memref<1x100000x128xf32, #tpu.memory_space<hbm>> -> memref<100000x128xf32, #tpu.memory_space<hbm>>
    %dma_start3A_567 = arith.constant 0 : i32
    %dma_start3A_568 = arith.constant 0 : i32
    %dma_start3A_569 = tpu.memref_slice %dma_start3A_566[%dma_start3A_567, %dma_start3A_568] : memref<100000x128xf32, #tpu.memory_space<hbm>> -> memref<100000x128xf32, #tpu.memory_space<hbm>>
    tpu.enqueue_indirect_dma source(%dma_start3A_569 : memref<100000x128xf32, #tpu.memory_space<hbm>>) target(%arg23 : memref<32x128xf32, #tpu.memory_space<vmem>>) offsets(%dma_start3A_562 : memref<32xi32, #tpu.memory_space<vmem>>) semaphore(%arg31 : memref<!tpu.dma_semaphore, #tpu.memory_space<semaphore_mem>>)
    %dma_start3A_570 = arith.constant 3 : i32
    %dma_start3A_571 = arith.constant 992 : i32
    %dma_start3A_572 = tpu.memref_slice %arg8[%dma_start3A_571] : memref<1024xi32, #tpu.memory_space<vmem>> -> memref<32xi32, #tpu.memory_space<vmem>>
    %dma_start3A_573 = arith.constant 0 : i32
    %dma_start3A_574 = arith.constant 0 : i32
    %dma_start3A_575 = tpu.memref_slice %arg6[%dma_start3A_570, %dma_start3A_573, %dma_start3A_574] : memref<4x100000x128xf32, #tpu.memory_space<hbm>> -> memref<1x100000x128xf32, #tpu.memory_space<hbm>>
    %dma_start3A_576 = tpu.memref_squeeze %dma_start3A_575 : memref<1x100000x128xf32, #tpu.memory_space<hbm>> -> memref<100000x128xf32, #tpu.memory_space<hbm>>
    %dma_start3A_577 = arith.constant 0 : i32
    %dma_start3A_578 = arith.constant 0 : i32
    %dma_start3A_579 = tpu.memref_slice %dma_start3A_576[%dma_start3A_577, %dma_start3A_578] : memref<100000x128xf32, #tpu.memory_space<hbm>> -> memref<100000x128xf32, #tpu.memory_space<hbm>>
    tpu.enqueue_indirect_dma source(%dma_start3A_579 : memref<100000x128xf32, #tpu.memory_space<hbm>>) target(%arg24 : memref<32x128xf32, #tpu.memory_space<vmem>>) offsets(%dma_start3A_572 : memref<32xi32, #tpu.memory_space<vmem>>) semaphore(%arg31 : memref<!tpu.dma_semaphore, #tpu.memory_space<semaphore_mem>>)
    %dma_wait3A_580 = arith.constant 0 : i32
    "tpu.trace_start"() <{level = 10 : i32, message = "wait4"}> : () -> ()
    %dma_wait3A_581 = arith.constant 128 : i32
    %dma_wait3A_582 = tpu.memref_slice %arg8[%dma_wait3A_581] : memref<1024xi32, #tpu.memory_space<vmem>> -> memref<32xi32, #tpu.memory_space<vmem>>
    %dma_wait3A_583 = arith.constant 0 : i32
    %dma_wait3A_584 = arith.constant 0 : i32
    %dma_wait3A_585 = tpu.memref_slice %arg6[%dma_wait3A_580, %dma_wait3A_583, %dma_wait3A_584] : memref<4x100000x128xf32, #tpu.memory_space<hbm>> -> memref<1x100000x128xf32, #tpu.memory_space<hbm>>
    %dma_wait3A_586 = tpu.memref_squeeze %dma_wait3A_585 : memref<1x100000x128xf32, #tpu.memory_space<hbm>> -> memref<100000x128xf32, #tpu.memory_space<hbm>>
    %dma_wait3A_587 = arith.constant 0 : i32
    %dma_wait3A_588 = arith.constant 0 : i32
    %dma_wait3A_589 = tpu.memref_slice %dma_wait3A_586[%dma_wait3A_587, %dma_wait3A_588] : memref<100000x128xf32, #tpu.memory_space<hbm>> -> memref<100000x128xf32, #tpu.memory_space<hbm>>
    tpu.wait_indirect_dma semaphore(%arg28 : memref<!tpu.dma_semaphore, #tpu.memory_space<semaphore_mem>>) src(%dma_wait3A_589 : memref<100000x128xf32, #tpu.memory_space<hbm>>) dst(%arg9 : memref<32x128xf32, #tpu.memory_space<vmem>>)
    %dma_wait3A_590 = arith.constant 1 : i32
    %dma_wait3A_591 = arith.constant 384 : i32
    %dma_wait3A_592 = tpu.memref_slice %arg8[%dma_wait3A_591] : memref<1024xi32, #tpu.memory_space<vmem>> -> memref<32xi32, #tpu.memory_space<vmem>>
    %dma_wait3A_593 = arith.constant 0 : i32
    %dma_wait3A_594 = arith.constant 0 : i32
    %dma_wait3A_595 = tpu.memref_slice %arg6[%dma_wait3A_590, %dma_wait3A_593, %dma_wait3A_594] : memref<4x100000x128xf32, #tpu.memory_space<hbm>> -> memref<1x100000x128xf32, #tpu.memory_space<hbm>>
    %dma_wait3A_596 = tpu.memref_squeeze %dma_wait3A_595 : memref<1x100000x128xf32, #tpu.memory_space<hbm>> -> memref<100000x128xf32, #tpu.memory_space<hbm>>
    %dma_wait3A_597 = arith.constant 0 : i32
    %dma_wait3A_598 = arith.constant 0 : i32
    %dma_wait3A_599 = tpu.memref_slice %dma_wait3A_596[%dma_wait3A_597, %dma_wait3A_598] : memref<100000x128xf32, #tpu.memory_space<hbm>> -> memref<100000x128xf32, #tpu.memory_space<hbm>>
    tpu.wait_indirect_dma semaphore(%arg28 : memref<!tpu.dma_semaphore, #tpu.memory_space<semaphore_mem>>) src(%dma_wait3A_599 : memref<100000x128xf32, #tpu.memory_space<hbm>>) dst(%arg10 : memref<32x128xf32, #tpu.memory_space<vmem>>)
    %dma_wait3A_600 = arith.constant 2 : i32
    %dma_wait3A_601 = arith.constant 640 : i32
    %dma_wait3A_602 = tpu.memref_slice %arg8[%dma_wait3A_601] : memref<1024xi32, #tpu.memory_space<vmem>> -> memref<32xi32, #tpu.memory_space<vmem>>
    %dma_wait3A_603 = arith.constant 0 : i32
    %dma_wait3A_604 = arith.constant 0 : i32
    %dma_wait3A_605 = tpu.memref_slice %arg6[%dma_wait3A_600, %dma_wait3A_603, %dma_wait3A_604] : memref<4x100000x128xf32, #tpu.memory_space<hbm>> -> memref<1x100000x128xf32, #tpu.memory_space<hbm>>
    %dma_wait3A_606 = tpu.memref_squeeze %dma_wait3A_605 : memref<1x100000x128xf32, #tpu.memory_space<hbm>> -> memref<100000x128xf32, #tpu.memory_space<hbm>>
    %dma_wait3A_607 = arith.constant 0 : i32
    %dma_wait3A_608 = arith.constant 0 : i32
    %dma_wait3A_609 = tpu.memref_slice %dma_wait3A_606[%dma_wait3A_607, %dma_wait3A_608] : memref<100000x128xf32, #tpu.memory_space<hbm>> -> memref<100000x128xf32, #tpu.memory_space<hbm>>
    tpu.wait_indirect_dma semaphore(%arg28 : memref<!tpu.dma_semaphore, #tpu.memory_space<semaphore_mem>>) src(%dma_wait3A_609 : memref<100000x128xf32, #tpu.memory_space<hbm>>) dst(%arg11 : memref<32x128xf32, #tpu.memory_space<vmem>>)
    %dma_wait3A_610 = arith.constant 3 : i32
    %dma_wait3A_611 = arith.constant 896 : i32
    %dma_wait3A_612 = tpu.memref_slice %arg8[%dma_wait3A_611] : memref<1024xi32, #tpu.memory_space<vmem>> -> memref<32xi32, #tpu.memory_space<vmem>>
    %dma_wait3A_613 = arith.constant 0 : i32
    %dma_wait3A_614 = arith.constant 0 : i32
    %dma_wait3A_615 = tpu.memref_slice %arg6[%dma_wait3A_610, %dma_wait3A_613, %dma_wait3A_614] : memref<4x100000x128xf32, #tpu.memory_space<hbm>> -> memref<1x100000x128xf32, #tpu.memory_space<hbm>>
    %dma_wait3A_616 = tpu.memref_squeeze %dma_wait3A_615 : memref<1x100000x128xf32, #tpu.memory_space<hbm>> -> memref<100000x128xf32, #tpu.memory_space<hbm>>
    %dma_wait3A_617 = arith.constant 0 : i32
    %dma_wait3A_618 = arith.constant 0 : i32
    %dma_wait3A_619 = tpu.memref_slice %dma_wait3A_616[%dma_wait3A_617, %dma_wait3A_618] : memref<100000x128xf32, #tpu.memory_space<hbm>> -> memref<100000x128xf32, #tpu.memory_space<hbm>>
    tpu.wait_indirect_dma semaphore(%arg28 : memref<!tpu.dma_semaphore, #tpu.memory_space<semaphore_mem>>) src(%dma_wait3A_619 : memref<100000x128xf32, #tpu.memory_space<hbm>>) dst(%arg12 : memref<32x128xf32, #tpu.memory_space<vmem>>)
    %dma_wait3A_620 = arith.constant 0 : i32
    %dma_wait3A_621 = tpu.memref_slice %arg7[%add3A_442, %dma_wait3A_620] : memref<8192x128xf32, #tpu.memory_space<hbm>> -> memref<32x128xf32, #tpu.memory_space<hbm>>
    %dma_wait3A_622 = arith.constant 0 : i32
    %dma_wait3A_623 = tpu.memref_slice %arg7[%add3A_442, %dma_wait3A_622] : memref<8192x128xf32, #tpu.memory_space<hbm>> -> memref<32x128xf32, #tpu.memory_space<hbm>>
    tpu.wait_dma2 semaphore(%arg32 : memref<!tpu.dma_semaphore, #tpu.memory_space<semaphore_mem>>) src(%arg25 : memref<32x128xf32, #tpu.memory_space<vmem>>) dst(%dma_wait3A_623 : memref<32x128xf32, #tpu.memory_space<hbm>>)
    %parallel_loop3A_624 = arith.constant 0 : i32
    %parallel_loop3A_625 = arith.constant 32 : i32
    %parallel_loop3A_626 = arith.constant 1 : i32
    "tpu.trace_stop"() : () -> ()
    "tpu.trace_start"() <{level = 10 : i32, message = "sum4"}> : () -> ()
    scf.for %parallel_loop3A_800 = %parallel_loop3A_624 to %parallel_loop3A_625 step %parallel_loop3A_626  : i32 {
      %parallel_loop3A_801 = arith.index_cast %parallel_loop3A_800 : i32 to index
      %parallel_loop3A_802 = arith.constant 0 : index
      %parallel_loop3A_803 = tpu.vector_load %arg9[%parallel_loop3A_801, %parallel_loop3A_802] {strides = array<i32>} : memref<32x128xf32, #tpu.memory_space<vmem>>, vector<1x16xf32>,
      %parallel_loop3A_804 = vector.shape_cast %parallel_loop3A_803 : vector<1x16xf32> to vector<16xf32>
      %parallel_loop3A_805 = arith.index_cast %parallel_loop3A_800 : i32 to index
      %parallel_loop3A_806 = arith.constant 0 : index
      %parallel_loop3A_807 = tpu.vector_load %arg10[%parallel_loop3A_805, %parallel_loop3A_806] {strides = array<i32>} : memref<32x128xf32, #tpu.memory_space<vmem>>, vector<1x16xf32>,
      %parallel_loop3A_808 = vector.shape_cast %parallel_loop3A_807 : vector<1x16xf32> to vector<16xf32>
      %parallel_loop3A_809 = arith.addf %parallel_loop3A_804, %parallel_loop3A_808 : vector<16xf32>
      %parallel_loop3A_810 = arith.index_cast %parallel_loop3A_800 : i32 to index
      %parallel_loop3A_811 = arith.constant 0 : index
      %parallel_loop3A_812 = tpu.vector_load %arg11[%parallel_loop3A_810, %parallel_loop3A_811] {strides = array<i32>} : memref<32x128xf32, #tpu.memory_space<vmem>>, vector<1x16xf32>,
      %parallel_loop3A_813 = vector.shape_cast %parallel_loop3A_812 : vector<1x16xf32> to vector<16xf32>
      %parallel_loop3A_814 = arith.index_cast %parallel_loop3A_800 : i32 to index
      %parallel_loop3A_815 = arith.constant 0 : index
      %parallel_loop3A_816 = tpu.vector_load %arg12[%parallel_loop3A_814, %parallel_loop3A_815] {strides = array<i32>} : memref<32x128xf32, #tpu.memory_space<vmem>>, vector<1x16xf32>,
      %parallel_loop3A_817 = vector.shape_cast %parallel_loop3A_816 : vector<1x16xf32> to vector<16xf32>
      %parallel_loop3A_818 = arith.addf %parallel_loop3A_813, %parallel_loop3A_817 : vector<16xf32>
      %parallel_loop3A_819 = arith.addf %parallel_loop3A_809, %parallel_loop3A_818 : vector<16xf32>
      %parallel_loop3A_820 = arith.index_cast %parallel_loop3A_800 : i32 to index
      %parallel_loop3A_821 = arith.constant 0 : index
      %parallel_loop3A_822 = tpu.vector_load %arg25[%parallel_loop3A_820, %parallel_loop3A_821] {strides = array<i32>} : memref<32x128xf32, #tpu.memory_space<vmem>>, vector<1x16xf32>,
      %parallel_loop3A_823 = vector.shape_cast %parallel_loop3A_822 : vector<1x16xf32> to vector<16xf32>
      %parallel_loop3A_824 = vector.shape_cast %parallel_loop3A_819 : vector<16xf32> to vector<1x16xf32>
      tpu.vector_store %arg25[%parallel_loop3A_820, %parallel_loop3A_821], %parallel_loop3A_824 {strides = array<i32>} : memref<32x128xf32, #tpu.memory_space<vmem>>, vector<1x16xf32>,
      %parallel_loop3A_825 = arith.index_cast %parallel_loop3A_800 : i32 to index
      %parallel_loop3A_826 = arith.constant 16 : index
      %parallel_loop3A_827 = tpu.vector_load %arg9[%parallel_loop3A_825, %parallel_loop3A_826] {strides = array<i32>} : memref<32x128xf32, #tpu.memory_space<vmem>>, vector<1x16xf32>,
      %parallel_loop3A_828 = vector.shape_cast %parallel_loop3A_827 : vector<1x16xf32> to vector<16xf32>
      %parallel_loop3A_829 = arith.index_cast %parallel_loop3A_800 : i32 to index
      %parallel_loop3A_830 = arith.constant 16 : index
      %parallel_loop3A_831 = tpu.vector_load %arg10[%parallel_loop3A_829, %parallel_loop3A_830] {strides = array<i32>} : memref<32x128xf32, #tpu.memory_space<vmem>>, vector<1x16xf32>,
      %parallel_loop3A_832 = vector.shape_cast %parallel_loop3A_831 : vector<1x16xf32> to vector<16xf32>
      %parallel_loop3A_833 = arith.addf %parallel_loop3A_828, %parallel_loop3A_832 : vector<16xf32>
      %parallel_loop3A_834 = arith.index_cast %parallel_loop3A_800 : i32 to index
      %parallel_loop3A_835 = arith.constant 16 : index
      %parallel_loop3A_836 = tpu.vector_load %arg11[%parallel_loop3A_834, %parallel_loop3A_835] {strides = array<i32>} : memref<32x128xf32, #tpu.memory_space<vmem>>, vector<1x16xf32>,
      %parallel_loop3A_837 = vector.shape_cast %parallel_loop3A_836 : vector<1x16xf32> to vector<16xf32>
      %parallel_loop3A_838 = arith.index_cast %parallel_loop3A_800 : i32 to index
      %parallel_loop3A_839 = arith.constant 16 : index
      %parallel_loop3A_840 = tpu.vector_load %arg12[%parallel_loop3A_838, %parallel_loop3A_839] {strides = array<i32>} : memref<32x128xf32, #tpu.memory_space<vmem>>, vector<1x16xf32>,
      %parallel_loop3A_841 = vector.shape_cast %parallel_loop3A_840 : vector<1x16xf32> to vector<16xf32>
      %parallel_loop3A_842 = arith.addf %parallel_loop3A_837, %parallel_loop3A_841 : vector<16xf32>
      %parallel_loop3A_843 = arith.addf %parallel_loop3A_833, %parallel_loop3A_842 : vector<16xf32>
      %parallel_loop3A_844 = arith.index_cast %parallel_loop3A_800 : i32 to index
      %parallel_loop3A_845 = arith.constant 16 : index
      %parallel_loop3A_846 = tpu.vector_load %arg25[%parallel_loop3A_844, %parallel_loop3A_845] {strides = array<i32>} : memref<32x128xf32, #tpu.memory_space<vmem>>, vector<1x16xf32>,
      %parallel_loop3A_847 = vector.shape_cast %parallel_loop3A_846 : vector<1x16xf32> to vector<16xf32>
      %parallel_loop3A_848 = vector.shape_cast %parallel_loop3A_843 : vector<16xf32> to vector<1x16xf32>
      tpu.vector_store %arg25[%parallel_loop3A_844, %parallel_loop3A_845], %parallel_loop3A_848 {strides = array<i32>} : memref<32x128xf32, #tpu.memory_space<vmem>>, vector<1x16xf32>,
      %parallel_loop3A_849 = arith.index_cast %parallel_loop3A_800 : i32 to index
      %parallel_loop3A_850 = arith.constant 32 : index
      %parallel_loop3A_851 = tpu.vector_load %arg9[%parallel_loop3A_849, %parallel_loop3A_850] {strides = array<i32>} : memref<32x128xf32, #tpu.memory_space<vmem>>, vector<1x16xf32>,
      %parallel_loop3A_852 = vector.shape_cast %parallel_loop3A_851 : vector<1x16xf32> to vector<16xf32>
      %parallel_loop3A_853 = arith.index_cast %parallel_loop3A_800 : i32 to index
      %parallel_loop3A_854 = arith.constant 32 : index
      %parallel_loop3A_855 = tpu.vector_load %arg10[%parallel_loop3A_853, %parallel_loop3A_854] {strides = array<i32>} : memref<32x128xf32, #tpu.memory_space<vmem>>, vector<1x16xf32>,
      %parallel_loop3A_856 = vector.shape_cast %parallel_loop3A_855 : vector<1x16xf32> to vector<16xf32>
      %parallel_loop3A_857 = arith.addf %parallel_loop3A_852, %parallel_loop3A_856 : vector<16xf32>
      %parallel_loop3A_858 = arith.index_cast %parallel_loop3A_800 : i32 to index
      %parallel_loop3A_859 = arith.constant 32 : index
      %parallel_loop3A_860 = tpu.vector_load %arg11[%parallel_loop3A_858, %parallel_loop3A_859] {strides = array<i32>} : memref<32x128xf32, #tpu.memory_space<vmem>>, vector<1x16xf32>,
      %parallel_loop3A_861 = vector.shape_cast %parallel_loop3A_860 : vector<1x16xf32> to vector<16xf32>
      %parallel_loop3A_862 = arith.index_cast %parallel_loop3A_800 : i32 to index
      %parallel_loop3A_863 = arith.constant 32 : index
      %parallel_loop3A_864 = tpu.vector_load %arg12[%parallel_loop3A_862, %parallel_loop3A_863] {strides = array<i32>} : memref<32x128xf32, #tpu.memory_space<vmem>>, vector<1x16xf32>,
      %parallel_loop3A_865 = vector.shape_cast %parallel_loop3A_864 : vector<1x16xf32> to vector<16xf32>
      %parallel_loop3A_866 = arith.addf %parallel_loop3A_861, %parallel_loop3A_865 : vector<16xf32>
      %parallel_loop3A_867 = arith.addf %parallel_loop3A_857, %parallel_loop3A_866 : vector<16xf32>
      %parallel_loop3A_868 = arith.index_cast %parallel_loop3A_800 : i32 to index
      %parallel_loop3A_869 = arith.constant 32 : index
      %parallel_loop3A_870 = tpu.vector_load %arg25[%parallel_loop3A_868, %parallel_loop3A_869] {strides = array<i32>} : memref<32x128xf32, #tpu.memory_space<vmem>>, vector<1x16xf32>,
      %parallel_loop3A_871 = vector.shape_cast %parallel_loop3A_870 : vector<1x16xf32> to vector<16xf32>
      %parallel_loop3A_872 = vector.shape_cast %parallel_loop3A_867 : vector<16xf32> to vector<1x16xf32>
      tpu.vector_store %arg25[%parallel_loop3A_868, %parallel_loop3A_869], %parallel_loop3A_872 {strides = array<i32>} : memref<32x128xf32, #tpu.memory_space<vmem>>, vector<1x16xf32>,
      %parallel_loop3A_873 = arith.index_cast %parallel_loop3A_800 : i32 to index
      %parallel_loop3A_874 = arith.constant 48 : index
      %parallel_loop3A_875 = tpu.vector_load %arg9[%parallel_loop3A_873, %parallel_loop3A_874] {strides = array<i32>} : memref<32x128xf32, #tpu.memory_space<vmem>>, vector<1x16xf32>,
      %parallel_loop3A_876 = vector.shape_cast %parallel_loop3A_875 : vector<1x16xf32> to vector<16xf32>
      %parallel_loop3A_877 = arith.index_cast %parallel_loop3A_800 : i32 to index
      %parallel_loop3A_878 = arith.constant 48 : index
      %parallel_loop3A_879 = tpu.vector_load %arg10[%parallel_loop3A_877, %parallel_loop3A_878] {strides = array<i32>} : memref<32x128xf32, #tpu.memory_space<vmem>>, vector<1x16xf32>,
      %parallel_loop3A_880 = vector.shape_cast %parallel_loop3A_879 : vector<1x16xf32> to vector<16xf32>
      %parallel_loop3A_881 = arith.addf %parallel_loop3A_876, %parallel_loop3A_880 : vector<16xf32>
      %parallel_loop3A_882 = arith.index_cast %parallel_loop3A_800 : i32 to index
      %parallel_loop3A_883 = arith.constant 48 : index
      %parallel_loop3A_884 = tpu.vector_load %arg11[%parallel_loop3A_882, %parallel_loop3A_883] {strides = array<i32>} : memref<32x128xf32, #tpu.memory_space<vmem>>, vector<1x16xf32>,
      %parallel_loop3A_885 = vector.shape_cast %parallel_loop3A_884 : vector<1x16xf32> to vector<16xf32>
      %parallel_loop3A_886 = arith.index_cast %parallel_loop3A_800 : i32 to index
      %parallel_loop3A_887 = arith.constant 48 : index
      %parallel_loop3A_888 = tpu.vector_load %arg12[%parallel_loop3A_886, %parallel_loop3A_887] {strides = array<i32>} : memref<32x128xf32, #tpu.memory_space<vmem>>, vector<1x16xf32>,
      %parallel_loop3A_889 = vector.shape_cast %parallel_loop3A_888 : vector<1x16xf32> to vector<16xf32>
      %parallel_loop3A_890 = arith.addf %parallel_loop3A_885, %parallel_loop3A_889 : vector<16xf32>
      %parallel_loop3A_891 = arith.addf %parallel_loop3A_881, %parallel_loop3A_890 : vector<16xf32>
      %parallel_loop3A_892 = arith.index_cast %parallel_loop3A_800 : i32 to index
      %parallel_loop3A_893 = arith.constant 48 : index
      %parallel_loop3A_894 = tpu.vector_load %arg25[%parallel_loop3A_892, %parallel_loop3A_893] {strides = array<i32>} : memref<32x128xf32, #tpu.memory_space<vmem>>, vector<1x16xf32>,
      %parallel_loop3A_895 = vector.shape_cast %parallel_loop3A_894 : vector<1x16xf32> to vector<16xf32>
      %parallel_loop3A_896 = vector.shape_cast %parallel_loop3A_891 : vector<16xf32> to vector<1x16xf32>
      tpu.vector_store %arg25[%parallel_loop3A_892, %parallel_loop3A_893], %parallel_loop3A_896 {strides = array<i32>} : memref<32x128xf32, #tpu.memory_space<vmem>>, vector<1x16xf32>,
      %parallel_loop3A_897 = arith.index_cast %parallel_loop3A_800 : i32 to index
      %parallel_loop3A_898 = arith.constant 64 : index
      %parallel_loop3A_899 = tpu.vector_load %arg9[%parallel_loop3A_897, %parallel_loop3A_898] {strides = array<i32>} : memref<32x128xf32, #tpu.memory_space<vmem>>, vector<1x16xf32>,
      %parallel_loop3A_900 = vector.shape_cast %parallel_loop3A_899 : vector<1x16xf32> to vector<16xf32>
      %parallel_loop3A_901 = arith.index_cast %parallel_loop3A_800 : i32 to index
      %parallel_loop3A_902 = arith.constant 64 : index
      %parallel_loop3A_903 = tpu.vector_load %arg10[%parallel_loop3A_901, %parallel_loop3A_902] {strides = array<i32>} : memref<32x128xf32, #tpu.memory_space<vmem>>, vector<1x16xf32>,
      %parallel_loop3A_904 = vector.shape_cast %parallel_loop3A_903 : vector<1x16xf32> to vector<16xf32>
      %parallel_loop3A_905 = arith.addf %parallel_loop3A_900, %parallel_loop3A_904 : vector<16xf32>
      %parallel_loop3A_906 = arith.index_cast %parallel_loop3A_800 : i32 to index
      %parallel_loop3A_907 = arith.constant 64 : index
      %parallel_loop3A_908 = tpu.vector_load %arg11[%parallel_loop3A_906, %parallel_loop3A_907] {strides = array<i32>} : memref<32x128xf32, #tpu.memory_space<vmem>>, vector<1x16xf32>,
      %parallel_loop3A_909 = vector.shape_cast %parallel_loop3A_908 : vector<1x16xf32> to vector<16xf32>
      %parallel_loop3A_910 = arith.index_cast %parallel_loop3A_800 : i32 to index
      %parallel_loop3A_911 = arith.constant 64 : index
      %parallel_loop3A_912 = tpu.vector_load %arg12[%parallel_loop3A_910, %parallel_loop3A_911] {strides = array<i32>} : memref<32x128xf32, #tpu.memory_space<vmem>>, vector<1x16xf32>,
      %parallel_loop3A_913 = vector.shape_cast %parallel_loop3A_912 : vector<1x16xf32> to vector<16xf32>
      %parallel_loop3A_914 = arith.addf %parallel_loop3A_909, %parallel_loop3A_913 : vector<16xf32>
      %parallel_loop3A_915 = arith.addf %parallel_loop3A_905, %parallel_loop3A_914 : vector<16xf32>
      %parallel_loop3A_916 = arith.index_cast %parallel_loop3A_800 : i32 to index
      %parallel_loop3A_917 = arith.constant 64 : index
      %parallel_loop3A_918 = tpu.vector_load %arg25[%parallel_loop3A_916, %parallel_loop3A_917] {strides = array<i32>} : memref<32x128xf32, #tpu.memory_space<vmem>>, vector<1x16xf32>,
      %parallel_loop3A_919 = vector.shape_cast %parallel_loop3A_918 : vector<1x16xf32> to vector<16xf32>
      %parallel_loop3A_920 = vector.shape_cast %parallel_loop3A_915 : vector<16xf32> to vector<1x16xf32>
      tpu.vector_store %arg25[%parallel_loop3A_916, %parallel_loop3A_917], %parallel_loop3A_920 {strides = array<i32>} : memref<32x128xf32, #tpu.memory_space<vmem>>, vector<1x16xf32>,
      %parallel_loop3A_921 = arith.index_cast %parallel_loop3A_800 : i32 to index
      %parallel_loop3A_922 = arith.constant 80 : index
      %parallel_loop3A_923 = tpu.vector_load %arg9[%parallel_loop3A_921, %parallel_loop3A_922] {strides = array<i32>} : memref<32x128xf32, #tpu.memory_space<vmem>>, vector<1x16xf32>,
      %parallel_loop3A_924 = vector.shape_cast %parallel_loop3A_923 : vector<1x16xf32> to vector<16xf32>
      %parallel_loop3A_925 = arith.index_cast %parallel_loop3A_800 : i32 to index
      %parallel_loop3A_926 = arith.constant 80 : index
      %parallel_loop3A_927 = tpu.vector_load %arg10[%parallel_loop3A_925, %parallel_loop3A_926] {strides = array<i32>} : memref<32x128xf32, #tpu.memory_space<vmem>>, vector<1x16xf32>,
      %parallel_loop3A_928 = vector.shape_cast %parallel_loop3A_927 : vector<1x16xf32> to vector<16xf32>
      %parallel_loop3A_929 = arith.addf %parallel_loop3A_924, %parallel_loop3A_928 : vector<16xf32>
      %parallel_loop3A_930 = arith.index_cast %parallel_loop3A_800 : i32 to index
      %parallel_loop3A_931 = arith.constant 80 : index
      %parallel_loop3A_932 = tpu.vector_load %arg11[%parallel_loop3A_930, %parallel_loop3A_931] {strides = array<i32>} : memref<32x128xf32, #tpu.memory_space<vmem>>, vector<1x16xf32>,
      %parallel_loop3A_933 = vector.shape_cast %parallel_loop3A_932 : vector<1x16xf32> to vector<16xf32>
      %parallel_loop3A_934 = arith.index_cast %parallel_loop3A_800 : i32 to index
      %parallel_loop3A_935 = arith.constant 80 : index
      %parallel_loop3A_936 = tpu.vector_load %arg12[%parallel_loop3A_934, %parallel_loop3A_935] {strides = array<i32>} : memref<32x128xf32, #tpu.memory_space<vmem>>, vector<1x16xf32>,
      %parallel_loop3A_937 = vector.shape_cast %parallel_loop3A_936 : vector<1x16xf32> to vector<16xf32>
      %parallel_loop3A_938 = arith.addf %parallel_loop3A_933, %parallel_loop3A_937 : vector<16xf32>
      %parallel_loop3A_939 = arith.addf %parallel_loop3A_929, %parallel_loop3A_938 : vector<16xf32>
      %parallel_loop3A_940 = arith.index_cast %parallel_loop3A_800 : i32 to index
      %parallel_loop3A_941 = arith.constant 80 : index
      %parallel_loop3A_942 = tpu.vector_load %arg25[%parallel_loop3A_940, %parallel_loop3A_941] {strides = array<i32>} : memref<32x128xf32, #tpu.memory_space<vmem>>, vector<1x16xf32>,
      %parallel_loop3A_943 = vector.shape_cast %parallel_loop3A_942 : vector<1x16xf32> to vector<16xf32>
      %parallel_loop3A_944 = vector.shape_cast %parallel_loop3A_939 : vector<16xf32> to vector<1x16xf32>
      tpu.vector_store %arg25[%parallel_loop3A_940, %parallel_loop3A_941], %parallel_loop3A_944 {strides = array<i32>} : memref<32x128xf32, #tpu.memory_space<vmem>>, vector<1x16xf32>,
      %parallel_loop3A_945 = arith.index_cast %parallel_loop3A_800 : i32 to index
      %parallel_loop3A_946 = arith.constant 96 : index
      %parallel_loop3A_947 = tpu.vector_load %arg9[%parallel_loop3A_945, %parallel_loop3A_946] {strides = array<i32>} : memref<32x128xf32, #tpu.memory_space<vmem>>, vector<1x16xf32>,
      %parallel_loop3A_948 = vector.shape_cast %parallel_loop3A_947 : vector<1x16xf32> to vector<16xf32>
      %parallel_loop3A_949 = arith.index_cast %parallel_loop3A_800 : i32 to index
      %parallel_loop3A_950 = arith.constant 96 : index
      %parallel_loop3A_951 = tpu.vector_load %arg10[%parallel_loop3A_949, %parallel_loop3A_950] {strides = array<i32>} : memref<32x128xf32, #tpu.memory_space<vmem>>, vector<1x16xf32>,
      %parallel_loop3A_952 = vector.shape_cast %parallel_loop3A_951 : vector<1x16xf32> to vector<16xf32>
      %parallel_loop3A_953 = arith.addf %parallel_loop3A_948, %parallel_loop3A_952 : vector<16xf32>
      %parallel_loop3A_954 = arith.index_cast %parallel_loop3A_800 : i32 to index
      %parallel_loop3A_955 = arith.constant 96 : index
      %parallel_loop3A_956 = tpu.vector_load %arg11[%parallel_loop3A_954, %parallel_loop3A_955] {strides = array<i32>} : memref<32x128xf32, #tpu.memory_space<vmem>>, vector<1x16xf32>,
      %parallel_loop3A_957 = vector.shape_cast %parallel_loop3A_956 : vector<1x16xf32> to vector<16xf32>
      %parallel_loop3A_958 = arith.index_cast %parallel_loop3A_800 : i32 to index
      %parallel_loop3A_959 = arith.constant 96 : index
      %parallel_loop3A_960 = tpu.vector_load %arg12[%parallel_loop3A_958, %parallel_loop3A_959] {strides = array<i32>} : memref<32x128xf32, #tpu.memory_space<vmem>>, vector<1x16xf32>,
      %parallel_loop3A_961 = vector.shape_cast %parallel_loop3A_960 : vector<1x16xf32> to vector<16xf32>
      %parallel_loop3A_962 = arith.addf %parallel_loop3A_957, %parallel_loop3A_961 : vector<16xf32>
      %parallel_loop3A_963 = arith.addf %parallel_loop3A_953, %parallel_loop3A_962 : vector<16xf32>
      %parallel_loop3A_964 = arith.index_cast %parallel_loop3A_800 : i32 to index
      %parallel_loop3A_965 = arith.constant 96 : index
      %parallel_loop3A_966 = tpu.vector_load %arg25[%parallel_loop3A_964, %parallel_loop3A_965] {strides = array<i32>} : memref<32x128xf32, #tpu.memory_space<vmem>>, vector<1x16xf32>,
      %parallel_loop3A_967 = vector.shape_cast %parallel_loop3A_966 : vector<1x16xf32> to vector<16xf32>
      %parallel_loop3A_968 = vector.shape_cast %parallel_loop3A_963 : vector<16xf32> to vector<1x16xf32>
      tpu.vector_store %arg25[%parallel_loop3A_964, %parallel_loop3A_965], %parallel_loop3A_968 {strides = array<i32>} : memref<32x128xf32, #tpu.memory_space<vmem>>, vector<1x16xf32>,
      %parallel_loop3A_969 = arith.index_cast %parallel_loop3A_800 : i32 to index
      %parallel_loop3A_970 = arith.constant 112 : index
      %parallel_loop3A_971 = tpu.vector_load %arg9[%parallel_loop3A_969, %parallel_loop3A_970] {strides = array<i32>} : memref<32x128xf32, #tpu.memory_space<vmem>>, vector<1x16xf32>,
      %parallel_loop3A_972 = vector.shape_cast %parallel_loop3A_971 : vector<1x16xf32> to vector<16xf32>
      %parallel_loop3A_973 = arith.index_cast %parallel_loop3A_800 : i32 to index
      %parallel_loop3A_974 = arith.constant 112 : index
      %parallel_loop3A_975 = tpu.vector_load %arg10[%parallel_loop3A_973, %parallel_loop3A_974] {strides = array<i32>} : memref<32x128xf32, #tpu.memory_space<vmem>>, vector<1x16xf32>,
      %parallel_loop3A_976 = vector.shape_cast %parallel_loop3A_975 : vector<1x16xf32> to vector<16xf32>
      %parallel_loop3A_977 = arith.addf %parallel_loop3A_972, %parallel_loop3A_976 : vector<16xf32>
      %parallel_loop3A_978 = arith.index_cast %parallel_loop3A_800 : i32 to index
      %parallel_loop3A_979 = arith.constant 112 : index
      %parallel_loop3A_980 = tpu.vector_load %arg11[%parallel_loop3A_978, %parallel_loop3A_979] {strides = array<i32>} : memref<32x128xf32, #tpu.memory_space<vmem>>, vector<1x16xf32>,
      %parallel_loop3A_981 = vector.shape_cast %parallel_loop3A_980 : vector<1x16xf32> to vector<16xf32>
      %parallel_loop3A_982 = arith.index_cast %parallel_loop3A_800 : i32 to index
      %parallel_loop3A_983 = arith.constant 112 : index
      %parallel_loop3A_984 = tpu.vector_load %arg12[%parallel_loop3A_982, %parallel_loop3A_983] {strides = array<i32>} : memref<32x128xf32, #tpu.memory_space<vmem>>, vector<1x16xf32>,
      %parallel_loop3A_985 = vector.shape_cast %parallel_loop3A_984 : vector<1x16xf32> to vector<16xf32>
      %parallel_loop3A_986 = arith.addf %parallel_loop3A_981, %parallel_loop3A_985 : vector<16xf32>
      %parallel_loop3A_987 = arith.addf %parallel_loop3A_977, %parallel_loop3A_986 : vector<16xf32>
      %parallel_loop3A_988 = arith.index_cast %parallel_loop3A_800 : i32 to index
      %parallel_loop3A_989 = arith.constant 112 : index
      %parallel_loop3A_990 = tpu.vector_load %arg25[%parallel_loop3A_988, %parallel_loop3A_989] {strides = array<i32>} : memref<32x128xf32, #tpu.memory_space<vmem>>, vector<1x16xf32>,
      %parallel_loop3A_991 = vector.shape_cast %parallel_loop3A_990 : vector<1x16xf32> to vector<16xf32>
      %parallel_loop3A_992 = vector.shape_cast %parallel_loop3A_987 : vector<16xf32> to vector<1x16xf32>
      tpu.vector_store %arg25[%parallel_loop3A_988, %parallel_loop3A_989], %parallel_loop3A_992 {strides = array<i32>} : memref<32x128xf32, #tpu.memory_space<vmem>>, vector<1x16xf32>,
    } {sc.loop_unroll_factor = 1 : i64, sc.parallel_access}
    "tpu.trace_stop"() : () -> ()
    %add3A_627 = arith.constant 128 : i32
    %add3A_628 = arith.addi %mul3A_2, %add3A_627 : i32
    %dma_start3A_629 = arith.constant 0 : i32
    %dma_start3A_630 = tpu.memref_slice %arg7[%add3A_628, %dma_start3A_629] : memref<8192x128xf32, #tpu.memory_space<hbm>> -> memref<32x128xf32, #tpu.memory_space<hbm>>
    %dma_start3A_631 = arith.constant 0 : i32
    %dma_start3A_632 = tpu.memref_slice %arg7[%add3A_628, %dma_start3A_631] : memref<8192x128xf32, #tpu.memory_space<hbm>> -> memref<32x128xf32, #tpu.memory_space<hbm>>
    tpu.enqueue_dma source(%arg25 : memref<32x128xf32, #tpu.memory_space<vmem>>) target(%dma_start3A_632 : memref<32x128xf32, #tpu.memory_space<hbm>>) target_semaphore(%arg32 : memref<!tpu.dma_semaphore, #tpu.memory_space<semaphore_mem>>)
    %dma_wait3A_633 = arith.constant 0 : i32
    "tpu.trace_start"() <{level = 10 : i32, message = "wait5"}> : () -> ()
    %dma_wait3A_634 = arith.constant 160 : i32
    %dma_wait3A_635 = tpu.memref_slice %arg8[%dma_wait3A_634] : memref<1024xi32, #tpu.memory_space<vmem>> -> memref<32xi32, #tpu.memory_space<vmem>>
    %dma_wait3A_636 = arith.constant 0 : i32
    %dma_wait3A_637 = arith.constant 0 : i32
    %dma_wait3A_638 = tpu.memref_slice %arg6[%dma_wait3A_633, %dma_wait3A_636, %dma_wait3A_637] : memref<4x100000x128xf32, #tpu.memory_space<hbm>> -> memref<1x100000x128xf32, #tpu.memory_space<hbm>>
    %dma_wait3A_639 = tpu.memref_squeeze %dma_wait3A_638 : memref<1x100000x128xf32, #tpu.memory_space<hbm>> -> memref<100000x128xf32, #tpu.memory_space<hbm>>
    %dma_wait3A_640 = arith.constant 0 : i32
    %dma_wait3A_641 = arith.constant 0 : i32
    %dma_wait3A_642 = tpu.memref_slice %dma_wait3A_639[%dma_wait3A_640, %dma_wait3A_641] : memref<100000x128xf32, #tpu.memory_space<hbm>> -> memref<100000x128xf32, #tpu.memory_space<hbm>>
    tpu.wait_indirect_dma semaphore(%arg29 : memref<!tpu.dma_semaphore, #tpu.memory_space<semaphore_mem>>) src(%dma_wait3A_642 : memref<100000x128xf32, #tpu.memory_space<hbm>>) dst(%arg13 : memref<32x128xf32, #tpu.memory_space<vmem>>)
    %dma_wait3A_643 = arith.constant 1 : i32
    %dma_wait3A_644 = arith.constant 416 : i32
    %dma_wait3A_645 = tpu.memref_slice %arg8[%dma_wait3A_644] : memref<1024xi32, #tpu.memory_space<vmem>> -> memref<32xi32, #tpu.memory_space<vmem>>
    %dma_wait3A_646 = arith.constant 0 : i32
    %dma_wait3A_647 = arith.constant 0 : i32
    %dma_wait3A_648 = tpu.memref_slice %arg6[%dma_wait3A_643, %dma_wait3A_646, %dma_wait3A_647] : memref<4x100000x128xf32, #tpu.memory_space<hbm>> -> memref<1x100000x128xf32, #tpu.memory_space<hbm>>
    %dma_wait3A_649 = tpu.memref_squeeze %dma_wait3A_648 : memref<1x100000x128xf32, #tpu.memory_space<hbm>> -> memref<100000x128xf32, #tpu.memory_space<hbm>>
    %dma_wait3A_650 = arith.constant 0 : i32
    %dma_wait3A_651 = arith.constant 0 : i32
    %dma_wait3A_652 = tpu.memref_slice %dma_wait3A_649[%dma_wait3A_650, %dma_wait3A_651] : memref<100000x128xf32, #tpu.memory_space<hbm>> -> memref<100000x128xf32, #tpu.memory_space<hbm>>
    tpu.wait_indirect_dma semaphore(%arg29 : memref<!tpu.dma_semaphore, #tpu.memory_space<semaphore_mem>>) src(%dma_wait3A_652 : memref<100000x128xf32, #tpu.memory_space<hbm>>) dst(%arg14 : memref<32x128xf32, #tpu.memory_space<vmem>>)
    %dma_wait3A_653 = arith.constant 2 : i32
    %dma_wait3A_654 = arith.constant 672 : i32
    %dma_wait3A_655 = tpu.memref_slice %arg8[%dma_wait3A_654] : memref<1024xi32, #tpu.memory_space<vmem>> -> memref<32xi32, #tpu.memory_space<vmem>>
    %dma_wait3A_656 = arith.constant 0 : i32
    %dma_wait3A_657 = arith.constant 0 : i32
    %dma_wait3A_658 = tpu.memref_slice %arg6[%dma_wait3A_653, %dma_wait3A_656, %dma_wait3A_657] : memref<4x100000x128xf32, #tpu.memory_space<hbm>> -> memref<1x100000x128xf32, #tpu.memory_space<hbm>>
    %dma_wait3A_659 = tpu.memref_squeeze %dma_wait3A_658 : memref<1x100000x128xf32, #tpu.memory_space<hbm>> -> memref<100000x128xf32, #tpu.memory_space<hbm>>
    %dma_wait3A_660 = arith.constant 0 : i32
    %dma_wait3A_661 = arith.constant 0 : i32
    %dma_wait3A_662 = tpu.memref_slice %dma_wait3A_659[%dma_wait3A_660, %dma_wait3A_661] : memref<100000x128xf32, #tpu.memory_space<hbm>> -> memref<100000x128xf32, #tpu.memory_space<hbm>>
    tpu.wait_indirect_dma semaphore(%arg29 : memref<!tpu.dma_semaphore, #tpu.memory_space<semaphore_mem>>) src(%dma_wait3A_662 : memref<100000x128xf32, #tpu.memory_space<hbm>>) dst(%arg15 : memref<32x128xf32, #tpu.memory_space<vmem>>)
    %dma_wait3A_663 = arith.constant 3 : i32
    %dma_wait3A_664 = arith.constant 928 : i32
    %dma_wait3A_665 = tpu.memref_slice %arg8[%dma_wait3A_664] : memref<1024xi32, #tpu.memory_space<vmem>> -> memref<32xi32, #tpu.memory_space<vmem>>
    %dma_wait3A_666 = arith.constant 0 : i32
    %dma_wait3A_667 = arith.constant 0 : i32
    %dma_wait3A_668 = tpu.memref_slice %arg6[%dma_wait3A_663, %dma_wait3A_666, %dma_wait3A_667] : memref<4x100000x128xf32, #tpu.memory_space<hbm>> -> memref<1x100000x128xf32, #tpu.memory_space<hbm>>
    %dma_wait3A_669 = tpu.memref_squeeze %dma_wait3A_668 : memref<1x100000x128xf32, #tpu.memory_space<hbm>> -> memref<100000x128xf32, #tpu.memory_space<hbm>>
    %dma_wait3A_670 = arith.constant 0 : i32
    %dma_wait3A_671 = arith.constant 0 : i32
    %dma_wait3A_672 = tpu.memref_slice %dma_wait3A_669[%dma_wait3A_670, %dma_wait3A_671] : memref<100000x128xf32, #tpu.memory_space<hbm>> -> memref<100000x128xf32, #tpu.memory_space<hbm>>
    tpu.wait_indirect_dma semaphore(%arg29 : memref<!tpu.dma_semaphore, #tpu.memory_space<semaphore_mem>>) src(%dma_wait3A_672 : memref<100000x128xf32, #tpu.memory_space<hbm>>) dst(%arg16 : memref<32x128xf32, #tpu.memory_space<vmem>>)
    %dma_wait3A_673 = arith.constant 0 : i32
    %dma_wait3A_674 = tpu.memref_slice %arg7[%add3A_535, %dma_wait3A_673] : memref<8192x128xf32, #tpu.memory_space<hbm>> -> memref<32x128xf32, #tpu.memory_space<hbm>>
    %dma_wait3A_675 = arith.constant 0 : i32
    %dma_wait3A_676 = tpu.memref_slice %arg7[%add3A_535, %dma_wait3A_675] : memref<8192x128xf32, #tpu.memory_space<hbm>> -> memref<32x128xf32, #tpu.memory_space<hbm>>
    tpu.wait_dma2 semaphore(%arg33 : memref<!tpu.dma_semaphore, #tpu.memory_space<semaphore_mem>>) src(%arg26 : memref<32x128xf32, #tpu.memory_space<vmem>>) dst(%dma_wait3A_676 : memref<32x128xf32, #tpu.memory_space<hbm>>)
    %parallel_loop3A_677 = arith.constant 0 : i32
    %parallel_loop3A_678 = arith.constant 32 : i32
    %parallel_loop3A_679 = arith.constant 1 : i32
    "tpu.trace_stop"() : () -> ()
    "tpu.trace_start"() <{level = 10 : i32, message = "sum5"}> : () -> ()
    scf.for %parallel_loop3A_800 = %parallel_loop3A_677 to %parallel_loop3A_678 step %parallel_loop3A_679  : i32 {
      %parallel_loop3A_801 = arith.index_cast %parallel_loop3A_800 : i32 to index
      %parallel_loop3A_802 = arith.constant 0 : index
      %parallel_loop3A_803 = tpu.vector_load %arg13[%parallel_loop3A_801, %parallel_loop3A_802] {strides = array<i32>} : memref<32x128xf32, #tpu.memory_space<vmem>>, vector<1x16xf32>,
      %parallel_loop3A_804 = vector.shape_cast %parallel_loop3A_803 : vector<1x16xf32> to vector<16xf32>
      %parallel_loop3A_805 = arith.index_cast %parallel_loop3A_800 : i32 to index
      %parallel_loop3A_806 = arith.constant 0 : index
      %parallel_loop3A_807 = tpu.vector_load %arg14[%parallel_loop3A_805, %parallel_loop3A_806] {strides = array<i32>} : memref<32x128xf32, #tpu.memory_space<vmem>>, vector<1x16xf32>,
      %parallel_loop3A_808 = vector.shape_cast %parallel_loop3A_807 : vector<1x16xf32> to vector<16xf32>
      %parallel_loop3A_809 = arith.addf %parallel_loop3A_804, %parallel_loop3A_808 : vector<16xf32>
      %parallel_loop3A_810 = arith.index_cast %parallel_loop3A_800 : i32 to index
      %parallel_loop3A_811 = arith.constant 0 : index
      %parallel_loop3A_812 = tpu.vector_load %arg15[%parallel_loop3A_810, %parallel_loop3A_811] {strides = array<i32>} : memref<32x128xf32, #tpu.memory_space<vmem>>, vector<1x16xf32>,
      %parallel_loop3A_813 = vector.shape_cast %parallel_loop3A_812 : vector<1x16xf32> to vector<16xf32>
      %parallel_loop3A_814 = arith.index_cast %parallel_loop3A_800 : i32 to index
      %parallel_loop3A_815 = arith.constant 0 : index
      %parallel_loop3A_816 = tpu.vector_load %arg16[%parallel_loop3A_814, %parallel_loop3A_815] {strides = array<i32>} : memref<32x128xf32, #tpu.memory_space<vmem>>, vector<1x16xf32>,
      %parallel_loop3A_817 = vector.shape_cast %parallel_loop3A_816 : vector<1x16xf32> to vector<16xf32>
      %parallel_loop3A_818 = arith.addf %parallel_loop3A_813, %parallel_loop3A_817 : vector<16xf32>
      %parallel_loop3A_819 = arith.addf %parallel_loop3A_809, %parallel_loop3A_818 : vector<16xf32>
      %parallel_loop3A_820 = arith.index_cast %parallel_loop3A_800 : i32 to index
      %parallel_loop3A_821 = arith.constant 0 : index
      %parallel_loop3A_822 = tpu.vector_load %arg26[%parallel_loop3A_820, %parallel_loop3A_821] {strides = array<i32>} : memref<32x128xf32, #tpu.memory_space<vmem>>, vector<1x16xf32>,
      %parallel_loop3A_823 = vector.shape_cast %parallel_loop3A_822 : vector<1x16xf32> to vector<16xf32>
      %parallel_loop3A_824 = vector.shape_cast %parallel_loop3A_819 : vector<16xf32> to vector<1x16xf32>
      tpu.vector_store %arg26[%parallel_loop3A_820, %parallel_loop3A_821], %parallel_loop3A_824 {strides = array<i32>} : memref<32x128xf32, #tpu.memory_space<vmem>>, vector<1x16xf32>,
      %parallel_loop3A_825 = arith.index_cast %parallel_loop3A_800 : i32 to index
      %parallel_loop3A_826 = arith.constant 16 : index
      %parallel_loop3A_827 = tpu.vector_load %arg13[%parallel_loop3A_825, %parallel_loop3A_826] {strides = array<i32>} : memref<32x128xf32, #tpu.memory_space<vmem>>, vector<1x16xf32>,
      %parallel_loop3A_828 = vector.shape_cast %parallel_loop3A_827 : vector<1x16xf32> to vector<16xf32>
      %parallel_loop3A_829 = arith.index_cast %parallel_loop3A_800 : i32 to index
      %parallel_loop3A_830 = arith.constant 16 : index
      %parallel_loop3A_831 = tpu.vector_load %arg14[%parallel_loop3A_829, %parallel_loop3A_830] {strides = array<i32>} : memref<32x128xf32, #tpu.memory_space<vmem>>, vector<1x16xf32>,
      %parallel_loop3A_832 = vector.shape_cast %parallel_loop3A_831 : vector<1x16xf32> to vector<16xf32>
      %parallel_loop3A_833 = arith.addf %parallel_loop3A_828, %parallel_loop3A_832 : vector<16xf32>
      %parallel_loop3A_834 = arith.index_cast %parallel_loop3A_800 : i32 to index
      %parallel_loop3A_835 = arith.constant 16 : index
      %parallel_loop3A_836 = tpu.vector_load %arg15[%parallel_loop3A_834, %parallel_loop3A_835] {strides = array<i32>} : memref<32x128xf32, #tpu.memory_space<vmem>>, vector<1x16xf32>,
      %parallel_loop3A_837 = vector.shape_cast %parallel_loop3A_836 : vector<1x16xf32> to vector<16xf32>
      %parallel_loop3A_838 = arith.index_cast %parallel_loop3A_800 : i32 to index
      %parallel_loop3A_839 = arith.constant 16 : index
      %parallel_loop3A_840 = tpu.vector_load %arg16[%parallel_loop3A_838, %parallel_loop3A_839] {strides = array<i32>} : memref<32x128xf32, #tpu.memory_space<vmem>>, vector<1x16xf32>,
      %parallel_loop3A_841 = vector.shape_cast %parallel_loop3A_840 : vector<1x16xf32> to vector<16xf32>
      %parallel_loop3A_842 = arith.addf %parallel_loop3A_837, %parallel_loop3A_841 : vector<16xf32>
      %parallel_loop3A_843 = arith.addf %parallel_loop3A_833, %parallel_loop3A_842 : vector<16xf32>
      %parallel_loop3A_844 = arith.index_cast %parallel_loop3A_800 : i32 to index
      %parallel_loop3A_845 = arith.constant 16 : index
      %parallel_loop3A_846 = tpu.vector_load %arg26[%parallel_loop3A_844, %parallel_loop3A_845] {strides = array<i32>} : memref<32x128xf32, #tpu.memory_space<vmem>>, vector<1x16xf32>,
      %parallel_loop3A_847 = vector.shape_cast %parallel_loop3A_846 : vector<1x16xf32> to vector<16xf32>
      %parallel_loop3A_848 = vector.shape_cast %parallel_loop3A_843 : vector<16xf32> to vector<1x16xf32>
      tpu.vector_store %arg26[%parallel_loop3A_844, %parallel_loop3A_845], %parallel_loop3A_848 {strides = array<i32>} : memref<32x128xf32, #tpu.memory_space<vmem>>, vector<1x16xf32>,
      %parallel_loop3A_849 = arith.index_cast %parallel_loop3A_800 : i32 to index
      %parallel_loop3A_850 = arith.constant 32 : index
      %parallel_loop3A_851 = tpu.vector_load %arg13[%parallel_loop3A_849, %parallel_loop3A_850] {strides = array<i32>} : memref<32x128xf32, #tpu.memory_space<vmem>>, vector<1x16xf32>,
      %parallel_loop3A_852 = vector.shape_cast %parallel_loop3A_851 : vector<1x16xf32> to vector<16xf32>
      %parallel_loop3A_853 = arith.index_cast %parallel_loop3A_800 : i32 to index
      %parallel_loop3A_854 = arith.constant 32 : index
      %parallel_loop3A_855 = tpu.vector_load %arg14[%parallel_loop3A_853, %parallel_loop3A_854] {strides = array<i32>} : memref<32x128xf32, #tpu.memory_space<vmem>>, vector<1x16xf32>,
      %parallel_loop3A_856 = vector.shape_cast %parallel_loop3A_855 : vector<1x16xf32> to vector<16xf32>
      %parallel_loop3A_857 = arith.addf %parallel_loop3A_852, %parallel_loop3A_856 : vector<16xf32>
      %parallel_loop3A_858 = arith.index_cast %parallel_loop3A_800 : i32 to index
      %parallel_loop3A_859 = arith.constant 32 : index
      %parallel_loop3A_860 = tpu.vector_load %arg15[%parallel_loop3A_858, %parallel_loop3A_859] {strides = array<i32>} : memref<32x128xf32, #tpu.memory_space<vmem>>, vector<1x16xf32>,
      %parallel_loop3A_861 = vector.shape_cast %parallel_loop3A_860 : vector<1x16xf32> to vector<16xf32>
      %parallel_loop3A_862 = arith.index_cast %parallel_loop3A_800 : i32 to index
      %parallel_loop3A_863 = arith.constant 32 : index
      %parallel_loop3A_864 = tpu.vector_load %arg16[%parallel_loop3A_862, %parallel_loop3A_863] {strides = array<i32>} : memref<32x128xf32, #tpu.memory_space<vmem>>, vector<1x16xf32>,
      %parallel_loop3A_865 = vector.shape_cast %parallel_loop3A_864 : vector<1x16xf32> to vector<16xf32>
      %parallel_loop3A_866 = arith.addf %parallel_loop3A_861, %parallel_loop3A_865 : vector<16xf32>
      %parallel_loop3A_867 = arith.addf %parallel_loop3A_857, %parallel_loop3A_866 : vector<16xf32>
      %parallel_loop3A_868 = arith.index_cast %parallel_loop3A_800 : i32 to index
      %parallel_loop3A_869 = arith.constant 32 : index
      %parallel_loop3A_870 = tpu.vector_load %arg26[%parallel_loop3A_868, %parallel_loop3A_869] {strides = array<i32>} : memref<32x128xf32, #tpu.memory_space<vmem>>, vector<1x16xf32>,
      %parallel_loop3A_871 = vector.shape_cast %parallel_loop3A_870 : vector<1x16xf32> to vector<16xf32>
      %parallel_loop3A_872 = vector.shape_cast %parallel_loop3A_867 : vector<16xf32> to vector<1x16xf32>
      tpu.vector_store %arg26[%parallel_loop3A_868, %parallel_loop3A_869], %parallel_loop3A_872 {strides = array<i32>} : memref<32x128xf32, #tpu.memory_space<vmem>>, vector<1x16xf32>,
      %parallel_loop3A_873 = arith.index_cast %parallel_loop3A_800 : i32 to index
      %parallel_loop3A_874 = arith.constant 48 : index
      %parallel_loop3A_875 = tpu.vector_load %arg13[%parallel_loop3A_873, %parallel_loop3A_874] {strides = array<i32>} : memref<32x128xf32, #tpu.memory_space<vmem>>, vector<1x16xf32>,
      %parallel_loop3A_876 = vector.shape_cast %parallel_loop3A_875 : vector<1x16xf32> to vector<16xf32>
      %parallel_loop3A_877 = arith.index_cast %parallel_loop3A_800 : i32 to index
      %parallel_loop3A_878 = arith.constant 48 : index
      %parallel_loop3A_879 = tpu.vector_load %arg14[%parallel_loop3A_877, %parallel_loop3A_878] {strides = array<i32>} : memref<32x128xf32, #tpu.memory_space<vmem>>, vector<1x16xf32>,
      %parallel_loop3A_880 = vector.shape_cast %parallel_loop3A_879 : vector<1x16xf32> to vector<16xf32>
      %parallel_loop3A_881 = arith.addf %parallel_loop3A_876, %parallel_loop3A_880 : vector<16xf32>
      %parallel_loop3A_882 = arith.index_cast %parallel_loop3A_800 : i32 to index
      %parallel_loop3A_883 = arith.constant 48 : index
      %parallel_loop3A_884 = tpu.vector_load %arg15[%parallel_loop3A_882, %parallel_loop3A_883] {strides = array<i32>} : memref<32x128xf32, #tpu.memory_space<vmem>>, vector<1x16xf32>,
      %parallel_loop3A_885 = vector.shape_cast %parallel_loop3A_884 : vector<1x16xf32> to vector<16xf32>
      %parallel_loop3A_886 = arith.index_cast %parallel_loop3A_800 : i32 to index
      %parallel_loop3A_887 = arith.constant 48 : index
      %parallel_loop3A_888 = tpu.vector_load %arg16[%parallel_loop3A_886, %parallel_loop3A_887] {strides = array<i32>} : memref<32x128xf32, #tpu.memory_space<vmem>>, vector<1x16xf32>,
      %parallel_loop3A_889 = vector.shape_cast %parallel_loop3A_888 : vector<1x16xf32> to vector<16xf32>
      %parallel_loop3A_890 = arith.addf %parallel_loop3A_885, %parallel_loop3A_889 : vector<16xf32>
      %parallel_loop3A_891 = arith.addf %parallel_loop3A_881, %parallel_loop3A_890 : vector<16xf32>
      %parallel_loop3A_892 = arith.index_cast %parallel_loop3A_800 : i32 to index
      %parallel_loop3A_893 = arith.constant 48 : index
      %parallel_loop3A_894 = tpu.vector_load %arg26[%parallel_loop3A_892, %parallel_loop3A_893] {strides = array<i32>} : memref<32x128xf32, #tpu.memory_space<vmem>>, vector<1x16xf32>,
      %parallel_loop3A_895 = vector.shape_cast %parallel_loop3A_894 : vector<1x16xf32> to vector<16xf32>
      %parallel_loop3A_896 = vector.shape_cast %parallel_loop3A_891 : vector<16xf32> to vector<1x16xf32>
      tpu.vector_store %arg26[%parallel_loop3A_892, %parallel_loop3A_893], %parallel_loop3A_896 {strides = array<i32>} : memref<32x128xf32, #tpu.memory_space<vmem>>, vector<1x16xf32>,
      %parallel_loop3A_897 = arith.index_cast %parallel_loop3A_800 : i32 to index
      %parallel_loop3A_898 = arith.constant 64 : index
      %parallel_loop3A_899 = tpu.vector_load %arg13[%parallel_loop3A_897, %parallel_loop3A_898] {strides = array<i32>} : memref<32x128xf32, #tpu.memory_space<vmem>>, vector<1x16xf32>,
      %parallel_loop3A_900 = vector.shape_cast %parallel_loop3A_899 : vector<1x16xf32> to vector<16xf32>
      %parallel_loop3A_901 = arith.index_cast %parallel_loop3A_800 : i32 to index
      %parallel_loop3A_902 = arith.constant 64 : index
      %parallel_loop3A_903 = tpu.vector_load %arg14[%parallel_loop3A_901, %parallel_loop3A_902] {strides = array<i32>} : memref<32x128xf32, #tpu.memory_space<vmem>>, vector<1x16xf32>,
      %parallel_loop3A_904 = vector.shape_cast %parallel_loop3A_903 : vector<1x16xf32> to vector<16xf32>
      %parallel_loop3A_905 = arith.addf %parallel_loop3A_900, %parallel_loop3A_904 : vector<16xf32>
      %parallel_loop3A_906 = arith.index_cast %parallel_loop3A_800 : i32 to index
      %parallel_loop3A_907 = arith.constant 64 : index
      %parallel_loop3A_908 = tpu.vector_load %arg15[%parallel_loop3A_906, %parallel_loop3A_907] {strides = array<i32>} : memref<32x128xf32, #tpu.memory_space<vmem>>, vector<1x16xf32>,
      %parallel_loop3A_909 = vector.shape_cast %parallel_loop3A_908 : vector<1x16xf32> to vector<16xf32>
      %parallel_loop3A_910 = arith.index_cast %parallel_loop3A_800 : i32 to index
      %parallel_loop3A_911 = arith.constant 64 : index
      %parallel_loop3A_912 = tpu.vector_load %arg16[%parallel_loop3A_910, %parallel_loop3A_911] {strides = array<i32>} : memref<32x128xf32, #tpu.memory_space<vmem>>, vector<1x16xf32>,
      %parallel_loop3A_913 = vector.shape_cast %parallel_loop3A_912 : vector<1x16xf32> to vector<16xf32>
      %parallel_loop3A_914 = arith.addf %parallel_loop3A_909, %parallel_loop3A_913 : vector<16xf32>
      %parallel_loop3A_915 = arith.addf %parallel_loop3A_905, %parallel_loop3A_914 : vector<16xf32>
      %parallel_loop3A_916 = arith.index_cast %parallel_loop3A_800 : i32 to index
      %parallel_loop3A_917 = arith.constant 64 : index
      %parallel_loop3A_918 = tpu.vector_load %arg26[%parallel_loop3A_916, %parallel_loop3A_917] {strides = array<i32>} : memref<32x128xf32, #tpu.memory_space<vmem>>, vector<1x16xf32>,
      %parallel_loop3A_919 = vector.shape_cast %parallel_loop3A_918 : vector<1x16xf32> to vector<16xf32>
      %parallel_loop3A_920 = vector.shape_cast %parallel_loop3A_915 : vector<16xf32> to vector<1x16xf32>
      tpu.vector_store %arg26[%parallel_loop3A_916, %parallel_loop3A_917], %parallel_loop3A_920 {strides = array<i32>} : memref<32x128xf32, #tpu.memory_space<vmem>>, vector<1x16xf32>,
      %parallel_loop3A_921 = arith.index_cast %parallel_loop3A_800 : i32 to index
      %parallel_loop3A_922 = arith.constant 80 : index
      %parallel_loop3A_923 = tpu.vector_load %arg13[%parallel_loop3A_921, %parallel_loop3A_922] {strides = array<i32>} : memref<32x128xf32, #tpu.memory_space<vmem>>, vector<1x16xf32>,
      %parallel_loop3A_924 = vector.shape_cast %parallel_loop3A_923 : vector<1x16xf32> to vector<16xf32>
      %parallel_loop3A_925 = arith.index_cast %parallel_loop3A_800 : i32 to index
      %parallel_loop3A_926 = arith.constant 80 : index
      %parallel_loop3A_927 = tpu.vector_load %arg14[%parallel_loop3A_925, %parallel_loop3A_926] {strides = array<i32>} : memref<32x128xf32, #tpu.memory_space<vmem>>, vector<1x16xf32>,
      %parallel_loop3A_928 = vector.shape_cast %parallel_loop3A_927 : vector<1x16xf32> to vector<16xf32>
      %parallel_loop3A_929 = arith.addf %parallel_loop3A_924, %parallel_loop3A_928 : vector<16xf32>
      %parallel_loop3A_930 = arith.index_cast %parallel_loop3A_800 : i32 to index
      %parallel_loop3A_931 = arith.constant 80 : index
      %parallel_loop3A_932 = tpu.vector_load %arg15[%parallel_loop3A_930, %parallel_loop3A_931] {strides = array<i32>} : memref<32x128xf32, #tpu.memory_space<vmem>>, vector<1x16xf32>,
      %parallel_loop3A_933 = vector.shape_cast %parallel_loop3A_932 : vector<1x16xf32> to vector<16xf32>
      %parallel_loop3A_934 = arith.index_cast %parallel_loop3A_800 : i32 to index
      %parallel_loop3A_935 = arith.constant 80 : index
      %parallel_loop3A_936 = tpu.vector_load %arg16[%parallel_loop3A_934, %parallel_loop3A_935] {strides = array<i32>} : memref<32x128xf32, #tpu.memory_space<vmem>>, vector<1x16xf32>,
      %parallel_loop3A_937 = vector.shape_cast %parallel_loop3A_936 : vector<1x16xf32> to vector<16xf32>
      %parallel_loop3A_938 = arith.addf %parallel_loop3A_933, %parallel_loop3A_937 : vector<16xf32>
      %parallel_loop3A_939 = arith.addf %parallel_loop3A_929, %parallel_loop3A_938 : vector<16xf32>
      %parallel_loop3A_940 = arith.index_cast %parallel_loop3A_800 : i32 to index
      %parallel_loop3A_941 = arith.constant 80 : index
      %parallel_loop3A_942 = tpu.vector_load %arg26[%parallel_loop3A_940, %parallel_loop3A_941] {strides = array<i32>} : memref<32x128xf32, #tpu.memory_space<vmem>>, vector<1x16xf32>,
      %parallel_loop3A_943 = vector.shape_cast %parallel_loop3A_942 : vector<1x16xf32> to vector<16xf32>
      %parallel_loop3A_944 = vector.shape_cast %parallel_loop3A_939 : vector<16xf32> to vector<1x16xf32>
      tpu.vector_store %arg26[%parallel_loop3A_940, %parallel_loop3A_941], %parallel_loop3A_944 {strides = array<i32>} : memref<32x128xf32, #tpu.memory_space<vmem>>, vector<1x16xf32>,
      %parallel_loop3A_945 = arith.index_cast %parallel_loop3A_800 : i32 to index
      %parallel_loop3A_946 = arith.constant 96 : index
      %parallel_loop3A_947 = tpu.vector_load %arg13[%parallel_loop3A_945, %parallel_loop3A_946] {strides = array<i32>} : memref<32x128xf32, #tpu.memory_space<vmem>>, vector<1x16xf32>,
      %parallel_loop3A_948 = vector.shape_cast %parallel_loop3A_947 : vector<1x16xf32> to vector<16xf32>
      %parallel_loop3A_949 = arith.index_cast %parallel_loop3A_800 : i32 to index
      %parallel_loop3A_950 = arith.constant 96 : index
      %parallel_loop3A_951 = tpu.vector_load %arg14[%parallel_loop3A_949, %parallel_loop3A_950] {strides = array<i32>} : memref<32x128xf32, #tpu.memory_space<vmem>>, vector<1x16xf32>,
      %parallel_loop3A_952 = vector.shape_cast %parallel_loop3A_951 : vector<1x16xf32> to vector<16xf32>
      %parallel_loop3A_953 = arith.addf %parallel_loop3A_948, %parallel_loop3A_952 : vector<16xf32>
      %parallel_loop3A_954 = arith.index_cast %parallel_loop3A_800 : i32 to index
      %parallel_loop3A_955 = arith.constant 96 : index
      %parallel_loop3A_956 = tpu.vector_load %arg15[%parallel_loop3A_954, %parallel_loop3A_955] {strides = array<i32>} : memref<32x128xf32, #tpu.memory_space<vmem>>, vector<1x16xf32>,
      %parallel_loop3A_957 = vector.shape_cast %parallel_loop3A_956 : vector<1x16xf32> to vector<16xf32>
      %parallel_loop3A_958 = arith.index_cast %parallel_loop3A_800 : i32 to index
      %parallel_loop3A_959 = arith.constant 96 : index
      %parallel_loop3A_960 = tpu.vector_load %arg16[%parallel_loop3A_958, %parallel_loop3A_959] {strides = array<i32>} : memref<32x128xf32, #tpu.memory_space<vmem>>, vector<1x16xf32>,
      %parallel_loop3A_961 = vector.shape_cast %parallel_loop3A_960 : vector<1x16xf32> to vector<16xf32>
      %parallel_loop3A_962 = arith.addf %parallel_loop3A_957, %parallel_loop3A_961 : vector<16xf32>
      %parallel_loop3A_963 = arith.addf %parallel_loop3A_953, %parallel_loop3A_962 : vector<16xf32>
      %parallel_loop3A_964 = arith.index_cast %parallel_loop3A_800 : i32 to index
      %parallel_loop3A_965 = arith.constant 96 : index
      %parallel_loop3A_966 = tpu.vector_load %arg26[%parallel_loop3A_964, %parallel_loop3A_965] {strides = array<i32>} : memref<32x128xf32, #tpu.memory_space<vmem>>, vector<1x16xf32>,
      %parallel_loop3A_967 = vector.shape_cast %parallel_loop3A_966 : vector<1x16xf32> to vector<16xf32>
      %parallel_loop3A_968 = vector.shape_cast %parallel_loop3A_963 : vector<16xf32> to vector<1x16xf32>
      tpu.vector_store %arg26[%parallel_loop3A_964, %parallel_loop3A_965], %parallel_loop3A_968 {strides = array<i32>} : memref<32x128xf32, #tpu.memory_space<vmem>>, vector<1x16xf32>,
      %parallel_loop3A_969 = arith.index_cast %parallel_loop3A_800 : i32 to index
      %parallel_loop3A_970 = arith.constant 112 : index
      %parallel_loop3A_971 = tpu.vector_load %arg13[%parallel_loop3A_969, %parallel_loop3A_970] {strides = array<i32>} : memref<32x128xf32, #tpu.memory_space<vmem>>, vector<1x16xf32>,
      %parallel_loop3A_972 = vector.shape_cast %parallel_loop3A_971 : vector<1x16xf32> to vector<16xf32>
      %parallel_loop3A_973 = arith.index_cast %parallel_loop3A_800 : i32 to index
      %parallel_loop3A_974 = arith.constant 112 : index
      %parallel_loop3A_975 = tpu.vector_load %arg14[%parallel_loop3A_973, %parallel_loop3A_974] {strides = array<i32>} : memref<32x128xf32, #tpu.memory_space<vmem>>, vector<1x16xf32>,
      %parallel_loop3A_976 = vector.shape_cast %parallel_loop3A_975 : vector<1x16xf32> to vector<16xf32>
      %parallel_loop3A_977 = arith.addf %parallel_loop3A_972, %parallel_loop3A_976 : vector<16xf32>
      %parallel_loop3A_978 = arith.index_cast %parallel_loop3A_800 : i32 to index
      %parallel_loop3A_979 = arith.constant 112 : index
      %parallel_loop3A_980 = tpu.vector_load %arg15[%parallel_loop3A_978, %parallel_loop3A_979] {strides = array<i32>} : memref<32x128xf32, #tpu.memory_space<vmem>>, vector<1x16xf32>,
      %parallel_loop3A_981 = vector.shape_cast %parallel_loop3A_980 : vector<1x16xf32> to vector<16xf32>
      %parallel_loop3A_982 = arith.index_cast %parallel_loop3A_800 : i32 to index
      %parallel_loop3A_983 = arith.constant 112 : index
      %parallel_loop3A_984 = tpu.vector_load %arg16[%parallel_loop3A_982, %parallel_loop3A_983] {strides = array<i32>} : memref<32x128xf32, #tpu.memory_space<vmem>>, vector<1x16xf32>,
      %parallel_loop3A_985 = vector.shape_cast %parallel_loop3A_984 : vector<1x16xf32> to vector<16xf32>
      %parallel_loop3A_986 = arith.addf %parallel_loop3A_981, %parallel_loop3A_985 : vector<16xf32>
      %parallel_loop3A_987 = arith.addf %parallel_loop3A_977, %parallel_loop3A_986 : vector<16xf32>
      %parallel_loop3A_988 = arith.index_cast %parallel_loop3A_800 : i32 to index
      %parallel_loop3A_989 = arith.constant 112 : index
      %parallel_loop3A_990 = tpu.vector_load %arg26[%parallel_loop3A_988, %parallel_loop3A_989] {strides = array<i32>} : memref<32x128xf32, #tpu.memory_space<vmem>>, vector<1x16xf32>,
      %parallel_loop3A_991 = vector.shape_cast %parallel_loop3A_990 : vector<1x16xf32> to vector<16xf32>
      %parallel_loop3A_992 = vector.shape_cast %parallel_loop3A_987 : vector<16xf32> to vector<1x16xf32>
      tpu.vector_store %arg26[%parallel_loop3A_988, %parallel_loop3A_989], %parallel_loop3A_992 {strides = array<i32>} : memref<32x128xf32, #tpu.memory_space<vmem>>, vector<1x16xf32>,
    } {sc.loop_unroll_factor = 1 : i64, sc.parallel_access}
    "tpu.trace_stop"() : () -> ()
    %add3A_680 = arith.constant 160 : i32
    %add3A_681 = arith.addi %mul3A_2, %add3A_680 : i32
    %dma_start3A_682 = arith.constant 0 : i32
    %dma_start3A_683 = tpu.memref_slice %arg7[%add3A_681, %dma_start3A_682] : memref<8192x128xf32, #tpu.memory_space<hbm>> -> memref<32x128xf32, #tpu.memory_space<hbm>>
    %dma_start3A_684 = arith.constant 0 : i32
    %dma_start3A_685 = tpu.memref_slice %arg7[%add3A_681, %dma_start3A_684] : memref<8192x128xf32, #tpu.memory_space<hbm>> -> memref<32x128xf32, #tpu.memory_space<hbm>>
    tpu.enqueue_dma source(%arg26 : memref<32x128xf32, #tpu.memory_space<vmem>>) target(%dma_start3A_685 : memref<32x128xf32, #tpu.memory_space<hbm>>) target_semaphore(%arg33 : memref<!tpu.dma_semaphore, #tpu.memory_space<semaphore_mem>>)
    %dma_wait3A_686 = arith.constant 0 : i32
    "tpu.trace_start"() <{level = 10 : i32, message = "wait6"}> : () -> ()
    %dma_wait3A_687 = arith.constant 192 : i32
    %dma_wait3A_688 = tpu.memref_slice %arg8[%dma_wait3A_687] : memref<1024xi32, #tpu.memory_space<vmem>> -> memref<32xi32, #tpu.memory_space<vmem>>
    %dma_wait3A_689 = arith.constant 0 : i32
    %dma_wait3A_690 = arith.constant 0 : i32
    %dma_wait3A_691 = tpu.memref_slice %arg6[%dma_wait3A_686, %dma_wait3A_689, %dma_wait3A_690] : memref<4x100000x128xf32, #tpu.memory_space<hbm>> -> memref<1x100000x128xf32, #tpu.memory_space<hbm>>
    %dma_wait3A_692 = tpu.memref_squeeze %dma_wait3A_691 : memref<1x100000x128xf32, #tpu.memory_space<hbm>> -> memref<100000x128xf32, #tpu.memory_space<hbm>>
    %dma_wait3A_693 = arith.constant 0 : i32
    %dma_wait3A_694 = arith.constant 0 : i32
    %dma_wait3A_695 = tpu.memref_slice %dma_wait3A_692[%dma_wait3A_693, %dma_wait3A_694] : memref<100000x128xf32, #tpu.memory_space<hbm>> -> memref<100000x128xf32, #tpu.memory_space<hbm>>
    tpu.wait_indirect_dma semaphore(%arg30 : memref<!tpu.dma_semaphore, #tpu.memory_space<semaphore_mem>>) src(%dma_wait3A_695 : memref<100000x128xf32, #tpu.memory_space<hbm>>) dst(%arg17 : memref<32x128xf32, #tpu.memory_space<vmem>>)
    %dma_wait3A_696 = arith.constant 1 : i32
    %dma_wait3A_697 = arith.constant 448 : i32
    %dma_wait3A_698 = tpu.memref_slice %arg8[%dma_wait3A_697] : memref<1024xi32, #tpu.memory_space<vmem>> -> memref<32xi32, #tpu.memory_space<vmem>>
    %dma_wait3A_699 = arith.constant 0 : i32
    %dma_wait3A_700 = arith.constant 0 : i32
    %dma_wait3A_701 = tpu.memref_slice %arg6[%dma_wait3A_696, %dma_wait3A_699, %dma_wait3A_700] : memref<4x100000x128xf32, #tpu.memory_space<hbm>> -> memref<1x100000x128xf32, #tpu.memory_space<hbm>>
    %dma_wait3A_702 = tpu.memref_squeeze %dma_wait3A_701 : memref<1x100000x128xf32, #tpu.memory_space<hbm>> -> memref<100000x128xf32, #tpu.memory_space<hbm>>
    %dma_wait3A_703 = arith.constant 0 : i32
    %dma_wait3A_704 = arith.constant 0 : i32
    %dma_wait3A_705 = tpu.memref_slice %dma_wait3A_702[%dma_wait3A_703, %dma_wait3A_704] : memref<100000x128xf32, #tpu.memory_space<hbm>> -> memref<100000x128xf32, #tpu.memory_space<hbm>>
    tpu.wait_indirect_dma semaphore(%arg30 : memref<!tpu.dma_semaphore, #tpu.memory_space<semaphore_mem>>) src(%dma_wait3A_705 : memref<100000x128xf32, #tpu.memory_space<hbm>>) dst(%arg18 : memref<32x128xf32, #tpu.memory_space<vmem>>)
    %dma_wait3A_706 = arith.constant 2 : i32
    %dma_wait3A_707 = arith.constant 704 : i32
    %dma_wait3A_708 = tpu.memref_slice %arg8[%dma_wait3A_707] : memref<1024xi32, #tpu.memory_space<vmem>> -> memref<32xi32, #tpu.memory_space<vmem>>
    %dma_wait3A_709 = arith.constant 0 : i32
    %dma_wait3A_710 = arith.constant 0 : i32
    %dma_wait3A_711 = tpu.memref_slice %arg6[%dma_wait3A_706, %dma_wait3A_709, %dma_wait3A_710] : memref<4x100000x128xf32, #tpu.memory_space<hbm>> -> memref<1x100000x128xf32, #tpu.memory_space<hbm>>
    %dma_wait3A_712 = tpu.memref_squeeze %dma_wait3A_711 : memref<1x100000x128xf32, #tpu.memory_space<hbm>> -> memref<100000x128xf32, #tpu.memory_space<hbm>>
    %dma_wait3A_713 = arith.constant 0 : i32
    %dma_wait3A_714 = arith.constant 0 : i32
    %dma_wait3A_715 = tpu.memref_slice %dma_wait3A_712[%dma_wait3A_713, %dma_wait3A_714] : memref<100000x128xf32, #tpu.memory_space<hbm>> -> memref<100000x128xf32, #tpu.memory_space<hbm>>
    tpu.wait_indirect_dma semaphore(%arg30 : memref<!tpu.dma_semaphore, #tpu.memory_space<semaphore_mem>>) src(%dma_wait3A_715 : memref<100000x128xf32, #tpu.memory_space<hbm>>) dst(%arg19 : memref<32x128xf32, #tpu.memory_space<vmem>>)
    %dma_wait3A_716 = arith.constant 3 : i32
    %dma_wait3A_717 = arith.constant 960 : i32
    %dma_wait3A_718 = tpu.memref_slice %arg8[%dma_wait3A_717] : memref<1024xi32, #tpu.memory_space<vmem>> -> memref<32xi32, #tpu.memory_space<vmem>>
    %dma_wait3A_719 = arith.constant 0 : i32
    %dma_wait3A_720 = arith.constant 0 : i32
    %dma_wait3A_721 = tpu.memref_slice %arg6[%dma_wait3A_716, %dma_wait3A_719, %dma_wait3A_720] : memref<4x100000x128xf32, #tpu.memory_space<hbm>> -> memref<1x100000x128xf32, #tpu.memory_space<hbm>>
    %dma_wait3A_722 = tpu.memref_squeeze %dma_wait3A_721 : memref<1x100000x128xf32, #tpu.memory_space<hbm>> -> memref<100000x128xf32, #tpu.memory_space<hbm>>
    %dma_wait3A_723 = arith.constant 0 : i32
    %dma_wait3A_724 = arith.constant 0 : i32
    %dma_wait3A_725 = tpu.memref_slice %dma_wait3A_722[%dma_wait3A_723, %dma_wait3A_724] : memref<100000x128xf32, #tpu.memory_space<hbm>> -> memref<100000x128xf32, #tpu.memory_space<hbm>>
    tpu.wait_indirect_dma semaphore(%arg30 : memref<!tpu.dma_semaphore, #tpu.memory_space<semaphore_mem>>) src(%dma_wait3A_725 : memref<100000x128xf32, #tpu.memory_space<hbm>>) dst(%arg20 : memref<32x128xf32, #tpu.memory_space<vmem>>)
    %dma_wait3A_726 = arith.constant 0 : i32
    %dma_wait3A_727 = tpu.memref_slice %arg7[%add3A_628, %dma_wait3A_726] : memref<8192x128xf32, #tpu.memory_space<hbm>> -> memref<32x128xf32, #tpu.memory_space<hbm>>
    %dma_wait3A_728 = arith.constant 0 : i32
    %dma_wait3A_729 = tpu.memref_slice %arg7[%add3A_628, %dma_wait3A_728] : memref<8192x128xf32, #tpu.memory_space<hbm>> -> memref<32x128xf32, #tpu.memory_space<hbm>>
    tpu.wait_dma2 semaphore(%arg32 : memref<!tpu.dma_semaphore, #tpu.memory_space<semaphore_mem>>) src(%arg25 : memref<32x128xf32, #tpu.memory_space<vmem>>) dst(%dma_wait3A_729 : memref<32x128xf32, #tpu.memory_space<hbm>>)
    %parallel_loop3A_730 = arith.constant 0 : i32
    %parallel_loop3A_731 = arith.constant 32 : i32
    %parallel_loop3A_732 = arith.constant 1 : i32
    "tpu.trace_stop"() : () -> ()
    "tpu.trace_start"() <{level = 10 : i32, message = "sum6"}> : () -> ()
    scf.for %parallel_loop3A_800 = %parallel_loop3A_730 to %parallel_loop3A_731 step %parallel_loop3A_732  : i32 {
      %parallel_loop3A_801 = arith.index_cast %parallel_loop3A_800 : i32 to index
      %parallel_loop3A_802 = arith.constant 0 : index
      %parallel_loop3A_803 = tpu.vector_load %arg17[%parallel_loop3A_801, %parallel_loop3A_802] {strides = array<i32>} : memref<32x128xf32, #tpu.memory_space<vmem>>, vector<1x16xf32>,
      %parallel_loop3A_804 = vector.shape_cast %parallel_loop3A_803 : vector<1x16xf32> to vector<16xf32>
      %parallel_loop3A_805 = arith.index_cast %parallel_loop3A_800 : i32 to index
      %parallel_loop3A_806 = arith.constant 0 : index
      %parallel_loop3A_807 = tpu.vector_load %arg18[%parallel_loop3A_805, %parallel_loop3A_806] {strides = array<i32>} : memref<32x128xf32, #tpu.memory_space<vmem>>, vector<1x16xf32>,
      %parallel_loop3A_808 = vector.shape_cast %parallel_loop3A_807 : vector<1x16xf32> to vector<16xf32>
      %parallel_loop3A_809 = arith.addf %parallel_loop3A_804, %parallel_loop3A_808 : vector<16xf32>
      %parallel_loop3A_810 = arith.index_cast %parallel_loop3A_800 : i32 to index
      %parallel_loop3A_811 = arith.constant 0 : index
      %parallel_loop3A_812 = tpu.vector_load %arg19[%parallel_loop3A_810, %parallel_loop3A_811] {strides = array<i32>} : memref<32x128xf32, #tpu.memory_space<vmem>>, vector<1x16xf32>,
      %parallel_loop3A_813 = vector.shape_cast %parallel_loop3A_812 : vector<1x16xf32> to vector<16xf32>
      %parallel_loop3A_814 = arith.index_cast %parallel_loop3A_800 : i32 to index
      %parallel_loop3A_815 = arith.constant 0 : index
      %parallel_loop3A_816 = tpu.vector_load %arg20[%parallel_loop3A_814, %parallel_loop3A_815] {strides = array<i32>} : memref<32x128xf32, #tpu.memory_space<vmem>>, vector<1x16xf32>,
      %parallel_loop3A_817 = vector.shape_cast %parallel_loop3A_816 : vector<1x16xf32> to vector<16xf32>
      %parallel_loop3A_818 = arith.addf %parallel_loop3A_813, %parallel_loop3A_817 : vector<16xf32>
      %parallel_loop3A_819 = arith.addf %parallel_loop3A_809, %parallel_loop3A_818 : vector<16xf32>
      %parallel_loop3A_820 = arith.index_cast %parallel_loop3A_800 : i32 to index
      %parallel_loop3A_821 = arith.constant 0 : index
      %parallel_loop3A_822 = tpu.vector_load %arg25[%parallel_loop3A_820, %parallel_loop3A_821] {strides = array<i32>} : memref<32x128xf32, #tpu.memory_space<vmem>>, vector<1x16xf32>,
      %parallel_loop3A_823 = vector.shape_cast %parallel_loop3A_822 : vector<1x16xf32> to vector<16xf32>
      %parallel_loop3A_824 = vector.shape_cast %parallel_loop3A_819 : vector<16xf32> to vector<1x16xf32>
      tpu.vector_store %arg25[%parallel_loop3A_820, %parallel_loop3A_821], %parallel_loop3A_824 {strides = array<i32>} : memref<32x128xf32, #tpu.memory_space<vmem>>, vector<1x16xf32>,
      %parallel_loop3A_825 = arith.index_cast %parallel_loop3A_800 : i32 to index
      %parallel_loop3A_826 = arith.constant 16 : index
      %parallel_loop3A_827 = tpu.vector_load %arg17[%parallel_loop3A_825, %parallel_loop3A_826] {strides = array<i32>} : memref<32x128xf32, #tpu.memory_space<vmem>>, vector<1x16xf32>,
      %parallel_loop3A_828 = vector.shape_cast %parallel_loop3A_827 : vector<1x16xf32> to vector<16xf32>
      %parallel_loop3A_829 = arith.index_cast %parallel_loop3A_800 : i32 to index
      %parallel_loop3A_830 = arith.constant 16 : index
      %parallel_loop3A_831 = tpu.vector_load %arg18[%parallel_loop3A_829, %parallel_loop3A_830] {strides = array<i32>} : memref<32x128xf32, #tpu.memory_space<vmem>>, vector<1x16xf32>,
      %parallel_loop3A_832 = vector.shape_cast %parallel_loop3A_831 : vector<1x16xf32> to vector<16xf32>
      %parallel_loop3A_833 = arith.addf %parallel_loop3A_828, %parallel_loop3A_832 : vector<16xf32>
      %parallel_loop3A_834 = arith.index_cast %parallel_loop3A_800 : i32 to index
      %parallel_loop3A_835 = arith.constant 16 : index
      %parallel_loop3A_836 = tpu.vector_load %arg19[%parallel_loop3A_834, %parallel_loop3A_835] {strides = array<i32>} : memref<32x128xf32, #tpu.memory_space<vmem>>, vector<1x16xf32>,
      %parallel_loop3A_837 = vector.shape_cast %parallel_loop3A_836 : vector<1x16xf32> to vector<16xf32>
      %parallel_loop3A_838 = arith.index_cast %parallel_loop3A_800 : i32 to index
      %parallel_loop3A_839 = arith.constant 16 : index
      %parallel_loop3A_840 = tpu.vector_load %arg20[%parallel_loop3A_838, %parallel_loop3A_839] {strides = array<i32>} : memref<32x128xf32, #tpu.memory_space<vmem>>, vector<1x16xf32>,
      %parallel_loop3A_841 = vector.shape_cast %parallel_loop3A_840 : vector<1x16xf32> to vector<16xf32>
      %parallel_loop3A_842 = arith.addf %parallel_loop3A_837, %parallel_loop3A_841 : vector<16xf32>
      %parallel_loop3A_843 = arith.addf %parallel_loop3A_833, %parallel_loop3A_842 : vector<16xf32>
      %parallel_loop3A_844 = arith.index_cast %parallel_loop3A_800 : i32 to index
      %parallel_loop3A_845 = arith.constant 16 : index
      %parallel_loop3A_846 = tpu.vector_load %arg25[%parallel_loop3A_844, %parallel_loop3A_845] {strides = array<i32>} : memref<32x128xf32, #tpu.memory_space<vmem>>, vector<1x16xf32>,
      %parallel_loop3A_847 = vector.shape_cast %parallel_loop3A_846 : vector<1x16xf32> to vector<16xf32>
      %parallel_loop3A_848 = vector.shape_cast %parallel_loop3A_843 : vector<16xf32> to vector<1x16xf32>
      tpu.vector_store %arg25[%parallel_loop3A_844, %parallel_loop3A_845], %parallel_loop3A_848 {strides = array<i32>} : memref<32x128xf32, #tpu.memory_space<vmem>>, vector<1x16xf32>,
      %parallel_loop3A_849 = arith.index_cast %parallel_loop3A_800 : i32 to index
      %parallel_loop3A_850 = arith.constant 32 : index
      %parallel_loop3A_851 = tpu.vector_load %arg17[%parallel_loop3A_849, %parallel_loop3A_850] {strides = array<i32>} : memref<32x128xf32, #tpu.memory_space<vmem>>, vector<1x16xf32>,
      %parallel_loop3A_852 = vector.shape_cast %parallel_loop3A_851 : vector<1x16xf32> to vector<16xf32>
      %parallel_loop3A_853 = arith.index_cast %parallel_loop3A_800 : i32 to index
      %parallel_loop3A_854 = arith.constant 32 : index
      %parallel_loop3A_855 = tpu.vector_load %arg18[%parallel_loop3A_853, %parallel_loop3A_854] {strides = array<i32>} : memref<32x128xf32, #tpu.memory_space<vmem>>, vector<1x16xf32>,
      %parallel_loop3A_856 = vector.shape_cast %parallel_loop3A_855 : vector<1x16xf32> to vector<16xf32>
      %parallel_loop3A_857 = arith.addf %parallel_loop3A_852, %parallel_loop3A_856 : vector<16xf32>
      %parallel_loop3A_858 = arith.index_cast %parallel_loop3A_800 : i32 to index
      %parallel_loop3A_859 = arith.constant 32 : index
      %parallel_loop3A_860 = tpu.vector_load %arg19[%parallel_loop3A_858, %parallel_loop3A_859] {strides = array<i32>} : memref<32x128xf32, #tpu.memory_space<vmem>>, vector<1x16xf32>,
      %parallel_loop3A_861 = vector.shape_cast %parallel_loop3A_860 : vector<1x16xf32> to vector<16xf32>
      %parallel_loop3A_862 = arith.index_cast %parallel_loop3A_800 : i32 to index
      %parallel_loop3A_863 = arith.constant 32 : index
      %parallel_loop3A_864 = tpu.vector_load %arg20[%parallel_loop3A_862, %parallel_loop3A_863] {strides = array<i32>} : memref<32x128xf32, #tpu.memory_space<vmem>>, vector<1x16xf32>,
      %parallel_loop3A_865 = vector.shape_cast %parallel_loop3A_864 : vector<1x16xf32> to vector<16xf32>
      %parallel_loop3A_866 = arith.addf %parallel_loop3A_861, %parallel_loop3A_865 : vector<16xf32>
      %parallel_loop3A_867 = arith.addf %parallel_loop3A_857, %parallel_loop3A_866 : vector<16xf32>
      %parallel_loop3A_868 = arith.index_cast %parallel_loop3A_800 : i32 to index
      %parallel_loop3A_869 = arith.constant 32 : index
      %parallel_loop3A_870 = tpu.vector_load %arg25[%parallel_loop3A_868, %parallel_loop3A_869] {strides = array<i32>} : memref<32x128xf32, #tpu.memory_space<vmem>>, vector<1x16xf32>,
      %parallel_loop3A_871 = vector.shape_cast %parallel_loop3A_870 : vector<1x16xf32> to vector<16xf32>
      %parallel_loop3A_872 = vector.shape_cast %parallel_loop3A_867 : vector<16xf32> to vector<1x16xf32>
      tpu.vector_store %arg25[%parallel_loop3A_868, %parallel_loop3A_869], %parallel_loop3A_872 {strides = array<i32>} : memref<32x128xf32, #tpu.memory_space<vmem>>, vector<1x16xf32>,
      %parallel_loop3A_873 = arith.index_cast %parallel_loop3A_800 : i32 to index
      %parallel_loop3A_874 = arith.constant 48 : index
      %parallel_loop3A_875 = tpu.vector_load %arg17[%parallel_loop3A_873, %parallel_loop3A_874] {strides = array<i32>} : memref<32x128xf32, #tpu.memory_space<vmem>>, vector<1x16xf32>,
      %parallel_loop3A_876 = vector.shape_cast %parallel_loop3A_875 : vector<1x16xf32> to vector<16xf32>
      %parallel_loop3A_877 = arith.index_cast %parallel_loop3A_800 : i32 to index
      %parallel_loop3A_878 = arith.constant 48 : index
      %parallel_loop3A_879 = tpu.vector_load %arg18[%parallel_loop3A_877, %parallel_loop3A_878] {strides = array<i32>} : memref<32x128xf32, #tpu.memory_space<vmem>>, vector<1x16xf32>,
      %parallel_loop3A_880 = vector.shape_cast %parallel_loop3A_879 : vector<1x16xf32> to vector<16xf32>
      %parallel_loop3A_881 = arith.addf %parallel_loop3A_876, %parallel_loop3A_880 : vector<16xf32>
      %parallel_loop3A_882 = arith.index_cast %parallel_loop3A_800 : i32 to index
      %parallel_loop3A_883 = arith.constant 48 : index
      %parallel_loop3A_884 = tpu.vector_load %arg19[%parallel_loop3A_882, %parallel_loop3A_883] {strides = array<i32>} : memref<32x128xf32, #tpu.memory_space<vmem>>, vector<1x16xf32>,
      %parallel_loop3A_885 = vector.shape_cast %parallel_loop3A_884 : vector<1x16xf32> to vector<16xf32>
      %parallel_loop3A_886 = arith.index_cast %parallel_loop3A_800 : i32 to index
      %parallel_loop3A_887 = arith.constant 48 : index
      %parallel_loop3A_888 = tpu.vector_load %arg20[%parallel_loop3A_886, %parallel_loop3A_887] {strides = array<i32>} : memref<32x128xf32, #tpu.memory_space<vmem>>, vector<1x16xf32>,
      %parallel_loop3A_889 = vector.shape_cast %parallel_loop3A_888 : vector<1x16xf32> to vector<16xf32>
      %parallel_loop3A_890 = arith.addf %parallel_loop3A_885, %parallel_loop3A_889 : vector<16xf32>
      %parallel_loop3A_891 = arith.addf %parallel_loop3A_881, %parallel_loop3A_890 : vector<16xf32>
      %parallel_loop3A_892 = arith.index_cast %parallel_loop3A_800 : i32 to index
      %parallel_loop3A_893 = arith.constant 48 : index
      %parallel_loop3A_894 = tpu.vector_load %arg25[%parallel_loop3A_892, %parallel_loop3A_893] {strides = array<i32>} : memref<32x128xf32, #tpu.memory_space<vmem>>, vector<1x16xf32>,
      %parallel_loop3A_895 = vector.shape_cast %parallel_loop3A_894 : vector<1x16xf32> to vector<16xf32>
      %parallel_loop3A_896 = vector.shape_cast %parallel_loop3A_891 : vector<16xf32> to vector<1x16xf32>
      tpu.vector_store %arg25[%parallel_loop3A_892, %parallel_loop3A_893], %parallel_loop3A_896 {strides = array<i32>} : memref<32x128xf32, #tpu.memory_space<vmem>>, vector<1x16xf32>,
      %parallel_loop3A_897 = arith.index_cast %parallel_loop3A_800 : i32 to index
      %parallel_loop3A_898 = arith.constant 64 : index
      %parallel_loop3A_899 = tpu.vector_load %arg17[%parallel_loop3A_897, %parallel_loop3A_898] {strides = array<i32>} : memref<32x128xf32, #tpu.memory_space<vmem>>, vector<1x16xf32>,
      %parallel_loop3A_900 = vector.shape_cast %parallel_loop3A_899 : vector<1x16xf32> to vector<16xf32>
      %parallel_loop3A_901 = arith.index_cast %parallel_loop3A_800 : i32 to index
      %parallel_loop3A_902 = arith.constant 64 : index
      %parallel_loop3A_903 = tpu.vector_load %arg18[%parallel_loop3A_901, %parallel_loop3A_902] {strides = array<i32>} : memref<32x128xf32, #tpu.memory_space<vmem>>, vector<1x16xf32>,
      %parallel_loop3A_904 = vector.shape_cast %parallel_loop3A_903 : vector<1x16xf32> to vector<16xf32>
      %parallel_loop3A_905 = arith.addf %parallel_loop3A_900, %parallel_loop3A_904 : vector<16xf32>
      %parallel_loop3A_906 = arith.index_cast %parallel_loop3A_800 : i32 to index
      %parallel_loop3A_907 = arith.constant 64 : index
      %parallel_loop3A_908 = tpu.vector_load %arg19[%parallel_loop3A_906, %parallel_loop3A_907] {strides = array<i32>} : memref<32x128xf32, #tpu.memory_space<vmem>>, vector<1x16xf32>,
      %parallel_loop3A_909 = vector.shape_cast %parallel_loop3A_908 : vector<1x16xf32> to vector<16xf32>
      %parallel_loop3A_910 = arith.index_cast %parallel_loop3A_800 : i32 to index
      %parallel_loop3A_911 = arith.constant 64 : index
      %parallel_loop3A_912 = tpu.vector_load %arg20[%parallel_loop3A_910, %parallel_loop3A_911] {strides = array<i32>} : memref<32x128xf32, #tpu.memory_space<vmem>>, vector<1x16xf32>,
      %parallel_loop3A_913 = vector.shape_cast %parallel_loop3A_912 : vector<1x16xf32> to vector<16xf32>
      %parallel_loop3A_914 = arith.addf %parallel_loop3A_909, %parallel_loop3A_913 : vector<16xf32>
      %parallel_loop3A_915 = arith.addf %parallel_loop3A_905, %parallel_loop3A_914 : vector<16xf32>
      %parallel_loop3A_916 = arith.index_cast %parallel_loop3A_800 : i32 to index
      %parallel_loop3A_917 = arith.constant 64 : index
      %parallel_loop3A_918 = tpu.vector_load %arg25[%parallel_loop3A_916, %parallel_loop3A_917] {strides = array<i32>} : memref<32x128xf32, #tpu.memory_space<vmem>>, vector<1x16xf32>,
      %parallel_loop3A_919 = vector.shape_cast %parallel_loop3A_918 : vector<1x16xf32> to vector<16xf32>
      %parallel_loop3A_920 = vector.shape_cast %parallel_loop3A_915 : vector<16xf32> to vector<1x16xf32>
      tpu.vector_store %arg25[%parallel_loop3A_916, %parallel_loop3A_917], %parallel_loop3A_920 {strides = array<i32>} : memref<32x128xf32, #tpu.memory_space<vmem>>, vector<1x16xf32>,
      %parallel_loop3A_921 = arith.index_cast %parallel_loop3A_800 : i32 to index
      %parallel_loop3A_922 = arith.constant 80 : index
      %parallel_loop3A_923 = tpu.vector_load %arg17[%parallel_loop3A_921, %parallel_loop3A_922] {strides = array<i32>} : memref<32x128xf32, #tpu.memory_space<vmem>>, vector<1x16xf32>,
      %parallel_loop3A_924 = vector.shape_cast %parallel_loop3A_923 : vector<1x16xf32> to vector<16xf32>
      %parallel_loop3A_925 = arith.index_cast %parallel_loop3A_800 : i32 to index
      %parallel_loop3A_926 = arith.constant 80 : index
      %parallel_loop3A_927 = tpu.vector_load %arg18[%parallel_loop3A_925, %parallel_loop3A_926] {strides = array<i32>} : memref<32x128xf32, #tpu.memory_space<vmem>>, vector<1x16xf32>,
      %parallel_loop3A_928 = vector.shape_cast %parallel_loop3A_927 : vector<1x16xf32> to vector<16xf32>
      %parallel_loop3A_929 = arith.addf %parallel_loop3A_924, %parallel_loop3A_928 : vector<16xf32>
      %parallel_loop3A_930 = arith.index_cast %parallel_loop3A_800 : i32 to index
      %parallel_loop3A_931 = arith.constant 80 : index
      %parallel_loop3A_932 = tpu.vector_load %arg19[%parallel_loop3A_930, %parallel_loop3A_931] {strides = array<i32>} : memref<32x128xf32, #tpu.memory_space<vmem>>, vector<1x16xf32>,
      %parallel_loop3A_933 = vector.shape_cast %parallel_loop3A_932 : vector<1x16xf32> to vector<16xf32>
      %parallel_loop3A_934 = arith.index_cast %parallel_loop3A_800 : i32 to index
      %parallel_loop3A_935 = arith.constant 80 : index
      %parallel_loop3A_936 = tpu.vector_load %arg20[%parallel_loop3A_934, %parallel_loop3A_935] {strides = array<i32>} : memref<32x128xf32, #tpu.memory_space<vmem>>, vector<1x16xf32>,
      %parallel_loop3A_937 = vector.shape_cast %parallel_loop3A_936 : vector<1x16xf32> to vector<16xf32>
      %parallel_loop3A_938 = arith.addf %parallel_loop3A_933, %parallel_loop3A_937 : vector<16xf32>
      %parallel_loop3A_939 = arith.addf %parallel_loop3A_929, %parallel_loop3A_938 : vector<16xf32>
      %parallel_loop3A_940 = arith.index_cast %parallel_loop3A_800 : i32 to index
      %parallel_loop3A_941 = arith.constant 80 : index
      %parallel_loop3A_942 = tpu.vector_load %arg25[%parallel_loop3A_940, %parallel_loop3A_941] {strides = array<i32>} : memref<32x128xf32, #tpu.memory_space<vmem>>, vector<1x16xf32>,
      %parallel_loop3A_943 = vector.shape_cast %parallel_loop3A_942 : vector<1x16xf32> to vector<16xf32>
      %parallel_loop3A_944 = vector.shape_cast %parallel_loop3A_939 : vector<16xf32> to vector<1x16xf32>
      tpu.vector_store %arg25[%parallel_loop3A_940, %parallel_loop3A_941], %parallel_loop3A_944 {strides = array<i32>} : memref<32x128xf32, #tpu.memory_space<vmem>>, vector<1x16xf32>,
      %parallel_loop3A_945 = arith.index_cast %parallel_loop3A_800 : i32 to index
      %parallel_loop3A_946 = arith.constant 96 : index
      %parallel_loop3A_947 = tpu.vector_load %arg17[%parallel_loop3A_945, %parallel_loop3A_946] {strides = array<i32>} : memref<32x128xf32, #tpu.memory_space<vmem>>, vector<1x16xf32>,
      %parallel_loop3A_948 = vector.shape_cast %parallel_loop3A_947 : vector<1x16xf32> to vector<16xf32>
      %parallel_loop3A_949 = arith.index_cast %parallel_loop3A_800 : i32 to index
      %parallel_loop3A_950 = arith.constant 96 : index
      %parallel_loop3A_951 = tpu.vector_load %arg18[%parallel_loop3A_949, %parallel_loop3A_950] {strides = array<i32>} : memref<32x128xf32, #tpu.memory_space<vmem>>, vector<1x16xf32>,
      %parallel_loop3A_952 = vector.shape_cast %parallel_loop3A_951 : vector<1x16xf32> to vector<16xf32>
      %parallel_loop3A_953 = arith.addf %parallel_loop3A_948, %parallel_loop3A_952 : vector<16xf32>
      %parallel_loop3A_954 = arith.index_cast %parallel_loop3A_800 : i32 to index
      %parallel_loop3A_955 = arith.constant 96 : index
      %parallel_loop3A_956 = tpu.vector_load %arg19[%parallel_loop3A_954, %parallel_loop3A_955] {strides = array<i32>} : memref<32x128xf32, #tpu.memory_space<vmem>>, vector<1x16xf32>,
      %parallel_loop3A_957 = vector.shape_cast %parallel_loop3A_956 : vector<1x16xf32> to vector<16xf32>
      %parallel_loop3A_958 = arith.index_cast %parallel_loop3A_800 : i32 to index
      %parallel_loop3A_959 = arith.constant 96 : index
      %parallel_loop3A_960 = tpu.vector_load %arg20[%parallel_loop3A_958, %parallel_loop3A_959] {strides = array<i32>} : memref<32x128xf32, #tpu.memory_space<vmem>>, vector<1x16xf32>,
      %parallel_loop3A_961 = vector.shape_cast %parallel_loop3A_960 : vector<1x16xf32> to vector<16xf32>
      %parallel_loop3A_962 = arith.addf %parallel_loop3A_957, %parallel_loop3A_961 : vector<16xf32>
      %parallel_loop3A_963 = arith.addf %parallel_loop3A_953, %parallel_loop3A_962 : vector<16xf32>
      %parallel_loop3A_964 = arith.index_cast %parallel_loop3A_800 : i32 to index
      %parallel_loop3A_965 = arith.constant 96 : index
      %parallel_loop3A_966 = tpu.vector_load %arg25[%parallel_loop3A_964, %parallel_loop3A_965] {strides = array<i32>} : memref<32x128xf32, #tpu.memory_space<vmem>>, vector<1x16xf32>,
      %parallel_loop3A_967 = vector.shape_cast %parallel_loop3A_966 : vector<1x16xf32> to vector<16xf32>
      %parallel_loop3A_968 = vector.shape_cast %parallel_loop3A_963 : vector<16xf32> to vector<1x16xf32>
      tpu.vector_store %arg25[%parallel_loop3A_964, %parallel_loop3A_965], %parallel_loop3A_968 {strides = array<i32>} : memref<32x128xf32, #tpu.memory_space<vmem>>, vector<1x16xf32>,
      %parallel_loop3A_969 = arith.index_cast %parallel_loop3A_800 : i32 to index
      %parallel_loop3A_970 = arith.constant 112 : index
      %parallel_loop3A_971 = tpu.vector_load %arg17[%parallel_loop3A_969, %parallel_loop3A_970] {strides = array<i32>} : memref<32x128xf32, #tpu.memory_space<vmem>>, vector<1x16xf32>,
      %parallel_loop3A_972 = vector.shape_cast %parallel_loop3A_971 : vector<1x16xf32> to vector<16xf32>
      %parallel_loop3A_973 = arith.index_cast %parallel_loop3A_800 : i32 to index
      %parallel_loop3A_974 = arith.constant 112 : index
      %parallel_loop3A_975 = tpu.vector_load %arg18[%parallel_loop3A_973, %parallel_loop3A_974] {strides = array<i32>} : memref<32x128xf32, #tpu.memory_space<vmem>>, vector<1x16xf32>,
      %parallel_loop3A_976 = vector.shape_cast %parallel_loop3A_975 : vector<1x16xf32> to vector<16xf32>
      %parallel_loop3A_977 = arith.addf %parallel_loop3A_972, %parallel_loop3A_976 : vector<16xf32>
      %parallel_loop3A_978 = arith.index_cast %parallel_loop3A_800 : i32 to index
      %parallel_loop3A_979 = arith.constant 112 : index
      %parallel_loop3A_980 = tpu.vector_load %arg19[%parallel_loop3A_978, %parallel_loop3A_979] {strides = array<i32>} : memref<32x128xf32, #tpu.memory_space<vmem>>, vector<1x16xf32>,
      %parallel_loop3A_981 = vector.shape_cast %parallel_loop3A_980 : vector<1x16xf32> to vector<16xf32>
      %parallel_loop3A_982 = arith.index_cast %parallel_loop3A_800 : i32 to index
      %parallel_loop3A_983 = arith.constant 112 : index
      %parallel_loop3A_984 = tpu.vector_load %arg20[%parallel_loop3A_982, %parallel_loop3A_983] {strides = array<i32>} : memref<32x128xf32, #tpu.memory_space<vmem>>, vector<1x16xf32>,
      %parallel_loop3A_985 = vector.shape_cast %parallel_loop3A_984 : vector<1x16xf32> to vector<16xf32>
      %parallel_loop3A_986 = arith.addf %parallel_loop3A_981, %parallel_loop3A_985 : vector<16xf32>
      %parallel_loop3A_987 = arith.addf %parallel_loop3A_977, %parallel_loop3A_986 : vector<16xf32>
      %parallel_loop3A_988 = arith.index_cast %parallel_loop3A_800 : i32 to index
      %parallel_loop3A_989 = arith.constant 112 : index
      %parallel_loop3A_990 = tpu.vector_load %arg25[%parallel_loop3A_988, %parallel_loop3A_989] {strides = array<i32>} : memref<32x128xf32, #tpu.memory_space<vmem>>, vector<1x16xf32>,
      %parallel_loop3A_991 = vector.shape_cast %parallel_loop3A_990 : vector<1x16xf32> to vector<16xf32>
      %parallel_loop3A_992 = vector.shape_cast %parallel_loop3A_987 : vector<16xf32> to vector<1x16xf32>
      tpu.vector_store %arg25[%parallel_loop3A_988, %parallel_loop3A_989], %parallel_loop3A_992 {strides = array<i32>} : memref<32x128xf32, #tpu.memory_space<vmem>>, vector<1x16xf32>,
    } {sc.loop_unroll_factor = 1 : i64, sc.parallel_access}
    "tpu.trace_stop"() : () -> ()
    %add3A_733 = arith.constant 192 : i32
    %add3A_734 = arith.addi %mul3A_2, %add3A_733 : i32
    %dma_start3A_735 = arith.constant 0 : i32
    %dma_start3A_736 = tpu.memref_slice %arg7[%add3A_734, %dma_start3A_735] : memref<8192x128xf32, #tpu.memory_space<hbm>> -> memref<32x128xf32, #tpu.memory_space<hbm>>
    %dma_start3A_737 = arith.constant 0 : i32
    %dma_start3A_738 = tpu.memref_slice %arg7[%add3A_734, %dma_start3A_737] : memref<8192x128xf32, #tpu.memory_space<hbm>> -> memref<32x128xf32, #tpu.memory_space<hbm>>
    tpu.enqueue_dma source(%arg25 : memref<32x128xf32, #tpu.memory_space<vmem>>) target(%dma_start3A_738 : memref<32x128xf32, #tpu.memory_space<hbm>>) target_semaphore(%arg32 : memref<!tpu.dma_semaphore, #tpu.memory_space<semaphore_mem>>)
    %dma_wait3A_739 = arith.constant 0 : i32
    "tpu.trace_start"() <{level = 10 : i32, message = "wait7"}> : () -> ()
    %dma_wait3A_740 = arith.constant 224 : i32
    %dma_wait3A_741 = tpu.memref_slice %arg8[%dma_wait3A_740] : memref<1024xi32, #tpu.memory_space<vmem>> -> memref<32xi32, #tpu.memory_space<vmem>>
    %dma_wait3A_742 = arith.constant 0 : i32
    %dma_wait3A_743 = arith.constant 0 : i32
    %dma_wait3A_744 = tpu.memref_slice %arg6[%dma_wait3A_739, %dma_wait3A_742, %dma_wait3A_743] : memref<4x100000x128xf32, #tpu.memory_space<hbm>> -> memref<1x100000x128xf32, #tpu.memory_space<hbm>>
    %dma_wait3A_745 = tpu.memref_squeeze %dma_wait3A_744 : memref<1x100000x128xf32, #tpu.memory_space<hbm>> -> memref<100000x128xf32, #tpu.memory_space<hbm>>
    %dma_wait3A_746 = arith.constant 0 : i32
    %dma_wait3A_747 = arith.constant 0 : i32
    %dma_wait3A_748 = tpu.memref_slice %dma_wait3A_745[%dma_wait3A_746, %dma_wait3A_747] : memref<100000x128xf32, #tpu.memory_space<hbm>> -> memref<100000x128xf32, #tpu.memory_space<hbm>>
    tpu.wait_indirect_dma semaphore(%arg31 : memref<!tpu.dma_semaphore, #tpu.memory_space<semaphore_mem>>) src(%dma_wait3A_748 : memref<100000x128xf32, #tpu.memory_space<hbm>>) dst(%arg21 : memref<32x128xf32, #tpu.memory_space<vmem>>)
    %dma_wait3A_749 = arith.constant 1 : i32
    %dma_wait3A_750 = arith.constant 480 : i32
    %dma_wait3A_751 = tpu.memref_slice %arg8[%dma_wait3A_750] : memref<1024xi32, #tpu.memory_space<vmem>> -> memref<32xi32, #tpu.memory_space<vmem>>
    %dma_wait3A_752 = arith.constant 0 : i32
    %dma_wait3A_753 = arith.constant 0 : i32
    %dma_wait3A_754 = tpu.memref_slice %arg6[%dma_wait3A_749, %dma_wait3A_752, %dma_wait3A_753] : memref<4x100000x128xf32, #tpu.memory_space<hbm>> -> memref<1x100000x128xf32, #tpu.memory_space<hbm>>
    %dma_wait3A_755 = tpu.memref_squeeze %dma_wait3A_754 : memref<1x100000x128xf32, #tpu.memory_space<hbm>> -> memref<100000x128xf32, #tpu.memory_space<hbm>>
    %dma_wait3A_756 = arith.constant 0 : i32
    %dma_wait3A_757 = arith.constant 0 : i32
    %dma_wait3A_758 = tpu.memref_slice %dma_wait3A_755[%dma_wait3A_756, %dma_wait3A_757] : memref<100000x128xf32, #tpu.memory_space<hbm>> -> memref<100000x128xf32, #tpu.memory_space<hbm>>
    tpu.wait_indirect_dma semaphore(%arg31 : memref<!tpu.dma_semaphore, #tpu.memory_space<semaphore_mem>>) src(%dma_wait3A_758 : memref<100000x128xf32, #tpu.memory_space<hbm>>) dst(%arg22 : memref<32x128xf32, #tpu.memory_space<vmem>>)
    %dma_wait3A_759 = arith.constant 2 : i32
    %dma_wait3A_760 = arith.constant 736 : i32
    %dma_wait3A_761 = tpu.memref_slice %arg8[%dma_wait3A_760] : memref<1024xi32, #tpu.memory_space<vmem>> -> memref<32xi32, #tpu.memory_space<vmem>>
    %dma_wait3A_762 = arith.constant 0 : i32
    %dma_wait3A_763 = arith.constant 0 : i32
    %dma_wait3A_764 = tpu.memref_slice %arg6[%dma_wait3A_759, %dma_wait3A_762, %dma_wait3A_763] : memref<4x100000x128xf32, #tpu.memory_space<hbm>> -> memref<1x100000x128xf32, #tpu.memory_space<hbm>>
    %dma_wait3A_765 = tpu.memref_squeeze %dma_wait3A_764 : memref<1x100000x128xf32, #tpu.memory_space<hbm>> -> memref<100000x128xf32, #tpu.memory_space<hbm>>
    %dma_wait3A_766 = arith.constant 0 : i32
    %dma_wait3A_767 = arith.constant 0 : i32
    %dma_wait3A_768 = tpu.memref_slice %dma_wait3A_765[%dma_wait3A_766, %dma_wait3A_767] : memref<100000x128xf32, #tpu.memory_space<hbm>> -> memref<100000x128xf32, #tpu.memory_space<hbm>>
    tpu.wait_indirect_dma semaphore(%arg31 : memref<!tpu.dma_semaphore, #tpu.memory_space<semaphore_mem>>) src(%dma_wait3A_768 : memref<100000x128xf32, #tpu.memory_space<hbm>>) dst(%arg23 : memref<32x128xf32, #tpu.memory_space<vmem>>)
    %dma_wait3A_769 = arith.constant 3 : i32
    %dma_wait3A_770 = arith.constant 992 : i32
    %dma_wait3A_771 = tpu.memref_slice %arg8[%dma_wait3A_770] : memref<1024xi32, #tpu.memory_space<vmem>> -> memref<32xi32, #tpu.memory_space<vmem>>
    %dma_wait3A_772 = arith.constant 0 : i32
    %dma_wait3A_773 = arith.constant 0 : i32
    %dma_wait3A_774 = tpu.memref_slice %arg6[%dma_wait3A_769, %dma_wait3A_772, %dma_wait3A_773] : memref<4x100000x128xf32, #tpu.memory_space<hbm>> -> memref<1x100000x128xf32, #tpu.memory_space<hbm>>
    %dma_wait3A_775 = tpu.memref_squeeze %dma_wait3A_774 : memref<1x100000x128xf32, #tpu.memory_space<hbm>> -> memref<100000x128xf32, #tpu.memory_space<hbm>>
    %dma_wait3A_776 = arith.constant 0 : i32
    %dma_wait3A_777 = arith.constant 0 : i32
    %dma_wait3A_778 = tpu.memref_slice %dma_wait3A_775[%dma_wait3A_776, %dma_wait3A_777] : memref<100000x128xf32, #tpu.memory_space<hbm>> -> memref<100000x128xf32, #tpu.memory_space<hbm>>
    tpu.wait_indirect_dma semaphore(%arg31 : memref<!tpu.dma_semaphore, #tpu.memory_space<semaphore_mem>>) src(%dma_wait3A_778 : memref<100000x128xf32, #tpu.memory_space<hbm>>) dst(%arg24 : memref<32x128xf32, #tpu.memory_space<vmem>>)
    %dma_wait3A_779 = arith.constant 0 : i32
    %dma_wait3A_780 = tpu.memref_slice %arg7[%add3A_681, %dma_wait3A_779] : memref<8192x128xf32, #tpu.memory_space<hbm>> -> memref<32x128xf32, #tpu.memory_space<hbm>>
    %dma_wait3A_781 = arith.constant 0 : i32
    %dma_wait3A_782 = tpu.memref_slice %arg7[%add3A_681, %dma_wait3A_781] : memref<8192x128xf32, #tpu.memory_space<hbm>> -> memref<32x128xf32, #tpu.memory_space<hbm>>
    tpu.wait_dma2 semaphore(%arg33 : memref<!tpu.dma_semaphore, #tpu.memory_space<semaphore_mem>>) src(%arg26 : memref<32x128xf32, #tpu.memory_space<vmem>>) dst(%dma_wait3A_782 : memref<32x128xf32, #tpu.memory_space<hbm>>)
    %parallel_loop3A_783 = arith.constant 0 : i32
    %parallel_loop3A_784 = arith.constant 32 : i32
    %parallel_loop3A_785 = arith.constant 1 : i32
    "tpu.trace_stop"() : () -> ()
    "tpu.trace_start"() <{level = 10 : i32, message = "sum7"}> : () -> ()
    scf.for %parallel_loop3A_800 = %parallel_loop3A_783 to %parallel_loop3A_784 step %parallel_loop3A_785  : i32 {
      %parallel_loop3A_801 = arith.index_cast %parallel_loop3A_800 : i32 to index
      %parallel_loop3A_802 = arith.constant 0 : index
      %parallel_loop3A_803 = tpu.vector_load %arg21[%parallel_loop3A_801, %parallel_loop3A_802] {strides = array<i32>} : memref<32x128xf32, #tpu.memory_space<vmem>>, vector<1x16xf32>,
      %parallel_loop3A_804 = vector.shape_cast %parallel_loop3A_803 : vector<1x16xf32> to vector<16xf32>
      %parallel_loop3A_805 = arith.index_cast %parallel_loop3A_800 : i32 to index
      %parallel_loop3A_806 = arith.constant 0 : index
      %parallel_loop3A_807 = tpu.vector_load %arg22[%parallel_loop3A_805, %parallel_loop3A_806] {strides = array<i32>} : memref<32x128xf32, #tpu.memory_space<vmem>>, vector<1x16xf32>,
      %parallel_loop3A_808 = vector.shape_cast %parallel_loop3A_807 : vector<1x16xf32> to vector<16xf32>
      %parallel_loop3A_809 = arith.addf %parallel_loop3A_804, %parallel_loop3A_808 : vector<16xf32>
      %parallel_loop3A_810 = arith.index_cast %parallel_loop3A_800 : i32 to index
      %parallel_loop3A_811 = arith.constant 0 : index
      %parallel_loop3A_812 = tpu.vector_load %arg23[%parallel_loop3A_810, %parallel_loop3A_811] {strides = array<i32>} : memref<32x128xf32, #tpu.memory_space<vmem>>, vector<1x16xf32>,
      %parallel_loop3A_813 = vector.shape_cast %parallel_loop3A_812 : vector<1x16xf32> to vector<16xf32>
      %parallel_loop3A_814 = arith.index_cast %parallel_loop3A_800 : i32 to index
      %parallel_loop3A_815 = arith.constant 0 : index
      %parallel_loop3A_816 = tpu.vector_load %arg24[%parallel_loop3A_814, %parallel_loop3A_815] {strides = array<i32>} : memref<32x128xf32, #tpu.memory_space<vmem>>, vector<1x16xf32>,
      %parallel_loop3A_817 = vector.shape_cast %parallel_loop3A_816 : vector<1x16xf32> to vector<16xf32>
      %parallel_loop3A_818 = arith.addf %parallel_loop3A_813, %parallel_loop3A_817 : vector<16xf32>
      %parallel_loop3A_819 = arith.addf %parallel_loop3A_809, %parallel_loop3A_818 : vector<16xf32>
      %parallel_loop3A_820 = arith.index_cast %parallel_loop3A_800 : i32 to index
      %parallel_loop3A_821 = arith.constant 0 : index
      %parallel_loop3A_822 = tpu.vector_load %arg26[%parallel_loop3A_820, %parallel_loop3A_821] {strides = array<i32>} : memref<32x128xf32, #tpu.memory_space<vmem>>, vector<1x16xf32>,
      %parallel_loop3A_823 = vector.shape_cast %parallel_loop3A_822 : vector<1x16xf32> to vector<16xf32>
      %parallel_loop3A_824 = vector.shape_cast %parallel_loop3A_819 : vector<16xf32> to vector<1x16xf32>
      tpu.vector_store %arg26[%parallel_loop3A_820, %parallel_loop3A_821], %parallel_loop3A_824 {strides = array<i32>} : memref<32x128xf32, #tpu.memory_space<vmem>>, vector<1x16xf32>,
      %parallel_loop3A_825 = arith.index_cast %parallel_loop3A_800 : i32 to index
      %parallel_loop3A_826 = arith.constant 16 : index
      %parallel_loop3A_827 = tpu.vector_load %arg21[%parallel_loop3A_825, %parallel_loop3A_826] {strides = array<i32>} : memref<32x128xf32, #tpu.memory_space<vmem>>, vector<1x16xf32>,
      %parallel_loop3A_828 = vector.shape_cast %parallel_loop3A_827 : vector<1x16xf32> to vector<16xf32>
      %parallel_loop3A_829 = arith.index_cast %parallel_loop3A_800 : i32 to index
      %parallel_loop3A_830 = arith.constant 16 : index
      %parallel_loop3A_831 = tpu.vector_load %arg22[%parallel_loop3A_829, %parallel_loop3A_830] {strides = array<i32>} : memref<32x128xf32, #tpu.memory_space<vmem>>, vector<1x16xf32>,
      %parallel_loop3A_832 = vector.shape_cast %parallel_loop3A_831 : vector<1x16xf32> to vector<16xf32>
      %parallel_loop3A_833 = arith.addf %parallel_loop3A_828, %parallel_loop3A_832 : vector<16xf32>
      %parallel_loop3A_834 = arith.index_cast %parallel_loop3A_800 : i32 to index
      %parallel_loop3A_835 = arith.constant 16 : index
      %parallel_loop3A_836 = tpu.vector_load %arg23[%parallel_loop3A_834, %parallel_loop3A_835] {strides = array<i32>} : memref<32x128xf32, #tpu.memory_space<vmem>>, vector<1x16xf32>,
      %parallel_loop3A_837 = vector.shape_cast %parallel_loop3A_836 : vector<1x16xf32> to vector<16xf32>
      %parallel_loop3A_838 = arith.index_cast %parallel_loop3A_800 : i32 to index
      %parallel_loop3A_839 = arith.constant 16 : index
      %parallel_loop3A_840 = tpu.vector_load %arg24[%parallel_loop3A_838, %parallel_loop3A_839] {strides = array<i32>} : memref<32x128xf32, #tpu.memory_space<vmem>>, vector<1x16xf32>,
      %parallel_loop3A_841 = vector.shape_cast %parallel_loop3A_840 : vector<1x16xf32> to vector<16xf32>
      %parallel_loop3A_842 = arith.addf %parallel_loop3A_837, %parallel_loop3A_841 : vector<16xf32>
      %parallel_loop3A_843 = arith.addf %parallel_loop3A_833, %parallel_loop3A_842 : vector<16xf32>
      %parallel_loop3A_844 = arith.index_cast %parallel_loop3A_800 : i32 to index
      %parallel_loop3A_845 = arith.constant 16 : index
      %parallel_loop3A_846 = tpu.vector_load %arg26[%parallel_loop3A_844, %parallel_loop3A_845] {strides = array<i32>} : memref<32x128xf32, #tpu.memory_space<vmem>>, vector<1x16xf32>,
      %parallel_loop3A_847 = vector.shape_cast %parallel_loop3A_846 : vector<1x16xf32> to vector<16xf32>
      %parallel_loop3A_848 = vector.shape_cast %parallel_loop3A_843 : vector<16xf32> to vector<1x16xf32>
      tpu.vector_store %arg26[%parallel_loop3A_844, %parallel_loop3A_845], %parallel_loop3A_848 {strides = array<i32>} : memref<32x128xf32, #tpu.memory_space<vmem>>, vector<1x16xf32>,
      %parallel_loop3A_849 = arith.index_cast %parallel_loop3A_800 : i32 to index
      %parallel_loop3A_850 = arith.constant 32 : index
      %parallel_loop3A_851 = tpu.vector_load %arg21[%parallel_loop3A_849, %parallel_loop3A_850] {strides = array<i32>} : memref<32x128xf32, #tpu.memory_space<vmem>>, vector<1x16xf32>,
      %parallel_loop3A_852 = vector.shape_cast %parallel_loop3A_851 : vector<1x16xf32> to vector<16xf32>
      %parallel_loop3A_853 = arith.index_cast %parallel_loop3A_800 : i32 to index
      %parallel_loop3A_854 = arith.constant 32 : index
      %parallel_loop3A_855 = tpu.vector_load %arg22[%parallel_loop3A_853, %parallel_loop3A_854] {strides = array<i32>} : memref<32x128xf32, #tpu.memory_space<vmem>>, vector<1x16xf32>,
      %parallel_loop3A_856 = vector.shape_cast %parallel_loop3A_855 : vector<1x16xf32> to vector<16xf32>
      %parallel_loop3A_857 = arith.addf %parallel_loop3A_852, %parallel_loop3A_856 : vector<16xf32>
      %parallel_loop3A_858 = arith.index_cast %parallel_loop3A_800 : i32 to index
      %parallel_loop3A_859 = arith.constant 32 : index
      %parallel_loop3A_860 = tpu.vector_load %arg23[%parallel_loop3A_858, %parallel_loop3A_859] {strides = array<i32>} : memref<32x128xf32, #tpu.memory_space<vmem>>, vector<1x16xf32>,
      %parallel_loop3A_861 = vector.shape_cast %parallel_loop3A_860 : vector<1x16xf32> to vector<16xf32>
      %parallel_loop3A_862 = arith.index_cast %parallel_loop3A_800 : i32 to index
      %parallel_loop3A_863 = arith.constant 32 : index
      %parallel_loop3A_864 = tpu.vector_load %arg24[%parallel_loop3A_862, %parallel_loop3A_863] {strides = array<i32>} : memref<32x128xf32, #tpu.memory_space<vmem>>, vector<1x16xf32>,
      %parallel_loop3A_865 = vector.shape_cast %parallel_loop3A_864 : vector<1x16xf32> to vector<16xf32>
      %parallel_loop3A_866 = arith.addf %parallel_loop3A_861, %parallel_loop3A_865 : vector<16xf32>
      %parallel_loop3A_867 = arith.addf %parallel_loop3A_857, %parallel_loop3A_866 : vector<16xf32>
      %parallel_loop3A_868 = arith.index_cast %parallel_loop3A_800 : i32 to index
      %parallel_loop3A_869 = arith.constant 32 : index
      %parallel_loop3A_870 = tpu.vector_load %arg26[%parallel_loop3A_868, %parallel_loop3A_869] {strides = array<i32>} : memref<32x128xf32, #tpu.memory_space<vmem>>, vector<1x16xf32>,
      %parallel_loop3A_871 = vector.shape_cast %parallel_loop3A_870 : vector<1x16xf32> to vector<16xf32>
      %parallel_loop3A_872 = vector.shape_cast %parallel_loop3A_867 : vector<16xf32> to vector<1x16xf32>
      tpu.vector_store %arg26[%parallel_loop3A_868, %parallel_loop3A_869], %parallel_loop3A_872 {strides = array<i32>} : memref<32x128xf32, #tpu.memory_space<vmem>>, vector<1x16xf32>,
      %parallel_loop3A_873 = arith.index_cast %parallel_loop3A_800 : i32 to index
      %parallel_loop3A_874 = arith.constant 48 : index
      %parallel_loop3A_875 = tpu.vector_load %arg21[%parallel_loop3A_873, %parallel_loop3A_874] {strides = array<i32>} : memref<32x128xf32, #tpu.memory_space<vmem>>, vector<1x16xf32>,
      %parallel_loop3A_876 = vector.shape_cast %parallel_loop3A_875 : vector<1x16xf32> to vector<16xf32>
      %parallel_loop3A_877 = arith.index_cast %parallel_loop3A_800 : i32 to index
      %parallel_loop3A_878 = arith.constant 48 : index
      %parallel_loop3A_879 = tpu.vector_load %arg22[%parallel_loop3A_877, %parallel_loop3A_878] {strides = array<i32>} : memref<32x128xf32, #tpu.memory_space<vmem>>, vector<1x16xf32>,
      %parallel_loop3A_880 = vector.shape_cast %parallel_loop3A_879 : vector<1x16xf32> to vector<16xf32>
      %parallel_loop3A_881 = arith.addf %parallel_loop3A_876, %parallel_loop3A_880 : vector<16xf32>
      %parallel_loop3A_882 = arith.index_cast %parallel_loop3A_800 : i32 to index
      %parallel_loop3A_883 = arith.constant 48 : index
      %parallel_loop3A_884 = tpu.vector_load %arg23[%parallel_loop3A_882, %parallel_loop3A_883] {strides = array<i32>} : memref<32x128xf32, #tpu.memory_space<vmem>>, vector<1x16xf32>,
      %parallel_loop3A_885 = vector.shape_cast %parallel_loop3A_884 : vector<1x16xf32> to vector<16xf32>
      %parallel_loop3A_886 = arith.index_cast %parallel_loop3A_800 : i32 to index
      %parallel_loop3A_887 = arith.constant 48 : index
      %parallel_loop3A_888 = tpu.vector_load %arg24[%parallel_loop3A_886, %parallel_loop3A_887] {strides = array<i32>} : memref<32x128xf32, #tpu.memory_space<vmem>>, vector<1x16xf32>,
      %parallel_loop3A_889 = vector.shape_cast %parallel_loop3A_888 : vector<1x16xf32> to vector<16xf32>
      %parallel_loop3A_890 = arith.addf %parallel_loop3A_885, %parallel_loop3A_889 : vector<16xf32>
      %parallel_loop3A_891 = arith.addf %parallel_loop3A_881, %parallel_loop3A_890 : vector<16xf32>
      %parallel_loop3A_892 = arith.index_cast %parallel_loop3A_800 : i32 to index
      %parallel_loop3A_893 = arith.constant 48 : index
      %parallel_loop3A_894 = tpu.vector_load %arg26[%parallel_loop3A_892, %parallel_loop3A_893] {strides = array<i32>} : memref<32x128xf32, #tpu.memory_space<vmem>>, vector<1x16xf32>,
      %parallel_loop3A_895 = vector.shape_cast %parallel_loop3A_894 : vector<1x16xf32> to vector<16xf32>
      %parallel_loop3A_896 = vector.shape_cast %parallel_loop3A_891 : vector<16xf32> to vector<1x16xf32>
      tpu.vector_store %arg26[%parallel_loop3A_892, %parallel_loop3A_893], %parallel_loop3A_896 {strides = array<i32>} : memref<32x128xf32, #tpu.memory_space<vmem>>, vector<1x16xf32>,
      %parallel_loop3A_897 = arith.index_cast %parallel_loop3A_800 : i32 to index
      %parallel_loop3A_898 = arith.constant 64 : index
      %parallel_loop3A_899 = tpu.vector_load %arg21[%parallel_loop3A_897, %parallel_loop3A_898] {strides = array<i32>} : memref<32x128xf32, #tpu.memory_space<vmem>>, vector<1x16xf32>,
      %parallel_loop3A_900 = vector.shape_cast %parallel_loop3A_899 : vector<1x16xf32> to vector<16xf32>
      %parallel_loop3A_901 = arith.index_cast %parallel_loop3A_800 : i32 to index
      %parallel_loop3A_902 = arith.constant 64 : index
      %parallel_loop3A_903 = tpu.vector_load %arg22[%parallel_loop3A_901, %parallel_loop3A_902] {strides = array<i32>} : memref<32x128xf32, #tpu.memory_space<vmem>>, vector<1x16xf32>,
      %parallel_loop3A_904 = vector.shape_cast %parallel_loop3A_903 : vector<1x16xf32> to vector<16xf32>
      %parallel_loop3A_905 = arith.addf %parallel_loop3A_900, %parallel_loop3A_904 : vector<16xf32>
      %parallel_loop3A_906 = arith.index_cast %parallel_loop3A_800 : i32 to index
      %parallel_loop3A_907 = arith.constant 64 : index
      %parallel_loop3A_908 = tpu.vector_load %arg23[%parallel_loop3A_906, %parallel_loop3A_907] {strides = array<i32>} : memref<32x128xf32, #tpu.memory_space<vmem>>, vector<1x16xf32>,
      %parallel_loop3A_909 = vector.shape_cast %parallel_loop3A_908 : vector<1x16xf32> to vector<16xf32>
      %parallel_loop3A_910 = arith.index_cast %parallel_loop3A_800 : i32 to index
      %parallel_loop3A_911 = arith.constant 64 : index
      %parallel_loop3A_912 = tpu.vector_load %arg24[%parallel_loop3A_910, %parallel_loop3A_911] {strides = array<i32>} : memref<32x128xf32, #tpu.memory_space<vmem>>, vector<1x16xf32>,
      %parallel_loop3A_913 = vector.shape_cast %parallel_loop3A_912 : vector<1x16xf32> to vector<16xf32>
      %parallel_loop3A_914 = arith.addf %parallel_loop3A_909, %parallel_loop3A_913 : vector<16xf32>
      %parallel_loop3A_915 = arith.addf %parallel_loop3A_905, %parallel_loop3A_914 : vector<16xf32>
      %parallel_loop3A_916 = arith.index_cast %parallel_loop3A_800 : i32 to index
      %parallel_loop3A_917 = arith.constant 64 : index
      %parallel_loop3A_918 = tpu.vector_load %arg26[%parallel_loop3A_916, %parallel_loop3A_917] {strides = array<i32>} : memref<32x128xf32, #tpu.memory_space<vmem>>, vector<1x16xf32>,
      %parallel_loop3A_919 = vector.shape_cast %parallel_loop3A_918 : vector<1x16xf32> to vector<16xf32>
      %parallel_loop3A_920 = vector.shape_cast %parallel_loop3A_915 : vector<16xf32> to vector<1x16xf32>
      tpu.vector_store %arg26[%parallel_loop3A_916, %parallel_loop3A_917], %parallel_loop3A_920 {strides = array<i32>} : memref<32x128xf32, #tpu.memory_space<vmem>>, vector<1x16xf32>,
      %parallel_loop3A_921 = arith.index_cast %parallel_loop3A_800 : i32 to index
      %parallel_loop3A_922 = arith.constant 80 : index
      %parallel_loop3A_923 = tpu.vector_load %arg21[%parallel_loop3A_921, %parallel_loop3A_922] {strides = array<i32>} : memref<32x128xf32, #tpu.memory_space<vmem>>, vector<1x16xf32>,
      %parallel_loop3A_924 = vector.shape_cast %parallel_loop3A_923 : vector<1x16xf32> to vector<16xf32>
      %parallel_loop3A_925 = arith.index_cast %parallel_loop3A_800 : i32 to index
      %parallel_loop3A_926 = arith.constant 80 : index
      %parallel_loop3A_927 = tpu.vector_load %arg22[%parallel_loop3A_925, %parallel_loop3A_926] {strides = array<i32>} : memref<32x128xf32, #tpu.memory_space<vmem>>, vector<1x16xf32>,
      %parallel_loop3A_928 = vector.shape_cast %parallel_loop3A_927 : vector<1x16xf32> to vector<16xf32>
      %parallel_loop3A_929 = arith.addf %parallel_loop3A_924, %parallel_loop3A_928 : vector<16xf32>
      %parallel_loop3A_930 = arith.index_cast %parallel_loop3A_800 : i32 to index
      %parallel_loop3A_931 = arith.constant 80 : index
      %parallel_loop3A_932 = tpu.vector_load %arg23[%parallel_loop3A_930, %parallel_loop3A_931] {strides = array<i32>} : memref<32x128xf32, #tpu.memory_space<vmem>>, vector<1x16xf32>,
      %parallel_loop3A_933 = vector.shape_cast %parallel_loop3A_932 : vector<1x16xf32> to vector<16xf32>
      %parallel_loop3A_934 = arith.index_cast %parallel_loop3A_800 : i32 to index
      %parallel_loop3A_935 = arith.constant 80 : index
      %parallel_loop3A_936 = tpu.vector_load %arg24[%parallel_loop3A_934, %parallel_loop3A_935] {strides = array<i32>} : memref<32x128xf32, #tpu.memory_space<vmem>>, vector<1x16xf32>,
      %parallel_loop3A_937 = vector.shape_cast %parallel_loop3A_936 : vector<1x16xf32> to vector<16xf32>
      %parallel_loop3A_938 = arith.addf %parallel_loop3A_933, %parallel_loop3A_937 : vector<16xf32>
      %parallel_loop3A_939 = arith.addf %parallel_loop3A_929, %parallel_loop3A_938 : vector<16xf32>
      %parallel_loop3A_940 = arith.index_cast %parallel_loop3A_800 : i32 to index
      %parallel_loop3A_941 = arith.constant 80 : index
      %parallel_loop3A_942 = tpu.vector_load %arg26[%parallel_loop3A_940, %parallel_loop3A_941] {strides = array<i32>} : memref<32x128xf32, #tpu.memory_space<vmem>>, vector<1x16xf32>,
      %parallel_loop3A_943 = vector.shape_cast %parallel_loop3A_942 : vector<1x16xf32> to vector<16xf32>
      %parallel_loop3A_944 = vector.shape_cast %parallel_loop3A_939 : vector<16xf32> to vector<1x16xf32>
      tpu.vector_store %arg26[%parallel_loop3A_940, %parallel_loop3A_941], %parallel_loop3A_944 {strides = array<i32>} : memref<32x128xf32, #tpu.memory_space<vmem>>, vector<1x16xf32>,
      %parallel_loop3A_945 = arith.index_cast %parallel_loop3A_800 : i32 to index
      %parallel_loop3A_946 = arith.constant 96 : index
      %parallel_loop3A_947 = tpu.vector_load %arg21[%parallel_loop3A_945, %parallel_loop3A_946] {strides = array<i32>} : memref<32x128xf32, #tpu.memory_space<vmem>>, vector<1x16xf32>,
      %parallel_loop3A_948 = vector.shape_cast %parallel_loop3A_947 : vector<1x16xf32> to vector<16xf32>
      %parallel_loop3A_949 = arith.index_cast %parallel_loop3A_800 : i32 to index
      %parallel_loop3A_950 = arith.constant 96 : index
      %parallel_loop3A_951 = tpu.vector_load %arg22[%parallel_loop3A_949, %parallel_loop3A_950] {strides = array<i32>} : memref<32x128xf32, #tpu.memory_space<vmem>>, vector<1x16xf32>,
      %parallel_loop3A_952 = vector.shape_cast %parallel_loop3A_951 : vector<1x16xf32> to vector<16xf32>
      %parallel_loop3A_953 = arith.addf %parallel_loop3A_948, %parallel_loop3A_952 : vector<16xf32>
      %parallel_loop3A_954 = arith.index_cast %parallel_loop3A_800 : i32 to index
      %parallel_loop3A_955 = arith.constant 96 : index
      %parallel_loop3A_956 = tpu.vector_load %arg23[%parallel_loop3A_954, %parallel_loop3A_955] {strides = array<i32>} : memref<32x128xf32, #tpu.memory_space<vmem>>, vector<1x16xf32>,
      %parallel_loop3A_957 = vector.shape_cast %parallel_loop3A_956 : vector<1x16xf32> to vector<16xf32>
      %parallel_loop3A_958 = arith.index_cast %parallel_loop3A_800 : i32 to index
      %parallel_loop3A_959 = arith.constant 96 : index
      %parallel_loop3A_960 = tpu.vector_load %arg24[%parallel_loop3A_958, %parallel_loop3A_959] {strides = array<i32>} : memref<32x128xf32, #tpu.memory_space<vmem>>, vector<1x16xf32>,
      %parallel_loop3A_961 = vector.shape_cast %parallel_loop3A_960 : vector<1x16xf32> to vector<16xf32>
      %parallel_loop3A_962 = arith.addf %parallel_loop3A_957, %parallel_loop3A_961 : vector<16xf32>
      %parallel_loop3A_963 = arith.addf %parallel_loop3A_953, %parallel_loop3A_962 : vector<16xf32>
      %parallel_loop3A_964 = arith.index_cast %parallel_loop3A_800 : i32 to index
      %parallel_loop3A_965 = arith.constant 96 : index
      %parallel_loop3A_966 = tpu.vector_load %arg26[%parallel_loop3A_964, %parallel_loop3A_965] {strides = array<i32>} : memref<32x128xf32, #tpu.memory_space<vmem>>, vector<1x16xf32>,
      %parallel_loop3A_967 = vector.shape_cast %parallel_loop3A_966 : vector<1x16xf32> to vector<16xf32>
      %parallel_loop3A_968 = vector.shape_cast %parallel_loop3A_963 : vector<16xf32> to vector<1x16xf32>
      tpu.vector_store %arg26[%parallel_loop3A_964, %parallel_loop3A_965], %parallel_loop3A_968 {strides = array<i32>} : memref<32x128xf32, #tpu.memory_space<vmem>>, vector<1x16xf32>,
      %parallel_loop3A_969 = arith.index_cast %parallel_loop3A_800 : i32 to index
      %parallel_loop3A_970 = arith.constant 112 : index
      %parallel_loop3A_971 = tpu.vector_load %arg21[%parallel_loop3A_969, %parallel_loop3A_970] {strides = array<i32>} : memref<32x128xf32, #tpu.memory_space<vmem>>, vector<1x16xf32>,
      %parallel_loop3A_972 = vector.shape_cast %parallel_loop3A_971 : vector<1x16xf32> to vector<16xf32>
      %parallel_loop3A_973 = arith.index_cast %parallel_loop3A_800 : i32 to index
      %parallel_loop3A_974 = arith.constant 112 : index
      %parallel_loop3A_975 = tpu.vector_load %arg22[%parallel_loop3A_973, %parallel_loop3A_974] {strides = array<i32>} : memref<32x128xf32, #tpu.memory_space<vmem>>, vector<1x16xf32>,
      %parallel_loop3A_976 = vector.shape_cast %parallel_loop3A_975 : vector<1x16xf32> to vector<16xf32>
      %parallel_loop3A_977 = arith.addf %parallel_loop3A_972, %parallel_loop3A_976 : vector<16xf32>
      %parallel_loop3A_978 = arith.index_cast %parallel_loop3A_800 : i32 to index
      %parallel_loop3A_979 = arith.constant 112 : index
      %parallel_loop3A_980 = tpu.vector_load %arg23[%parallel_loop3A_978, %parallel_loop3A_979] {strides = array<i32>} : memref<32x128xf32, #tpu.memory_space<vmem>>, vector<1x16xf32>,
      %parallel_loop3A_981 = vector.shape_cast %parallel_loop3A_980 : vector<1x16xf32> to vector<16xf32>
      %parallel_loop3A_982 = arith.index_cast %parallel_loop3A_800 : i32 to index
      %parallel_loop3A_983 = arith.constant 112 : index
      %parallel_loop3A_984 = tpu.vector_load %arg24[%parallel_loop3A_982, %parallel_loop3A_983] {strides = array<i32>} : memref<32x128xf32, #tpu.memory_space<vmem>>, vector<1x16xf32>,
      %parallel_loop3A_985 = vector.shape_cast %parallel_loop3A_984 : vector<1x16xf32> to vector<16xf32>
      %parallel_loop3A_986 = arith.addf %parallel_loop3A_981, %parallel_loop3A_985 : vector<16xf32>
      %parallel_loop3A_987 = arith.addf %parallel_loop3A_977, %parallel_loop3A_986 : vector<16xf32>
      %parallel_loop3A_988 = arith.index_cast %parallel_loop3A_800 : i32 to index
      %parallel_loop3A_989 = arith.constant 112 : index
      %parallel_loop3A_990 = tpu.vector_load %arg26[%parallel_loop3A_988, %parallel_loop3A_989] {strides = array<i32>} : memref<32x128xf32, #tpu.memory_space<vmem>>, vector<1x16xf32>,
      %parallel_loop3A_991 = vector.shape_cast %parallel_loop3A_990 : vector<1x16xf32> to vector<16xf32>
      %parallel_loop3A_992 = vector.shape_cast %parallel_loop3A_987 : vector<16xf32> to vector<1x16xf32>
      tpu.vector_store %arg26[%parallel_loop3A_988, %parallel_loop3A_989], %parallel_loop3A_992 {strides = array<i32>} : memref<32x128xf32, #tpu.memory_space<vmem>>, vector<1x16xf32>,
    } {sc.loop_unroll_factor = 1 : i64, sc.parallel_access}
    "tpu.trace_stop"() : () -> ()
    %add3A_786 = arith.constant 224 : i32
    %add3A_787 = arith.addi %mul3A_2, %add3A_786 : i32
    %dma_start3A_788 = arith.constant 0 : i32
    %dma_start3A_789 = tpu.memref_slice %arg7[%add3A_787, %dma_start3A_788] : memref<8192x128xf32, #tpu.memory_space<hbm>> -> memref<32x128xf32, #tpu.memory_space<hbm>>
    %dma_start3A_790 = arith.constant 0 : i32
    %dma_start3A_791 = tpu.memref_slice %arg7[%add3A_787, %dma_start3A_790] : memref<8192x128xf32, #tpu.memory_space<hbm>> -> memref<32x128xf32, #tpu.memory_space<hbm>>
    tpu.enqueue_dma source(%arg26 : memref<32x128xf32, #tpu.memory_space<vmem>>) target(%dma_start3A_791 : memref<32x128xf32, #tpu.memory_space<hbm>>) target_semaphore(%arg33 : memref<!tpu.dma_semaphore, #tpu.memory_space<semaphore_mem>>)
    "tpu.trace_start"() <{level = 10 : i32, message = "out_drain"}> : () -> ()
    %dma_wait3A_792 = arith.constant 0 : i32
    %dma_wait3A_793 = tpu.memref_slice %arg7[%add3A_734, %dma_wait3A_792] : memref<8192x128xf32, #tpu.memory_space<hbm>> -> memref<32x128xf32, #tpu.memory_space<hbm>>
    %dma_wait3A_794 = arith.constant 0 : i32
    %dma_wait3A_795 = tpu.memref_slice %arg7[%add3A_734, %dma_wait3A_794] : memref<8192x128xf32, #tpu.memory_space<hbm>> -> memref<32x128xf32, #tpu.memory_space<hbm>>
    tpu.wait_dma2 semaphore(%arg32 : memref<!tpu.dma_semaphore, #tpu.memory_space<semaphore_mem>>) src(%arg25 : memref<32x128xf32, #tpu.memory_space<vmem>>) dst(%dma_wait3A_795 : memref<32x128xf32, #tpu.memory_space<hbm>>)
    %dma_wait3A_796 = arith.constant 0 : i32
    %dma_wait3A_797 = tpu.memref_slice %arg7[%add3A_787, %dma_wait3A_796] : memref<8192x128xf32, #tpu.memory_space<hbm>> -> memref<32x128xf32, #tpu.memory_space<hbm>>
    %dma_wait3A_798 = arith.constant 0 : i32
    %dma_wait3A_799 = tpu.memref_slice %arg7[%add3A_787, %dma_wait3A_798] : memref<8192x128xf32, #tpu.memory_space<hbm>> -> memref<32x128xf32, #tpu.memory_space<hbm>>
    tpu.wait_dma2 semaphore(%arg33 : memref<!tpu.dma_semaphore, #tpu.memory_space<semaphore_mem>>) src(%arg26 : memref<32x128xf32, #tpu.memory_space<vmem>>) dst(%dma_wait3A_799 : memref<32x128xf32, #tpu.memory_space<hbm>>)
    "tpu.trace_stop"() : () -> ()
    return
  }
}

</mosaic_0001>

<sc_bundles>
// kernel: kernel.3.cloned.1.call-start
scs
__scs_entry_jumppad:
0x0: {  	(pc) =	sbr.rel $0x88, $3  }
0x1: {  	(tag) =	ssettag $0x0;
	lr =	simm.s32 $0x1  }
0x2: {  	[smem:$0x3F9F] =	sst lr;
	_ =	strace $0xD0000000  }
0x3: {  	_ = 	snop  }
0x4: {  	_ = 	snop  }
0x5: {  	_ = 	snop  }
0x6: {  	_ = 	snop  }
0x7: {  	_ = 	snop  }
__scs_overlays_trampoline_lowered:
0x8: {  	[smem:$0x3FAE] =	sst s0  }
0x9: {  	[smem:$0x3FAF] =	sst s1  }
0xa: {  	[smem:$0x3FB0] =	sst s2  }
0xb: {  	[smem:$0x3FB1] =	sst s3  }
0xc: {  	[smem:$0x3FB2] =	sst s4  }
0xd: {  	[smem:$0x3FB3] =	sst s5  }
0xe: {  	[smem:$0x3FB4] =	sst s6  }
0xf: {  	[smem:$0x3FB5] =	sst s7  }
0x10: {  	[smem:$0x3FB6] =	sst s8  }
0x11: {  	[smem:$0x3FB7] =	sst s9;
	s0 =	simm.s32 @!p0 $0x0  }
0x12: {  	s1 =	sld [smem:$0x3F9D];
	s0 =	simm.s32 @p0 $0x1  }
0x13: {  	[smem:$0x3FB8] =	sst s0;
	s0 =	simm.s32 @!p1 $0x0  }
0x14: {  	s2 =	sld [smem:$0x3F9C];
	s0 =	simm.s32 @p1 $0x1  }
0x15: {  	[smem:$0x3FB9] =	sst s0;
	s0 =	simm.s32 @!p2 $0x0  }
0x16: {  	s3 =	sld [smem:$0x3FDB];
	s0 =	simm.s32 @p2 $0x1  }
0x17: {  	s4 =	simm.s32 $0x1BF5;
	[smem:$0x3FBB] =	sst s0  }
0x18: {  	s0 =	sld [smem:$0x3F9E];
	_ =	swait.ge [sflag:s4], $0x0  }
0x19: {  	s7 =	sld [smem:$0x3F9F]  }
0x1a: {  	s8 =	sadd.s32 $0xFFFFE003, lr  }
0x1b: {  	s9 =	sadd.s32 $0xFFFFFEF7, lr;
	s5 =	simm.s32 $0xFFFFFFFF;
	p2 =	slt.u32 s8, $0xFFFFF086  }
0x1c: {  	p1 =	slt.u32 s9, $0xF7A;
	s5 =	simm.s32 @!p2 $0x0  }
0x1d: {  	s5 =	simm.s32 @p1 $0x1;
	p0 =	seq.s32 s7, s2  }
0x1e: {  	s7 =	smul.u32 @!p0 $0xF7A, s2;
	p2 =	seq.s32 @!p0 s5, $0x0  }
0x1f: {  	s9 =	smul.u32 $0xF7A, s1;
	s8 =	simm.s32 @!p0 $0x1BF5;
	p2 =	por !p2, p0  }
0x20: {  	[sflag:s8] =	ssyncset.s32 @!p0 $0xFFFFF086;
	s6 =	sadd.s32 @!p0 s3, s7;
	s7 =	simm.s32 @!p0 $0x108  }
0x21: {  	s3 =	sadd.s32 s3, s9;
	s6 =	sadd.s32 @!p0 $0x88, s6;
	s7 =	simm.s32 @p2 $0x1082  }
0x22: {  	[simem:s7], [sflag:s8] =	dma.local @!p0 [hbm:s6], $0xF7A  }
0x23: {  	s9 =	sor.u32 $0xD0000000, s2;
	s6 =	simm.s32 $0x108;
	_ =	swait.ge @!p0 [sflag:s8], $0x0  }
0x24: {  	s3 =	sadd.s32 $0x88, s3;
	s6 =	simm.s32 @!p1 $0x1082;
	[sflag:s4] =	ssyncset.s32 $0xFFFFF086  }
0x25: {  	[simem:s6], [sflag:s4] =	dma.local [hbm:s3], $0xF7A  }
0x26: {  	[smem:$0x3F9F] =	sst s1;
	(tag) =	ssettag s2;
	_ =	strace s9  }
0x27: {  	s1 =	sld [smem:$0x3FAF]  }
0x28: {  	s2 =	sld [smem:$0x3FB0]  }
0x29: {  	s4 =	sld [smem:$0x3FB2]  }
0x2a: {  	p0 =	seq.s32 s5, $0x0;
	s5 =	sld [smem:$0x3FB3]  }
0x2b: {  	s6 =	sld [smem:$0x3FB4]  }
0x2c: {  	s7 =	sld [smem:$0x3FB5]  }
0x2d: {  	s3 =	simm.s32 $0x108;
	s8 =	sld [smem:$0x3FB6]  }
0x2e: {  	s3 =	simm.s32 @!p0 $0x1082;
	s9 =	sld [smem:$0x3FB7]  }
0x2f: {  	lr =	sadd.s32 s0, s3;
	s0 =	sld [smem:$0x3FAE]  }
0x30: {  	s3 =	sld [smem:$0x3FB1]  }
0x31: {  	[smem:$0x3FBA] =	sst s10  }
0x32: {  	s10 =	sld [smem:$0x3FB8];
	_ =	sdelay $0x3  }
0x33: {  	p0 =	seq.s32 s10, $0x1;
	s10 =	sld [smem:$0x3FBA];
	_ =	sdelay $0x3  }
0x34: {  	[smem:$0x3FBA] =	sst s10  }
0x35: {  	s10 =	sld [smem:$0x3FB9];
	_ =	sdelay $0x3  }
0x36: {  	p1 =	seq.s32 s10, $0x1;
	s10 =	sld [smem:$0x3FBA];
	_ =	sdelay $0x3  }
0x37: {  	[smem:$0x3FBA] =	sst s10  }
0x38: {  	s10 =	sld [smem:$0x3FBB]  }
0x39: {  	_ = 	snop;
	(pc) =	sbr.ind lr, $3  }
0x3a: {  	_ = 	snop  }
0x3b: {  	_ = 	snop  }
0x3c: {  	p2 =	seq.s32 s10, $0x1;
	s10 =	sld [smem:$0x3FBA]  }
0x3d: {  	_ =	shalt  }
0x3e: {  	_ =	shalt  }
0x3f: {  	_ =	shalt  }
0x40: {  	_ =	shalt  }
0x41: {  	_ =	shalt  }
0x42: {  	_ =	shalt  }
0x43: {  	_ =	shalt  }
0x44: {  	_ =	shalt  }
0x45: {  	_ =	shalt  }
0x46: {  	_ =	shalt  }
0x47: {  	_ =	shalt  }
0x48: {  	_ =	shalt  }
0x49: {  	_ =	shalt  }
0x4a: {  	_ =	shalt  }
0x4b: {  	_ =	shalt  }
0x4c: {  	_ =	shalt  }
0x4d: {  	_ =	shalt  }
0x4e: {  	_ =	shalt  }
0x4f: {  	_ =	shalt  }
0x50: {  	_ =	shalt  }
0x51: {  	_ =	shalt  }
0x52: {  	_ =	shalt  }
0x53: {  	_ =	shalt  }
0x54: {  	_ =	shalt  }
0x55: {  	_ =	shalt  }
0x56: {  	_ =	shalt  }
0x57: {  	_ =	shalt  }
0x58: {  	_ =	shalt  }
0x59: {  	_ =	shalt  }
0x5a: {  	_ =	shalt  }
0x5b: {  	_ =	shalt  }
0x5c: {  	_ =	shalt  }
0x5d: {  	_ =	shalt  }
0x5e: {  	_ =	shalt  }
0x5f: {  	_ =	shalt  }
0x60: {  	_ =	shalt  }
0x61: {  	_ =	shalt  }
0x62: {  	_ =	shalt  }
0x63: {  	_ =	shalt  }
0x64: {  	_ =	shalt  }
0x65: {  	_ =	shalt  }
0x66: {  	_ =	shalt  }
0x67: {  	_ =	shalt  }
0x68: {  	_ =	shalt  }
0x69: {  	_ =	shalt  }
0x6a: {  	_ =	shalt  }
0x6b: {  	_ =	shalt  }
0x6c: {  	_ =	shalt  }
0x6d: {  	_ =	shalt  }
0x6e: {  	_ =	shalt  }
0x6f: {  	_ =	shalt  }
0x70: {  	_ =	shalt  }
0x71: {  	_ =	shalt  }
0x72: {  	_ =	shalt  }
0x73: {  	_ =	shalt  }
0x74: {  	_ =	shalt  }
0x75: {  	_ =	shalt  }
0x76: {  	_ =	shalt  }
0x77: {  	_ =	shalt  }
0x78: {  	_ =	shalt  }
0x79: {  	_ =	shalt  }
0x7a: {  	_ =	shalt  }
0x7b: {  	_ =	shalt  }
0x7c: {  	_ =	shalt  }
0x7d: {  	_ =	shalt  }
0x7e: {  	_ =	shalt  }
0x7f: {  	_ =	shalt  }
0x80: {  	_ =	shalt  }
0x81: {  	_ =	shalt  }
0x82: {  	_ =	shalt  }
0x83: {  	_ =	shalt  }
0x84: {  	_ =	shalt  }
0x85: {  	_ =	shalt  }
0x86: {  	_ =	shalt  }
0x87: {  	_ =	shalt  }
.Lfunc_end0:
.L_simem_size_0:
called_computation_lowered:
.L_overlay_start_0:
0x88: {  	s2 =	sld [smem:$0x3FD9]  }
0x89: {  	s3 =	sld [smem:$0x3FFE];
	_ =	sdelay $0x1  }
0x8a: {  	s1 =	srdreg.scid  }
0x8b: {  	s0 =	sand.u32 $0x1, s1  }
0x8c: {  	s17 =	sshll.u32 s0, $0xA;
	s2 =	sadd.s32 s3, s2  }
0x8d: {  	s2 =	sadd.s32 s2, s17  }
0x8e: {  	[smem:$0x3FC6] =	sst s2  }
0x8f: {  	_ = 	snop  }
0x90: {  	s2 =	sld [smem:$0x3FC8]  }
0x91: {  	s18 =	sld [smem:$0x3FD0];
	(tm) =	ssettm $0x1  }
0x92: {  	s4 =	sld [smem:$0x3FFB];
	_ =	sdelay $0x3  }
0x93: {  	_ =	strace s4  }
0x94: {  	s4 =	sld [smem:$0x3FFC];
	_ =	sdelay $0x3  }
0x95: {  	_ =	strace s4  }
0x96: {  	s4 =	sld [smem:$0x3FFD];
	_ =	sdelay $0x3  }
0x97: {  	_ =	strace s4  }
0x98: {  	_ =	strace $0x8FFFFFFF  }
0x99: {  	s19 =	sld [smem:$0x3FDB];
	_ =	sdelay $0x1  }
0x9a: {  	s5 =	simm.s32 $_scs_section_size  }
0x9b: {  	s6 =	simm.s32 $_size__tile_overlayer_lowered;
	s7 =	simm.s32 $_tile_overlayer_lowered  }
0x9c: {  	s22 =	simm.s32 $0x1BFF;
	s21 =	sshll.u32 s7, $0x1;
	s4 =	sadd.s32 s5, s19  }
0x9d: {  	s8 =	simm.s32 $0x0;
	s20 =	sshll.u32 s6, $0x1;
	s6 =	sadd.s32 s21, s4  }
0x9e: {  	[timem:s8], [sflag:s22] =	dma.local [hbm:s6], s20  }
0x9f: {  	_ =	swait.ge [sflag:s22], s20  }
0xa0: {  	s5 =	ssub.s32 $0x0, s20;
	[sflag:s22] =	ssyncset.done $0x0  }
0xa1: {  	[sflag:s22] =	ssyncadd.s32 s5;
	_ =	sdelay $0x1  }
0xa2: {  	s23 =	simm.s32 $0x1B8B  }
0xa3: {  	_ =	swait.ge [sflag:s23], $0x1  }
0xa4: {  	[sflag:s23] =	ssyncset.done $0x0  }
0xa5: {  	s25 =	simm.s32 $0x1B8E;
	s24 =	sld [smem:$0x3FFE];
	[sflag:s23] =	ssyncadd.s32 $0xFFFFFFFF  }
0xa6: {  	s26 =	simm.s32 $execute0_lowered;
	[smem:$0x3FD2] =	sst s25  }
0xa7: {  	s6 =	sshll.u32 s26, $0x1;
	_ =	strace $0x80000046;
	[dreg:$0x1] =	wrdreg $0xFFFFFFFF  }
0xa8: {  	s28 =	simm.s32 $_size_execute0_lowered;
	s4 =	sadd.s32 s4, s6;
	[dreg:$0x0] =	wrdreg $0x0  }
0xa9: {  	s6 =	sshll.u32 s28, $0x1;
	[dreg:$0x2] =	wrdreg s4  }
0xaa: {  	[dreg:$0x3] =	wrdreg s6  }
0xab: {  	[dreg:$0x4] =	wrdreg $0xC0  }
0xac: {  	_ =	task [dreg:s8], $0x5FFFF  }
0xad: {  	[dreg:$0x1] =	wrdreg $0xFFFFFFFF  }
0xae: {  	[dreg:$0x0] =	wrdreg $0x60  }
0xaf: {  	[dreg:$0x2] =	wrdreg s24  }
0xb0: {  	[dreg:$0x3] =	wrdreg s2  }
0xb1: {  	[dreg:$0x4] =	wrdreg s18  }
0xb2: {  	[dreg:$0x5] =	wrdreg $0x9  }
0xb3: {  	_ =	task.clear_ibuf [dreg:s8], $0x6FFFF;
	_ =	strace $0x90000046  }
0xb4: {  	s29 =	simm.s32 $0x9;
	_ =	strace $0x8000005A  }
0xb5: {  	_ =	swait.ge [sflag:s29], $0x1  }
0xb6: {  	[sflag:s29] =	ssyncadd.s32 $0xFFFFFFFF  }
0xb7: {  	_ =	strace $0x9000005A  }
0xb8: {  	_ =	sfence  }
0xb9: {  	s30 =	sld [smem:$0x0];
	_ =	sdelay $0x2  }
0xba: {  	s31 =	sshll.u32 s1, $0xD;
	s1 =	sshrl.u32 s1, $0x2  }
0xbb: {  	s3 =	sand.u32 $0x4000, s31;
	s1 =	sadd.s32 s1, s30  }
0xbc: {  	s0 =	sor.u32 s3, s0;
	s1 =	sshll.u32 s1, $0x11  }
0xbd: {  	s0 =	sor.u32 s1, s0  }
0xbe: {  	s0 =	sadd.s32 $0x8F2B, s0  }
0xbf: {  	[sflag:s0] =	ssyncadd.remote.s32 $0x1  }
0xc0: {  	_ =	sfence.sel $0xFFFF  }
0xc1: {  	[dreg:$0x0] =	wrdreg $0xFFFFFFFF;
	(pc) =	sbr.abs _section_cstart, $3  }
0xc2: {  	[dreg:$0x1] =	wrdreg $0xFFFFFFFF  }
0xc3: {  	_ =	task.clear_ibuf [dreg:s8], $0x2FFFF;
	_ =	strace $0x9FFFFFFF  }
0xc4: {  	(tm) =	ssettm $0x7FFFFFFF  }
0xc5: {  	_ =	shalt  }
tec
execute0_lowered:
.L_overlay_start_1:
0x0: {  	(tag) =	ssettag $0x1  }
0x1: {  	s0 =	rddreg [dreg:$0x0]  }
0x2: {  	s1 =	srdreg.scid;
	s2 =	rddreg [dreg:$0x1]  }
0x3: {  	s3 =	stileid.u32;
	s4 =	rddreg [dreg:$0x2]  }
0x4: {  	s28 =	simm.s32 $0xD400;
	s29 =	simm.s32 $0xE400;
	s30 =	simm.s32 $0xF400  }
0x5: {  	s31 =	simm.s32 $0x10400;
	s20 =	simm.s32 $0x4;
	s21 =	simm.s32 $0x7  }
0x6: {  	s7 =	simm.s32 $0x0;
	s1 =	sand.u32 $0x1, s1;
	s5 =	sshll.u32 s3, $0x9  }
0x7: {  	s3 =	simm.s32 $0x0;
	s8 =	sadd.s32 $0x186A00, s2;
	s9 =	sadd.s32 $0x30D400, s2  }
0x8: {  	s11 =	sadd.s32 $0x493E00, s2;
	s6 =	sshll.u32 s1, $0x8;
	s1 =	ssub.s32 $0x2, s1  }
0x9: {  	[smem:$0x7FF] =	sst s3;
	s5 =	sor.u32 s6, s5;
	s22 =	sshrl.u32 s1, $0x1  }
0xa: {  	_ =	strace $0x80000047;
	s6 =	sshrl.u32 s5, $0x3;
	s1 =	ssub.s32 s1, s22  }
0xb: {  	s26 =	sshll.u32 s5, $0x4;
	s5 =	simm.s32 $0x6;
	s0 =	sadd.s32 s6, s0  }
0xc: {  	s10 =	sadd.s32 s4, s26;
	s19 =	smax.u32 s1, $0x1;
	s1 =	simm.s32 $0x2  }
0xd: {  	s4 =	simm.s32 $0x11400;
	s6 =	simm.s32 $0x5;
	s23 =	sadd.s32 $0x1200, s0  }
0xe: {  	s24 =	sadd.s32 $0xE00, s0;
	s25 =	sadd.s32 $0xA00, s0;
	s0 =	sadd.s32 $0x600, s0  }
0xf: {  	s13 =	sadd.s32 $0x400, s10;
	s14 =	sadd.s32 $0x600, s10;
	[dreg:$0x4] =	wrdreg s23  }
0x10: {  	s15 =	sadd.s32 $0x800, s10;
	s16 =	sadd.s32 $0xA00, s10;
	[dreg:$0x5] =	wrdreg s24  }
0x11: {  	s17 =	sadd.s32 $0xC00, s10;
	s18 =	sadd.s32 $0xE00, s10;
	[dreg:$0x6] =	wrdreg s25  }
0x12: {  	[dreg:$0x7] =	wrdreg s0;
	s0 =	sadd.s32 $0x200, s10;
	s23 =	simm.s32 $0x1  }
0x13: {  	s24 =	simm.s32 $0x20;
	[dreg:$0x8] =	wrdreg s0;
	s0 =	simm.s32 $0x3  }
.LBB2_1:
0x14: {  	_ =	strace $0x80000048  }
0x15: {  	s22 =	rddreg [dreg:$0x4]  }
0x16: {  	[tilespmem:s3], [sflag:$0x1] =	stream.linear.gather [hbm4b:s22+s3], $0x100, $0x200038;
	[tilespmem:$0x12400] =	vst v63  }
0x17: {  	s25 =	simm.s32 $0x100;
	s26 =	rddreg [dreg:$0x5]  }
0x18: {  	[tilespmem:s25], [sflag:$0x1] =	stream.linear.gather [hbm4b:s26+s3], $0x100, $0x200038;
	[tilespmem:$0x12400] =	vst v63  }
0x19: {  	s12 =	rddreg [dreg:$0x6];
	s26 =	simm.s32 $0x200  }
0x1a: {  	[tilespmem:s26], [sflag:$0x1] =	stream.linear.gather [hbm4b:s12+s3], $0x100, $0x200038;
	[tilespmem:$0x12400] =	vst v63  }
0x1b: {  	s22 =	rddreg [dreg:$0x7];
	s12 =	simm.s32 $0x300  }
0x1c: {  	[tilespmem:s12], [sflag:$0x1] =	stream.linear.gather [hbm4b:s22+s3], $0x100, $0x200038;
	[tilespmem:$0x12400] =	vst v63  }
0x1d: {  	_ =	swait.ge [sflag:s23], $0x100  }
0x1e: {  	[sflag:s23] =	ssyncset.done $0x0  }
0x1f: {  	[sflag:s23] =	ssyncadd.s32 $0xFFFFFF00  }
0x20: {  	_ =	swait.ge [sflag:s23], $0x100  }
0x21: {  	[sflag:s23] =	ssyncset.done $0x0  }
0x22: {  	[sflag:s23] =	ssyncadd.s32 $0xFFFFFF00  }
0x23: {  	_ =	swait.ge [sflag:s23], $0x100  }
0x24: {  	[sflag:s23] =	ssyncset.done $0x0  }
0x25: {  	[sflag:s23] =	ssyncadd.s32 $0xFFFFFF00  }
0x26: {  	_ =	swait.ge [sflag:s23], $0x100  }
0x27: {  	[sflag:s23] =	ssyncset.done $0x0  }
0x28: {  	[sflag:s23] =	ssyncadd.s32 $0xFFFFFF00  }
0x29: {  	s22 =	simm.s32 $0x400;
	_ =	strace $0x90000048  }
0x2a: {  	[tilespmem:s22], [sflag:$0x2] =	stream.indirect.gather [hbm4b:s2+s24], $0x80, s3, s24, $0xb8;
	[tilespmem:$0x12400] =	vst v63  }
0x2b: {  	s22 =	simm.s32 $0x1400  }
0x2c: {  	[tilespmem:s22], [sflag:$0x2] =	stream.indirect.gather [hbm4b:s8+s24], $0x80, s25, s24, $0xb8;
	[tilespmem:$0x12400] =	vst v63  }
0x2d: {  	s25 =	simm.s32 $0x2400  }
0x2e: {  	[tilespmem:s25], [sflag:$0x2] =	stream.indirect.gather [hbm4b:s9+s24], $0x80, s26, s24, $0xb8;
	[tilespmem:$0x12400] =	vst v63  }
0x2f: {  	s26 =	simm.s32 $0x3400  }
0x30: {  	[tilespmem:s26], [sflag:$0x2] =	stream.indirect.gather [hbm4b:s11+s24], $0x80, s12, s24, $0xb8;
	[tilespmem:$0x12400] =	vst v63  }
0x31: {  	s22 =	simm.s32 $0x4400  }
0x32: {  	[tilespmem:s22], [sflag:$0x3] =	stream.indirect.gather [hbm4b:s2+s24], $0x80, s24, s24, $0xb8;
	[tilespmem:$0x12400] =	vst v63  }
0x33: {  	s25 =	simm.s32 $0x120;
	s26 =	simm.s32 $0x5400  }
0x34: {  	[tilespmem:s26], [sflag:$0x3] =	stream.indirect.gather [hbm4b:s8+s24], $0x80, s25, s24, $0xb8;
	[tilespmem:$0x12400] =	vst v63  }
0x35: {  	s25 =	simm.s32 $0x220;
	s26 =	simm.s32 $0x6400  }
0x36: {  	[tilespmem:s26], [sflag:$0x3] =	stream.indirect.gather [hbm4b:s9+s24], $0x80, s25, s24, $0xb8;
	[tilespmem:$0x12400] =	vst v63  }
0x37: {  	s25 =	simm.s32 $0x320;
	s26 =	simm.s32 $0x7400  }
0x38: {  	[tilespmem:s26], [sflag:$0x3] =	stream.indirect.gather [hbm4b:s11+s24], $0x80, s25, s24, $0xb8;
	[tilespmem:$0x12400] =	vst v63  }
0x39: {  	s25 =	simm.s32 $0x40;
	s26 =	simm.s32 $0x8400  }
0x3a: {  	[tilespmem:s26], [sflag:$0x4] =	stream.indirect.gather [hbm4b:s2+s24], $0x80, s25, s24, $0xb8;
	[tilespmem:$0x12400] =	vst v63  }
0x3b: {  	s25 =	simm.s32 $0x140;
	s26 =	simm.s32 $0x9400  }
0x3c: {  	[tilespmem:s26], [sflag:$0x4] =	stream.indirect.gather [hbm4b:s8+s24], $0x80, s25, s24, $0xb8;
	[tilespmem:$0x12400] =	vst v63  }
0x3d: {  	s25 =	simm.s32 $0x240;
	s26 =	simm.s32 $0xA400  }
0x3e: {  	[tilespmem:s26], [sflag:$0x4] =	stream.indirect.gather [hbm4b:s9+s24], $0x80, s25, s24, $0xb8;
	[tilespmem:$0x12400] =	vst v63  }
0x3f: {  	s25 =	simm.s32 $0x340;
	s26 =	simm.s32 $0xB400  }
0x40: {  	[tilespmem:s26], [sflag:$0x4] =	stream.indirect.gather [hbm4b:s11+s24], $0x80, s25, s24, $0xb8;
	[tilespmem:$0x12400] =	vst v63  }
0x41: {  	s25 =	simm.s32 $0x60;
	s26 =	simm.s32 $0xC400  }
0x42: {  	[tilespmem:s26], [sflag:$0x5] =	stream.indirect.gather [hbm4b:s2+s24], $0x80, s25, s24, $0xb8;
	[tilespmem:$0x12400] =	vst v63  }
0x43: {  	s22 =	simm.s32 $0x160  }
0x44: {  	[tilespmem:s28], [sflag:$0x5] =	stream.indirect.gather [hbm4b:s8+s24], $0x80, s22, s24, $0xb8;
	[tilespmem:$0x12400] =	vst v63  }
0x45: {  	s25 =	simm.s32 $0x260  }
0x46: {  	[tilespmem:s29], [sflag:$0x5] =	stream.indirect.gather [hbm4b:s9+s24], $0x80, s25, s24, $0xb8;
	[tilespmem:$0x12400] =	vst v63  }
0x47: {  	s26 =	simm.s32 $0x360  }
0x48: {  	[tilespmem:s30], [sflag:$0x5] =	stream.indirect.gather [hbm4b:s11+s24], $0x80, s26, s24, $0xb8;
	[tilespmem:$0x12400] =	vst v63  }
0x49: {  	_ =	strace $0x80000049  }
0x4a: {  	_ =	swait.ge [sflag:s1], $0x1000  }
0x4b: {  	[sflag:s1] =	ssyncset.done $0x0  }
0x4c: {  	[sflag:s1] =	ssyncadd.s32 $0xFFFFF000  }
0x4d: {  	_ =	swait.ge [sflag:s1], $0x1000  }
0x4e: {  	[sflag:s1] =	ssyncset.done $0x0  }
0x4f: {  	[sflag:s1] =	ssyncadd.s32 $0xFFFFF000  }
0x50: {  	_ =	swait.ge [sflag:s1], $0x1000  }
0x51: {  	[sflag:s1] =	ssyncset.done $0x0  }
0x52: {  	[sflag:s1] =	ssyncadd.s32 $0xFFFFF000  }
0x53: {  	_ =	swait.ge [sflag:s1], $0x1000  }
0x54: {  	[sflag:s1] =	ssyncset.done $0x0  }
0x55: {  	[sflag:s1] =	ssyncadd.s32 $0xFFFFF000  }
0x56: {  	_ =	strace $0x90000049  }
0x57: {  	s22 =	simm.s32 $0x0;
	_ =	strace $0x8000004A  }
0x58: {  	v0 =	vld [tilespmem:s22+$0x470]  }
0x59: {  	v1 =	vld [tilespmem:s22+$0x1470]  }
0x5a: {  	v2 =	vld [tilespmem:s22+$0x2470]  }
0x5b: {  	v3 =	vld [tilespmem:s22+$0x3470]  }
0x5c: {  	v4 =	vld [tilespmem:s22+$0x400]  }
0x5d: {  	v5 =	vld [tilespmem:s22+$0x1400]  }
0x5e: {  	v6 =	vld [tilespmem:s22+$0x2400]  }
0x5f: {  	v7 =	vld [tilespmem:s22+$0x3400]  }
0x60: {  	v8 =	vld [tilespmem:s22+$0x410]  }
0x61: {  	v9 =	vld [tilespmem:s22+$0x420]  }
0x62: {  	v0 =	vadd.f32 v1, v0;
	v1 =	vadd.f32 v3, v2;
	v2 =	vld [tilespmem:s22+$0x1410]  }
0x63: {  	v3 =	vld [tilespmem:s22+$0x2410]  }
0x64: {  	v0 =	vadd.f32 v1, v0;
	v1 =	vld [tilespmem:s22+$0x3410]  }
0x65: {  	v4 =	vadd.f32 v5, v4;
	v5 =	vadd.f32 v7, v6;
	v6 =	vld [tilespmem:s22+$0x3420]  }
0x66: {  	v7 =	vld [tilespmem:s22+$0x3430]  }
0x67: {  	v4 =	vadd.f32 v5, v4;
	v5 =	vld [tilespmem:s22+$0x2420]  }
0x68: {  	[tilespmem:s22+$0x10470] =	vst v0;
	v0 =	vld [tilespmem:s22+$0x1420]  }
0x69: {  	[tilespmem:s22+$0x10400] =	vst v4;
	v4 =	vld [tilespmem:s22+$0x1430];
	v2 =	vadd.f32 v2, v8;
	v1 =	vadd.f32 v1, v3  }
0x6a: {  	v8 =	vld [tilespmem:s22+$0x3440]  }
0x6b: {  	v1 =	vadd.f32 v1, v2;
	v2 =	vld [tilespmem:s22+$0x2430]  }
0x6c: {  	v3 =	vld [tilespmem:s22+$0x430]  }
0x6d: {  	v0 =	vadd.f32 v0, v9;
	[tilespmem:s22+$0x10410] =	vst v1;
	v1 =	vadd.f32 v6, v5;
	v5 =	vld [tilespmem:s22+$0x440]  }
0x6e: {  	v6 =	vld [tilespmem:s22+$0x1440]  }
0x6f: {  	v0 =	vadd.f32 v1, v0;
	v1 =	vld [tilespmem:s22+$0x2440]  }
0x70: {  	v2 =	vadd.f32 v7, v2;
	v7 =	vld [tilespmem:s22+$0x3450]  }
0x71: {  	[tilespmem:s22+$0x10420] =	vst v0;
	v0 =	vadd.f32 v4, v3;
	v3 =	vld [tilespmem:s22+$0x450]  }
0x72: {  	v4 =	vld [tilespmem:s22+$0x1450]  }
0x73: {  	v0 =	vadd.f32 v2, v0;
	v2 =	vld [tilespmem:s22+$0x2450]  }
0x74: {  	v63 =	vld [tilespmem:s22+$0x460]  }
0x75: {  	v5 =	vadd.f32 v6, v5;
	v1 =	vadd.f32 v8, v1;
	v8 =	vld [tilespmem:s22+$0x1460]  }
0x76: {  	[tilespmem:s22+$0x10430] =	vst v0;
	v0 =	vld [tilespmem:s22+$0x2460]  }
0x77: {  	s25 =	simm.s32 $0x80;
	v6 =	vadd.f32 v1, v5;
	v1 =	vld [tilespmem:s22+$0x3460]  }
0x78: {  	v3 =	vadd.f32 v4, v3;
	v4 =	vld [tilespmem:s25+$0x470];
	v2 =	vadd.f32 v7, v2  }
0x79: {  	v5 =	vld [tilespmem:s25+$0x1470]  }
0x7a: {  	s26 =	simm.s32 $0x400;
	[tilespmem:s22+$0x10440] =	vst v6;
	v6 =	vld [tilespmem:s25+$0x2470];
	v2 =	vadd.f32 v2, v3;
	v3 =	vadd.f32 v8, v63  }
.LBB2_2:
0x7b: {  	p0 =	sne.s32 s26, $0x3E00;
	v7 =	vld [tilespmem:s25+$0x3470]  }
0x7c: {  	v8 =	vld [tilespmem:s25+$0x400];
	[tilespmem:s22+$0x10450] =	vst v2;
	v0 =	vadd.f32 v1, v0  }
0x7d: {  	v1 =	vld [tilespmem:s25+$0x1400]  }
0x7e: {  	v2 =	vld [tilespmem:s25+$0x2400];
	v0 =	vadd.f32 v0, v3  }
0x7f: {  	v3 =	vld [tilespmem:s25+$0x3400]  }
0x80: {  	v4 =	vadd.f32 v5, v4;
	v9 =	vld [tilespmem:s25+$0x410];
	v5 =	vadd.f32 v7, v6;
	[tilespmem:s22+$0x10460] =	vst v0;
	s22 =	smov.u32 s25  }
0x81: {  	v0 =	vld [tilespmem:s22+$0x1410]  }
0x82: {  	v1 =	vadd.f32 v1, v8;
	v6 =	vld [tilespmem:s22+$0x2410];
	v4 =	vadd.f32 v5, v4  }
0x83: {  	v5 =	vld [tilespmem:s22+$0x3410]  }
0x84: {  	v2 =	vadd.f32 v3, v2;
	v3 =	vld [tilespmem:s22+$0x420];
	[tilespmem:s22+$0x10470] =	vst v4  }
0x85: {  	v4 =	vld [tilespmem:s22+$0x1420]  }
0x86: {  	v1 =	vadd.f32 v2, v1;
	v0 =	vadd.f32 v0, v9;
	v2 =	vld [tilespmem:s22+$0x2420]  }
0x87: {  	v7 =	vld [tilespmem:s22+$0x3420]  }
0x88: {  	[tilespmem:s22+$0x10400] =	vst v1;
	v1 =	vadd.f32 v5, v6;
	v5 =	vld [tilespmem:s22+$0x430]  }
0x89: {  	v6 =	vld [tilespmem:s22+$0x1430]  }
0x8a: {  	v0 =	vadd.f32 v1, v0;
	v1 =	vadd.f32 v4, v3;
	v3 =	vld [tilespmem:s22+$0x2430]  }
0x8b: {  	v4 =	vld [tilespmem:s22+$0x3430]  }
0x8c: {  	[tilespmem:s22+$0x10410] =	vst v0;
	v0 =	vadd.f32 v7, v2;
	v2 =	vld [tilespmem:s22+$0x440]  }
0x8d: {  	v7 =	vld [tilespmem:s22+$0x1440]  }
0x8e: {  	v0 =	vadd.f32 v0, v1;
	v1 =	vadd.f32 v6, v5;
	v5 =	vld [tilespmem:s22+$0x2440]  }
0x8f: {  	v6 =	vld [tilespmem:s22+$0x3440]  }
0x90: {  	[tilespmem:s22+$0x10420] =	vst v0;
	v0 =	vadd.f32 v4, v3;
	v3 =	vld [tilespmem:s22+$0x450]  }
0x91: {  	v4 =	vld [tilespmem:s22+$0x1450]  }
0x92: {  	v0 =	vadd.f32 v0, v1;
	v1 =	vadd.f32 v7, v2;
	v2 =	vld [tilespmem:s22+$0x2450]  }
0x93: {  	v7 =	vld [tilespmem:s22+$0x3450]  }
0x94: {  	[tilespmem:s22+$0x10430] =	vst v0;
	v0 =	vadd.f32 v6, v5;
	v8 =	vld [tilespmem:s22+$0x460]  }
0x95: {  	v9 =	vld [tilespmem:s22+$0x1460]  }
.Ltmp0:
0x96: {  	v5 =	vadd.f32 v0, v1;
	v3 =	vadd.f32 v4, v3;
	v0 =	vld [tilespmem:s22+$0x2460];
	(pc) =	sbr.rel @p0 .LBB2_2-.Ltmp0, $4  }
0x97: {  	s25 =	sshra.s32 s26, $0x2;
	v1 =	vld [tilespmem:s22+$0x3460]  }
0x98: {  	v4 =	vld [tilespmem:s25+$0x470];
	[tilespmem:s22+$0x10440] =	vst v5;
	v2 =	vadd.f32 v7, v2  }
0x99: {  	v5 =	vld [tilespmem:s25+$0x1470]  }
0x9a: {  	s26 =	sadd.s32 $0x200, s26;
	v6 =	vld [tilespmem:s25+$0x2470];
	v2 =	vadd.f32 v2, v3;
	v3 =	vadd.f32 v9, v8  }
0x9b: {  	v7 =	vld [tilespmem:s25+$0x3470]  }
0x9c: {  	v8 =	vld [tilespmem:s25+$0x400]  }
0x9d: {  	v9 =	vld [tilespmem:s25+$0x1400]  }
0x9e: {  	v10 =	vld [tilespmem:s25+$0x2400]  }
0x9f: {  	v11 =	vld [tilespmem:s25+$0x3400]  }
0xa0: {  	v12 =	vld [tilespmem:s25+$0x410]  }
0xa1: {  	v13 =	vld [tilespmem:s25+$0x420]  }
0xa2: {  	v54 =	vld [tilespmem:s25+$0x2420]  }
0xa3: {  	v55 =	vld [tilespmem:s25+$0x3420]  }
0xa4: {  	v4 =	vadd.f32 v5, v4;
	v5 =	vadd.f32 v7, v6;
	v6 =	vld [tilespmem:s25+$0x1410]  }
0xa5: {  	v7 =	vld [tilespmem:s25+$0x2410]  }
0xa6: {  	v4 =	vadd.f32 v5, v4;
	v5 =	vld [tilespmem:s25+$0x3410]  }
0xa7: {  	v56 =	vld [tilespmem:s25+$0x3430]  }
0xa8: {  	v57 =	vld [tilespmem:s25+$0x440];
	v8 =	vadd.f32 v9, v8;
	v53 =	vadd.f32 v11, v10  }
0xa9: {  	v58 =	vld [tilespmem:s25+$0x1440]  }
0xaa: {  	v8 =	vadd.f32 v53, v8;
	[tilespmem:s25+$0x10470] =	vst v4;
	v4 =	vld [tilespmem:s25+$0x1420]  }
0xab: {  	v59 =	vld [tilespmem:s25+$0x3440];
	v6 =	vadd.f32 v6, v12;
	v5 =	vadd.f32 v5, v7  }
0xac: {  	[tilespmem:s25+$0x10400] =	vst v8;
	v8 =	vld [tilespmem:s25+$0x1430]  }
0xad: {  	v7 =	vld [tilespmem:s25+$0x430];
	v5 =	vadd.f32 v5, v6  }
0xae: {  	v6 =	vld [tilespmem:s25+$0x2430]  }
0xaf: {  	v60 =	vld [tilespmem:s25+$0x3450];
	v4 =	vadd.f32 v4, v13;
	[tilespmem:s25+$0x10410] =	vst v5;
	v5 =	vadd.f32 v55, v54  }
0xb0: {  	v61 =	vld [tilespmem:s25+$0x1460]  }
0xb1: {  	v14 =	vld [tilespmem:s25+$0x2460];
	v4 =	vadd.f32 v5, v4  }
0xb2: {  	v0 =	vadd.f32 v1, v0;
	v1 =	vld [tilespmem:s25+$0x3460]  }
0xb3: {  	v5 =	vld [tilespmem:s25+$0x2440];
	v6 =	vadd.f32 v56, v6;
	[tilespmem:s25+$0x10420] =	vst v4;
	v4 =	vadd.f32 v8, v7  }
0xb4: {  	v7 =	vld [tilespmem:s25+$0x450]  }
0xb5: {  	v8 =	vld [tilespmem:s25+$0x1450];
	v4 =	vadd.f32 v6, v4  }
0xb6: {  	v6 =	vld [tilespmem:s25+$0x2450]  }
0xb7: {  	[tilespmem:s25+$0x10430] =	vst v4;
	v4 =	vld [tilespmem:s25+$0x460]  }
0xb8: {  	v9 =	vadd.f32 v58, v57;
	v5 =	vadd.f32 v59, v5;
	_ =	sdelay $0x1  }
0xb9: {  	v0 =	vadd.f32 v0, v3;
	v3 =	vadd.f32 v5, v9  }
0xba: {  	v5 =	vadd.f32 v8, v7;
	v6 =	vadd.f32 v60, v6  }
0xbb: {  	[tilespmem:s22+$0x10450] =	vst v2;
	v1 =	vadd.f32 v1, v14;
	v2 =	vadd.f32 v61, v4  }
0xbc: {  	[tilespmem:s22+$0x10460] =	vst v0;
	v0 =	vadd.f32 v6, v5  }
0xbd: {  	[tilespmem:s25+$0x10440] =	vst v3;
	v1 =	vadd.f32 v1, v2  }
0xbe: {  	[tilespmem:s25+$0x10450] =	vst v0  }
0xbf: {  	[tilespmem:s25+$0x10460] =	vst v1  }
0xc0: {  	s25 =	simm.s32 $0x0;
	_ =	strace $0x9000004A  }
0xc1: {  	[hbm4b:s10+s25] =	stream.linear.scatter [tilespmem:s31], [sflag:$0x6], $0x1000, $0x38;
	[tilespmem:$0x12400] =	vst v63  }
0xc2: {  	s12 =	simm.s32 $0x400;
	s26 =	simm.s32 $0x80  }
0xc3: {  	[tilespmem:s12], [sflag:$0x2] =	stream.indirect.gather [hbm4b:s2+s24], $0x80, s26, s24, $0xb8;
	[tilespmem:$0x12400] =	vst v63  }
0xc4: {  	s25 =	simm.s32 $0x1400;
	s26 =	simm.s32 $0x180  }
0xc5: {  	[tilespmem:s25], [sflag:$0x2] =	stream.indirect.gather [hbm4b:s8+s24], $0x80, s26, s24, $0xb8;
	[tilespmem:$0x12400] =	vst v63  }
0xc6: {  	s25 =	simm.s32 $0x2400;
	s26 =	simm.s32 $0x280  }
0xc7: {  	[tilespmem:s25], [sflag:$0x2] =	stream.indirect.gather [hbm4b:s9+s24], $0x80, s26, s24, $0xb8;
	[tilespmem:$0x12400] =	vst v63  }
0xc8: {  	s25 =	simm.s32 $0x3400;
	s26 =	simm.s32 $0x380  }
0xc9: {  	[tilespmem:s25], [sflag:$0x2] =	stream.indirect.gather [hbm4b:s11+s24], $0x80, s26, s24, $0xb8;
	[tilespmem:$0x12400] =	vst v63  }
0xca: {  	_ =	strace $0x8000004B  }
0xcb: {  	_ =	swait.ge [sflag:s0], $0x1000  }
0xcc: {  	[sflag:s0] =	ssyncset.done $0x0  }
0xcd: {  	[sflag:s0] =	ssyncadd.s32 $0xFFFFF000  }
0xce: {  	_ =	swait.ge [sflag:s0], $0x1000  }
0xcf: {  	[sflag:s0] =	ssyncset.done $0x0  }
0xd0: {  	[sflag:s0] =	ssyncadd.s32 $0xFFFFF000  }
0xd1: {  	_ =	swait.ge [sflag:s0], $0x1000  }
0xd2: {  	[sflag:s0] =	ssyncset.done $0x0  }
0xd3: {  	[sflag:s0] =	ssyncadd.s32 $0xFFFFF000  }
0xd4: {  	_ =	swait.ge [sflag:s0], $0x1000  }
0xd5: {  	[sflag:s0] =	ssyncset.done $0x0  }
0xd6: {  	[sflag:s0] =	ssyncadd.s32 $0xFFFFF000  }
0xd7: {  	_ =	strace $0x9000004B  }
0xd8: {  	s22 =	simm.s32 $0x0;
	_ =	strace $0x8000004C  }
0xd9: {  	v0 =	vld [tilespmem:s22+$0x4470]  }
0xda: {  	v1 =	vld [tilespmem:s22+$0x5470]  }
0xdb: {  	v2 =	vld [tilespmem:s22+$0x6470]  }
0xdc: {  	v3 =	vld [tilespmem:s22+$0x7470]  }
0xdd: {  	v4 =	vld [tilespmem:s22+$0x4400]  }
0xde: {  	v5 =	vld [tilespmem:s22+$0x5400]  }
0xdf: {  	v6 =	vld [tilespmem:s22+$0x6400]  }
0xe0: {  	v7 =	vld [tilespmem:s22+$0x7400]  }
0xe1: {  	v8 =	vld [tilespmem:s22+$0x4410]  }
0xe2: {  	v62 =	vld [tilespmem:s22+$0x4420]  }
0xe3: {  	v0 =	vadd.f32 v1, v0;
	v1 =	vadd.f32 v3, v2;
	v2 =	vld [tilespmem:s22+$0x5410]  }
0xe4: {  	v3 =	vld [tilespmem:s22+$0x6410]  }
0xe5: {  	v0 =	vadd.f32 v1, v0;
	v1 =	vld [tilespmem:s22+$0x7410]  }
0xe6: {  	v4 =	vadd.f32 v5, v4;
	v5 =	vadd.f32 v7, v6;
	v6 =	vld [tilespmem:s22+$0x7420]  }
0xe7: {  	v7 =	vld [tilespmem:s22+$0x7430]  }
0xe8: {  	v4 =	vadd.f32 v5, v4;
	v5 =	vld [tilespmem:s22+$0x6420]  }
0xe9: {  	[tilespmem:s22+$0x11470] =	vst v0;
	v0 =	vld [tilespmem:s22+$0x5420]  }
0xea: {  	[tilespmem:s22+$0x11400] =	vst v4;
	v4 =	vld [tilespmem:s22+$0x5430];
	v2 =	vadd.f32 v2, v8;
	v1 =	vadd.f32 v1, v3  }
0xeb: {  	v8 =	vld [tilespmem:s22+$0x7440]  }
0xec: {  	v1 =	vadd.f32 v1, v2;
	v2 =	vld [tilespmem:s22+$0x6430]  }
0xed: {  	v3 =	vld [tilespmem:s22+$0x4430]  }
0xee: {  	v0 =	vadd.f32 v0, v62;
	[tilespmem:s22+$0x11410] =	vst v1;
	v1 =	vadd.f32 v6, v5;
	v5 =	vld [tilespmem:s22+$0x4440]  }
0xef: {  	v6 =	vld [tilespmem:s22+$0x5440]  }
0xf0: {  	v0 =	vadd.f32 v1, v0;
	v1 =	vld [tilespmem:s22+$0x6440]  }
0xf1: {  	v2 =	vadd.f32 v7, v2;
	v7 =	vld [tilespmem:s22+$0x7450]  }
0xf2: {  	[tilespmem:s22+$0x11420] =	vst v0;
	v0 =	vadd.f32 v4, v3;
	v3 =	vld [tilespmem:s22+$0x4450]  }
0xf3: {  	v4 =	vld [tilespmem:s22+$0x5450]  }
0xf4: {  	v0 =	vadd.f32 v2, v0;
	v2 =	vld [tilespmem:s22+$0x6450]  }
0xf5: {  	v63 =	vld [tilespmem:s22+$0x4460]  }
0xf6: {  	v5 =	vadd.f32 v6, v5;
	v1 =	vadd.f32 v8, v1;
	v8 =	vld [tilespmem:s22+$0x5460]  }
0xf7: {  	[tilespmem:s22+$0x11430] =	vst v0;
	v0 =	vld [tilespmem:s22+$0x6460]  }
0xf8: {  	s25 =	simm.s32 $0x80;
	v6 =	vadd.f32 v1, v5;
	v1 =	vld [tilespmem:s22+$0x7460]  }
0xf9: {  	v3 =	vadd.f32 v4, v3;
	v4 =	vld [tilespmem:s25+$0x4470];
	v2 =	vadd.f32 v7, v2  }
0xfa: {  	v5 =	vld [tilespmem:s25+$0x5470]  }
0xfb: {  	s26 =	simm.s32 $0x400;
	[tilespmem:s22+$0x11440] =	vst v6;
	v6 =	vld [tilespmem:s25+$0x6470];
	v2 =	vadd.f32 v2, v3;
	v3 =	vadd.f32 v8, v63  }
.LBB2_4:
0xfc: {  	p0 =	sne.s32 s26, $0x3E00;
	v7 =	vld [tilespmem:s25+$0x7470]  }
0xfd: {  	v8 =	vld [tilespmem:s25+$0x4400];
	[tilespmem:s22+$0x11450] =	vst v2;
	v0 =	vadd.f32 v1, v0  }
0xfe: {  	v1 =	vld [tilespmem:s25+$0x5400]  }
0xff: {  	v2 =	vld [tilespmem:s25+$0x6400];
	v0 =	vadd.f32 v0, v3  }
0x100: {  	v3 =	vld [tilespmem:s25+$0x7400]  }
0x101: {  	v4 =	vadd.f32 v5, v4;
	v9 =	vld [tilespmem:s25+$0x4410];
	v5 =	vadd.f32 v7, v6;
	[tilespmem:s22+$0x11460] =	vst v0;
	s22 =	smov.u32 s25  }
0x102: {  	v0 =	vld [tilespmem:s22+$0x5410]  }
0x103: {  	v1 =	vadd.f32 v1, v8;
	v6 =	vld [tilespmem:s22+$0x6410];
	v4 =	vadd.f32 v5, v4  }
0x104: {  	v5 =	vld [tilespmem:s22+$0x7410]  }
0x105: {  	v2 =	vadd.f32 v3, v2;
	v3 =	vld [tilespmem:s22+$0x4420];
	[tilespmem:s22+$0x11470] =	vst v4  }
0x106: {  	v4 =	vld [tilespmem:s22+$0x5420]  }
0x107: {  	v1 =	vadd.f32 v2, v1;
	v0 =	vadd.f32 v0, v9;
	v2 =	vld [tilespmem:s22+$0x6420]  }
0x108: {  	v7 =	vld [tilespmem:s22+$0x7420]  }
0x109: {  	[tilespmem:s22+$0x11400] =	vst v1;
	v1 =	vadd.f32 v5, v6;
	v5 =	vld [tilespmem:s22+$0x4430]  }
0x10a: {  	v6 =	vld [tilespmem:s22+$0x5430]  }
0x10b: {  	v0 =	vadd.f32 v1, v0;
	v1 =	vadd.f32 v4, v3;
	v3 =	vld [tilespmem:s22+$0x6430]  }
0x10c: {  	v4 =	vld [tilespmem:s22+$0x7430]  }
0x10d: {  	[tilespmem:s22+$0x11410] =	vst v0;
	v0 =	vadd.f32 v7, v2;
	v2 =	vld [tilespmem:s22+$0x4440]  }
0x10e: {  	v7 =	vld [tilespmem:s22+$0x5440]  }
0x10f: {  	v0 =	vadd.f32 v0, v1;
	v1 =	vadd.f32 v6, v5;
	v5 =	vld [tilespmem:s22+$0x6440]  }
0x110: {  	v6 =	vld [tilespmem:s22+$0x7440]  }
0x111: {  	[tilespmem:s22+$0x11420] =	vst v0;
	v0 =	vadd.f32 v4, v3;
	v3 =	vld [tilespmem:s22+$0x4450]  }
0x112: {  	v4 =	vld [tilespmem:s22+$0x5450]  }
0x113: {  	v0 =	vadd.f32 v0, v1;
	v1 =	vadd.f32 v7, v2;
	v2 =	vld [tilespmem:s22+$0x6450]  }
0x114: {  	v7 =	vld [tilespmem:s22+$0x7450]  }
0x115: {  	[tilespmem:s22+$0x11430] =	vst v0;
	v0 =	vadd.f32 v6, v5;
	v8 =	vld [tilespmem:s22+$0x4460]  }
0x116: {  	v9 =	vld [tilespmem:s22+$0x5460]  }
.Ltmp1:
0x117: {  	v5 =	vadd.f32 v0, v1;
	v3 =	vadd.f32 v4, v3;
	v0 =	vld [tilespmem:s22+$0x6460];
	(pc) =	sbr.rel @p0 .LBB2_4-.Ltmp1, $4  }
0x118: {  	s25 =	sshra.s32 s26, $0x2;
	v1 =	vld [tilespmem:s22+$0x7460]  }
0x119: {  	v4 =	vld [tilespmem:s25+$0x4470];
	[tilespmem:s22+$0x11440] =	vst v5;
	v2 =	vadd.f32 v7, v2  }
0x11a: {  	v5 =	vld [tilespmem:s25+$0x5470]  }
0x11b: {  	s26 =	sadd.s32 $0x200, s26;
	v6 =	vld [tilespmem:s25+$0x6470];
	v2 =	vadd.f32 v2, v3;
	v3 =	vadd.f32 v9, v8  }
0x11c: {  	v7 =	vld [tilespmem:s25+$0x7470]  }
0x11d: {  	v8 =	vld [tilespmem:s25+$0x4400]  }
0x11e: {  	v9 =	vld [tilespmem:s25+$0x5400]  }
0x11f: {  	v10 =	vld [tilespmem:s25+$0x6400]  }
0x120: {  	v11 =	vld [tilespmem:s25+$0x7400]  }
0x121: {  	v12 =	vld [tilespmem:s25+$0x4410]  }
0x122: {  	v13 =	vld [tilespmem:s25+$0x4420]  }
0x123: {  	v54 =	vld [tilespmem:s25+$0x6420]  }
0x124: {  	v55 =	vld [tilespmem:s25+$0x7420]  }
0x125: {  	v4 =	vadd.f32 v5, v4;
	v5 =	vadd.f32 v7, v6;
	v6 =	vld [tilespmem:s25+$0x5410]  }
0x126: {  	v7 =	vld [tilespmem:s25+$0x6410]  }
0x127: {  	v4 =	vadd.f32 v5, v4;
	v5 =	vld [tilespmem:s25+$0x7410]  }
0x128: {  	v56 =	vld [tilespmem:s25+$0x7430]  }
0x129: {  	v57 =	vld [tilespmem:s25+$0x4440];
	v8 =	vadd.f32 v9, v8;
	v53 =	vadd.f32 v11, v10  }
0x12a: {  	v58 =	vld [tilespmem:s25+$0x5440]  }
0x12b: {  	v8 =	vadd.f32 v53, v8;
	[tilespmem:s25+$0x11470] =	vst v4;
	v4 =	vld [tilespmem:s25+$0x5420]  }
0x12c: {  	v59 =	vld [tilespmem:s25+$0x7440];
	v6 =	vadd.f32 v6, v12;
	v5 =	vadd.f32 v5, v7  }
0x12d: {  	[tilespmem:s25+$0x11400] =	vst v8;
	v8 =	vld [tilespmem:s25+$0x5430]  }
0x12e: {  	v7 =	vld [tilespmem:s25+$0x4430];
	v5 =	vadd.f32 v5, v6  }
0x12f: {  	v6 =	vld [tilespmem:s25+$0x6430]  }
0x130: {  	v60 =	vld [tilespmem:s25+$0x7450];
	v4 =	vadd.f32 v4, v13;
	[tilespmem:s25+$0x11410] =	vst v5;
	v5 =	vadd.f32 v55, v54  }
0x131: {  	v61 =	vld [tilespmem:s25+$0x5460]  }
0x132: {  	v14 =	vld [tilespmem:s25+$0x6460];
	v4 =	vadd.f32 v5, v4  }
0x133: {  	v0 =	vadd.f32 v1, v0;
	v1 =	vld [tilespmem:s25+$0x7460]  }
0x134: {  	v5 =	vld [tilespmem:s25+$0x6440];
	v6 =	vadd.f32 v56, v6;
	[tilespmem:s25+$0x11420] =	vst v4;
	v4 =	vadd.f32 v8, v7  }
0x135: {  	v7 =	vld [tilespmem:s25+$0x4450]  }
0x136: {  	v8 =	vld [tilespmem:s25+$0x5450];
	v4 =	vadd.f32 v6, v4  }
0x137: {  	v6 =	vld [tilespmem:s25+$0x6450]  }
0x138: {  	[tilespmem:s25+$0x11430] =	vst v4;
	v4 =	vld [tilespmem:s25+$0x4460]  }
0x139: {  	v9 =	vadd.f32 v58, v57;
	v5 =	vadd.f32 v59, v5;
	_ =	sdelay $0x1  }
0x13a: {  	v0 =	vadd.f32 v0, v3;
	v3 =	vadd.f32 v5, v9  }
0x13b: {  	v5 =	vadd.f32 v8, v7;
	v6 =	vadd.f32 v60, v6  }
0x13c: {  	[tilespmem:s22+$0x11450] =	vst v2;
	v1 =	vadd.f32 v1, v14;
	v2 =	vadd.f32 v61, v4  }
0x13d: {  	[tilespmem:s22+$0x11460] =	vst v0;
	v0 =	vadd.f32 v6, v5  }
0x13e: {  	[tilespmem:s25+$0x11440] =	vst v3;
	v1 =	vadd.f32 v1, v2  }
0x13f: {  	[tilespmem:s25+$0x11450] =	vst v0  }
0x140: {  	[tilespmem:s25+$0x11460] =	vst v1  }
0x141: {  	_ =	strace $0x9000004C  }
0x142: {  	s26 =	simm.s32 $0x0;
	s12 =	rddreg [dreg:$0x8]  }
0x143: {  	[hbm4b:s12+s26] =	stream.linear.scatter [tilespmem:s4], [sflag:$0x7], $0x1000, $0x38;
	[tilespmem:$0x12400] =	vst v63  }
0x144: {  	s25 =	simm.s32 $0x4400;
	s26 =	simm.s32 $0xA0  }
0x145: {  	[tilespmem:s25], [sflag:$0x3] =	stream.indirect.gather [hbm4b:s2+s24], $0x80, s26, s24, $0xb8;
	[tilespmem:$0x12400] =	vst v63  }
0x146: {  	s25 =	simm.s32 $0x5400;
	s26 =	simm.s32 $0x1A0  }
0x147: {  	[tilespmem:s25], [sflag:$0x3] =	stream.indirect.gather [hbm4b:s8+s24], $0x80, s26, s24, $0xb8;
	[tilespmem:$0x12400] =	vst v63  }
0x148: {  	s25 =	simm.s32 $0x6400;
	s26 =	simm.s32 $0x2A0  }
0x149: {  	[tilespmem:s25], [sflag:$0x3] =	stream.indirect.gather [hbm4b:s9+s24], $0x80, s26, s24, $0xb8;
	[tilespmem:$0x12400] =	vst v63  }
0x14a: {  	s25 =	simm.s32 $0x7400;
	s26 =	simm.s32 $0x3A0  }
0x14b: {  	[tilespmem:s25], [sflag:$0x3] =	stream.indirect.gather [hbm4b:s11+s24], $0x80, s26, s24, $0xb8;
	[tilespmem:$0x12400] =	vst v63  }
0x14c: {  	_ =	strace $0x8000004D  }
0x14d: {  	_ =	swait.ge [sflag:s20], $0x1000  }
0x14e: {  	[sflag:s20] =	ssyncset.done $0x0  }
0x14f: {  	[sflag:s20] =	ssyncadd.s32 $0xFFFFF000  }
0x150: {  	_ =	swait.ge [sflag:s20], $0x1000  }
0x151: {  	[sflag:s20] =	ssyncset.done $0x0  }
0x152: {  	[sflag:s20] =	ssyncadd.s32 $0xFFFFF000  }
0x153: {  	_ =	swait.ge [sflag:s20], $0x1000  }
0x154: {  	[sflag:s20] =	ssyncset.done $0x0  }
0x155: {  	[sflag:s20] =	ssyncadd.s32 $0xFFFFF000  }
0x156: {  	_ =	swait.ge [sflag:s20], $0x1000  }
0x157: {  	[sflag:s20] =	ssyncset.done $0x0  }
0x158: {  	[sflag:s20] =	ssyncadd.s32 $0xFFFFF000  }
0x159: {  	_ =	swait.ge [sflag:s5], $0x1000  }
0x15a: {  	[sflag:s5] =	ssyncset.done $0x0  }
0x15b: {  	[sflag:s5] =	ssyncadd.s32 $0xFFFFF000  }
0x15c: {  	_ =	strace $0x9000004D  }
0x15d: {  	s22 =	simm.s32 $0x0;
	_ =	strace $0x8000004E  }
0x15e: {  	v0 =	vld [tilespmem:s22+$0x8470]  }
0x15f: {  	v1 =	vld [tilespmem:s22+$0x9470]  }
0x160: {  	v2 =	vld [tilespmem:s22+$0xA470]  }
0x161: {  	v3 =	vld [tilespmem:s22+$0xB470]  }
0x162: {  	v4 =	vld [tilespmem:s22+$0x8400]  }
0x163: {  	v5 =	vld [tilespmem:s22+$0x9400]  }
0x164: {  	v6 =	vld [tilespmem:s22+$0xA400]  }
0x165: {  	v7 =	vld [tilespmem:s22+$0xB400]  }
0x166: {  	v8 =	vld [tilespmem:s22+$0x8410]  }
0x167: {  	v62 =	vld [tilespmem:s22+$0x8420]  }
0x168: {  	v0 =	vadd.f32 v1, v0;
	v1 =	vadd.f32 v3, v2;
	v2 =	vld [tilespmem:s22+$0x9410]  }
0x169: {  	v3 =	vld [tilespmem:s22+$0xA410]  }
0x16a: {  	v0 =	vadd.f32 v1, v0;
	v1 =	vld [tilespmem:s22+$0xB410]  }
0x16b: {  	v4 =	vadd.f32 v5, v4;
	v5 =	vadd.f32 v7, v6;
	v6 =	vld [tilespmem:s22+$0xB420]  }
0x16c: {  	v7 =	vld [tilespmem:s22+$0xB430]  }
0x16d: {  	v4 =	vadd.f32 v5, v4;
	v5 =	vld [tilespmem:s22+$0xA420]  }
0x16e: {  	[tilespmem:s22+$0x10470] =	vst v0;
	v0 =	vld [tilespmem:s22+$0x9420]  }
0x16f: {  	[tilespmem:s22+$0x10400] =	vst v4;
	v4 =	vld [tilespmem:s22+$0x9430];
	v2 =	vadd.f32 v2, v8;
	v1 =	vadd.f32 v1, v3  }
0x170: {  	v8 =	vld [tilespmem:s22+$0xB440]  }
0x171: {  	v1 =	vadd.f32 v1, v2;
	v2 =	vld [tilespmem:s22+$0xA430]  }
0x172: {  	v3 =	vld [tilespmem:s22+$0x8430]  }
0x173: {  	v0 =	vadd.f32 v0, v62;
	[tilespmem:s22+$0x10410] =	vst v1;
	v1 =	vadd.f32 v6, v5;
	v5 =	vld [tilespmem:s22+$0x8440]  }
0x174: {  	v6 =	vld [tilespmem:s22+$0x9440]  }
0x175: {  	v0 =	vadd.f32 v1, v0;
	v1 =	vld [tilespmem:s22+$0xA440]  }
0x176: {  	v2 =	vadd.f32 v7, v2;
	v7 =	vld [tilespmem:s22+$0xB450]  }
0x177: {  	[tilespmem:s22+$0x10420] =	vst v0;
	v0 =	vadd.f32 v4, v3;
	v3 =	vld [tilespmem:s22+$0x8450]  }
0x178: {  	v4 =	vld [tilespmem:s22+$0x9450]  }
0x179: {  	v0 =	vadd.f32 v2, v0;
	v2 =	vld [tilespmem:s22+$0xA450]  }
0x17a: {  	v63 =	vld [tilespmem:s22+$0x8460]  }
0x17b: {  	v5 =	vadd.f32 v6, v5;
	v1 =	vadd.f32 v8, v1;
	v8 =	vld [tilespmem:s22+$0x9460]  }
0x17c: {  	[tilespmem:s22+$0x10430] =	vst v0;
	v0 =	vld [tilespmem:s22+$0xA460]  }
0x17d: {  	s25 =	simm.s32 $0x80;
	v6 =	vadd.f32 v1, v5;
	v1 =	vld [tilespmem:s22+$0xB460]  }
0x17e: {  	v3 =	vadd.f32 v4, v3;
	v4 =	vld [tilespmem:s25+$0x8470];
	v2 =	vadd.f32 v7, v2  }
0x17f: {  	v5 =	vld [tilespmem:s25+$0x9470]  }
0x180: {  	s26 =	simm.s32 $0x400;
	[tilespmem:s22+$0x10440] =	vst v6;
	v6 =	vld [tilespmem:s25+$0xA470];
	v2 =	vadd.f32 v2, v3;
	v3 =	vadd.f32 v8, v63  }
.LBB2_6:
0x181: {  	p0 =	sne.s32 s26, $0x3E00;
	v7 =	vld [tilespmem:s25+$0xB470]  }
0x182: {  	v8 =	vld [tilespmem:s25+$0x8400];
	[tilespmem:s22+$0x10450] =	vst v2;
	v0 =	vadd.f32 v1, v0  }
0x183: {  	v1 =	vld [tilespmem:s25+$0x9400]  }
0x184: {  	v2 =	vld [tilespmem:s25+$0xA400];
	v0 =	vadd.f32 v0, v3  }
0x185: {  	v3 =	vld [tilespmem:s25+$0xB400]  }
0x186: {  	v4 =	vadd.f32 v5, v4;
	v9 =	vld [tilespmem:s25+$0x8410];
	v5 =	vadd.f32 v7, v6;
	[tilespmem:s22+$0x10460] =	vst v0;
	s22 =	smov.u32 s25  }
0x187: {  	v0 =	vld [tilespmem:s22+$0x9410]  }
0x188: {  	v1 =	vadd.f32 v1, v8;
	v6 =	vld [tilespmem:s22+$0xA410];
	v4 =	vadd.f32 v5, v4  }
0x189: {  	v5 =	vld [tilespmem:s22+$0xB410]  }
0x18a: {  	v2 =	vadd.f32 v3, v2;
	v3 =	vld [tilespmem:s22+$0x8420];
	[tilespmem:s22+$0x10470] =	vst v4  }
0x18b: {  	v4 =	vld [tilespmem:s22+$0x9420]  }
0x18c: {  	v1 =	vadd.f32 v2, v1;
	v0 =	vadd.f32 v0, v9;
	v2 =	vld [tilespmem:s22+$0xA420]  }
0x18d: {  	v7 =	vld [tilespmem:s22+$0xB420]  }
0x18e: {  	[tilespmem:s22+$0x10400] =	vst v1;
	v1 =	vadd.f32 v5, v6;
	v5 =	vld [tilespmem:s22+$0x8430]  }
0x18f: {  	v6 =	vld [tilespmem:s22+$0x9430]  }
0x190: {  	v0 =	vadd.f32 v1, v0;
	v1 =	vadd.f32 v4, v3;
	v3 =	vld [tilespmem:s22+$0xA430]  }
0x191: {  	v4 =	vld [tilespmem:s22+$0xB430]  }
0x192: {  	[tilespmem:s22+$0x10410] =	vst v0;
	v0 =	vadd.f32 v7, v2;
	v2 =	vld [tilespmem:s22+$0x8440]  }
0x193: {  	v7 =	vld [tilespmem:s22+$0x9440]  }
0x194: {  	v0 =	vadd.f32 v0, v1;
	v1 =	vadd.f32 v6, v5;
	v5 =	vld [tilespmem:s22+$0xA440]  }
0x195: {  	v6 =	vld [tilespmem:s22+$0xB440]  }
0x196: {  	[tilespmem:s22+$0x10420] =	vst v0;
	v0 =	vadd.f32 v4, v3;
	v3 =	vld [tilespmem:s22+$0x8450]  }
0x197: {  	v4 =	vld [tilespmem:s22+$0x9450]  }
0x198: {  	v0 =	vadd.f32 v0, v1;
	v1 =	vadd.f32 v7, v2;
	v2 =	vld [tilespmem:s22+$0xA450]  }
0x199: {  	v7 =	vld [tilespmem:s22+$0xB450]  }
0x19a: {  	[tilespmem:s22+$0x10430] =	vst v0;
	v0 =	vadd.f32 v6, v5;
	v8 =	vld [tilespmem:s22+$0x8460]  }
0x19b: {  	v9 =	vld [tilespmem:s22+$0x9460]  }
.Ltmp2:
0x19c: {  	v5 =	vadd.f32 v0, v1;
	v3 =	vadd.f32 v4, v3;
	v0 =	vld [tilespmem:s22+$0xA460];
	(pc) =	sbr.rel @p0 .LBB2_6-.Ltmp2, $4  }
0x19d: {  	s25 =	sshra.s32 s26, $0x2;
	v1 =	vld [tilespmem:s22+$0xB460]  }
0x19e: {  	v4 =	vld [tilespmem:s25+$0x8470];
	[tilespmem:s22+$0x10440] =	vst v5;
	v2 =	vadd.f32 v7, v2  }
0x19f: {  	v5 =	vld [tilespmem:s25+$0x9470]  }
0x1a0: {  	s26 =	sadd.s32 $0x200, s26;
	v6 =	vld [tilespmem:s25+$0xA470];
	v2 =	vadd.f32 v2, v3;
	v3 =	vadd.f32 v9, v8  }
0x1a1: {  	v7 =	vld [tilespmem:s25+$0xB470]  }
0x1a2: {  	v8 =	vld [tilespmem:s25+$0x8400]  }
0x1a3: {  	v9 =	vld [tilespmem:s25+$0x9400]  }
0x1a4: {  	v10 =	vld [tilespmem:s25+$0xA400]  }
0x1a5: {  	v11 =	vld [tilespmem:s25+$0xB400]  }
0x1a6: {  	v12 =	vld [tilespmem:s25+$0x8410]  }
0x1a7: {  	v13 =	vld [tilespmem:s25+$0x8420]  }
0x1a8: {  	v54 =	vld [tilespmem:s25+$0xA420]  }
0x1a9: {  	v55 =	vld [tilespmem:s25+$0xB420]  }
0x1aa: {  	v4 =	vadd.f32 v5, v4;
	v5 =	vadd.f32 v7, v6;
	v6 =	vld [tilespmem:s25+$0x9410]  }
0x1ab: {  	v7 =	vld [tilespmem:s25+$0xA410]  }
0x1ac: {  	v4 =	vadd.f32 v5, v4;
	v5 =	vld [tilespmem:s25+$0xB410]  }
0x1ad: {  	v56 =	vld [tilespmem:s25+$0xB430]  }
0x1ae: {  	v57 =	vld [tilespmem:s25+$0x8440];
	v8 =	vadd.f32 v9, v8;
	v53 =	vadd.f32 v11, v10  }
0x1af: {  	v58 =	vld [tilespmem:s25+$0x9440]  }
0x1b0: {  	v8 =	vadd.f32 v53, v8;
	[tilespmem:s25+$0x10470] =	vst v4;
	v4 =	vld [tilespmem:s25+$0x9420]  }
0x1b1: {  	v59 =	vld [tilespmem:s25+$0xB440];
	v6 =	vadd.f32 v6, v12;
	v5 =	vadd.f32 v5, v7  }
0x1b2: {  	[tilespmem:s25+$0x10400] =	vst v8;
	v8 =	vld [tilespmem:s25+$0x9430]  }
0x1b3: {  	v7 =	vld [tilespmem:s25+$0x8430];
	v5 =	vadd.f32 v5, v6  }
0x1b4: {  	v6 =	vld [tilespmem:s25+$0xA430]  }
0x1b5: {  	v60 =	vld [tilespmem:s25+$0xB450];
	v4 =	vadd.f32 v4, v13;
	[tilespmem:s25+$0x10410] =	vst v5;
	v5 =	vadd.f32 v55, v54  }
0x1b6: {  	v61 =	vld [tilespmem:s25+$0x9460]  }
0x1b7: {  	v14 =	vld [tilespmem:s25+$0xA460];
	v4 =	vadd.f32 v5, v4  }
0x1b8: {  	v0 =	vadd.f32 v1, v0;
	v1 =	vld [tilespmem:s25+$0xB460]  }
0x1b9: {  	v5 =	vld [tilespmem:s25+$0xA440];
	v6 =	vadd.f32 v56, v6;
	[tilespmem:s25+$0x10420] =	vst v4;
	v4 =	vadd.f32 v8, v7  }
0x1ba: {  	v7 =	vld [tilespmem:s25+$0x8450]  }
0x1bb: {  	v8 =	vld [tilespmem:s25+$0x9450];
	v4 =	vadd.f32 v6, v4  }
0x1bc: {  	v6 =	vld [tilespmem:s25+$0xA450]  }
0x1bd: {  	[tilespmem:s25+$0x10430] =	vst v4;
	v4 =	vld [tilespmem:s25+$0x8460]  }
0x1be: {  	v9 =	vadd.f32 v58, v57;
	v5 =	vadd.f32 v59, v5;
	_ =	sdelay $0x1  }
0x1bf: {  	v0 =	vadd.f32 v0, v3;
	v3 =	vadd.f32 v5, v9  }
0x1c0: {  	v5 =	vadd.f32 v8, v7;
	v6 =	vadd.f32 v60, v6  }
0x1c1: {  	[tilespmem:s22+$0x10450] =	vst v2;
	v1 =	vadd.f32 v1, v14;
	v2 =	vadd.f32 v61, v4  }
0x1c2: {  	[tilespmem:s22+$0x10460] =	vst v0;
	v0 =	vadd.f32 v6, v5  }
0x1c3: {  	[tilespmem:s25+$0x10440] =	vst v3;
	v1 =	vadd.f32 v1, v2  }
0x1c4: {  	[tilespmem:s25+$0x10450] =	vst v0  }
0x1c5: {  	[tilespmem:s25+$0x10460] =	vst v1  }
0x1c6: {  	s25 =	simm.s32 $0x0;
	_ =	strace $0x9000004E  }
0x1c7: {  	[hbm4b:s13+s25] =	stream.linear.scatter [tilespmem:s31], [sflag:$0x6], $0x1000, $0x38;
	[tilespmem:$0x12400] =	vst v63  }
0x1c8: {  	s12 =	simm.s32 $0x8400;
	s26 =	simm.s32 $0xC0  }
0x1c9: {  	[tilespmem:s12], [sflag:$0x4] =	stream.indirect.gather [hbm4b:s2+s24], $0x80, s26, s24, $0xb8;
	[tilespmem:$0x12400] =	vst v63  }
0x1ca: {  	s25 =	simm.s32 $0x9400;
	s26 =	simm.s32 $0x1C0  }
0x1cb: {  	[tilespmem:s25], [sflag:$0x4] =	stream.indirect.gather [hbm4b:s8+s24], $0x80, s26, s24, $0xb8;
	[tilespmem:$0x12400] =	vst v63  }
0x1cc: {  	s25 =	simm.s32 $0xA400;
	s26 =	simm.s32 $0x2C0  }
0x1cd: {  	[tilespmem:s25], [sflag:$0x4] =	stream.indirect.gather [hbm4b:s9+s24], $0x80, s26, s24, $0xb8;
	[tilespmem:$0x12400] =	vst v63  }
0x1ce: {  	s25 =	simm.s32 $0xB400;
	s26 =	simm.s32 $0x3C0  }
0x1cf: {  	[tilespmem:s25], [sflag:$0x4] =	stream.indirect.gather [hbm4b:s11+s24], $0x80, s26, s24, $0xb8;
	[tilespmem:$0x12400] =	vst v63  }
0x1d0: {  	_ =	strace $0x8000004F  }
0x1d1: {  	_ =	swait.ge [sflag:s6], $0x1000  }
0x1d2: {  	[sflag:s6] =	ssyncset.done $0x0  }
0x1d3: {  	[sflag:s6] =	ssyncadd.s32 $0xFFFFF000  }
0x1d4: {  	_ =	swait.ge [sflag:s6], $0x1000  }
0x1d5: {  	[sflag:s6] =	ssyncset.done $0x0  }
0x1d6: {  	[sflag:s6] =	ssyncadd.s32 $0xFFFFF000  }
0x1d7: {  	_ =	swait.ge [sflag:s6], $0x1000  }
0x1d8: {  	[sflag:s6] =	ssyncset.done $0x0  }
0x1d9: {  	[sflag:s6] =	ssyncadd.s32 $0xFFFFF000  }
0x1da: {  	_ =	swait.ge [sflag:s6], $0x1000  }
0x1db: {  	[sflag:s6] =	ssyncset.done $0x0  }
0x1dc: {  	[sflag:s6] =	ssyncadd.s32 $0xFFFFF000  }
0x1dd: {  	_ =	swait.ge [sflag:s21], $0x1000  }
0x1de: {  	[sflag:s21] =	ssyncset.done $0x0  }
0x1df: {  	[sflag:s21] =	ssyncadd.s32 $0xFFFFF000  }
0x1e0: {  	_ =	strace $0x9000004F  }
0x1e1: {  	s22 =	simm.s32 $0x0;
	_ =	strace $0x80000050  }
0x1e2: {  	v0 =	vld [tilespmem:s22+$0xC470]  }
0x1e3: {  	v1 =	vld [tilespmem:s22+$0xD470]  }
0x1e4: {  	v2 =	vld [tilespmem:s22+$0xE470]  }
0x1e5: {  	v3 =	vld [tilespmem:s22+$0xF470]  }
0x1e6: {  	v4 =	vld [tilespmem:s22+$0xC400]  }
0x1e7: {  	v5 =	vld [tilespmem:s22+$0xD400]  }
0x1e8: {  	v6 =	vld [tilespmem:s22+$0xE400]  }
0x1e9: {  	v7 =	vld [tilespmem:s22+$0xF400]  }
0x1ea: {  	v8 =	vld [tilespmem:s22+$0xC410]  }
0x1eb: {  	v62 =	vld [tilespmem:s22+$0xC420]  }
0x1ec: {  	v0 =	vadd.f32 v1, v0;
	v1 =	vadd.f32 v3, v2;
	v2 =	vld [tilespmem:s22+$0xD410]  }
0x1ed: {  	v3 =	vld [tilespmem:s22+$0xE410]  }
0x1ee: {  	v0 =	vadd.f32 v1, v0;
	v1 =	vld [tilespmem:s22+$0xF410]  }
0x1ef: {  	v4 =	vadd.f32 v5, v4;
	v5 =	vadd.f32 v7, v6;
	v6 =	vld [tilespmem:s22+$0xF420]  }
0x1f0: {  	v7 =	vld [tilespmem:s22+$0xF430]  }
0x1f1: {  	v4 =	vadd.f32 v5, v4;
	v5 =	vld [tilespmem:s22+$0xE420]  }
0x1f2: {  	[tilespmem:s22+$0x11470] =	vst v0;
	v0 =	vld [tilespmem:s22+$0xD420]  }
0x1f3: {  	[tilespmem:s22+$0x11400] =	vst v4;
	v4 =	vld [tilespmem:s22+$0xD430];
	v2 =	vadd.f32 v2, v8;
	v1 =	vadd.f32 v1, v3  }
0x1f4: {  	v8 =	vld [tilespmem:s22+$0xF440]  }
0x1f5: {  	v1 =	vadd.f32 v1, v2;
	v2 =	vld [tilespmem:s22+$0xE430]  }
0x1f6: {  	v3 =	vld [tilespmem:s22+$0xC430]  }
0x1f7: {  	v0 =	vadd.f32 v0, v62;
	[tilespmem:s22+$0x11410] =	vst v1;
	v1 =	vadd.f32 v6, v5;
	v5 =	vld [tilespmem:s22+$0xC440]  }
0x1f8: {  	v6 =	vld [tilespmem:s22+$0xD440]  }
0x1f9: {  	v0 =	vadd.f32 v1, v0;
	v1 =	vld [tilespmem:s22+$0xE440]  }
0x1fa: {  	v2 =	vadd.f32 v7, v2;
	v7 =	vld [tilespmem:s22+$0xF450]  }
0x1fb: {  	[tilespmem:s22+$0x11420] =	vst v0;
	v0 =	vadd.f32 v4, v3;
	v3 =	vld [tilespmem:s22+$0xC450]  }
0x1fc: {  	v4 =	vld [tilespmem:s22+$0xD450]  }
0x1fd: {  	v0 =	vadd.f32 v2, v0;
	v2 =	vld [tilespmem:s22+$0xE450]  }
0x1fe: {  	v63 =	vld [tilespmem:s22+$0xC460]  }
0x1ff: {  	v5 =	vadd.f32 v6, v5;
	v1 =	vadd.f32 v8, v1;
	v8 =	vld [tilespmem:s22+$0xD460]  }
0x200: {  	[tilespmem:s22+$0x11430] =	vst v0;
	v0 =	vld [tilespmem:s22+$0xE460]  }
0x201: {  	s25 =	simm.s32 $0x80;
	v6 =	vadd.f32 v1, v5;
	v1 =	vld [tilespmem:s22+$0xF460]  }
0x202: {  	v3 =	vadd.f32 v4, v3;
	v4 =	vld [tilespmem:s25+$0xC470];
	v2 =	vadd.f32 v7, v2  }
0x203: {  	v5 =	vld [tilespmem:s25+$0xD470]  }
0x204: {  	s26 =	simm.s32 $0x400;
	[tilespmem:s22+$0x11440] =	vst v6;
	v6 =	vld [tilespmem:s25+$0xE470];
	v2 =	vadd.f32 v2, v3;
	v3 =	vadd.f32 v8, v63  }
.LBB2_8:
0x205: {  	p0 =	sne.s32 s26, $0x3E00;
	v7 =	vld [tilespmem:s25+$0xF470]  }
0x206: {  	v8 =	vld [tilespmem:s25+$0xC400];
	[tilespmem:s22+$0x11450] =	vst v2;
	v0 =	vadd.f32 v1, v0  }
0x207: {  	v1 =	vld [tilespmem:s25+$0xD400]  }
0x208: {  	v2 =	vld [tilespmem:s25+$0xE400];
	v0 =	vadd.f32 v0, v3  }
0x209: {  	v3 =	vld [tilespmem:s25+$0xF400]  }
0x20a: {  	v4 =	vadd.f32 v5, v4;
	v9 =	vld [tilespmem:s25+$0xC410];
	v5 =	vadd.f32 v7, v6;
	[tilespmem:s22+$0x11460] =	vst v0;
	s22 =	smov.u32 s25  }
0x20b: {  	v0 =	vld [tilespmem:s22+$0xD410]  }
0x20c: {  	v1 =	vadd.f32 v1, v8;
	v6 =	vld [tilespmem:s22+$0xE410];
	v4 =	vadd.f32 v5, v4  }
0x20d: {  	v5 =	vld [tilespmem:s22+$0xF410]  }
0x20e: {  	v2 =	vadd.f32 v3, v2;
	v3 =	vld [tilespmem:s22+$0xC420];
	[tilespmem:s22+$0x11470] =	vst v4  }
0x20f: {  	v4 =	vld [tilespmem:s22+$0xD420]  }
0x210: {  	v1 =	vadd.f32 v2, v1;
	v0 =	vadd.f32 v0, v9;
	v2 =	vld [tilespmem:s22+$0xE420]  }
0x211: {  	v7 =	vld [tilespmem:s22+$0xF420]  }
0x212: {  	[tilespmem:s22+$0x11400] =	vst v1;
	v1 =	vadd.f32 v5, v6;
	v5 =	vld [tilespmem:s22+$0xC430]  }
0x213: {  	v6 =	vld [tilespmem:s22+$0xD430]  }
0x214: {  	v0 =	vadd.f32 v1, v0;
	v1 =	vadd.f32 v4, v3;
	v3 =	vld [tilespmem:s22+$0xE430]  }
0x215: {  	v4 =	vld [tilespmem:s22+$0xF430]  }
0x216: {  	[tilespmem:s22+$0x11410] =	vst v0;
	v0 =	vadd.f32 v7, v2;
	v2 =	vld [tilespmem:s22+$0xC440]  }
0x217: {  	v7 =	vld [tilespmem:s22+$0xD440]  }
0x218: {  	v0 =	vadd.f32 v0, v1;
	v1 =	vadd.f32 v6, v5;
	v5 =	vld [tilespmem:s22+$0xE440]  }
0x219: {  	v6 =	vld [tilespmem:s22+$0xF440]  }
0x21a: {  	[tilespmem:s22+$0x11420] =	vst v0;
	v0 =	vadd.f32 v4, v3;
	v3 =	vld [tilespmem:s22+$0xC450]  }
0x21b: {  	v4 =	vld [tilespmem:s22+$0xD450]  }
0x21c: {  	v0 =	vadd.f32 v0, v1;
	v1 =	vadd.f32 v7, v2;
	v2 =	vld [tilespmem:s22+$0xE450]  }
0x21d: {  	v7 =	vld [tilespmem:s22+$0xF450]  }
0x21e: {  	[tilespmem:s22+$0x11430] =	vst v0;
	v0 =	vadd.f32 v6, v5;
	v8 =	vld [tilespmem:s22+$0xC460]  }
0x21f: {  	v9 =	vld [tilespmem:s22+$0xD460]  }
.Ltmp3:
0x220: {  	v5 =	vadd.f32 v0, v1;
	v3 =	vadd.f32 v4, v3;
	v0 =	vld [tilespmem:s22+$0xE460];
	(pc) =	sbr.rel @p0 .LBB2_8-.Ltmp3, $4  }
0x221: {  	s25 =	sshra.s32 s26, $0x2;
	v1 =	vld [tilespmem:s22+$0xF460]  }
0x222: {  	v4 =	vld [tilespmem:s25+$0xC470];
	[tilespmem:s22+$0x11440] =	vst v5;
	v2 =	vadd.f32 v7, v2  }
0x223: {  	v5 =	vld [tilespmem:s25+$0xD470]  }
0x224: {  	s26 =	sadd.s32 $0x200, s26;
	v6 =	vld [tilespmem:s25+$0xE470];
	v2 =	vadd.f32 v2, v3;
	v3 =	vadd.f32 v9, v8  }
0x225: {  	v7 =	vld [tilespmem:s25+$0xF470]  }
0x226: {  	v8 =	vld [tilespmem:s25+$0xC400]  }
0x227: {  	v9 =	vld [tilespmem:s25+$0xD400]  }
0x228: {  	v10 =	vld [tilespmem:s25+$0xE400]  }
0x229: {  	v11 =	vld [tilespmem:s25+$0xF400]  }
0x22a: {  	v12 =	vld [tilespmem:s25+$0xC410]  }
0x22b: {  	v13 =	vld [tilespmem:s25+$0xC420]  }
0x22c: {  	v54 =	vld [tilespmem:s25+$0xE420]  }
0x22d: {  	v55 =	vld [tilespmem:s25+$0xF420]  }
0x22e: {  	v4 =	vadd.f32 v5, v4;
	v5 =	vadd.f32 v7, v6;
	v6 =	vld [tilespmem:s25+$0xD410]  }
0x22f: {  	v7 =	vld [tilespmem:s25+$0xE410]  }
0x230: {  	v4 =	vadd.f32 v5, v4;
	v5 =	vld [tilespmem:s25+$0xF410]  }
0x231: {  	v56 =	vld [tilespmem:s25+$0xF430]  }
0x232: {  	v57 =	vld [tilespmem:s25+$0xC440];
	v8 =	vadd.f32 v9, v8;
	v53 =	vadd.f32 v11, v10  }
0x233: {  	v58 =	vld [tilespmem:s25+$0xD440]  }
0x234: {  	v8 =	vadd.f32 v53, v8;
	[tilespmem:s25+$0x11470] =	vst v4;
	v4 =	vld [tilespmem:s25+$0xD420]  }
0x235: {  	v59 =	vld [tilespmem:s25+$0xF440];
	v6 =	vadd.f32 v6, v12;
	v5 =	vadd.f32 v5, v7  }
0x236: {  	[tilespmem:s25+$0x11400] =	vst v8;
	v8 =	vld [tilespmem:s25+$0xD430]  }
0x237: {  	v7 =	vld [tilespmem:s25+$0xC430];
	v5 =	vadd.f32 v5, v6  }
0x238: {  	v6 =	vld [tilespmem:s25+$0xE430]  }
0x239: {  	v60 =	vld [tilespmem:s25+$0xF450];
	v4 =	vadd.f32 v4, v13;
	[tilespmem:s25+$0x11410] =	vst v5;
	v5 =	vadd.f32 v55, v54  }
0x23a: {  	v61 =	vld [tilespmem:s25+$0xD460]  }
0x23b: {  	v14 =	vld [tilespmem:s25+$0xE460];
	v4 =	vadd.f32 v5, v4  }
0x23c: {  	v0 =	vadd.f32 v1, v0;
	v1 =	vld [tilespmem:s25+$0xF460]  }
0x23d: {  	v5 =	vld [tilespmem:s25+$0xE440];
	v6 =	vadd.f32 v56, v6;
	[tilespmem:s25+$0x11420] =	vst v4;
	v4 =	vadd.f32 v8, v7  }
0x23e: {  	v7 =	vld [tilespmem:s25+$0xC450]  }
0x23f: {  	v8 =	vld [tilespmem:s25+$0xD450];
	v4 =	vadd.f32 v6, v4  }
0x240: {  	v6 =	vld [tilespmem:s25+$0xE450]  }
0x241: {  	[tilespmem:s25+$0x11430] =	vst v4;
	v4 =	vld [tilespmem:s25+$0xC460]  }
0x242: {  	v9 =	vadd.f32 v58, v57;
	v5 =	vadd.f32 v59, v5;
	_ =	sdelay $0x1  }
0x243: {  	v0 =	vadd.f32 v0, v3;
	v3 =	vadd.f32 v5, v9  }
0x244: {  	v5 =	vadd.f32 v8, v7;
	v6 =	vadd.f32 v60, v6  }
0x245: {  	[tilespmem:s22+$0x11450] =	vst v2;
	v1 =	vadd.f32 v1, v14;
	v2 =	vadd.f32 v61, v4  }
0x246: {  	[tilespmem:s22+$0x11460] =	vst v0;
	v0 =	vadd.f32 v6, v5  }
0x247: {  	[tilespmem:s25+$0x11440] =	vst v3;
	v1 =	vadd.f32 v1, v2  }
0x248: {  	[tilespmem:s25+$0x11450] =	vst v0  }
0x249: {  	[tilespmem:s25+$0x11460] =	vst v1  }
0x24a: {  	s25 =	simm.s32 $0x0;
	_ =	strace $0x90000050  }
0x24b: {  	[hbm4b:s14+s25] =	stream.linear.scatter [tilespmem:s4], [sflag:$0x7], $0x1000, $0x38;
	[tilespmem:$0x12400] =	vst v63  }
0x24c: {  	s12 =	simm.s32 $0xC400;
	s26 =	simm.s32 $0xE0  }
0x24d: {  	[tilespmem:s12], [sflag:$0x5] =	stream.indirect.gather [hbm4b:s2+s24], $0x80, s26, s24, $0xb8;
	[tilespmem:$0x12400] =	vst v63  }
0x24e: {  	s22 =	simm.s32 $0x1E0  }
0x24f: {  	[tilespmem:s28], [sflag:$0x5] =	stream.indirect.gather [hbm4b:s8+s24], $0x80, s22, s24, $0xb8;
	[tilespmem:$0x12400] =	vst v63  }
0x250: {  	s25 =	simm.s32 $0x2E0  }
0x251: {  	[tilespmem:s29], [sflag:$0x5] =	stream.indirect.gather [hbm4b:s9+s24], $0x80, s25, s24, $0xb8;
	[tilespmem:$0x12400] =	vst v63  }
0x252: {  	s26 =	simm.s32 $0x3E0  }
0x253: {  	[tilespmem:s30], [sflag:$0x5] =	stream.indirect.gather [hbm4b:s11+s24], $0x80, s26, s24, $0xb8;
	[tilespmem:$0x12400] =	vst v63  }
0x254: {  	_ =	strace $0x80000051  }
0x255: {  	_ =	swait.ge [sflag:s1], $0x1000  }
0x256: {  	[sflag:s1] =	ssyncset.done $0x0  }
0x257: {  	[sflag:s1] =	ssyncadd.s32 $0xFFFFF000  }
0x258: {  	_ =	swait.ge [sflag:s1], $0x1000  }
0x259: {  	[sflag:s1] =	ssyncset.done $0x0  }
0x25a: {  	[sflag:s1] =	ssyncadd.s32 $0xFFFFF000  }
0x25b: {  	_ =	swait.ge [sflag:s1], $0x1000  }
0x25c: {  	[sflag:s1] =	ssyncset.done $0x0  }
0x25d: {  	[sflag:s1] =	ssyncadd.s32 $0xFFFFF000  }
0x25e: {  	_ =	swait.ge [sflag:s1], $0x1000  }
0x25f: {  	[sflag:s1] =	ssyncset.done $0x0  }
0x260: {  	[sflag:s1] =	ssyncadd.s32 $0xFFFFF000  }
0x261: {  	_ =	swait.ge [sflag:s5], $0x1000  }
0x262: {  	[sflag:s5] =	ssyncset.done $0x0  }
0x263: {  	[sflag:s5] =	ssyncadd.s32 $0xFFFFF000  }
0x264: {  	_ =	strace $0x90000051  }
0x265: {  	s22 =	simm.s32 $0x0;
	_ =	strace $0x80000052  }
0x266: {  	v0 =	vld [tilespmem:s22+$0x470]  }
0x267: {  	v1 =	vld [tilespmem:s22+$0x1470]  }
0x268: {  	v2 =	vld [tilespmem:s22+$0x2470]  }
0x269: {  	v3 =	vld [tilespmem:s22+$0x3470]  }
0x26a: {  	v4 =	vld [tilespmem:s22+$0x400]  }
0x26b: {  	v5 =	vld [tilespmem:s22+$0x1400]  }
0x26c: {  	v6 =	vld [tilespmem:s22+$0x2400]  }
0x26d: {  	v7 =	vld [tilespmem:s22+$0x3400]  }
0x26e: {  	v8 =	vld [tilespmem:s22+$0x410]  }
0x26f: {  	v62 =	vld [tilespmem:s22+$0x420]  }
0x270: {  	v0 =	vadd.f32 v1, v0;
	v1 =	vadd.f32 v3, v2;
	v2 =	vld [tilespmem:s22+$0x1410]  }
0x271: {  	v3 =	vld [tilespmem:s22+$0x2410]  }
0x272: {  	v0 =	vadd.f32 v1, v0;
	v1 =	vld [tilespmem:s22+$0x3410]  }
0x273: {  	v4 =	vadd.f32 v5, v4;
	v5 =	vadd.f32 v7, v6;
	v6 =	vld [tilespmem:s22+$0x3420]  }
0x274: {  	v7 =	vld [tilespmem:s22+$0x3430]  }
0x275: {  	v4 =	vadd.f32 v5, v4;
	v5 =	vld [tilespmem:s22+$0x2420]  }
0x276: {  	[tilespmem:s22+$0x10470] =	vst v0;
	v0 =	vld [tilespmem:s22+$0x1420]  }
0x277: {  	[tilespmem:s22+$0x10400] =	vst v4;
	v4 =	vld [tilespmem:s22+$0x1430];
	v2 =	vadd.f32 v2, v8;
	v1 =	vadd.f32 v1, v3  }
0x278: {  	v8 =	vld [tilespmem:s22+$0x3440]  }
0x279: {  	v1 =	vadd.f32 v1, v2;
	v2 =	vld [tilespmem:s22+$0x2430]  }
0x27a: {  	v3 =	vld [tilespmem:s22+$0x430]  }
0x27b: {  	v0 =	vadd.f32 v0, v62;
	[tilespmem:s22+$0x10410] =	vst v1;
	v1 =	vadd.f32 v6, v5;
	v5 =	vld [tilespmem:s22+$0x440]  }
0x27c: {  	v6 =	vld [tilespmem:s22+$0x1440]  }
0x27d: {  	v0 =	vadd.f32 v1, v0;
	v1 =	vld [tilespmem:s22+$0x2440]  }
0x27e: {  	v2 =	vadd.f32 v7, v2;
	v7 =	vld [tilespmem:s22+$0x3450]  }
0x27f: {  	[tilespmem:s22+$0x10420] =	vst v0;
	v0 =	vadd.f32 v4, v3;
	v3 =	vld [tilespmem:s22+$0x450]  }
0x280: {  	v4 =	vld [tilespmem:s22+$0x1450]  }
0x281: {  	v0 =	vadd.f32 v2, v0;
	v2 =	vld [tilespmem:s22+$0x2450]  }
0x282: {  	v63 =	vld [tilespmem:s22+$0x460]  }
0x283: {  	v5 =	vadd.f32 v6, v5;
	v1 =	vadd.f32 v8, v1;
	v8 =	vld [tilespmem:s22+$0x1460]  }
0x284: {  	[tilespmem:s22+$0x10430] =	vst v0;
	v0 =	vld [tilespmem:s22+$0x2460]  }
0x285: {  	s25 =	simm.s32 $0x80;
	v6 =	vadd.f32 v1, v5;
	v1 =	vld [tilespmem:s22+$0x3460]  }
0x286: {  	v3 =	vadd.f32 v4, v3;
	v4 =	vld [tilespmem:s25+$0x470];
	v2 =	vadd.f32 v7, v2  }
0x287: {  	v5 =	vld [tilespmem:s25+$0x1470]  }
0x288: {  	s26 =	simm.s32 $0x400;
	[tilespmem:s22+$0x10440] =	vst v6;
	v6 =	vld [tilespmem:s25+$0x2470];
	v2 =	vadd.f32 v2, v3;
	v3 =	vadd.f32 v8, v63  }
.LBB2_10:
0x289: {  	p0 =	sne.s32 s26, $0x3E00;
	v7 =	vld [tilespmem:s25+$0x3470]  }
0x28a: {  	v8 =	vld [tilespmem:s25+$0x400];
	[tilespmem:s22+$0x10450] =	vst v2;
	v0 =	vadd.f32 v1, v0  }
0x28b: {  	v1 =	vld [tilespmem:s25+$0x1400]  }
0x28c: {  	v2 =	vld [tilespmem:s25+$0x2400];
	v0 =	vadd.f32 v0, v3  }
0x28d: {  	v3 =	vld [tilespmem:s25+$0x3400]  }
0x28e: {  	v4 =	vadd.f32 v5, v4;
	v9 =	vld [tilespmem:s25+$0x410];
	v5 =	vadd.f32 v7, v6;
	[tilespmem:s22+$0x10460] =	vst v0;
	s22 =	smov.u32 s25  }
0x28f: {  	v0 =	vld [tilespmem:s22+$0x1410]  }
0x290: {  	v1 =	vadd.f32 v1, v8;
	v6 =	vld [tilespmem:s22+$0x2410];
	v4 =	vadd.f32 v5, v4  }
0x291: {  	v5 =	vld [tilespmem:s22+$0x3410]  }
0x292: {  	v2 =	vadd.f32 v3, v2;
	v3 =	vld [tilespmem:s22+$0x420];
	[tilespmem:s22+$0x10470] =	vst v4  }
0x293: {  	v4 =	vld [tilespmem:s22+$0x1420]  }
0x294: {  	v1 =	vadd.f32 v2, v1;
	v0 =	vadd.f32 v0, v9;
	v2 =	vld [tilespmem:s22+$0x2420]  }
0x295: {  	v7 =	vld [tilespmem:s22+$0x3420]  }
0x296: {  	[tilespmem:s22+$0x10400] =	vst v1;
	v1 =	vadd.f32 v5, v6;
	v5 =	vld [tilespmem:s22+$0x430]  }
0x297: {  	v6 =	vld [tilespmem:s22+$0x1430]  }
0x298: {  	v0 =	vadd.f32 v1, v0;
	v1 =	vadd.f32 v4, v3;
	v3 =	vld [tilespmem:s22+$0x2430]  }
0x299: {  	v4 =	vld [tilespmem:s22+$0x3430]  }
0x29a: {  	[tilespmem:s22+$0x10410] =	vst v0;
	v0 =	vadd.f32 v7, v2;
	v2 =	vld [tilespmem:s22+$0x440]  }
0x29b: {  	v7 =	vld [tilespmem:s22+$0x1440]  }
0x29c: {  	v0 =	vadd.f32 v0, v1;
	v1 =	vadd.f32 v6, v5;
	v5 =	vld [tilespmem:s22+$0x2440]  }
0x29d: {  	v6 =	vld [tilespmem:s22+$0x3440]  }
0x29e: {  	[tilespmem:s22+$0x10420] =	vst v0;
	v0 =	vadd.f32 v4, v3;
	v3 =	vld [tilespmem:s22+$0x450]  }
0x29f: {  	v4 =	vld [tilespmem:s22+$0x1450]  }
0x2a0: {  	v0 =	vadd.f32 v0, v1;
	v1 =	vadd.f32 v7, v2;
	v2 =	vld [tilespmem:s22+$0x2450]  }
0x2a1: {  	v7 =	vld [tilespmem:s22+$0x3450]  }
0x2a2: {  	[tilespmem:s22+$0x10430] =	vst v0;
	v0 =	vadd.f32 v6, v5;
	v8 =	vld [tilespmem:s22+$0x460]  }
0x2a3: {  	v9 =	vld [tilespmem:s22+$0x1460]  }
.Ltmp4:
0x2a4: {  	v5 =	vadd.f32 v0, v1;
	v3 =	vadd.f32 v4, v3;
	v0 =	vld [tilespmem:s22+$0x2460];
	(pc) =	sbr.rel @p0 .LBB2_10-.Ltmp4, $4  }
0x2a5: {  	s25 =	sshra.s32 s26, $0x2;
	v1 =	vld [tilespmem:s22+$0x3460]  }
0x2a6: {  	v4 =	vld [tilespmem:s25+$0x470];
	[tilespmem:s22+$0x10440] =	vst v5;
	v2 =	vadd.f32 v7, v2  }
0x2a7: {  	v5 =	vld [tilespmem:s25+$0x1470]  }
0x2a8: {  	s26 =	sadd.s32 $0x200, s26;
	v6 =	vld [tilespmem:s25+$0x2470];
	v2 =	vadd.f32 v2, v3;
	v3 =	vadd.f32 v9, v8  }
0x2a9: {  	v7 =	vld [tilespmem:s25+$0x3470]  }
0x2aa: {  	v8 =	vld [tilespmem:s25+$0x400]  }
0x2ab: {  	v9 =	vld [tilespmem:s25+$0x1400]  }
0x2ac: {  	v10 =	vld [tilespmem:s25+$0x2400]  }
0x2ad: {  	v11 =	vld [tilespmem:s25+$0x3400]  }
0x2ae: {  	v12 =	vld [tilespmem:s25+$0x410]  }
0x2af: {  	v13 =	vld [tilespmem:s25+$0x420]  }
0x2b0: {  	v54 =	vld [tilespmem:s25+$0x2420]  }
0x2b1: {  	v55 =	vld [tilespmem:s25+$0x3420]  }
0x2b2: {  	v4 =	vadd.f32 v5, v4;
	v5 =	vadd.f32 v7, v6;
	v6 =	vld [tilespmem:s25+$0x1410]  }
0x2b3: {  	v7 =	vld [tilespmem:s25+$0x2410]  }
0x2b4: {  	v4 =	vadd.f32 v5, v4;
	v5 =	vld [tilespmem:s25+$0x3410]  }
0x2b5: {  	v56 =	vld [tilespmem:s25+$0x3430]  }
0x2b6: {  	v57 =	vld [tilespmem:s25+$0x440];
	v8 =	vadd.f32 v9, v8;
	v53 =	vadd.f32 v11, v10  }
0x2b7: {  	v58 =	vld [tilespmem:s25+$0x1440]  }
0x2b8: {  	v8 =	vadd.f32 v53, v8;
	[tilespmem:s25+$0x10470] =	vst v4;
	v4 =	vld [tilespmem:s25+$0x1420]  }
0x2b9: {  	v59 =	vld [tilespmem:s25+$0x3440];
	v6 =	vadd.f32 v6, v12;
	v5 =	vadd.f32 v5, v7  }
0x2ba: {  	[tilespmem:s25+$0x10400] =	vst v8;
	v8 =	vld [tilespmem:s25+$0x1430]  }
0x2bb: {  	v7 =	vld [tilespmem:s25+$0x430];
	v5 =	vadd.f32 v5, v6  }
0x2bc: {  	v6 =	vld [tilespmem:s25+$0x2430]  }
0x2bd: {  	v60 =	vld [tilespmem:s25+$0x3450];
	v4 =	vadd.f32 v4, v13;
	[tilespmem:s25+$0x10410] =	vst v5;
	v5 =	vadd.f32 v55, v54  }
0x2be: {  	v61 =	vld [tilespmem:s25+$0x1460]  }
0x2bf: {  	v14 =	vld [tilespmem:s25+$0x2460];
	v4 =	vadd.f32 v5, v4  }
0x2c0: {  	v0 =	vadd.f32 v1, v0;
	v1 =	vld [tilespmem:s25+$0x3460]  }
0x2c1: {  	v5 =	vld [tilespmem:s25+$0x2440];
	v6 =	vadd.f32 v56, v6;
	[tilespmem:s25+$0x10420] =	vst v4;
	v4 =	vadd.f32 v8, v7  }
0x2c2: {  	v7 =	vld [tilespmem:s25+$0x450]  }
0x2c3: {  	v8 =	vld [tilespmem:s25+$0x1450];
	v4 =	vadd.f32 v6, v4  }
0x2c4: {  	v6 =	vld [tilespmem:s25+$0x2450]  }
0x2c5: {  	[tilespmem:s25+$0x10430] =	vst v4;
	v4 =	vld [tilespmem:s25+$0x460]  }
0x2c6: {  	v9 =	vadd.f32 v58, v57;
	v5 =	vadd.f32 v59, v5;
	_ =	sdelay $0x1  }
0x2c7: {  	v0 =	vadd.f32 v0, v3;
	v3 =	vadd.f32 v5, v9  }
0x2c8: {  	v5 =	vadd.f32 v8, v7;
	v6 =	vadd.f32 v60, v6  }
0x2c9: {  	[tilespmem:s22+$0x10450] =	vst v2;
	v1 =	vadd.f32 v1, v14;
	v2 =	vadd.f32 v61, v4  }
0x2ca: {  	[tilespmem:s22+$0x10460] =	vst v0;
	v0 =	vadd.f32 v6, v5  }
0x2cb: {  	[tilespmem:s25+$0x10440] =	vst v3;
	v1 =	vadd.f32 v1, v2  }
0x2cc: {  	[tilespmem:s25+$0x10450] =	vst v0  }
0x2cd: {  	[tilespmem:s25+$0x10460] =	vst v1  }
0x2ce: {  	s26 =	simm.s32 $0x0;
	_ =	strace $0x90000052  }
0x2cf: {  	[hbm4b:s15+s26] =	stream.linear.scatter [tilespmem:s31], [sflag:$0x6], $0x1000, $0x38;
	[tilespmem:$0x12400] =	vst v63  }
0x2d0: {  	_ =	strace $0x80000053  }
0x2d1: {  	_ =	swait.ge [sflag:s0], $0x1000  }
0x2d2: {  	[sflag:s0] =	ssyncset.done $0x0  }
0x2d3: {  	[sflag:s0] =	ssyncadd.s32 $0xFFFFF000  }
0x2d4: {  	_ =	swait.ge [sflag:s0], $0x1000  }
0x2d5: {  	[sflag:s0] =	ssyncset.done $0x0  }
0x2d6: {  	[sflag:s0] =	ssyncadd.s32 $0xFFFFF000  }
0x2d7: {  	_ =	swait.ge [sflag:s0], $0x1000  }
0x2d8: {  	[sflag:s0] =	ssyncset.done $0x0  }
0x2d9: {  	[sflag:s0] =	ssyncadd.s32 $0xFFFFF000  }
0x2da: {  	_ =	swait.ge [sflag:s0], $0x1000  }
0x2db: {  	[sflag:s0] =	ssyncset.done $0x0  }
0x2dc: {  	[sflag:s0] =	ssyncadd.s32 $0xFFFFF000  }
0x2dd: {  	_ =	swait.ge [sflag:s21], $0x1000  }
0x2de: {  	[sflag:s21] =	ssyncset.done $0x0  }
0x2df: {  	[sflag:s21] =	ssyncadd.s32 $0xFFFFF000  }
0x2e0: {  	_ =	strace $0x90000053  }
0x2e1: {  	s22 =	simm.s32 $0x0;
	_ =	strace $0x80000054  }
0x2e2: {  	v0 =	vld [tilespmem:s22+$0x4470]  }
0x2e3: {  	v1 =	vld [tilespmem:s22+$0x5470]  }
0x2e4: {  	v2 =	vld [tilespmem:s22+$0x6470]  }
0x2e5: {  	v3 =	vld [tilespmem:s22+$0x7470]  }
0x2e6: {  	v4 =	vld [tilespmem:s22+$0x4400]  }
0x2e7: {  	v5 =	vld [tilespmem:s22+$0x5400]  }
0x2e8: {  	v6 =	vld [tilespmem:s22+$0x6400]  }
0x2e9: {  	v7 =	vld [tilespmem:s22+$0x7400]  }
0x2ea: {  	v8 =	vld [tilespmem:s22+$0x4410]  }
0x2eb: {  	v62 =	vld [tilespmem:s22+$0x4420]  }
0x2ec: {  	v0 =	vadd.f32 v1, v0;
	v1 =	vadd.f32 v3, v2;
	v2 =	vld [tilespmem:s22+$0x5410]  }
0x2ed: {  	v3 =	vld [tilespmem:s22+$0x6410]  }
0x2ee: {  	v0 =	vadd.f32 v1, v0;
	v1 =	vld [tilespmem:s22+$0x7410]  }
0x2ef: {  	v4 =	vadd.f32 v5, v4;
	v5 =	vadd.f32 v7, v6;
	v6 =	vld [tilespmem:s22+$0x7420]  }
0x2f0: {  	v7 =	vld [tilespmem:s22+$0x7430]  }
0x2f1: {  	v4 =	vadd.f32 v5, v4;
	v5 =	vld [tilespmem:s22+$0x6420]  }
0x2f2: {  	[tilespmem:s22+$0x11470] =	vst v0;
	v0 =	vld [tilespmem:s22+$0x5420]  }
0x2f3: {  	[tilespmem:s22+$0x11400] =	vst v4;
	v4 =	vld [tilespmem:s22+$0x5430];
	v2 =	vadd.f32 v2, v8;
	v1 =	vadd.f32 v1, v3  }
0x2f4: {  	v8 =	vld [tilespmem:s22+$0x7440]  }
0x2f5: {  	v1 =	vadd.f32 v1, v2;
	v2 =	vld [tilespmem:s22+$0x6430]  }
0x2f6: {  	v3 =	vld [tilespmem:s22+$0x4430]  }
0x2f7: {  	v0 =	vadd.f32 v0, v62;
	[tilespmem:s22+$0x11410] =	vst v1;
	v1 =	vadd.f32 v6, v5;
	v5 =	vld [tilespmem:s22+$0x4440]  }
0x2f8: {  	v6 =	vld [tilespmem:s22+$0x5440]  }
0x2f9: {  	v0 =	vadd.f32 v1, v0;
	v1 =	vld [tilespmem:s22+$0x6440]  }
0x2fa: {  	v2 =	vadd.f32 v7, v2;
	v7 =	vld [tilespmem:s22+$0x7450]  }
0x2fb: {  	[tilespmem:s22+$0x11420] =	vst v0;
	v0 =	vadd.f32 v4, v3;
	v3 =	vld [tilespmem:s22+$0x4450]  }
0x2fc: {  	v4 =	vld [tilespmem:s22+$0x5450]  }
0x2fd: {  	v0 =	vadd.f32 v2, v0;
	v2 =	vld [tilespmem:s22+$0x6450]  }
0x2fe: {  	v63 =	vld [tilespmem:s22+$0x4460]  }
0x2ff: {  	v5 =	vadd.f32 v6, v5;
	v1 =	vadd.f32 v8, v1;
	v8 =	vld [tilespmem:s22+$0x5460]  }
0x300: {  	[tilespmem:s22+$0x11430] =	vst v0;
	v0 =	vld [tilespmem:s22+$0x6460]  }
0x301: {  	s25 =	simm.s32 $0x80;
	v6 =	vadd.f32 v1, v5;
	v1 =	vld [tilespmem:s22+$0x7460]  }
0x302: {  	v3 =	vadd.f32 v4, v3;
	v4 =	vld [tilespmem:s25+$0x4470];
	v2 =	vadd.f32 v7, v2  }
0x303: {  	v5 =	vld [tilespmem:s25+$0x5470]  }
0x304: {  	s26 =	simm.s32 $0x400;
	[tilespmem:s22+$0x11440] =	vst v6;
	v6 =	vld [tilespmem:s25+$0x6470];
	v2 =	vadd.f32 v2, v3;
	v3 =	vadd.f32 v8, v63  }
.LBB2_12:
0x305: {  	p0 =	sne.s32 s26, $0x3E00;
	v7 =	vld [tilespmem:s25+$0x7470]  }
0x306: {  	v8 =	vld [tilespmem:s25+$0x4400];
	[tilespmem:s22+$0x11450] =	vst v2;
	v0 =	vadd.f32 v1, v0  }
0x307: {  	v1 =	vld [tilespmem:s25+$0x5400]  }
0x308: {  	v2 =	vld [tilespmem:s25+$0x6400];
	v0 =	vadd.f32 v0, v3  }
0x309: {  	v3 =	vld [tilespmem:s25+$0x7400]  }
0x30a: {  	v4 =	vadd.f32 v5, v4;
	v9 =	vld [tilespmem:s25+$0x4410];
	v5 =	vadd.f32 v7, v6;
	[tilespmem:s22+$0x11460] =	vst v0;
	s22 =	smov.u32 s25  }
0x30b: {  	v0 =	vld [tilespmem:s22+$0x5410]  }
0x30c: {  	v1 =	vadd.f32 v1, v8;
	v6 =	vld [tilespmem:s22+$0x6410];
	v4 =	vadd.f32 v5, v4  }
0x30d: {  	v5 =	vld [tilespmem:s22+$0x7410]  }
0x30e: {  	v2 =	vadd.f32 v3, v2;
	v3 =	vld [tilespmem:s22+$0x4420];
	[tilespmem:s22+$0x11470] =	vst v4  }
0x30f: {  	v4 =	vld [tilespmem:s22+$0x5420]  }
0x310: {  	v1 =	vadd.f32 v2, v1;
	v0 =	vadd.f32 v0, v9;
	v2 =	vld [tilespmem:s22+$0x6420]  }
0x311: {  	v7 =	vld [tilespmem:s22+$0x7420]  }
0x312: {  	[tilespmem:s22+$0x11400] =	vst v1;
	v1 =	vadd.f32 v5, v6;
	v5 =	vld [tilespmem:s22+$0x4430]  }
0x313: {  	v6 =	vld [tilespmem:s22+$0x5430]  }
0x314: {  	v0 =	vadd.f32 v1, v0;
	v1 =	vadd.f32 v4, v3;
	v3 =	vld [tilespmem:s22+$0x6430]  }
0x315: {  	v4 =	vld [tilespmem:s22+$0x7430]  }
0x316: {  	[tilespmem:s22+$0x11410] =	vst v0;
	v0 =	vadd.f32 v7, v2;
	v2 =	vld [tilespmem:s22+$0x4440]  }
0x317: {  	v7 =	vld [tilespmem:s22+$0x5440]  }
0x318: {  	v0 =	vadd.f32 v0, v1;
	v1 =	vadd.f32 v6, v5;
	v5 =	vld [tilespmem:s22+$0x6440]  }
0x319: {  	v6 =	vld [tilespmem:s22+$0x7440]  }
0x31a: {  	[tilespmem:s22+$0x11420] =	vst v0;
	v0 =	vadd.f32 v4, v3;
	v3 =	vld [tilespmem:s22+$0x4450]  }
0x31b: {  	v4 =	vld [tilespmem:s22+$0x5450]  }
0x31c: {  	v0 =	vadd.f32 v0, v1;
	v1 =	vadd.f32 v7, v2;
	v2 =	vld [tilespmem:s22+$0x6450]  }
0x31d: {  	v7 =	vld [tilespmem:s22+$0x7450]  }
0x31e: {  	[tilespmem:s22+$0x11430] =	vst v0;
	v0 =	vadd.f32 v6, v5;
	v8 =	vld [tilespmem:s22+$0x4460]  }
0x31f: {  	v9 =	vld [tilespmem:s22+$0x5460]  }
.Ltmp5:
0x320: {  	v5 =	vadd.f32 v0, v1;
	v3 =	vadd.f32 v4, v3;
	v0 =	vld [tilespmem:s22+$0x6460];
	(pc) =	sbr.rel @p0 .LBB2_12-.Ltmp5, $4  }
0x321: {  	s25 =	sshra.s32 s26, $0x2;
	v1 =	vld [tilespmem:s22+$0x7460]  }
0x322: {  	v4 =	vld [tilespmem:s25+$0x4470];
	[tilespmem:s22+$0x11440] =	vst v5;
	v2 =	vadd.f32 v7, v2  }
0x323: {  	v5 =	vld [tilespmem:s25+$0x5470]  }
0x324: {  	s26 =	sadd.s32 $0x200, s26;
	v6 =	vld [tilespmem:s25+$0x6470];
	v2 =	vadd.f32 v2, v3;
	v3 =	vadd.f32 v9, v8  }
0x325: {  	v7 =	vld [tilespmem:s25+$0x7470]  }
0x326: {  	v8 =	vld [tilespmem:s25+$0x4400]  }
0x327: {  	v9 =	vld [tilespmem:s25+$0x5400]  }
0x328: {  	v10 =	vld [tilespmem:s25+$0x6400]  }
0x329: {  	v11 =	vld [tilespmem:s25+$0x7400]  }
0x32a: {  	v12 =	vld [tilespmem:s25+$0x4410]  }
0x32b: {  	v13 =	vld [tilespmem:s25+$0x4420]  }
0x32c: {  	v54 =	vld [tilespmem:s25+$0x6420]  }
0x32d: {  	v55 =	vld [tilespmem:s25+$0x7420]  }
0x32e: {  	v4 =	vadd.f32 v5, v4;
	v5 =	vadd.f32 v7, v6;
	v6 =	vld [tilespmem:s25+$0x5410]  }
0x32f: {  	v7 =	vld [tilespmem:s25+$0x6410]  }
0x330: {  	v4 =	vadd.f32 v5, v4;
	v5 =	vld [tilespmem:s25+$0x7410]  }
0x331: {  	v56 =	vld [tilespmem:s25+$0x7430]  }
0x332: {  	v57 =	vld [tilespmem:s25+$0x4440];
	v8 =	vadd.f32 v9, v8;
	v53 =	vadd.f32 v11, v10  }
0x333: {  	v58 =	vld [tilespmem:s25+$0x5440]  }
0x334: {  	v8 =	vadd.f32 v53, v8;
	[tilespmem:s25+$0x11470] =	vst v4;
	v4 =	vld [tilespmem:s25+$0x5420]  }
0x335: {  	v59 =	vld [tilespmem:s25+$0x7440];
	v6 =	vadd.f32 v6, v12;
	v5 =	vadd.f32 v5, v7  }
0x336: {  	[tilespmem:s25+$0x11400] =	vst v8;
	v8 =	vld [tilespmem:s25+$0x5430]  }
0x337: {  	v7 =	vld [tilespmem:s25+$0x4430];
	v5 =	vadd.f32 v5, v6  }
0x338: {  	v6 =	vld [tilespmem:s25+$0x6430]  }
0x339: {  	v60 =	vld [tilespmem:s25+$0x7450];
	v4 =	vadd.f32 v4, v13;
	[tilespmem:s25+$0x11410] =	vst v5;
	v5 =	vadd.f32 v55, v54  }
0x33a: {  	v61 =	vld [tilespmem:s25+$0x5460]  }
0x33b: {  	v14 =	vld [tilespmem:s25+$0x6460];
	v4 =	vadd.f32 v5, v4  }
0x33c: {  	v0 =	vadd.f32 v1, v0;
	v1 =	vld [tilespmem:s25+$0x7460]  }
0x33d: {  	v5 =	vld [tilespmem:s25+$0x6440];
	v6 =	vadd.f32 v56, v6;
	[tilespmem:s25+$0x11420] =	vst v4;
	v4 =	vadd.f32 v8, v7  }
0x33e: {  	v7 =	vld [tilespmem:s25+$0x4450]  }
0x33f: {  	v8 =	vld [tilespmem:s25+$0x5450];
	v4 =	vadd.f32 v6, v4  }
0x340: {  	v6 =	vld [tilespmem:s25+$0x6450]  }
0x341: {  	[tilespmem:s25+$0x11430] =	vst v4;
	v4 =	vld [tilespmem:s25+$0x4460]  }
0x342: {  	v9 =	vadd.f32 v58, v57;
	v5 =	vadd.f32 v59, v5;
	_ =	sdelay $0x1  }
0x343: {  	v0 =	vadd.f32 v0, v3;
	v3 =	vadd.f32 v5, v9  }
0x344: {  	v5 =	vadd.f32 v8, v7;
	v6 =	vadd.f32 v60, v6  }
0x345: {  	[tilespmem:s22+$0x11450] =	vst v2;
	v1 =	vadd.f32 v1, v14;
	v2 =	vadd.f32 v61, v4  }
0x346: {  	[tilespmem:s22+$0x11460] =	vst v0;
	v0 =	vadd.f32 v6, v5  }
0x347: {  	[tilespmem:s25+$0x11440] =	vst v3;
	v1 =	vadd.f32 v1, v2  }
0x348: {  	[tilespmem:s25+$0x11450] =	vst v0  }
0x349: {  	[tilespmem:s25+$0x11460] =	vst v1  }
0x34a: {  	s26 =	simm.s32 $0x0;
	_ =	strace $0x90000054  }
0x34b: {  	[hbm4b:s16+s26] =	stream.linear.scatter [tilespmem:s4], [sflag:$0x7], $0x1000, $0x38;
	[tilespmem:$0x12400] =	vst v63  }
0x34c: {  	_ =	strace $0x80000055  }
0x34d: {  	_ =	swait.ge [sflag:s20], $0x1000  }
0x34e: {  	[sflag:s20] =	ssyncset.done $0x0  }
0x34f: {  	[sflag:s20] =	ssyncadd.s32 $0xFFFFF000  }
0x350: {  	_ =	swait.ge [sflag:s20], $0x1000  }
0x351: {  	[sflag:s20] =	ssyncset.done $0x0  }
0x352: {  	[sflag:s20] =	ssyncadd.s32 $0xFFFFF000  }
0x353: {  	_ =	swait.ge [sflag:s20], $0x1000  }
0x354: {  	[sflag:s20] =	ssyncset.done $0x0  }
0x355: {  	[sflag:s20] =	ssyncadd.s32 $0xFFFFF000  }
0x356: {  	_ =	swait.ge [sflag:s20], $0x1000  }
0x357: {  	[sflag:s20] =	ssyncset.done $0x0  }
0x358: {  	[sflag:s20] =	ssyncadd.s32 $0xFFFFF000  }
0x359: {  	_ =	swait.ge [sflag:s5], $0x1000  }
0x35a: {  	[sflag:s5] =	ssyncset.done $0x0  }
0x35b: {  	[sflag:s5] =	ssyncadd.s32 $0xFFFFF000  }
0x35c: {  	_ =	strace $0x90000055  }
0x35d: {  	s22 =	simm.s32 $0x0;
	_ =	strace $0x80000056  }
0x35e: {  	v0 =	vld [tilespmem:s22+$0x8470]  }
0x35f: {  	v1 =	vld [tilespmem:s22+$0x9470]  }
0x360: {  	v2 =	vld [tilespmem:s22+$0xA470]  }
0x361: {  	v3 =	vld [tilespmem:s22+$0xB470]  }
0x362: {  	v4 =	vld [tilespmem:s22+$0x8400]  }
0x363: {  	v5 =	vld [tilespmem:s22+$0x9400]  }
0x364: {  	v6 =	vld [tilespmem:s22+$0xA400]  }
0x365: {  	v7 =	vld [tilespmem:s22+$0xB400]  }
0x366: {  	v8 =	vld [tilespmem:s22+$0x8410]  }
0x367: {  	v62 =	vld [tilespmem:s22+$0x8420]  }
0x368: {  	v0 =	vadd.f32 v1, v0;
	v1 =	vadd.f32 v3, v2;
	v2 =	vld [tilespmem:s22+$0x9410]  }
0x369: {  	v3 =	vld [tilespmem:s22+$0xA410]  }
0x36a: {  	v0 =	vadd.f32 v1, v0;
	v1 =	vld [tilespmem:s22+$0xB410]  }
0x36b: {  	v4 =	vadd.f32 v5, v4;
	v5 =	vadd.f32 v7, v6;
	v6 =	vld [tilespmem:s22+$0xB420]  }
0x36c: {  	v7 =	vld [tilespmem:s22+$0xB430]  }
0x36d: {  	v4 =	vadd.f32 v5, v4;
	v5 =	vld [tilespmem:s22+$0xA420]  }
0x36e: {  	[tilespmem:s22+$0x10470] =	vst v0;
	v0 =	vld [tilespmem:s22+$0x9420]  }
0x36f: {  	[tilespmem:s22+$0x10400] =	vst v4;
	v4 =	vld [tilespmem:s22+$0x9430];
	v2 =	vadd.f32 v2, v8;
	v1 =	vadd.f32 v1, v3  }
0x370: {  	v8 =	vld [tilespmem:s22+$0xB440]  }
0x371: {  	v1 =	vadd.f32 v1, v2;
	v2 =	vld [tilespmem:s22+$0xA430]  }
0x372: {  	v3 =	vld [tilespmem:s22+$0x8430]  }
0x373: {  	v0 =	vadd.f32 v0, v62;
	[tilespmem:s22+$0x10410] =	vst v1;
	v1 =	vadd.f32 v6, v5;
	v5 =	vld [tilespmem:s22+$0x8440]  }
0x374: {  	v6 =	vld [tilespmem:s22+$0x9440]  }
0x375: {  	v0 =	vadd.f32 v1, v0;
	v1 =	vld [tilespmem:s22+$0xA440]  }
0x376: {  	v2 =	vadd.f32 v7, v2;
	v7 =	vld [tilespmem:s22+$0xB450]  }
0x377: {  	[tilespmem:s22+$0x10420] =	vst v0;
	v0 =	vadd.f32 v4, v3;
	v3 =	vld [tilespmem:s22+$0x8450]  }
0x378: {  	v4 =	vld [tilespmem:s22+$0x9450]  }
0x379: {  	v0 =	vadd.f32 v2, v0;
	v2 =	vld [tilespmem:s22+$0xA450]  }
0x37a: {  	v63 =	vld [tilespmem:s22+$0x8460]  }
0x37b: {  	v5 =	vadd.f32 v6, v5;
	v1 =	vadd.f32 v8, v1;
	v8 =	vld [tilespmem:s22+$0x9460]  }
0x37c: {  	[tilespmem:s22+$0x10430] =	vst v0;
	v0 =	vld [tilespmem:s22+$0xA460]  }
0x37d: {  	s25 =	simm.s32 $0x80;
	v6 =	vadd.f32 v1, v5;
	v1 =	vld [tilespmem:s22+$0xB460]  }
0x37e: {  	v3 =	vadd.f32 v4, v3;
	v4 =	vld [tilespmem:s25+$0x8470];
	v2 =	vadd.f32 v7, v2  }
0x37f: {  	v5 =	vld [tilespmem:s25+$0x9470]  }
0x380: {  	s26 =	simm.s32 $0x400;
	[tilespmem:s22+$0x10440] =	vst v6;
	v6 =	vld [tilespmem:s25+$0xA470];
	v2 =	vadd.f32 v2, v3;
	v3 =	vadd.f32 v8, v63  }
.LBB2_14:
0x381: {  	p0 =	sne.s32 s26, $0x3E00;
	v7 =	vld [tilespmem:s25+$0xB470]  }
0x382: {  	v8 =	vld [tilespmem:s25+$0x8400];
	[tilespmem:s22+$0x10450] =	vst v2;
	v0 =	vadd.f32 v1, v0  }
0x383: {  	v1 =	vld [tilespmem:s25+$0x9400]  }
0x384: {  	v2 =	vld [tilespmem:s25+$0xA400];
	v0 =	vadd.f32 v0, v3  }
0x385: {  	v3 =	vld [tilespmem:s25+$0xB400]  }
0x386: {  	v4 =	vadd.f32 v5, v4;
	v9 =	vld [tilespmem:s25+$0x8410];
	v5 =	vadd.f32 v7, v6;
	[tilespmem:s22+$0x10460] =	vst v0;
	s22 =	smov.u32 s25  }
0x387: {  	v0 =	vld [tilespmem:s22+$0x9410]  }
0x388: {  	v1 =	vadd.f32 v1, v8;
	v6 =	vld [tilespmem:s22+$0xA410];
	v4 =	vadd.f32 v5, v4  }
0x389: {  	v5 =	vld [tilespmem:s22+$0xB410]  }
0x38a: {  	v2 =	vadd.f32 v3, v2;
	v3 =	vld [tilespmem:s22+$0x8420];
	[tilespmem:s22+$0x10470] =	vst v4  }
0x38b: {  	v4 =	vld [tilespmem:s22+$0x9420]  }
0x38c: {  	v1 =	vadd.f32 v2, v1;
	v0 =	vadd.f32 v0, v9;
	v2 =	vld [tilespmem:s22+$0xA420]  }
0x38d: {  	v7 =	vld [tilespmem:s22+$0xB420]  }
0x38e: {  	[tilespmem:s22+$0x10400] =	vst v1;
	v1 =	vadd.f32 v5, v6;
	v5 =	vld [tilespmem:s22+$0x8430]  }
0x38f: {  	v6 =	vld [tilespmem:s22+$0x9430]  }
0x390: {  	v0 =	vadd.f32 v1, v0;
	v1 =	vadd.f32 v4, v3;
	v3 =	vld [tilespmem:s22+$0xA430]  }
0x391: {  	v4 =	vld [tilespmem:s22+$0xB430]  }
0x392: {  	[tilespmem:s22+$0x10410] =	vst v0;
	v0 =	vadd.f32 v7, v2;
	v2 =	vld [tilespmem:s22+$0x8440]  }
0x393: {  	v7 =	vld [tilespmem:s22+$0x9440]  }
0x394: {  	v0 =	vadd.f32 v0, v1;
	v1 =	vadd.f32 v6, v5;
	v5 =	vld [tilespmem:s22+$0xA440]  }
0x395: {  	v6 =	vld [tilespmem:s22+$0xB440]  }
0x396: {  	[tilespmem:s22+$0x10420] =	vst v0;
	v0 =	vadd.f32 v4, v3;
	v3 =	vld [tilespmem:s22+$0x8450]  }
0x397: {  	v4 =	vld [tilespmem:s22+$0x9450]  }
0x398: {  	v0 =	vadd.f32 v0, v1;
	v1 =	vadd.f32 v7, v2;
	v2 =	vld [tilespmem:s22+$0xA450]  }
0x399: {  	v7 =	vld [tilespmem:s22+$0xB450]  }
0x39a: {  	[tilespmem:s22+$0x10430] =	vst v0;
	v0 =	vadd.f32 v6, v5;
	v8 =	vld [tilespmem:s22+$0x8460]  }
0x39b: {  	v9 =	vld [tilespmem:s22+$0x9460]  }
.Ltmp6:
0x39c: {  	v5 =	vadd.f32 v0, v1;
	v3 =	vadd.f32 v4, v3;
	v0 =	vld [tilespmem:s22+$0xA460];
	(pc) =	sbr.rel @p0 .LBB2_14-.Ltmp6, $4  }
0x39d: {  	s25 =	sshra.s32 s26, $0x2;
	v1 =	vld [tilespmem:s22+$0xB460]  }
0x39e: {  	v4 =	vld [tilespmem:s25+$0x8470];
	[tilespmem:s22+$0x10440] =	vst v5;
	v2 =	vadd.f32 v7, v2  }
0x39f: {  	v5 =	vld [tilespmem:s25+$0x9470]  }
0x3a0: {  	s26 =	sadd.s32 $0x200, s26;
	v6 =	vld [tilespmem:s25+$0xA470];
	v2 =	vadd.f32 v2, v3;
	v3 =	vadd.f32 v9, v8  }
0x3a1: {  	v7 =	vld [tilespmem:s25+$0xB470]  }
0x3a2: {  	v8 =	vld [tilespmem:s25+$0x8400]  }
0x3a3: {  	v9 =	vld [tilespmem:s25+$0x9400]  }
0x3a4: {  	v10 =	vld [tilespmem:s25+$0xA400]  }
0x3a5: {  	v11 =	vld [tilespmem:s25+$0xB400]  }
0x3a6: {  	v12 =	vld [tilespmem:s25+$0x8410]  }
0x3a7: {  	v13 =	vld [tilespmem:s25+$0x8420]  }
0x3a8: {  	v54 =	vld [tilespmem:s25+$0xA420]  }
0x3a9: {  	v55 =	vld [tilespmem:s25+$0xB420]  }
0x3aa: {  	v4 =	vadd.f32 v5, v4;
	v5 =	vadd.f32 v7, v6;
	v6 =	vld [tilespmem:s25+$0x9410]  }
0x3ab: {  	v7 =	vld [tilespmem:s25+$0xA410]  }
0x3ac: {  	v4 =	vadd.f32 v5, v4;
	v5 =	vld [tilespmem:s25+$0xB410]  }
0x3ad: {  	v56 =	vld [tilespmem:s25+$0xB430]  }
0x3ae: {  	v57 =	vld [tilespmem:s25+$0x8440];
	v8 =	vadd.f32 v9, v8;
	v53 =	vadd.f32 v11, v10  }
0x3af: {  	v58 =	vld [tilespmem:s25+$0x9440]  }
0x3b0: {  	v8 =	vadd.f32 v53, v8;
	[tilespmem:s25+$0x10470] =	vst v4;
	v4 =	vld [tilespmem:s25+$0x9420]  }
0x3b1: {  	v59 =	vld [tilespmem:s25+$0xB440];
	v6 =	vadd.f32 v6, v12;
	v5 =	vadd.f32 v5, v7  }
0x3b2: {  	[tilespmem:s25+$0x10400] =	vst v8;
	v8 =	vld [tilespmem:s25+$0x9430]  }
0x3b3: {  	v7 =	vld [tilespmem:s25+$0x8430];
	v5 =	vadd.f32 v5, v6  }
0x3b4: {  	v6 =	vld [tilespmem:s25+$0xA430]  }
0x3b5: {  	v60 =	vld [tilespmem:s25+$0xB450];
	v4 =	vadd.f32 v4, v13;
	[tilespmem:s25+$0x10410] =	vst v5;
	v5 =	vadd.f32 v55, v54  }
0x3b6: {  	v61 =	vld [tilespmem:s25+$0x9460]  }
0x3b7: {  	v14 =	vld [tilespmem:s25+$0xA460];
	v4 =	vadd.f32 v5, v4  }
0x3b8: {  	v0 =	vadd.f32 v1, v0;
	v1 =	vld [tilespmem:s25+$0xB460]  }
0x3b9: {  	v5 =	vld [tilespmem:s25+$0xA440];
	v6 =	vadd.f32 v56, v6;
	[tilespmem:s25+$0x10420] =	vst v4;
	v4 =	vadd.f32 v8, v7  }
0x3ba: {  	v7 =	vld [tilespmem:s25+$0x8450]  }
0x3bb: {  	v8 =	vld [tilespmem:s25+$0x9450];
	v4 =	vadd.f32 v6, v4  }
0x3bc: {  	v6 =	vld [tilespmem:s25+$0xA450]  }
0x3bd: {  	[tilespmem:s25+$0x10430] =	vst v4;
	v4 =	vld [tilespmem:s25+$0x8460]  }
0x3be: {  	v9 =	vadd.f32 v58, v57;
	v5 =	vadd.f32 v59, v5;
	_ =	sdelay $0x1  }
0x3bf: {  	v0 =	vadd.f32 v0, v3;
	v3 =	vadd.f32 v5, v9  }
0x3c0: {  	v5 =	vadd.f32 v8, v7;
	v6 =	vadd.f32 v60, v6  }
0x3c1: {  	[tilespmem:s22+$0x10450] =	vst v2;
	v1 =	vadd.f32 v1, v14;
	v2 =	vadd.f32 v61, v4  }
0x3c2: {  	[tilespmem:s22+$0x10460] =	vst v0;
	v0 =	vadd.f32 v6, v5  }
0x3c3: {  	[tilespmem:s25+$0x10440] =	vst v3;
	v1 =	vadd.f32 v1, v2  }
0x3c4: {  	[tilespmem:s25+$0x10450] =	vst v0  }
0x3c5: {  	[tilespmem:s25+$0x10460] =	vst v1  }
0x3c6: {  	s26 =	simm.s32 $0x0;
	_ =	strace $0x90000056  }
0x3c7: {  	[hbm4b:s17+s26] =	stream.linear.scatter [tilespmem:s31], [sflag:$0x6], $0x1000, $0x38;
	[tilespmem:$0x12400] =	vst v63  }
0x3c8: {  	_ =	strace $0x80000057  }
0x3c9: {  	_ =	swait.ge [sflag:s6], $0x1000  }
0x3ca: {  	[sflag:s6] =	ssyncset.done $0x0  }
0x3cb: {  	[sflag:s6] =	ssyncadd.s32 $0xFFFFF000  }
0x3cc: {  	_ =	swait.ge [sflag:s6], $0x1000  }
0x3cd: {  	[sflag:s6] =	ssyncset.done $0x0  }
0x3ce: {  	[sflag:s6] =	ssyncadd.s32 $0xFFFFF000  }
0x3cf: {  	_ =	swait.ge [sflag:s6], $0x1000  }
0x3d0: {  	[sflag:s6] =	ssyncset.done $0x0  }
0x3d1: {  	[sflag:s6] =	ssyncadd.s32 $0xFFFFF000  }
0x3d2: {  	_ =	swait.ge [sflag:s6], $0x1000  }
0x3d3: {  	[sflag:s6] =	ssyncset.done $0x0  }
0x3d4: {  	[sflag:s6] =	ssyncadd.s32 $0xFFFFF000  }
0x3d5: {  	_ =	swait.ge [sflag:s21], $0x1000  }
0x3d6: {  	[sflag:s21] =	ssyncset.done $0x0  }
0x3d7: {  	[sflag:s21] =	ssyncadd.s32 $0xFFFFF000  }
0x3d8: {  	_ =	strace $0x90000057  }
0x3d9: {  	s22 =	simm.s32 $0x0;
	_ =	strace $0x80000058  }
0x3da: {  	v0 =	vld [tilespmem:s22+$0xC470]  }
0x3db: {  	v1 =	vld [tilespmem:s22+$0xD470]  }
0x3dc: {  	v2 =	vld [tilespmem:s22+$0xE470]  }
0x3dd: {  	v3 =	vld [tilespmem:s22+$0xF470]  }
0x3de: {  	v4 =	vld [tilespmem:s22+$0xC400]  }
0x3df: {  	v5 =	vld [tilespmem:s22+$0xD400]  }
0x3e0: {  	v6 =	vld [tilespmem:s22+$0xE400]  }
0x3e1: {  	v7 =	vld [tilespmem:s22+$0xF400]  }
0x3e2: {  	v8 =	vld [tilespmem:s22+$0xC410]  }
0x3e3: {  	v62 =	vld [tilespmem:s22+$0xC420]  }
0x3e4: {  	v0 =	vadd.f32 v1, v0;
	v1 =	vadd.f32 v3, v2;
	v2 =	vld [tilespmem:s22+$0xD410]  }
0x3e5: {  	v3 =	vld [tilespmem:s22+$0xE410]  }
0x3e6: {  	v0 =	vadd.f32 v1, v0;
	v1 =	vld [tilespmem:s22+$0xF410]  }
0x3e7: {  	v4 =	vadd.f32 v5, v4;
	v5 =	vadd.f32 v7, v6;
	v6 =	vld [tilespmem:s22+$0xF420]  }
0x3e8: {  	v7 =	vld [tilespmem:s22+$0xF430]  }
0x3e9: {  	v4 =	vadd.f32 v5, v4;
	v5 =	vld [tilespmem:s22+$0xE420]  }
0x3ea: {  	[tilespmem:s22+$0x11470] =	vst v0;
	v0 =	vld [tilespmem:s22+$0xD420]  }
0x3eb: {  	[tilespmem:s22+$0x11400] =	vst v4;
	v4 =	vld [tilespmem:s22+$0xD430];
	v2 =	vadd.f32 v2, v8;
	v1 =	vadd.f32 v1, v3  }
0x3ec: {  	v8 =	vld [tilespmem:s22+$0xF440]  }
0x3ed: {  	v1 =	vadd.f32 v1, v2;
	v2 =	vld [tilespmem:s22+$0xE430]  }
0x3ee: {  	v3 =	vld [tilespmem:s22+$0xC430]  }
0x3ef: {  	v0 =	vadd.f32 v0, v62;
	[tilespmem:s22+$0x11410] =	vst v1;
	v1 =	vadd.f32 v6, v5;
	v5 =	vld [tilespmem:s22+$0xC440]  }
0x3f0: {  	v6 =	vld [tilespmem:s22+$0xD440]  }
0x3f1: {  	v0 =	vadd.f32 v1, v0;
	v1 =	vld [tilespmem:s22+$0xE440]  }
0x3f2: {  	v2 =	vadd.f32 v7, v2;
	v7 =	vld [tilespmem:s22+$0xF450]  }
0x3f3: {  	[tilespmem:s22+$0x11420] =	vst v0;
	v0 =	vadd.f32 v4, v3;
	v3 =	vld [tilespmem:s22+$0xC450]  }
0x3f4: {  	v4 =	vld [tilespmem:s22+$0xD450]  }
0x3f5: {  	v0 =	vadd.f32 v2, v0;
	v2 =	vld [tilespmem:s22+$0xE450]  }
0x3f6: {  	v63 =	vld [tilespmem:s22+$0xC460]  }
0x3f7: {  	v5 =	vadd.f32 v6, v5;
	v1 =	vadd.f32 v8, v1;
	v8 =	vld [tilespmem:s22+$0xD460]  }
0x3f8: {  	[tilespmem:s22+$0x11430] =	vst v0;
	v0 =	vld [tilespmem:s22+$0xE460]  }
0x3f9: {  	s25 =	simm.s32 $0x80;
	v6 =	vadd.f32 v1, v5;
	v1 =	vld [tilespmem:s22+$0xF460]  }
0x3fa: {  	v3 =	vadd.f32 v4, v3;
	v4 =	vld [tilespmem:s25+$0xC470];
	v2 =	vadd.f32 v7, v2  }
0x3fb: {  	v5 =	vld [tilespmem:s25+$0xD470]  }
0x3fc: {  	s26 =	simm.s32 $0x400;
	[tilespmem:s22+$0x11440] =	vst v6;
	v6 =	vld [tilespmem:s25+$0xE470];
	v2 =	vadd.f32 v2, v3;
	v3 =	vadd.f32 v8, v63  }
.LBB2_16:
0x3fd: {  	p0 =	sne.s32 s26, $0x3E00;
	v7 =	vld [tilespmem:s25+$0xF470]  }
0x3fe: {  	v8 =	vld [tilespmem:s25+$0xC400];
	[tilespmem:s22+$0x11450] =	vst v2;
	v0 =	vadd.f32 v1, v0  }
0x3ff: {  	v1 =	vld [tilespmem:s25+$0xD400]  }
0x400: {  	v2 =	vld [tilespmem:s25+$0xE400];
	v0 =	vadd.f32 v0, v3  }
0x401: {  	v3 =	vld [tilespmem:s25+$0xF400]  }
0x402: {  	v4 =	vadd.f32 v5, v4;
	v9 =	vld [tilespmem:s25+$0xC410];
	v5 =	vadd.f32 v7, v6;
	[tilespmem:s22+$0x11460] =	vst v0;
	s22 =	smov.u32 s25  }
0x403: {  	v0 =	vld [tilespmem:s22+$0xD410]  }
0x404: {  	v1 =	vadd.f32 v1, v8;
	v6 =	vld [tilespmem:s22+$0xE410];
	v4 =	vadd.f32 v5, v4  }
0x405: {  	v5 =	vld [tilespmem:s22+$0xF410]  }
0x406: {  	v2 =	vadd.f32 v3, v2;
	v3 =	vld [tilespmem:s22+$0xC420];
	[tilespmem:s22+$0x11470] =	vst v4  }
0x407: {  	v4 =	vld [tilespmem:s22+$0xD420]  }
0x408: {  	v1 =	vadd.f32 v2, v1;
	v0 =	vadd.f32 v0, v9;
	v2 =	vld [tilespmem:s22+$0xE420]  }
0x409: {  	v7 =	vld [tilespmem:s22+$0xF420]  }
0x40a: {  	[tilespmem:s22+$0x11400] =	vst v1;
	v1 =	vadd.f32 v5, v6;
	v5 =	vld [tilespmem:s22+$0xC430]  }
0x40b: {  	v6 =	vld [tilespmem:s22+$0xD430]  }
0x40c: {  	v0 =	vadd.f32 v1, v0;
	v1 =	vadd.f32 v4, v3;
	v3 =	vld [tilespmem:s22+$0xE430]  }
0x40d: {  	v4 =	vld [tilespmem:s22+$0xF430]  }
0x40e: {  	[tilespmem:s22+$0x11410] =	vst v0;
	v0 =	vadd.f32 v7, v2;
	v2 =	vld [tilespmem:s22+$0xC440]  }
0x40f: {  	v7 =	vld [tilespmem:s22+$0xD440]  }
0x410: {  	v0 =	vadd.f32 v0, v1;
	v1 =	vadd.f32 v6, v5;
	v5 =	vld [tilespmem:s22+$0xE440]  }
0x411: {  	v6 =	vld [tilespmem:s22+$0xF440]  }
0x412: {  	[tilespmem:s22+$0x11420] =	vst v0;
	v0 =	vadd.f32 v4, v3;
	v3 =	vld [tilespmem:s22+$0xC450]  }
0x413: {  	v4 =	vld [tilespmem:s22+$0xD450]  }
0x414: {  	v0 =	vadd.f32 v0, v1;
	v1 =	vadd.f32 v7, v2;
	v2 =	vld [tilespmem:s22+$0xE450]  }
0x415: {  	v7 =	vld [tilespmem:s22+$0xF450]  }
0x416: {  	[tilespmem:s22+$0x11430] =	vst v0;
	v0 =	vadd.f32 v6, v5;
	v8 =	vld [tilespmem:s22+$0xC460]  }
0x417: {  	v9 =	vld [tilespmem:s22+$0xD460]  }
.Ltmp7:
0x418: {  	v5 =	vadd.f32 v0, v1;
	v3 =	vadd.f32 v4, v3;
	v0 =	vld [tilespmem:s22+$0xE460];
	(pc) =	sbr.rel @p0 .LBB2_16-.Ltmp7, $4  }
0x419: {  	s25 =	sshra.s32 s26, $0x2;
	v1 =	vld [tilespmem:s22+$0xF460]  }
0x41a: {  	v4 =	vld [tilespmem:s25+$0xC470];
	[tilespmem:s22+$0x11440] =	vst v5;
	v2 =	vadd.f32 v7, v2  }
0x41b: {  	v5 =	vld [tilespmem:s25+$0xD470]  }
0x41c: {  	s26 =	sadd.s32 $0x200, s26;
	v6 =	vld [tilespmem:s25+$0xE470];
	v2 =	vadd.f32 v2, v3;
	v3 =	vadd.f32 v9, v8  }
0x41d: {  	v7 =	vld [tilespmem:s25+$0xF470]  }
0x41e: {  	v8 =	vld [tilespmem:s25+$0xC400]  }
0x41f: {  	v9 =	vld [tilespmem:s25+$0xD400]  }
0x420: {  	v10 =	vld [tilespmem:s25+$0xE400]  }
0x421: {  	v11 =	vld [tilespmem:s25+$0xF400]  }
0x422: {  	v12 =	vld [tilespmem:s25+$0xC410]  }
0x423: {  	v36 =	vld [tilespmem:s25+$0xD410]  }
0x424: {  	v37 =	vld [tilespmem:s25+$0xE410]  }
0x425: {  	v38 =	vld [tilespmem:s25+$0xF410]  }
0x426: {  	v13 =	vld [tilespmem:s25+$0xC420]  }
0x427: {  	v40 =	vld [tilespmem:s25+$0xD420]  }
0x428: {  	v41 =	vld [tilespmem:s25+$0xE420]  }
0x429: {  	v42 =	vld [tilespmem:s25+$0xF420]  }
0x42a: {  	v43 =	vld [tilespmem:s25+$0xC430]  }
0x42b: {  	v44 =	vld [tilespmem:s25+$0xD430]  }
0x42c: {  	v45 =	vld [tilespmem:s25+$0xE430]  }
0x42d: {  	v48 =	vld [tilespmem:s25+$0xC440]  }
0x42e: {  	v49 =	vld [tilespmem:s25+$0xD440]  }
0x42f: {  	v50 =	vld [tilespmem:s25+$0xE440]  }
0x430: {  	v53 =	vld [tilespmem:s25+$0xC450]  }
0x431: {  	v54 =	vld [tilespmem:s25+$0xD450];
	v0 =	vadd.f32 v1, v0  }
0x432: {  	v57 =	vld [tilespmem:s25+$0xC460]  }
0x433: {  	v58 =	vld [tilespmem:s25+$0xD460];
	v4 =	vadd.f32 v5, v4;
	v0 =	vadd.f32 v0, v3  }
0x434: {  	v14 =	vld [tilespmem:s25+$0xE460];
	v35 =	vadd.f32 v7, v6;
	v8 =	vadd.f32 v9, v8  }
0x435: {  	v59 =	vld [tilespmem:s25+$0xF460];
	v39 =	vadd.f32 v11, v10;
	v6 =	vadd.f32 v36, v12  }
0x436: {  	v51 =	vld [tilespmem:s25+$0xF440];
	v5 =	vadd.f32 v38, v37;
	v47 =	vadd.f32 v42, v41  }
0x437: {  	v46 =	vld [tilespmem:s25+$0xF430];
	v52 =	vadd.f32 v44, v43;
	v9 =	vadd.f32 v49, v48  }
0x438: {  	v55 =	vld [tilespmem:s25+$0xE450];
	v61 =	vadd.f32 v54, v53;
	v4 =	vadd.f32 v35, v4  }
0x439: {  	v56 =	vld [tilespmem:s25+$0xF450];
	[tilespmem:s22+$0x11450] =	vst v2;
	v62 =	vadd.f32 v58, v57;
	v5 =	vadd.f32 v5, v6  }
0x43a: {  	v1 =	vadd.f32 v59, v14;
	[tilespmem:s25+$0x11470] =	vst v4;
	v4 =	vadd.f32 v40, v13  }
0x43b: {  	v8 =	vadd.f32 v39, v8;
	[tilespmem:s25+$0x11410] =	vst v5;
	v5 =	vadd.f32 v51, v50  }
0x43c: {  	[tilespmem:s22+$0x11460] =	vst v0;
	v6 =	vadd.f32 v46, v45;
	v4 =	vadd.f32 v47, v4  }
0x43d: {  	v1 =	vadd.f32 v1, v62;
	[tilespmem:s25+$0x11400] =	vst v8;
	v60 =	vadd.f32 v5, v9  }
0x43e: {  	[tilespmem:s25+$0x11420] =	vst v4;
	v4 =	vadd.f32 v6, v52;
	v6 =	vadd.f32 v56, v55  }
0x43f: {  	[tilespmem:s25+$0x11460] =	vst v1  }
0x440: {  	[tilespmem:s25+$0x11440] =	vst v60;
	v63 =	vadd.f32 v6, v61  }
0x441: {  	[tilespmem:s25+$0x11430] =	vst v4  }
0x442: {  	[tilespmem:s25+$0x11450] =	vst v63  }
0x443: {  	_ =	strace $0x90000058  }
0x444: {  	[hbm4b:s18+s3] =	stream.linear.scatter [tilespmem:s4], [sflag:$0x7], $0x1000, $0x38;
	[tilespmem:$0x12400] =	vst v63  }
0x445: {  	_ =	strace $0x80000059  }
0x446: {  	s7 =	sadd.s32 $0x1, s7;
	_ =	swait.ge [sflag:s5], $0x1000  }
0x447: {  	p0 =	sne.s32 s7, s19;
	[sflag:s5] =	ssyncset.done $0x0  }
.Ltmp8:
0x448: {  	[sflag:s5] =	ssyncadd.s32 $0xFFFFF000;
	(pc) =	sbr.rel @p0 .LBB2_1-.Ltmp8, $4  }
0x449: {  	_ =	swait.ge [sflag:s21], $0x1000  }
0x44a: {  	[sflag:s21] =	ssyncset.done $0x0  }
0x44b: {  	[sflag:s21] =	ssyncadd.s32 $0xFFFFF000  }
0x44c: {  	_ =	strace $0x90000059  }
0x44d: {  	_ =	sfence.sel $0x180000  }
0x44e: {  	[bflag:$0x0] =	sbarrier.arrive $0xFFFF  }
0x44f: {  	_ =	strace $0x90000047  }
0x450: {  	s0 =	stileid.u32;
	[bflag:$0x2] =	sbarrier.arrive $0xFFFF  }
0x451: {  	p0 =	sne.s32 s0, $0x0;
	s0 =	rddreg [dreg:$0x3]  }
0x452: {  	s0 =	sadd.s32 @!p0 $0x100000, s0  }
0x453: {  	[sflag:s0] =	ssyncadd.tile.s32 @!p0 $0x1;
	_ =	shalt  }
.Lfunc_end2:
_tile_overlayer_lowered:
.L_overlay_start_2:
0x454: {  	(tag) =	ssettag $0x2  }
0x455: {  	s0 =	rddreg [dreg:$0x0];
	s2 =	stileid.u32  }
0x456: {  	s1 =	rddreg [dreg:$0x1];
	p0 =	sne.s32 s2, $0x0  }
0x457: {  	s3 =	rddreg [dreg:$0x2];
	[bflag:$0x3] =	sbarrier.arrive $0xFFFF;
	s2 =	simm.s32 @!p0 $0x1C08  }
0x458: {  	[timem:s3], [sflag:s2] =	dma.local @!p0 [hbm:s0], s1  }
0x459: {  	s0 =	simm.s32 @!p0 $0x8  }
0x45a: {  	_ =	swait.ge @!p0 [sflag:s0], s1  }
0x45b: {  	s1 =	ssub.s32 @!p0 $0x0, s1;
	[sflag:s0] =	ssyncset.done @!p0 $0x0  }
0x45c: {  	[sflag:s0] =	ssyncadd.s32 @!p0 s1  }
0x45d: {  	[bflag:$0x3] =	sbarrier.arrive $0xFFFF  }
0x45e: {  	_ =	shalt  }

</sc_bundles>
